<compile_context>
chip_gen: v7x
topology: tpu7x:2x2x1
jax: 0.10.2.dev20260603
libtpu: 0.0.44.dev20260713+nightly
codegen_flags: <defaults>
</compile_context>

<pallas_src>
import dataclasses
import functools

import jax
import jax.numpy as jnp
from jax import lax
from jax.experimental import pallas as pl
from jax.experimental.pallas import tpu as pltpu
from jax.experimental.pallas import tpu_sc as plsc

NC = 2
NS = 16
NW = NC * NS
LANES = 16
CH = 128
NB = 2
NI = 4


def _sc_agg_make(N, D, E, with_deg):
    n_chunks = E // CH
    W = n_chunks // NW
    extra = n_chunks - W * NW
    U = 80
    n_units = N // U
    units_per_sub = (n_units + NS - 1) // NS

    out_type = [jax.ShapeDtypeStruct((NC, N, D), jnp.float32)]
    if with_deg:
        out_type.append(jax.ShapeDtypeStruct((NW, N), jnp.float32))

    scratch = [
        pltpu.VMEM((NI, 2, CH), jnp.int32),
        pltpu.VMEM((NB, CH, D), jnp.float32),
        pltpu.VMEM_SHARED((N, D), jnp.float32),
        pltpu.SemaphoreType.DMA,
        pltpu.SemaphoreType.DMA,
        pltpu.SemaphoreType.DMA,
        pltpu.SemaphoreType.DMA,
    ]
    if with_deg:
        scratch.append(pltpu.VMEM((N,), jnp.float32))

    mesh = plsc.VectorSubcoreMesh(core_axis_name="c", subcore_axis_name="s")

    def body(*refs):
        if with_deg:
            (x_hbm, edge_hbm, agg_hbm, deg_hbm,
             ib, rb, agg_sh, sem_i, sem_g0, sem_g1, sem_s, degp) = refs
        else:
            (x_hbm, edge_hbm, agg_hbm,
             ib, rb, agg_sh, sem_i, sem_g0, sem_g1, sem_s) = refs
        gsems = (sem_g0, sem_g1)

        c = lax.axis_index("c")
        s = lax.axis_index("s")
        wid = s * NC + c

        z16 = jnp.zeros((LANES,), jnp.float32)
        one16 = jnp.full((LANES,), 1.0, jnp.float32)

        stage = rb.at[0, pl.ds(0, U)]

        @pl.loop(0, U)
        def _(i):
            @pl.loop(0, D // LANES)
            def _(j):
                rb[0, i, pl.ds(j * LANES, LANES)] = z16

        if with_deg:
            @pl.loop(0, N // LANES)
            def _(i):
                degp[pl.ds(i * LANES, LANES)] = z16

        @pl.loop(0, units_per_sub)
        def _(t):
            unit = t * NS + s

            @pl.when(unit < n_units)
            def _():
                pltpu.sync_copy(stage, agg_sh.at[pl.ds(unit * U, U)])

        plsc.subcore_barrier()

        def ebase(k):
            return (k * NW + wid) * CH

        def idx_start(k, j):
            pltpu.make_async_copy(edge_hbm.at[:, pl.ds(ebase(k), CH)],
                                  ib.at[j], sem_i).start()

        def idx_wait(j):
            pltpu.make_async_copy(edge_hbm.at[:, pl.ds(0, CH)],
                                  ib.at[j], sem_i).wait()

        def gather_start(k, j, b):
            pltpu.make_async_copy(x_hbm.at[ib.at[j, 0]], rb.at[b],
                                  gsems[b]).start()

        def gather_wait(j, b):
            pltpu.make_async_copy(x_hbm.at[ib.at[j, 0]], rb.at[b],
                                  gsems[b]).wait()

        def scat_start(j, b):
            pltpu.async_copy(rb.at[b], agg_sh.at[ib.at[j, 1]], sem_s,
                             add=True)

        def scat_wait(j, b):
            pltpu.make_async_copy(rb.at[b], agg_sh.at[ib.at[j, 1]],
                                  sem_s).wait()

        def deg_update(j):
            if with_deg:
                @pl.loop(0, CH // LANES)
                def _(q):
                    idxr = ib[j, 1, pl.ds(q * LANES, LANES)]
                    plsc.addupdate_scatter(degp, [idxr], one16)

        def consume(j, b):
            pltpu.sync_copy(rb.at[b], agg_sh.at[ib.at[j, 1]], add=True)
            deg_update(j)

        def item(k):
            b, j = k % NB, k % NI
            if k + 1 < W:
                idx_wait((k + 1) % NI)
                if k >= 1:
                    scat_wait((k - 1) % NI, (k - 1) % NB)
                gather_start(k + 1, (k + 1) % NI, (k + 1) % NB)
                if k + 2 < W:
                    idx_start(k + 2, (k + 2) % NI)
                gather_wait(j, b)
                scat_start(j, b)
                deg_update(j)
            else:
                scat_wait((k - 1) % NI, (k - 1) % NB)
                gather_wait(j, b)
                scat_start(j, b)
                deg_update(j)
                scat_wait(j, b)

        idx_start(0, 0)
        idx_wait(0)
        gather_start(0, 0, 0)
        idx_start(1, 1)

        item(0)
        n_unrolled = ((W - 2 - 1) // NI) * NI

        @pl.loop(0, n_unrolled // NI)
        def _(t):
            k0 = t * NI + 1
            for d in range(NI):
                k_ph = (1 + d)
                b, j = k_ph % NB, k_ph % NI
                idx_wait((k_ph + 1) % NI)
                scat_wait((k_ph - 1) % NI, (k_ph - 1) % NB)
                pltpu.make_async_copy(
                    x_hbm.at[ib.at[(k_ph + 1) % NI, 0]],
                    rb.at[(k_ph + 1) % NB], gsems[(k_ph + 1) % NB]).start()
                pltpu.make_async_copy(
                    edge_hbm.at[:, pl.ds(ebase(k0 + d + 2), CH)],
                    ib.at[(k_ph + 2) % NI], sem_i).start()
                gather_wait(j, b)
                scat_start(j, b)
                deg_update(j)

        for k in range(n_unrolled + 1, W):
            item(k)

        if extra:
            @pl.when(wid < extra)
            def _():
                base = (W * NW + wid) * CH
                pltpu.make_async_copy(edge_hbm.at[:, pl.ds(base, CH)],
                                      ib.at[0], sem_i).start()
                idx_wait(0)
                gather_start(0, 0, 0)
                gather_wait(0, 0)
                consume(0, 0)

        plsc.subcore_barrier()

        @pl.loop(0, units_per_sub)
        def _(t):
            unit = t * NS + s

            @pl.when(unit < n_units)
            def _():
                pltpu.sync_copy(agg_sh.at[pl.ds(unit * U, U)], stage)
                pltpu.sync_copy(stage, agg_hbm.at[c, pl.ds(unit * U, U)])

        if with_deg:
            pltpu.sync_copy(degp, deg_hbm.at[wid])

    cp = pltpu.CompilerParams()
    if "needs_layout_passes" in pltpu.CompilerParams.__dataclass_fields__:
        cp = dataclasses.replace(cp, needs_layout_passes=False)
    return pl.kernel(body, out_type=out_type, mesh=mesh,
                     scratch_types=scratch, compiler_params=cp)


def _combine_body(agg_ref, deg_ref, x_ref, wl_ref, wr_ref, b_ref, o_ref,
                  *, relu):
    a = agg_ref[0] + agg_ref[1]
    deg = jnp.sum(deg_ref[...], axis=1, keepdims=True)
    mean = a * (1.0 / jnp.maximum(deg, 1.0))
    acc = lax.dot_general(mean, wl_ref[...], (((1,), (1,)), ((), ())),
                          preferred_element_type=jnp.float32)
    acc = acc + lax.dot_general(x_ref[...], wr_ref[...],
                                (((1,), (1,)), ((), ())),
                                      preferred_element_type=jnp.float32)
    acc = acc + b_ref[...]
    if relu:
        acc = jnp.maximum(acc, 0.0)
    o_ref[...] = acc


def _combine_make(N, D, relu, R=2000):
    return pl.pallas_call(
        functools.partial(_combine_body, relu=relu),
        grid=(N // R,),
        in_specs=[
            pl.BlockSpec((NC, R, D), lambda i: (0, i, 0)),
            pl.BlockSpec((R, NW), lambda i: (i, 0)),
            pl.BlockSpec((R, D), lambda i: (i, 0)),
            pl.BlockSpec((D, D), lambda i: (0, 0)),
            pl.BlockSpec((D, D), lambda i: (0, 0)),
            pl.BlockSpec((1, D), lambda i: (0, 0)),
        ],
        out_specs=pl.BlockSpec((R, D), lambda i: (i, 0)),
        out_shape=jax.ShapeDtypeStruct((N, D), jnp.float32),
    )


@functools.lru_cache(maxsize=None)
def _build(N, D, E):
    sc_agg_deg = _sc_agg_make(N, D, E, with_deg=True)
    sc_agg = _sc_agg_make(N, D, E, with_deg=False)
    combine_relu = _combine_make(N, D, relu=True)
    combine = _combine_make(N, D, relu=False)
    return sc_agg_deg, sc_agg, combine_relu, combine


def kernel(x, edge_index, W1_l, b1, W1_r, W2_l, b2, W2_r):
    N, D = x.shape
    E = edge_index.shape[1]
    sc_agg_deg, sc_agg, combine_relu, combine = _build(N, D, E)

    agg_x, deg_p = sc_agg_deg(x, edge_index)
    deg_t = deg_p.T
    h = combine_relu(agg_x, deg_t, x, W1_l, W1_r, b1.reshape(1, D))
    (agg_h,) = sc_agg(h, edge_index)
    out = combine(agg_h, deg_t, h, W2_l, W2_r, b2.reshape(1, D))
    return out

# --- scband reference (transcript-rebuilt; emitter-appended) ---
"""Pipeline reference for scband-graph-sagebackbone-62783831933158 (READ-ONLY COPY).

The authoritative reference and input builder live on the scoring server;
editing this copy changes nothing except your own understanding.
"""

import jax, jax.numpy as jnp
import numpy as np

N = 10000
E = 320000
D = 128


def sage_conv(x, edge_index, W_l, b_l, W_r):
    # PyG-style SAGEConv with mean aggregation:
    # out = lin_l(mean_{j in N(i)} x_j) + lin_r(x_i)
    src = edge_index[0]
    dst = edge_index[1]
    n = x.shape[0]
    msgs = x[src]                                   # gather (SparseCore)
    agg = jax.ops.segment_sum(msgs, dst, num_segments=n)   # scatter-add
    deg = jax.ops.segment_sum(jnp.ones((edge_index.shape[1],), x.dtype), dst, num_segments=n)
    mean = agg / jnp.clip(deg, 1.0)[:, None]
    return mean @ W_l.T + b_l + x @ W_r.T


def setup_inputs(seed: int = 0) -> dict:
    key = jax.random.key(seed)
    ks = jax.random.split(key, 8)
    x = jax.random.normal(ks[0], (N, D), dtype=jnp.float32)
    edge_index = jax.random.randint(ks[1], (2, E), 0, N)
    s = 1.0 / np.sqrt(D)
    W1_l = jax.random.normal(ks[2], (D, D), dtype=jnp.float32) * s
    b1 = jnp.zeros((D,), dtype=jnp.float32)
    W1_r = jax.random.normal(ks[3], (D, D), dtype=jnp.float32) * s
    W2_l = jax.random.normal(ks[4], (D, D), dtype=jnp.float32) * s
    b2 = jnp.zeros((D,), dtype=jnp.float32)
    W2_r = jax.random.normal(ks[5], (D, D), dtype=jnp.float32) * s
    return {"x": x, "edge_index": edge_index,
            "W1_l": W1_l, "b1": b1, "W1_r": W1_r,
            "W2_l": W2_l, "b2": b2, "W2_r": W2_r}


def reference(x, edge_index, W1_l, b1, W1_r, W2_l, b2, W2_r):
    # Layer 1 + ReLU (dropout is identity in eval mode)
    h = sage_conv(x, edge_index, W1_l, b1, W1_r)
    h = jax.nn.relu(h)
    # Layer 2 (no activation on final layer)
    out = sage_conv(h, edge_index, W2_l, b2, W2_r)
    return out

if __name__ == "__main__":
    import jax
    _d = setup_inputs()
    print(jax.jit(kernel)(*tuple(_d.values())))

</pallas_src>

<mosaic_0001>
#map = affine_map<(d0, d1) -> (0, 0)>
#map1 = affine_map<(d0, d1) -> (0, 0, 0)>
module attributes {stable_mosaic.version = 14 : i64} {
  func.func @body(%arg0: i32, %arg1: i32, %arg2: memref<10000x128xf32, #tpu.memory_space<hbm>>, %arg3: memref<2x320000xi32, #tpu.memory_space<hbm>>, %arg4: memref<2x10000x128xf32, #tpu.memory_space<hbm>>, %arg5: memref<32x10000xf32, #tpu.memory_space<hbm>>, %arg6: memref<4x2x128xi32, #tpu.memory_space<vmem>>, %arg7: memref<2x128x128xf32, #tpu.memory_space<vmem>>, %arg8: memref<10000x128xf32, #tpu.memory_space<vmem_shared>>, %arg9: memref<!tpu.dma_semaphore, #tpu.memory_space<semaphore_mem>>, %arg10: memref<!tpu.dma_semaphore, #tpu.memory_space<semaphore_mem>>, %arg11: memref<!tpu.dma_semaphore, #tpu.memory_space<semaphore_mem>>, %arg12: memref<!tpu.dma_semaphore, #tpu.memory_space<semaphore_mem>>, %arg13: memref<10000xf32, #tpu.memory_space<vmem>>) attributes {dimension_semantics = [#tpu.dimension_semantics<core_parallel>, #tpu.dimension_semantics<subcore_parallel>], iteration_bounds = array<i64: 2, 16>, scalar_prefetch = 0 : i64, scratch_operands = 8 : i64, tpu.core_type = #tpu.core_type<sc_vector_subcore>, window_params = [{transform_indices = #map}, {transform_indices = #map}, {transform_indices = #map1}, {transform_indices = #map}]} {
    %mul3A = arith.constant 2 : i32
    %mul3A_0 = arith.muli %arg1, %mul3A : i32
    %add3A = arith.addi %mul3A_0, %arg0 : i32
    %broadcast_in_dim3A = arith.constant 0.000000e+00 : f32
    %broadcast_in_dim3A_1 = vector.broadcast %broadcast_in_dim3A : f32 to vector<16xf32>
    %broadcast_in_dim3A_2 = arith.constant 1.000000e+00 : f32
    %broadcast_in_dim3A_3 = vector.broadcast %broadcast_in_dim3A_2 : f32 to vector<16xf32>
    %scan3A = arith.constant 0 : i32
    %scan3A_4 = arith.constant 80 : i32
    %scan3A_5 = arith.addi %scan3A, %scan3A_4 : i32
    %scan3A_6 = arith.constant 1 : i32
    scf.for %scan3A_565 = %scan3A to %scan3A_5 step %scan3A_6  : i32 {
      %mul3A_566 = arith.constant 1 : i32
      %mul3A_567 = arith.muli %scan3A_565, %mul3A_566 : i32
      %add3A_568 = arith.constant 0 : i32
      %add3A_569 = arith.addi %add3A_568, %mul3A_567 : i32
      %scan3A_570 = arith.constant 0 : i32
      %scan3A_571 = arith.constant 8 : i32
      %scan3A_572 = arith.addi %scan3A_570, %scan3A_571 : i32
      %scan3A_573 = arith.constant 1 : i32
      scf.for %scan3A_575 = %scan3A_570 to %scan3A_572 step %scan3A_573  : i32 {
        %mul3A_576 = arith.constant 1 : i32
        %mul3A_577 = arith.muli %scan3A_575, %mul3A_576 : i32
        %add3A_578 = arith.constant 0 : i32
        %add3A_579 = arith.addi %add3A_578, %mul3A_577 : i32
        %mul3A_580 = arith.constant 16 : i32
        %mul3A_581 = arith.muli %add3A_579, %mul3A_580 : i32
        %swap3A = arith.constant 0 : i32
        %swap3A_582 = arith.index_cast %swap3A : i32 to index
        %swap3A_583 = arith.index_cast %add3A_569 : i32 to index
        %swap3A_584 = arith.index_cast %mul3A_581 : i32 to index
        %swap3A_585 = tpu.vector_load %arg7[%swap3A_582, %swap3A_583, %swap3A_584] {strides = array<i32>} : memref<2x128x128xf32, #tpu.memory_space<vmem>>, vector<16xf32>,
        tpu.vector_store %arg7[%swap3A_582, %swap3A_583, %swap3A_584], %broadcast_in_dim3A_1 {strides = array<i32>} : memref<2x128x128xf32, #tpu.memory_space<vmem>>, vector<16xf32>,
      }
      %scan3A_574 = arith.constant 8 : i32
    }
    %scan3A_7 = arith.constant 80 : i32
    %scan3A_8 = arith.constant 0 : i32
    %scan3A_9 = arith.constant 625 : i32
    %scan3A_10 = arith.addi %scan3A_8, %scan3A_9 : i32
    %scan3A_11 = arith.constant 1 : i32
    scf.for %scan3A_565 = %scan3A_8 to %scan3A_10 step %scan3A_11  : i32 {
      %mul3A_566 = arith.constant 1 : i32
      %mul3A_567 = arith.muli %scan3A_565, %mul3A_566 : i32
      %add3A_568 = arith.constant 0 : i32
      %add3A_569 = arith.addi %add3A_568, %mul3A_567 : i32
      %mul3A_570 = arith.constant 16 : i32
      %mul3A_571 = arith.muli %add3A_569, %mul3A_570 : i32
      %swap3A = arith.index_cast %mul3A_571 : i32 to index
      %swap3A_572 = tpu.vector_load %arg13[%swap3A] {strides = array<i32>} : memref<10000xf32, #tpu.memory_space<vmem>>, vector<16xf32>,
      tpu.vector_store %arg13[%swap3A], %broadcast_in_dim3A_1 {strides = array<i32>} : memref<10000xf32, #tpu.memory_space<vmem>>, vector<16xf32>,
    }
    %scan3A_12 = arith.constant 625 : i32
    %scan3A_13 = arith.constant 0 : i32
    %scan3A_14 = arith.constant 0 : i32
    %scan3A_15 = arith.constant 8 : i32
    %scan3A_16 = arith.addi %scan3A_14, %scan3A_15 : i32
    %scan3A_17 = arith.constant 1 : i32
    scf.for %scan3A_565 = %scan3A_14 to %scan3A_16 step %scan3A_17  : i32 {
      %mul3A_566 = arith.constant 1 : i32
      %mul3A_567 = arith.muli %scan3A_565, %mul3A_566 : i32
      %add3A_568 = arith.constant 0 : i32
      %add3A_569 = arith.addi %add3A_568, %mul3A_567 : i32
      %mul3A_570 = arith.constant 16 : i32
      %mul3A_571 = arith.muli %add3A_569, %mul3A_570 : i32
      %add3A_572 = arith.addi %mul3A_571, %arg1 : i32
      %lt3A_573 = arith.constant 125 : i32
      %lt3A_574 = arith.cmpi slt, %add3A_572, %lt3A_573 : i32
      %convert_element_type3A_575 = arith.extui %lt3A_574 : i1 to i32
      %cond3A_576 = arith.constant 0 : i32
      %cond3A_577 = arith.cmpi ne, %convert_element_type3A_575, %cond3A_576 : i32
      scf.if %cond3A_577 {
        %mul3A_578 = arith.constant 80 : i32
        %mul3A_579 = arith.muli %add3A_572, %mul3A_578 : i32
        "tpu.region"() ({
          %run_scoped3A = tpu.sem_alloc : memref<!tpu.dma_semaphore, #tpu.memory_space<semaphore_mem>>
          %dma_start3A_580 = arith.constant 0 : i32
          %dma_start3A_581 = arith.constant 0 : i32
          %dma_start3A_582 = tpu.memref_slice %arg7[%scan3A_13, %dma_start3A_580, %dma_start3A_581] : memref<2x128x128xf32, #tpu.memory_space<vmem>> -> memref<1x80x128xf32, #tpu.memory_space<vmem>>
          %dma_start3A_583 = tpu.memref_squeeze %dma_start3A_582 : memref<1x80x128xf32, #tpu.memory_space<vmem>> -> memref<80x128xf32, #tpu.memory_space<vmem>>
          %dma_start3A_584 = arith.constant 0 : i32
          %dma_start3A_585 = tpu.memref_slice %arg8[%mul3A_579, %dma_start3A_584] : memref<10000x128xf32, #tpu.memory_space<vmem_shared>> -> memref<80x128xf32, #tpu.memory_space<vmem_shared>>
          %dma_start3A_586 = arith.constant 0 : i32
          %dma_start3A_587 = tpu.memref_slice %arg8[%mul3A_579, %dma_start3A_586] : memref<10000x128xf32, #tpu.memory_space<vmem_shared>> -> memref<80x128xf32, #tpu.memory_space<vmem_shared>>
          %dma_start3A_588 = arith.constant 0 : i32
          %dma_start3A_589 = arith.constant 0 : i32
          %dma_start3A_590 = tpu.memref_slice %arg7[%scan3A_13, %dma_start3A_588, %dma_start3A_589] : memref<2x128x128xf32, #tpu.memory_space<vmem>> -> memref<1x80x128xf32, #tpu.memory_space<vmem>>
          %dma_start3A_591 = tpu.memref_squeeze %dma_start3A_590 : memref<1x80x128xf32, #tpu.memory_space<vmem>> -> memref<80x128xf32, #tpu.memory_space<vmem>>
          tpu.enqueue_dma source(%dma_start3A_591 : memref<80x128xf32, #tpu.memory_space<vmem>>) target(%dma_start3A_587 : memref<80x128xf32, #tpu.memory_space<vmem_shared>>) target_semaphore(%run_scoped3A : memref<!tpu.dma_semaphore, #tpu.memory_space<semaphore_mem>>)
          %dma_wait3A_592 = arith.constant 0 : i32
          %dma_wait3A_593 = arith.constant 0 : i32
          %dma_wait3A_594 = tpu.memref_slice %arg7[%scan3A_13, %dma_wait3A_592, %dma_wait3A_593] : memref<2x128x128xf32, #tpu.memory_space<vmem>> -> memref<1x80x128xf32, #tpu.memory_space<vmem>>
          %dma_wait3A_595 = tpu.memref_squeeze %dma_wait3A_594 : memref<1x80x128xf32, #tpu.memory_space<vmem>> -> memref<80x128xf32, #tpu.memory_space<vmem>>
          %dma_wait3A_596 = arith.constant 0 : i32
          %dma_wait3A_597 = tpu.memref_slice %arg8[%mul3A_579, %dma_wait3A_596] : memref<10000x128xf32, #tpu.memory_space<vmem_shared>> -> memref<80x128xf32, #tpu.memory_space<vmem_shared>>
          %dma_wait3A_598 = arith.constant 0 : i32
          %dma_wait3A_599 = tpu.memref_slice %arg8[%mul3A_579, %dma_wait3A_598] : memref<10000x128xf32, #tpu.memory_space<vmem_shared>> -> memref<80x128xf32, #tpu.memory_space<vmem_shared>>
          %dma_wait3A_600 = arith.constant 0 : i32
          %dma_wait3A_601 = arith.constant 0 : i32
          %dma_wait3A_602 = tpu.memref_slice %arg7[%scan3A_13, %dma_wait3A_600, %dma_wait3A_601] : memref<2x128x128xf32, #tpu.memory_space<vmem>> -> memref<1x80x128xf32, #tpu.memory_space<vmem>>
          %dma_wait3A_603 = tpu.memref_squeeze %dma_wait3A_602 : memref<1x80x128xf32, #tpu.memory_space<vmem>> -> memref<80x128xf32, #tpu.memory_space<vmem>>
          tpu.wait_dma2 semaphore(%run_scoped3A : memref<!tpu.dma_semaphore, #tpu.memory_space<semaphore_mem>>) src(%dma_wait3A_603 : memref<80x128xf32, #tpu.memory_space<vmem>>) dst(%dma_wait3A_599 : memref<80x128xf32, #tpu.memory_space<vmem_shared>>)
          tpu.yield
        }) : () -> ()
      } else {
      }
    }
    %scan3A_18 = arith.constant 8 : i32
    %barrier3A = arith.constant 0 : index
    tpu.barrier barrier_id(%barrier3A)
    %add3A_19 = arith.constant 0 : i32
    %add3A_20 = arith.addi %add3A_19, %add3A : i32
    %mul3A_21 = arith.constant 128 : i32
    %mul3A_22 = arith.muli %add3A_20, %mul3A_21 : i32
    %dma_start3A = arith.constant 0 : i32
    %dma_start3A_23 = arith.constant 0 : i32
    %dma_start3A_24 = arith.constant 0 : i32
    %dma_start3A_25 = tpu.memref_slice %arg6[%dma_start3A, %dma_start3A_23, %dma_start3A_24] : memref<4x2x128xi32, #tpu.memory_space<vmem>> -> memref<1x2x128xi32, #tpu.memory_space<vmem>>
    %dma_start3A_26 = tpu.memref_squeeze %dma_start3A_25 : memref<1x2x128xi32, #tpu.memory_space<vmem>> -> memref<2x128xi32, #tpu.memory_space<vmem>>
    %dma_start3A_27 = arith.constant 0 : i32
    %dma_start3A_28 = tpu.memref_slice %arg3[%dma_start3A_27, %mul3A_22] : memref<2x320000xi32, #tpu.memory_space<hbm>> -> memref<2x128xi32, #tpu.memory_space<hbm>>
    %dma_start3A_29 = arith.constant 0 : i32
    %dma_start3A_30 = arith.constant 0 : i32
    %dma_start3A_31 = tpu.memref_slice %arg6[%dma_start3A, %dma_start3A_29, %dma_start3A_30] : memref<4x2x128xi32, #tpu.memory_space<vmem>> -> memref<1x2x128xi32, #tpu.memory_space<vmem>>
    %dma_start3A_32 = tpu.memref_squeeze %dma_start3A_31 : memref<1x2x128xi32, #tpu.memory_space<vmem>> -> memref<2x128xi32, #tpu.memory_space<vmem>>
    %dma_start3A_33 = arith.constant 0 : i32
    %dma_start3A_34 = tpu.memref_slice %arg3[%dma_start3A_33, %mul3A_22] : memref<2x320000xi32, #tpu.memory_space<hbm>> -> memref<2x128xi32, #tpu.memory_space<hbm>>
    tpu.enqueue_dma source(%dma_start3A_34 : memref<2x128xi32, #tpu.memory_space<hbm>>) target(%dma_start3A_32 : memref<2x128xi32, #tpu.memory_space<vmem>>) target_semaphore(%arg9 : memref<!tpu.dma_semaphore, #tpu.memory_space<semaphore_mem>>)
    %dma_wait3A = arith.constant 0 : i32
    %dma_wait3A_35 = arith.constant 0 : i32
    %dma_wait3A_36 = arith.constant 0 : i32
    %dma_wait3A_37 = tpu.memref_slice %arg6[%dma_wait3A, %dma_wait3A_35, %dma_wait3A_36] : memref<4x2x128xi32, #tpu.memory_space<vmem>> -> memref<1x2x128xi32, #tpu.memory_space<vmem>>
    %dma_wait3A_38 = tpu.memref_squeeze %dma_wait3A_37 : memref<1x2x128xi32, #tpu.memory_space<vmem>> -> memref<2x128xi32, #tpu.memory_space<vmem>>
    %dma_wait3A_39 = arith.constant 0 : i32
    %dma_wait3A_40 = arith.constant 0 : i32
    %dma_wait3A_41 = tpu.memref_slice %arg3[%dma_wait3A_39, %dma_wait3A_40] : memref<2x320000xi32, #tpu.memory_space<hbm>> -> memref<2x128xi32, #tpu.memory_space<hbm>>
    %dma_wait3A_42 = arith.constant 0 : i32
    %dma_wait3A_43 = arith.constant 0 : i32
    %dma_wait3A_44 = tpu.memref_slice %arg6[%dma_wait3A, %dma_wait3A_42, %dma_wait3A_43] : memref<4x2x128xi32, #tpu.memory_space<vmem>> -> memref<1x2x128xi32, #tpu.memory_space<vmem>>
    %dma_wait3A_45 = tpu.memref_squeeze %dma_wait3A_44 : memref<1x2x128xi32, #tpu.memory_space<vmem>> -> memref<2x128xi32, #tpu.memory_space<vmem>>
    %dma_wait3A_46 = arith.constant 0 : i32
    %dma_wait3A_47 = arith.constant 0 : i32
    %dma_wait3A_48 = tpu.memref_slice %arg3[%dma_wait3A_46, %dma_wait3A_47] : memref<2x320000xi32, #tpu.memory_space<hbm>> -> memref<2x128xi32, #tpu.memory_space<hbm>>
    tpu.wait_dma2 semaphore(%arg9 : memref<!tpu.dma_semaphore, #tpu.memory_space<semaphore_mem>>) src(%dma_wait3A_48 : memref<2x128xi32, #tpu.memory_space<hbm>>) dst(%dma_wait3A_45 : memref<2x128xi32, #tpu.memory_space<vmem>>)
    %dma_start3A_49 = arith.constant 0 : i32
    %dma_start3A_50 = arith.constant 0 : i32
    %dma_start3A_51 = arith.constant 0 : i32
    %dma_start3A_52 = arith.constant 0 : i32
    %dma_start3A_53 = arith.constant 0 : i32
    %dma_start3A_54 = tpu.memref_slice %arg7[%dma_start3A_51, %dma_start3A_52, %dma_start3A_53] : memref<2x128x128xf32, #tpu.memory_space<vmem>> -> memref<1x128x128xf32, #tpu.memory_space<vmem>>
    %dma_start3A_55 = tpu.memref_squeeze %dma_start3A_54 : memref<1x128x128xf32, #tpu.memory_space<vmem>> -> memref<128x128xf32, #tpu.memory_space<vmem>>
    %dma_start3A_56 = arith.constant 0 : i32
    %dma_start3A_57 = tpu.memref_slice %arg6[%dma_start3A_49, %dma_start3A_50, %dma_start3A_56] : memref<4x2x128xi32, #tpu.memory_space<vmem>> -> memref<1x1x128xi32, #tpu.memory_space<vmem>>
    %dma_start3A_58 = tpu.memref_squeeze %dma_start3A_57 : memref<1x1x128xi32, #tpu.memory_space<vmem>> -> memref<128xi32, #tpu.memory_space<vmem>>
    %dma_start3A_59 = arith.constant 0 : i32
    %dma_start3A_60 = arith.constant 0 : i32
    %dma_start3A_61 = tpu.memref_slice %arg2[%dma_start3A_59, %dma_start3A_60] : memref<10000x128xf32, #tpu.memory_space<hbm>> -> memref<10000x128xf32, #tpu.memory_space<hbm>>
    tpu.enqueue_indirect_dma source(%dma_start3A_61 : memref<10000x128xf32, #tpu.memory_space<hbm>>) target(%dma_start3A_55 : memref<128x128xf32, #tpu.memory_space<vmem>>) offsets(%dma_start3A_58 : memref<128xi32, #tpu.memory_space<vmem>>) semaphore(%arg10 : memref<!tpu.dma_semaphore, #tpu.memory_space<semaphore_mem>>)
    %add3A_62 = arith.constant 32 : i32
    %add3A_63 = arith.addi %add3A_62, %add3A : i32
    %mul3A_64 = arith.constant 128 : i32
    %mul3A_65 = arith.muli %add3A_63, %mul3A_64 : i32
    %dma_start3A_66 = arith.constant 1 : i32
    %dma_start3A_67 = arith.constant 0 : i32
    %dma_start3A_68 = arith.constant 0 : i32
    %dma_start3A_69 = tpu.memref_slice %arg6[%dma_start3A_66, %dma_start3A_67, %dma_start3A_68] : memref<4x2x128xi32, #tpu.memory_space<vmem>> -> memref<1x2x128xi32, #tpu.memory_space<vmem>>
    %dma_start3A_70 = tpu.memref_squeeze %dma_start3A_69 : memref<1x2x128xi32, #tpu.memory_space<vmem>> -> memref<2x128xi32, #tpu.memory_space<vmem>>
    %dma_start3A_71 = arith.constant 0 : i32
    %dma_start3A_72 = tpu.memref_slice %arg3[%dma_start3A_71, %mul3A_65] : memref<2x320000xi32, #tpu.memory_space<hbm>> -> memref<2x128xi32, #tpu.memory_space<hbm>>
    %dma_start3A_73 = arith.constant 0 : i32
    %dma_start3A_74 = arith.constant 0 : i32
    %dma_start3A_75 = tpu.memref_slice %arg6[%dma_start3A_66, %dma_start3A_73, %dma_start3A_74] : memref<4x2x128xi32, #tpu.memory_space<vmem>> -> memref<1x2x128xi32, #tpu.memory_space<vmem>>
    %dma_start3A_76 = tpu.memref_squeeze %dma_start3A_75 : memref<1x2x128xi32, #tpu.memory_space<vmem>> -> memref<2x128xi32, #tpu.memory_space<vmem>>
    %dma_start3A_77 = arith.constant 0 : i32
    %dma_start3A_78 = tpu.memref_slice %arg3[%dma_start3A_77, %mul3A_65] : memref<2x320000xi32, #tpu.memory_space<hbm>> -> memref<2x128xi32, #tpu.memory_space<hbm>>
    tpu.enqueue_dma source(%dma_start3A_78 : memref<2x128xi32, #tpu.memory_space<hbm>>) target(%dma_start3A_76 : memref<2x128xi32, #tpu.memory_space<vmem>>) target_semaphore(%arg9 : memref<!tpu.dma_semaphore, #tpu.memory_space<semaphore_mem>>)
    %dma_wait3A_79 = arith.constant 1 : i32
    %dma_wait3A_80 = arith.constant 0 : i32
    %dma_wait3A_81 = arith.constant 0 : i32
    %dma_wait3A_82 = tpu.memref_slice %arg6[%dma_wait3A_79, %dma_wait3A_80, %dma_wait3A_81] : memref<4x2x128xi32, #tpu.memory_space<vmem>> -> memref<1x2x128xi32, #tpu.memory_space<vmem>>
    %dma_wait3A_83 = tpu.memref_squeeze %dma_wait3A_82 : memref<1x2x128xi32, #tpu.memory_space<vmem>> -> memref<2x128xi32, #tpu.memory_space<vmem>>
    %dma_wait3A_84 = arith.constant 0 : i32
    %dma_wait3A_85 = arith.constant 0 : i32
    %dma_wait3A_86 = tpu.memref_slice %arg3[%dma_wait3A_84, %dma_wait3A_85] : memref<2x320000xi32, #tpu.memory_space<hbm>> -> memref<2x128xi32, #tpu.memory_space<hbm>>
    %dma_wait3A_87 = arith.constant 0 : i32
    %dma_wait3A_88 = arith.constant 0 : i32
    %dma_wait3A_89 = tpu.memref_slice %arg6[%dma_wait3A_79, %dma_wait3A_87, %dma_wait3A_88] : memref<4x2x128xi32, #tpu.memory_space<vmem>> -> memref<1x2x128xi32, #tpu.memory_space<vmem>>
    %dma_wait3A_90 = tpu.memref_squeeze %dma_wait3A_89 : memref<1x2x128xi32, #tpu.memory_space<vmem>> -> memref<2x128xi32, #tpu.memory_space<vmem>>
    %dma_wait3A_91 = arith.constant 0 : i32
    %dma_wait3A_92 = arith.constant 0 : i32
    %dma_wait3A_93 = tpu.memref_slice %arg3[%dma_wait3A_91, %dma_wait3A_92] : memref<2x320000xi32, #tpu.memory_space<hbm>> -> memref<2x128xi32, #tpu.memory_space<hbm>>
    tpu.wait_dma2 semaphore(%arg9 : memref<!tpu.dma_semaphore, #tpu.memory_space<semaphore_mem>>) src(%dma_wait3A_93 : memref<2x128xi32, #tpu.memory_space<hbm>>) dst(%dma_wait3A_90 : memref<2x128xi32, #tpu.memory_space<vmem>>)
    %dma_start3A_94 = arith.constant 1 : i32
    %dma_start3A_95 = arith.constant 0 : i32
    %dma_start3A_96 = arith.constant 1 : i32
    %dma_start3A_97 = arith.constant 0 : i32
    %dma_start3A_98 = arith.constant 0 : i32
    %dma_start3A_99 = tpu.memref_slice %arg7[%dma_start3A_96, %dma_start3A_97, %dma_start3A_98] : memref<2x128x128xf32, #tpu.memory_space<vmem>> -> memref<1x128x128xf32, #tpu.memory_space<vmem>>
    %dma_start3A_100 = tpu.memref_squeeze %dma_start3A_99 : memref<1x128x128xf32, #tpu.memory_space<vmem>> -> memref<128x128xf32, #tpu.memory_space<vmem>>
    %dma_start3A_101 = arith.constant 0 : i32
    %dma_start3A_102 = tpu.memref_slice %arg6[%dma_start3A_94, %dma_start3A_95, %dma_start3A_101] : memref<4x2x128xi32, #tpu.memory_space<vmem>> -> memref<1x1x128xi32, #tpu.memory_space<vmem>>
    %dma_start3A_103 = tpu.memref_squeeze %dma_start3A_102 : memref<1x1x128xi32, #tpu.memory_space<vmem>> -> memref<128xi32, #tpu.memory_space<vmem>>
    %dma_start3A_104 = arith.constant 0 : i32
    %dma_start3A_105 = arith.constant 0 : i32
    %dma_start3A_106 = tpu.memref_slice %arg2[%dma_start3A_104, %dma_start3A_105] : memref<10000x128xf32, #tpu.memory_space<hbm>> -> memref<10000x128xf32, #tpu.memory_space<hbm>>
    tpu.enqueue_indirect_dma source(%dma_start3A_106 : memref<10000x128xf32, #tpu.memory_space<hbm>>) target(%dma_start3A_100 : memref<128x128xf32, #tpu.memory_space<vmem>>) offsets(%dma_start3A_103 : memref<128xi32, #tpu.memory_space<vmem>>) semaphore(%arg11 : memref<!tpu.dma_semaphore, #tpu.memory_space<semaphore_mem>>)
    %add3A_107 = arith.constant 64 : i32
    %add3A_108 = arith.addi %add3A_107, %add3A : i32
    %mul3A_109 = arith.constant 128 : i32
    %mul3A_110 = arith.muli %add3A_108, %mul3A_109 : i32
    %dma_start3A_111 = arith.constant 2 : i32
    %dma_start3A_112 = arith.constant 0 : i32
    %dma_start3A_113 = arith.constant 0 : i32
    %dma_start3A_114 = tpu.memref_slice %arg6[%dma_start3A_111, %dma_start3A_112, %dma_start3A_113] : memref<4x2x128xi32, #tpu.memory_space<vmem>> -> memref<1x2x128xi32, #tpu.memory_space<vmem>>
    %dma_start3A_115 = tpu.memref_squeeze %dma_start3A_114 : memref<1x2x128xi32, #tpu.memory_space<vmem>> -> memref<2x128xi32, #tpu.memory_space<vmem>>
    %dma_start3A_116 = arith.constant 0 : i32
    %dma_start3A_117 = tpu.memref_slice %arg3[%dma_start3A_116, %mul3A_110] : memref<2x320000xi32, #tpu.memory_space<hbm>> -> memref<2x128xi32, #tpu.memory_space<hbm>>
    %dma_start3A_118 = arith.constant 0 : i32
    %dma_start3A_119 = arith.constant 0 : i32
    %dma_start3A_120 = tpu.memref_slice %arg6[%dma_start3A_111, %dma_start3A_118, %dma_start3A_119] : memref<4x2x128xi32, #tpu.memory_space<vmem>> -> memref<1x2x128xi32, #tpu.memory_space<vmem>>
    %dma_start3A_121 = tpu.memref_squeeze %dma_start3A_120 : memref<1x2x128xi32, #tpu.memory_space<vmem>> -> memref<2x128xi32, #tpu.memory_space<vmem>>
    %dma_start3A_122 = arith.constant 0 : i32
    %dma_start3A_123 = tpu.memref_slice %arg3[%dma_start3A_122, %mul3A_110] : memref<2x320000xi32, #tpu.memory_space<hbm>> -> memref<2x128xi32, #tpu.memory_space<hbm>>
    tpu.enqueue_dma source(%dma_start3A_123 : memref<2x128xi32, #tpu.memory_space<hbm>>) target(%dma_start3A_121 : memref<2x128xi32, #tpu.memory_space<vmem>>) target_semaphore(%arg9 : memref<!tpu.dma_semaphore, #tpu.memory_space<semaphore_mem>>)
    %dma_wait3A_124 = arith.constant 0 : i32
    %dma_wait3A_125 = arith.constant 0 : i32
    %dma_wait3A_126 = arith.constant 0 : i32
    %dma_wait3A_127 = arith.constant 0 : i32
    %dma_wait3A_128 = arith.constant 0 : i32
    %dma_wait3A_129 = tpu.memref_slice %arg7[%dma_wait3A_126, %dma_wait3A_127, %dma_wait3A_128] : memref<2x128x128xf32, #tpu.memory_space<vmem>> -> memref<1x128x128xf32, #tpu.memory_space<vmem>>
    %dma_wait3A_130 = tpu.memref_squeeze %dma_wait3A_129 : memref<1x128x128xf32, #tpu.memory_space<vmem>> -> memref<128x128xf32, #tpu.memory_space<vmem>>
    %dma_wait3A_131 = arith.constant 0 : i32
    %dma_wait3A_132 = tpu.memref_slice %arg6[%dma_wait3A_124, %dma_wait3A_125, %dma_wait3A_131] : memref<4x2x128xi32, #tpu.memory_space<vmem>> -> memref<1x1x128xi32, #tpu.memory_space<vmem>>
    %dma_wait3A_133 = tpu.memref_squeeze %dma_wait3A_132 : memref<1x1x128xi32, #tpu.memory_space<vmem>> -> memref<128xi32, #tpu.memory_space<vmem>>
    %dma_wait3A_134 = arith.constant 0 : i32
    %dma_wait3A_135 = arith.constant 0 : i32
    %dma_wait3A_136 = tpu.memref_slice %arg2[%dma_wait3A_134, %dma_wait3A_135] : memref<10000x128xf32, #tpu.memory_space<hbm>> -> memref<10000x128xf32, #tpu.memory_space<hbm>>
    tpu.wait_indirect_dma semaphore(%arg10 : memref<!tpu.dma_semaphore, #tpu.memory_space<semaphore_mem>>) src(%dma_wait3A_136 : memref<10000x128xf32, #tpu.memory_space<hbm>>) dst(%dma_wait3A_130 : memref<128x128xf32, #tpu.memory_space<vmem>>)
    %dma_start3A_137 = arith.constant 0 : i32
    %dma_start3A_138 = arith.constant 0 : i32
    %dma_start3A_139 = arith.constant 1 : i32
    %dma_start3A_140 = arith.constant 0 : i32
    %dma_start3A_141 = arith.constant 0 : i32
    %dma_start3A_142 = tpu.memref_slice %arg7[%dma_start3A_137, %dma_start3A_140, %dma_start3A_141] : memref<2x128x128xf32, #tpu.memory_space<vmem>> -> memref<1x128x128xf32, #tpu.memory_space<vmem>>
    %dma_start3A_143 = tpu.memref_squeeze %dma_start3A_142 : memref<1x128x128xf32, #tpu.memory_space<vmem>> -> memref<128x128xf32, #tpu.memory_space<vmem>>
    %dma_start3A_144 = arith.constant 0 : i32
    %dma_start3A_145 = tpu.memref_slice %arg6[%dma_start3A_138, %dma_start3A_139, %dma_start3A_144] : memref<4x2x128xi32, #tpu.memory_space<vmem>> -> memref<1x1x128xi32, #tpu.memory_space<vmem>>
    %dma_start3A_146 = tpu.memref_squeeze %dma_start3A_145 : memref<1x1x128xi32, #tpu.memory_space<vmem>> -> memref<128xi32, #tpu.memory_space<vmem>>
    %dma_start3A_147 = arith.constant 0 : i32
    %dma_start3A_148 = arith.constant 0 : i32
    %dma_start3A_149 = tpu.memref_slice %arg8[%dma_start3A_147, %dma_start3A_148] : memref<10000x128xf32, #tpu.memory_space<vmem_shared>> -> memref<10000x128xf32, #tpu.memory_space<vmem_shared>>
    tpu.enqueue_indirect_dma source(%dma_start3A_143 : memref<128x128xf32, #tpu.memory_space<vmem>>) target(%dma_start3A_149 : memref<10000x128xf32, #tpu.memory_space<vmem_shared>>) offsets(%dma_start3A_146 : memref<128xi32, #tpu.memory_space<vmem>>) semaphore(%arg12 : memref<!tpu.dma_semaphore, #tpu.memory_space<semaphore_mem>>) {add = true}
    %scan3A_150 = arith.constant 0 : i32
    %scan3A_151 = arith.constant 8 : i32
    %scan3A_152 = arith.addi %scan3A_150, %scan3A_151 : i32
    %scan3A_153 = arith.constant 1 : i32
    scf.for %scan3A_565 = %scan3A_150 to %scan3A_152 step %scan3A_153  : i32 {
      %mul3A_566 = arith.constant 1 : i32
      %mul3A_567 = arith.muli %scan3A_565, %mul3A_566 : i32
      %add3A_568 = arith.constant 0 : i32
      %add3A_569 = arith.addi %add3A_568, %mul3A_567 : i32
      %mul3A_570 = arith.constant 16 : i32
      %mul3A_571 = arith.muli %add3A_569, %mul3A_570 : i32
      %get3A = arith.constant 0 : i32
      %get3A_572 = arith.constant 1 : i32
      %get3A_573 = arith.index_cast %get3A : i32 to index
      %get3A_574 = arith.index_cast %get3A_572 : i32 to index
      %get3A_575 = arith.index_cast %mul3A_571 : i32 to index
      %get3A_576 = tpu.vector_load %arg6[%get3A_573, %get3A_574, %get3A_575] {strides = array<i32>} : memref<4x2x128xi32, #tpu.memory_space<vmem>>, vector<16xi32>,
      tpu.vector_store_idx %arg13[%get3A_576], %broadcast_in_dim3A_3 {add = true} : memref<10000xf32, #tpu.memory_space<vmem>>[vector<16xi32>], vector<16xf32>,
    }
    %scan3A_154 = arith.constant 8 : i32
    %scan3A_155 = arith.constant 0 : i32
    %scan3A_156 = arith.constant 18 : i32
    %scan3A_157 = arith.addi %scan3A_155, %scan3A_156 : i32
    %scan3A_158 = arith.constant 1 : i32
    scf.for %scan3A_565 = %scan3A_155 to %scan3A_157 step %scan3A_158  : i32 {
      %mul3A_566 = arith.constant 1 : i32
      %mul3A_567 = arith.muli %scan3A_565, %mul3A_566 : i32
      %add3A_568 = arith.constant 0 : i32
      %add3A_569 = arith.addi %add3A_568, %mul3A_567 : i32
      %mul3A_570 = arith.constant 4 : i32
      %mul3A_571 = arith.muli %add3A_569, %mul3A_570 : i32
      %add3A_572 = arith.constant 1 : i32
      %add3A_573 = arith.addi %mul3A_571, %add3A_572 : i32
      %dma_wait3A_574 = arith.constant 2 : i32
      %dma_wait3A_575 = arith.constant 0 : i32
      %dma_wait3A_576 = arith.constant 0 : i32
      %dma_wait3A_577 = tpu.memref_slice %arg6[%dma_wait3A_574, %dma_wait3A_575, %dma_wait3A_576] : memref<4x2x128xi32, #tpu.memory_space<vmem>> -> memref<1x2x128xi32, #tpu.memory_space<vmem>>
      %dma_wait3A_578 = tpu.memref_squeeze %dma_wait3A_577 : memref<1x2x128xi32, #tpu.memory_space<vmem>> -> memref<2x128xi32, #tpu.memory_space<vmem>>
      %dma_wait3A_579 = arith.constant 0 : i32
      %dma_wait3A_580 = arith.constant 0 : i32
      %dma_wait3A_581 = tpu.memref_slice %arg3[%dma_wait3A_579, %dma_wait3A_580] : memref<2x320000xi32, #tpu.memory_space<hbm>> -> memref<2x128xi32, #tpu.memory_space<hbm>>
      %dma_wait3A_582 = arith.constant 0 : i32
      %dma_wait3A_583 = arith.constant 0 : i32
      %dma_wait3A_584 = tpu.memref_slice %arg6[%dma_wait3A_574, %dma_wait3A_582, %dma_wait3A_583] : memref<4x2x128xi32, #tpu.memory_space<vmem>> -> memref<1x2x128xi32, #tpu.memory_space<vmem>>
      %dma_wait3A_585 = tpu.memref_squeeze %dma_wait3A_584 : memref<1x2x128xi32, #tpu.memory_space<vmem>> -> memref<2x128xi32, #tpu.memory_space<vmem>>
      %dma_wait3A_586 = arith.constant 0 : i32
      %dma_wait3A_587 = arith.constant 0 : i32
      %dma_wait3A_588 = tpu.memref_slice %arg3[%dma_wait3A_586, %dma_wait3A_587] : memref<2x320000xi32, #tpu.memory_space<hbm>> -> memref<2x128xi32, #tpu.memory_space<hbm>>
      tpu.wait_dma2 semaphore(%arg9 : memref<!tpu.dma_semaphore, #tpu.memory_space<semaphore_mem>>) src(%dma_wait3A_588 : memref<2x128xi32, #tpu.memory_space<hbm>>) dst(%dma_wait3A_585 : memref<2x128xi32, #tpu.memory_space<vmem>>)
      %dma_wait3A_589 = arith.constant 0 : i32
      %dma_wait3A_590 = arith.constant 0 : i32
      %dma_wait3A_591 = arith.constant 1 : i32
      %dma_wait3A_592 = arith.constant 0 : i32
      %dma_wait3A_593 = arith.constant 0 : i32
      %dma_wait3A_594 = tpu.memref_slice %arg7[%dma_wait3A_589, %dma_wait3A_592, %dma_wait3A_593] : memref<2x128x128xf32, #tpu.memory_space<vmem>> -> memref<1x128x128xf32, #tpu.memory_space<vmem>>
      %dma_wait3A_595 = tpu.memref_squeeze %dma_wait3A_594 : memref<1x128x128xf32, #tpu.memory_space<vmem>> -> memref<128x128xf32, #tpu.memory_space<vmem>>
      %dma_wait3A_596 = arith.constant 0 : i32
      %dma_wait3A_597 = tpu.memref_slice %arg6[%dma_wait3A_590, %dma_wait3A_591, %dma_wait3A_596] : memref<4x2x128xi32, #tpu.memory_space<vmem>> -> memref<1x1x128xi32, #tpu.memory_space<vmem>>
      %dma_wait3A_598 = tpu.memref_squeeze %dma_wait3A_597 : memref<1x1x128xi32, #tpu.memory_space<vmem>> -> memref<128xi32, #tpu.memory_space<vmem>>
      %dma_wait3A_599 = arith.constant 0 : i32
      %dma_wait3A_600 = arith.constant 0 : i32
      %dma_wait3A_601 = tpu.memref_slice %arg8[%dma_wait3A_599, %dma_wait3A_600] : memref<10000x128xf32, #tpu.memory_space<vmem_shared>> -> memref<10000x128xf32, #tpu.memory_space<vmem_shared>>
      tpu.wait_indirect_dma semaphore(%arg12 : memref<!tpu.dma_semaphore, #tpu.memory_space<semaphore_mem>>) src(%dma_wait3A_595 : memref<128x128xf32, #tpu.memory_space<vmem>>) dst(%dma_wait3A_601 : memref<10000x128xf32, #tpu.memory_space<vmem_shared>>)
      %dma_start3A_602 = arith.constant 2 : i32
      %dma_start3A_603 = arith.constant 0 : i32
      %dma_start3A_604 = arith.constant 0 : i32
      %dma_start3A_605 = arith.constant 0 : i32
      %dma_start3A_606 = arith.constant 0 : i32
      %dma_start3A_607 = tpu.memref_slice %arg7[%dma_start3A_604, %dma_start3A_605, %dma_start3A_606] : memref<2x128x128xf32, #tpu.memory_space<vmem>> -> memref<1x128x128xf32, #tpu.memory_space<vmem>>
      %dma_start3A_608 = tpu.memref_squeeze %dma_start3A_607 : memref<1x128x128xf32, #tpu.memory_space<vmem>> -> memref<128x128xf32, #tpu.memory_space<vmem>>
      %dma_start3A_609 = arith.constant 0 : i32
      %dma_start3A_610 = tpu.memref_slice %arg6[%dma_start3A_602, %dma_start3A_603, %dma_start3A_609] : memref<4x2x128xi32, #tpu.memory_space<vmem>> -> memref<1x1x128xi32, #tpu.memory_space<vmem>>
      %dma_start3A_611 = tpu.memref_squeeze %dma_start3A_610 : memref<1x1x128xi32, #tpu.memory_space<vmem>> -> memref<128xi32, #tpu.memory_space<vmem>>
      %dma_start3A_612 = arith.constant 0 : i32
      %dma_start3A_613 = arith.constant 0 : i32
      %dma_start3A_614 = tpu.memref_slice %arg2[%dma_start3A_612, %dma_start3A_613] : memref<10000x128xf32, #tpu.memory_space<hbm>> -> memref<10000x128xf32, #tpu.memory_space<hbm>>
      tpu.enqueue_indirect_dma source(%dma_start3A_614 : memref<10000x128xf32, #tpu.memory_space<hbm>>) target(%dma_start3A_608 : memref<128x128xf32, #tpu.memory_space<vmem>>) offsets(%dma_start3A_611 : memref<128xi32, #tpu.memory_space<vmem>>) semaphore(%arg10 : memref<!tpu.dma_semaphore, #tpu.memory_space<semaphore_mem>>)
      %add3A_615 = arith.constant 0 : i32
      %add3A_616 = arith.addi %add3A_573, %add3A_615 : i32
      %add3A_617 = arith.constant 2 : i32
      %add3A_618 = arith.addi %add3A_616, %add3A_617 : i32
      %mul3A_619 = arith.constant 32 : i32
      %mul3A_620 = arith.muli %add3A_618, %mul3A_619 : i32
      %add3A_621 = arith.addi %mul3A_620, %add3A : i32
      %mul3A_622 = arith.constant 128 : i32
      %mul3A_623 = arith.muli %add3A_621, %mul3A_622 : i32
      %dma_start3A_624 = arith.constant 3 : i32
      %dma_start3A_625 = arith.constant 0 : i32
      %dma_start3A_626 = arith.constant 0 : i32
      %dma_start3A_627 = tpu.memref_slice %arg6[%dma_start3A_624, %dma_start3A_625, %dma_start3A_626] : memref<4x2x128xi32, #tpu.memory_space<vmem>> -> memref<1x2x128xi32, #tpu.memory_space<vmem>>
      %dma_start3A_628 = tpu.memref_squeeze %dma_start3A_627 : memref<1x2x128xi32, #tpu.memory_space<vmem>> -> memref<2x128xi32, #tpu.memory_space<vmem>>
      %dma_start3A_629 = arith.constant 0 : i32
      %dma_start3A_630 = tpu.memref_slice %arg3[%dma_start3A_629, %mul3A_623] : memref<2x320000xi32, #tpu.memory_space<hbm>> -> memref<2x128xi32, #tpu.memory_space<hbm>>
      %dma_start3A_631 = arith.constant 0 : i32
      %dma_start3A_632 = arith.constant 0 : i32
      %dma_start3A_633 = tpu.memref_slice %arg6[%dma_start3A_624, %dma_start3A_631, %dma_start3A_632] : memref<4x2x128xi32, #tpu.memory_space<vmem>> -> memref<1x2x128xi32, #tpu.memory_space<vmem>>
      %dma_start3A_634 = tpu.memref_squeeze %dma_start3A_633 : memref<1x2x128xi32, #tpu.memory_space<vmem>> -> memref<2x128xi32, #tpu.memory_space<vmem>>
      %dma_start3A_635 = arith.constant 0 : i32
      %dma_start3A_636 = tpu.memref_slice %arg3[%dma_start3A_635, %mul3A_623] : memref<2x320000xi32, #tpu.memory_space<hbm>> -> memref<2x128xi32, #tpu.memory_space<hbm>>
      tpu.enqueue_dma source(%dma_start3A_636 : memref<2x128xi32, #tpu.memory_space<hbm>>) target(%dma_start3A_634 : memref<2x128xi32, #tpu.memory_space<vmem>>) target_semaphore(%arg9 : memref<!tpu.dma_semaphore, #tpu.memory_space<semaphore_mem>>)
      %dma_wait3A_637 = arith.constant 1 : i32
      %dma_wait3A_638 = arith.constant 0 : i32
      %dma_wait3A_639 = arith.constant 1 : i32
      %dma_wait3A_640 = arith.constant 0 : i32
      %dma_wait3A_641 = arith.constant 0 : i32
      %dma_wait3A_642 = tpu.memref_slice %arg7[%dma_wait3A_639, %dma_wait3A_640, %dma_wait3A_641] : memref<2x128x128xf32, #tpu.memory_space<vmem>> -> memref<1x128x128xf32, #tpu.memory_space<vmem>>
      %dma_wait3A_643 = tpu.memref_squeeze %dma_wait3A_642 : memref<1x128x128xf32, #tpu.memory_space<vmem>> -> memref<128x128xf32, #tpu.memory_space<vmem>>
      %dma_wait3A_644 = arith.constant 0 : i32
      %dma_wait3A_645 = tpu.memref_slice %arg6[%dma_wait3A_637, %dma_wait3A_638, %dma_wait3A_644] : memref<4x2x128xi32, #tpu.memory_space<vmem>> -> memref<1x1x128xi32, #tpu.memory_space<vmem>>
      %dma_wait3A_646 = tpu.memref_squeeze %dma_wait3A_645 : memref<1x1x128xi32, #tpu.memory_space<vmem>> -> memref<128xi32, #tpu.memory_space<vmem>>
      %dma_wait3A_647 = arith.constant 0 : i32
      %dma_wait3A_648 = arith.constant 0 : i32
      %dma_wait3A_649 = tpu.memref_slice %arg2[%dma_wait3A_647, %dma_wait3A_648] : memref<10000x128xf32, #tpu.memory_space<hbm>> -> memref<10000x128xf32, #tpu.memory_space<hbm>>
      tpu.wait_indirect_dma semaphore(%arg11 : memref<!tpu.dma_semaphore, #tpu.memory_space<semaphore_mem>>) src(%dma_wait3A_649 : memref<10000x128xf32, #tpu.memory_space<hbm>>) dst(%dma_wait3A_643 : memref<128x128xf32, #tpu.memory_space<vmem>>)
      %dma_start3A_650 = arith.constant 1 : i32
      %dma_start3A_651 = arith.constant 1 : i32
      %dma_start3A_652 = arith.constant 1 : i32
      %dma_start3A_653 = arith.constant 0 : i32
      %dma_start3A_654 = arith.constant 0 : i32
      %dma_start3A_655 = tpu.memref_slice %arg7[%dma_start3A_650, %dma_start3A_653, %dma_start3A_654] : memref<2x128x128xf32, #tpu.memory_space<vmem>> -> memref<1x128x128xf32, #tpu.memory_space<vmem>>
      %dma_start3A_656 = tpu.memref_squeeze %dma_start3A_655 : memref<1x128x128xf32, #tpu.memory_space<vmem>> -> memref<128x128xf32, #tpu.memory_space<vmem>>
      %dma_start3A_657 = arith.constant 0 : i32
      %dma_start3A_658 = tpu.memref_slice %arg6[%dma_start3A_651, %dma_start3A_652, %dma_start3A_657] : memref<4x2x128xi32, #tpu.memory_space<vmem>> -> memref<1x1x128xi32, #tpu.memory_space<vmem>>
      %dma_start3A_659 = tpu.memref_squeeze %dma_start3A_658 : memref<1x1x128xi32, #tpu.memory_space<vmem>> -> memref<128xi32, #tpu.memory_space<vmem>>
      %dma_start3A_660 = arith.constant 0 : i32
      %dma_start3A_661 = arith.constant 0 : i32
      %dma_start3A_662 = tpu.memref_slice %arg8[%dma_start3A_660, %dma_start3A_661] : memref<10000x128xf32, #tpu.memory_space<vmem_shared>> -> memref<10000x128xf32, #tpu.memory_space<vmem_shared>>
      tpu.enqueue_indirect_dma source(%dma_start3A_656 : memref<128x128xf32, #tpu.memory_space<vmem>>) target(%dma_start3A_662 : memref<10000x128xf32, #tpu.memory_space<vmem_shared>>) offsets(%dma_start3A_659 : memref<128xi32, #tpu.memory_space<vmem>>) semaphore(%arg12 : memref<!tpu.dma_semaphore, #tpu.memory_space<semaphore_mem>>) {add = true}
      %scan3A_663 = arith.constant 0 : i32
      %scan3A_664 = arith.constant 8 : i32
      %scan3A_665 = arith.addi %scan3A_663, %scan3A_664 : i32
      %scan3A_666 = arith.constant 1 : i32
      scf.for %scan3A_950 = %scan3A_663 to %scan3A_665 step %scan3A_666  : i32 {
        %mul3A_951 = arith.constant 1 : i32
        %mul3A_952 = arith.muli %scan3A_950, %mul3A_951 : i32
        %add3A_953 = arith.constant 0 : i32
        %add3A_954 = arith.addi %add3A_953, %mul3A_952 : i32
        %mul3A_955 = arith.constant 16 : i32
        %mul3A_956 = arith.muli %add3A_954, %mul3A_955 : i32
        %get3A = arith.constant 1 : i32
        %get3A_957 = arith.constant 1 : i32
        %get3A_958 = arith.index_cast %get3A : i32 to index
        %get3A_959 = arith.index_cast %get3A_957 : i32 to index
        %get3A_960 = arith.index_cast %mul3A_956 : i32 to index
        %get3A_961 = tpu.vector_load %arg6[%get3A_958, %get3A_959, %get3A_960] {strides = array<i32>} : memref<4x2x128xi32, #tpu.memory_space<vmem>>, vector<16xi32>,
        tpu.vector_store_idx %arg13[%get3A_961], %broadcast_in_dim3A_3 {add = true} : memref<10000xf32, #tpu.memory_space<vmem>>[vector<16xi32>], vector<16xf32>,
      }
      %scan3A_667 = arith.constant 8 : i32
      %dma_wait3A_668 = arith.constant 3 : i32
      %dma_wait3A_669 = arith.constant 0 : i32
      %dma_wait3A_670 = arith.constant 0 : i32
      %dma_wait3A_671 = tpu.memref_slice %arg6[%dma_wait3A_668, %dma_wait3A_669, %dma_wait3A_670] : memref<4x2x128xi32, #tpu.memory_space<vmem>> -> memref<1x2x128xi32, #tpu.memory_space<vmem>>
      %dma_wait3A_672 = tpu.memref_squeeze %dma_wait3A_671 : memref<1x2x128xi32, #tpu.memory_space<vmem>> -> memref<2x128xi32, #tpu.memory_space<vmem>>
      %dma_wait3A_673 = arith.constant 0 : i32
      %dma_wait3A_674 = arith.constant 0 : i32
      %dma_wait3A_675 = tpu.memref_slice %arg3[%dma_wait3A_673, %dma_wait3A_674] : memref<2x320000xi32, #tpu.memory_space<hbm>> -> memref<2x128xi32, #tpu.memory_space<hbm>>
      %dma_wait3A_676 = arith.constant 0 : i32
      %dma_wait3A_677 = arith.constant 0 : i32
      %dma_wait3A_678 = tpu.memref_slice %arg6[%dma_wait3A_668, %dma_wait3A_676, %dma_wait3A_677] : memref<4x2x128xi32, #tpu.memory_space<vmem>> -> memref<1x2x128xi32, #tpu.memory_space<vmem>>
      %dma_wait3A_679 = tpu.memref_squeeze %dma_wait3A_678 : memref<1x2x128xi32, #tpu.memory_space<vmem>> -> memref<2x128xi32, #tpu.memory_space<vmem>>
      %dma_wait3A_680 = arith.constant 0 : i32
      %dma_wait3A_681 = arith.constant 0 : i32
      %dma_wait3A_682 = tpu.memref_slice %arg3[%dma_wait3A_680, %dma_wait3A_681] : memref<2x320000xi32, #tpu.memory_space<hbm>> -> memref<2x128xi32, #tpu.memory_space<hbm>>
      tpu.wait_dma2 semaphore(%arg9 : memref<!tpu.dma_semaphore, #tpu.memory_space<semaphore_mem>>) src(%dma_wait3A_682 : memref<2x128xi32, #tpu.memory_space<hbm>>) dst(%dma_wait3A_679 : memref<2x128xi32, #tpu.memory_space<vmem>>)
      %dma_wait3A_683 = arith.constant 1 : i32
      %dma_wait3A_684 = arith.constant 1 : i32
      %dma_wait3A_685 = arith.constant 1 : i32
      %dma_wait3A_686 = arith.constant 0 : i32
      %dma_wait3A_687 = arith.constant 0 : i32
      %dma_wait3A_688 = tpu.memref_slice %arg7[%dma_wait3A_683, %dma_wait3A_686, %dma_wait3A_687] : memref<2x128x128xf32, #tpu.memory_space<vmem>> -> memref<1x128x128xf32, #tpu.memory_space<vmem>>
      %dma_wait3A_689 = tpu.memref_squeeze %dma_wait3A_688 : memref<1x128x128xf32, #tpu.memory_space<vmem>> -> memref<128x128xf32, #tpu.memory_space<vmem>>
      %dma_wait3A_690 = arith.constant 0 : i32
      %dma_wait3A_691 = tpu.memref_slice %arg6[%dma_wait3A_684, %dma_wait3A_685, %dma_wait3A_690] : memref<4x2x128xi32, #tpu.memory_space<vmem>> -> memref<1x1x128xi32, #tpu.memory_space<vmem>>
      %dma_wait3A_692 = tpu.memref_squeeze %dma_wait3A_691 : memref<1x1x128xi32, #tpu.memory_space<vmem>> -> memref<128xi32, #tpu.memory_space<vmem>>
      %dma_wait3A_693 = arith.constant 0 : i32
      %dma_wait3A_694 = arith.constant 0 : i32
      %dma_wait3A_695 = tpu.memref_slice %arg8[%dma_wait3A_693, %dma_wait3A_694] : memref<10000x128xf32, #tpu.memory_space<vmem_shared>> -> memref<10000x128xf32, #tpu.memory_space<vmem_shared>>
      tpu.wait_indirect_dma semaphore(%arg12 : memref<!tpu.dma_semaphore, #tpu.memory_space<semaphore_mem>>) src(%dma_wait3A_689 : memref<128x128xf32, #tpu.memory_space<vmem>>) dst(%dma_wait3A_695 : memref<10000x128xf32, #tpu.memory_space<vmem_shared>>)
      %dma_start3A_696 = arith.constant 3 : i32
      %dma_start3A_697 = arith.constant 0 : i32
      %dma_start3A_698 = arith.constant 1 : i32
      %dma_start3A_699 = arith.constant 0 : i32
      %dma_start3A_700 = arith.constant 0 : i32
      %dma_start3A_701 = tpu.memref_slice %arg7[%dma_start3A_698, %dma_start3A_699, %dma_start3A_700] : memref<2x128x128xf32, #tpu.memory_space<vmem>> -> memref<1x128x128xf32, #tpu.memory_space<vmem>>
      %dma_start3A_702 = tpu.memref_squeeze %dma_start3A_701 : memref<1x128x128xf32, #tpu.memory_space<vmem>> -> memref<128x128xf32, #tpu.memory_space<vmem>>
      %dma_start3A_703 = arith.constant 0 : i32
      %dma_start3A_704 = tpu.memref_slice %arg6[%dma_start3A_696, %dma_start3A_697, %dma_start3A_703] : memref<4x2x128xi32, #tpu.memory_space<vmem>> -> memref<1x1x128xi32, #tpu.memory_space<vmem>>
      %dma_start3A_705 = tpu.memref_squeeze %dma_start3A_704 : memref<1x1x128xi32, #tpu.memory_space<vmem>> -> memref<128xi32, #tpu.memory_space<vmem>>
      %dma_start3A_706 = arith.constant 0 : i32
      %dma_start3A_707 = arith.constant 0 : i32
      %dma_start3A_708 = tpu.memref_slice %arg2[%dma_start3A_706, %dma_start3A_707] : memref<10000x128xf32, #tpu.memory_space<hbm>> -> memref<10000x128xf32, #tpu.memory_space<hbm>>
      tpu.enqueue_indirect_dma source(%dma_start3A_708 : memref<10000x128xf32, #tpu.memory_space<hbm>>) target(%dma_start3A_702 : memref<128x128xf32, #tpu.memory_space<vmem>>) offsets(%dma_start3A_705 : memref<128xi32, #tpu.memory_space<vmem>>) semaphore(%arg11 : memref<!tpu.dma_semaphore, #tpu.memory_space<semaphore_mem>>)
      %add3A_709 = arith.constant 1 : i32
      %add3A_710 = arith.addi %add3A_573, %add3A_709 : i32
      %add3A_711 = arith.constant 2 : i32
      %add3A_712 = arith.addi %add3A_710, %add3A_711 : i32
      %mul3A_713 = arith.constant 32 : i32
      %mul3A_714 = arith.muli %add3A_712, %mul3A_713 : i32
      %add3A_715 = arith.addi %mul3A_714, %add3A : i32
      %mul3A_716 = arith.constant 128 : i32
      %mul3A_717 = arith.muli %add3A_715, %mul3A_716 : i32
      %dma_start3A_718 = arith.constant 0 : i32
      %dma_start3A_719 = arith.constant 0 : i32
      %dma_start3A_720 = arith.constant 0 : i32
      %dma_start3A_721 = tpu.memref_slice %arg6[%dma_start3A_718, %dma_start3A_719, %dma_start3A_720] : memref<4x2x128xi32, #tpu.memory_space<vmem>> -> memref<1x2x128xi32, #tpu.memory_space<vmem>>
      %dma_start3A_722 = tpu.memref_squeeze %dma_start3A_721 : memref<1x2x128xi32, #tpu.memory_space<vmem>> -> memref<2x128xi32, #tpu.memory_space<vmem>>
      %dma_start3A_723 = arith.constant 0 : i32
      %dma_start3A_724 = tpu.memref_slice %arg3[%dma_start3A_723, %mul3A_717] : memref<2x320000xi32, #tpu.memory_space<hbm>> -> memref<2x128xi32, #tpu.memory_space<hbm>>
      %dma_start3A_725 = arith.constant 0 : i32
      %dma_start3A_726 = arith.constant 0 : i32
      %dma_start3A_727 = tpu.memref_slice %arg6[%dma_start3A_718, %dma_start3A_725, %dma_start3A_726] : memref<4x2x128xi32, #tpu.memory_space<vmem>> -> memref<1x2x128xi32, #tpu.memory_space<vmem>>
      %dma_start3A_728 = tpu.memref_squeeze %dma_start3A_727 : memref<1x2x128xi32, #tpu.memory_space<vmem>> -> memref<2x128xi32, #tpu.memory_space<vmem>>
      %dma_start3A_729 = arith.constant 0 : i32
      %dma_start3A_730 = tpu.memref_slice %arg3[%dma_start3A_729, %mul3A_717] : memref<2x320000xi32, #tpu.memory_space<hbm>> -> memref<2x128xi32, #tpu.memory_space<hbm>>
      tpu.enqueue_dma source(%dma_start3A_730 : memref<2x128xi32, #tpu.memory_space<hbm>>) target(%dma_start3A_728 : memref<2x128xi32, #tpu.memory_space<vmem>>) target_semaphore(%arg9 : memref<!tpu.dma_semaphore, #tpu.memory_space<semaphore_mem>>)
      %dma_wait3A_731 = arith.constant 2 : i32
      %dma_wait3A_732 = arith.constant 0 : i32
      %dma_wait3A_733 = arith.constant 0 : i32
      %dma_wait3A_734 = arith.constant 0 : i32
      %dma_wait3A_735 = arith.constant 0 : i32
      %dma_wait3A_736 = tpu.memref_slice %arg7[%dma_wait3A_733, %dma_wait3A_734, %dma_wait3A_735] : memref<2x128x128xf32, #tpu.memory_space<vmem>> -> memref<1x128x128xf32, #tpu.memory_space<vmem>>
      %dma_wait3A_737 = tpu.memref_squeeze %dma_wait3A_736 : memref<1x128x128xf32, #tpu.memory_space<vmem>> -> memref<128x128xf32, #tpu.memory_space<vmem>>
      %dma_wait3A_738 = arith.constant 0 : i32
      %dma_wait3A_739 = tpu.memref_slice %arg6[%dma_wait3A_731, %dma_wait3A_732, %dma_wait3A_738] : memref<4x2x128xi32, #tpu.memory_space<vmem>> -> memref<1x1x128xi32, #tpu.memory_space<vmem>>
      %dma_wait3A_740 = tpu.memref_squeeze %dma_wait3A_739 : memref<1x1x128xi32, #tpu.memory_space<vmem>> -> memref<128xi32, #tpu.memory_space<vmem>>
      %dma_wait3A_741 = arith.constant 0 : i32
      %dma_wait3A_742 = arith.constant 0 : i32
      %dma_wait3A_743 = tpu.memref_slice %arg2[%dma_wait3A_741, %dma_wait3A_742] : memref<10000x128xf32, #tpu.memory_space<hbm>> -> memref<10000x128xf32, #tpu.memory_space<hbm>>
      tpu.wait_indirect_dma semaphore(%arg10 : memref<!tpu.dma_semaphore, #tpu.memory_space<semaphore_mem>>) src(%dma_wait3A_743 : memref<10000x128xf32, #tpu.memory_space<hbm>>) dst(%dma_wait3A_737 : memref<128x128xf32, #tpu.memory_space<vmem>>)
      %dma_start3A_744 = arith.constant 0 : i32
      %dma_start3A_745 = arith.constant 2 : i32
      %dma_start3A_746 = arith.constant 1 : i32
      %dma_start3A_747 = arith.constant 0 : i32
      %dma_start3A_748 = arith.constant 0 : i32
      %dma_start3A_749 = tpu.memref_slice %arg7[%dma_start3A_744, %dma_start3A_747, %dma_start3A_748] : memref<2x128x128xf32, #tpu.memory_space<vmem>> -> memref<1x128x128xf32, #tpu.memory_space<vmem>>
      %dma_start3A_750 = tpu.memref_squeeze %dma_start3A_749 : memref<1x128x128xf32, #tpu.memory_space<vmem>> -> memref<128x128xf32, #tpu.memory_space<vmem>>
      %dma_start3A_751 = arith.constant 0 : i32
      %dma_start3A_752 = tpu.memref_slice %arg6[%dma_start3A_745, %dma_start3A_746, %dma_start3A_751] : memref<4x2x128xi32, #tpu.memory_space<vmem>> -> memref<1x1x128xi32, #tpu.memory_space<vmem>>
      %dma_start3A_753 = tpu.memref_squeeze %dma_start3A_752 : memref<1x1x128xi32, #tpu.memory_space<vmem>> -> memref<128xi32, #tpu.memory_space<vmem>>
      %dma_start3A_754 = arith.constant 0 : i32
      %dma_start3A_755 = arith.constant 0 : i32
      %dma_start3A_756 = tpu.memref_slice %arg8[%dma_start3A_754, %dma_start3A_755] : memref<10000x128xf32, #tpu.memory_space<vmem_shared>> -> memref<10000x128xf32, #tpu.memory_space<vmem_shared>>
      tpu.enqueue_indirect_dma source(%dma_start3A_750 : memref<128x128xf32, #tpu.memory_space<vmem>>) target(%dma_start3A_756 : memref<10000x128xf32, #tpu.memory_space<vmem_shared>>) offsets(%dma_start3A_753 : memref<128xi32, #tpu.memory_space<vmem>>) semaphore(%arg12 : memref<!tpu.dma_semaphore, #tpu.memory_space<semaphore_mem>>) {add = true}
      %scan3A_757 = arith.constant 0 : i32
      %scan3A_758 = arith.constant 8 : i32
      %scan3A_759 = arith.addi %scan3A_757, %scan3A_758 : i32
      %scan3A_760 = arith.constant 1 : i32
      scf.for %scan3A_950 = %scan3A_757 to %scan3A_759 step %scan3A_760  : i32 {
        %mul3A_951 = arith.constant 1 : i32
        %mul3A_952 = arith.muli %scan3A_950, %mul3A_951 : i32
        %add3A_953 = arith.constant 0 : i32
        %add3A_954 = arith.addi %add3A_953, %mul3A_952 : i32
        %mul3A_955 = arith.constant 16 : i32
        %mul3A_956 = arith.muli %add3A_954, %mul3A_955 : i32
        %get3A = arith.constant 2 : i32
        %get3A_957 = arith.constant 1 : i32
        %get3A_958 = arith.index_cast %get3A : i32 to index
        %get3A_959 = arith.index_cast %get3A_957 : i32 to index
        %get3A_960 = arith.index_cast %mul3A_956 : i32 to index
        %get3A_961 = tpu.vector_load %arg6[%get3A_958, %get3A_959, %get3A_960] {strides = array<i32>} : memref<4x2x128xi32, #tpu.memory_space<vmem>>, vector<16xi32>,
        tpu.vector_store_idx %arg13[%get3A_961], %broadcast_in_dim3A_3 {add = true} : memref<10000xf32, #tpu.memory_space<vmem>>[vector<16xi32>], vector<16xf32>,
      }
      %scan3A_761 = arith.constant 8 : i32
      %dma_wait3A_762 = arith.constant 0 : i32
      %dma_wait3A_763 = arith.constant 0 : i32
      %dma_wait3A_764 = arith.constant 0 : i32
      %dma_wait3A_765 = tpu.memref_slice %arg6[%dma_wait3A_762, %dma_wait3A_763, %dma_wait3A_764] : memref<4x2x128xi32, #tpu.memory_space<vmem>> -> memref<1x2x128xi32, #tpu.memory_space<vmem>>
      %dma_wait3A_766 = tpu.memref_squeeze %dma_wait3A_765 : memref<1x2x128xi32, #tpu.memory_space<vmem>> -> memref<2x128xi32, #tpu.memory_space<vmem>>
      %dma_wait3A_767 = arith.constant 0 : i32
      %dma_wait3A_768 = arith.constant 0 : i32
      %dma_wait3A_769 = tpu.memref_slice %arg3[%dma_wait3A_767, %dma_wait3A_768] : memref<2x320000xi32, #tpu.memory_space<hbm>> -> memref<2x128xi32, #tpu.memory_space<hbm>>
      %dma_wait3A_770 = arith.constant 0 : i32
      %dma_wait3A_771 = arith.constant 0 : i32
      %dma_wait3A_772 = tpu.memref_slice %arg6[%dma_wait3A_762, %dma_wait3A_770, %dma_wait3A_771] : memref<4x2x128xi32, #tpu.memory_space<vmem>> -> memref<1x2x128xi32, #tpu.memory_space<vmem>>
      %dma_wait3A_773 = tpu.memref_squeeze %dma_wait3A_772 : memref<1x2x128xi32, #tpu.memory_space<vmem>> -> memref<2x128xi32, #tpu.memory_space<vmem>>
      %dma_wait3A_774 = arith.constant 0 : i32
      %dma_wait3A_775 = arith.constant 0 : i32
      %dma_wait3A_776 = tpu.memref_slice %arg3[%dma_wait3A_774, %dma_wait3A_775] : memref<2x320000xi32, #tpu.memory_space<hbm>> -> memref<2x128xi32, #tpu.memory_space<hbm>>
      tpu.wait_dma2 semaphore(%arg9 : memref<!tpu.dma_semaphore, #tpu.memory_space<semaphore_mem>>) src(%dma_wait3A_776 : memref<2x128xi32, #tpu.memory_space<hbm>>) dst(%dma_wait3A_773 : memref<2x128xi32, #tpu.memory_space<vmem>>)
      %dma_wait3A_777 = arith.constant 0 : i32
      %dma_wait3A_778 = arith.constant 2 : i32
      %dma_wait3A_779 = arith.constant 1 : i32
      %dma_wait3A_780 = arith.constant 0 : i32
      %dma_wait3A_781 = arith.constant 0 : i32
      %dma_wait3A_782 = tpu.memref_slice %arg7[%dma_wait3A_777, %dma_wait3A_780, %dma_wait3A_781] : memref<2x128x128xf32, #tpu.memory_space<vmem>> -> memref<1x128x128xf32, #tpu.memory_space<vmem>>
      %dma_wait3A_783 = tpu.memref_squeeze %dma_wait3A_782 : memref<1x128x128xf32, #tpu.memory_space<vmem>> -> memref<128x128xf32, #tpu.memory_space<vmem>>
      %dma_wait3A_784 = arith.constant 0 : i32
      %dma_wait3A_785 = tpu.memref_slice %arg6[%dma_wait3A_778, %dma_wait3A_779, %dma_wait3A_784] : memref<4x2x128xi32, #tpu.memory_space<vmem>> -> memref<1x1x128xi32, #tpu.memory_space<vmem>>
      %dma_wait3A_786 = tpu.memref_squeeze %dma_wait3A_785 : memref<1x1x128xi32, #tpu.memory_space<vmem>> -> memref<128xi32, #tpu.memory_space<vmem>>
      %dma_wait3A_787 = arith.constant 0 : i32
      %dma_wait3A_788 = arith.constant 0 : i32
      %dma_wait3A_789 = tpu.memref_slice %arg8[%dma_wait3A_787, %dma_wait3A_788] : memref<10000x128xf32, #tpu.memory_space<vmem_shared>> -> memref<10000x128xf32, #tpu.memory_space<vmem_shared>>
      tpu.wait_indirect_dma semaphore(%arg12 : memref<!tpu.dma_semaphore, #tpu.memory_space<semaphore_mem>>) src(%dma_wait3A_783 : memref<128x128xf32, #tpu.memory_space<vmem>>) dst(%dma_wait3A_789 : memref<10000x128xf32, #tpu.memory_space<vmem_shared>>)
      %dma_start3A_790 = arith.constant 0 : i32
      %dma_start3A_791 = arith.constant 0 : i32
      %dma_start3A_792 = arith.constant 0 : i32
      %dma_start3A_793 = arith.constant 0 : i32
      %dma_start3A_794 = arith.constant 0 : i32
      %dma_start3A_795 = tpu.memref_slice %arg7[%dma_start3A_792, %dma_start3A_793, %dma_start3A_794] : memref<2x128x128xf32, #tpu.memory_space<vmem>> -> memref<1x128x128xf32, #tpu.memory_space<vmem>>
      %dma_start3A_796 = tpu.memref_squeeze %dma_start3A_795 : memref<1x128x128xf32, #tpu.memory_space<vmem>> -> memref<128x128xf32, #tpu.memory_space<vmem>>
      %dma_start3A_797 = arith.constant 0 : i32
      %dma_start3A_798 = tpu.memref_slice %arg6[%dma_start3A_790, %dma_start3A_791, %dma_start3A_797] : memref<4x2x128xi32, #tpu.memory_space<vmem>> -> memref<1x1x128xi32, #tpu.memory_space<vmem>>
      %dma_start3A_799 = tpu.memref_squeeze %dma_start3A_798 : memref<1x1x128xi32, #tpu.memory_space<vmem>> -> memref<128xi32, #tpu.memory_space<vmem>>
      %dma_start3A_800 = arith.constant 0 : i32
      %dma_start3A_801 = arith.constant 0 : i32
      %dma_start3A_802 = tpu.memref_slice %arg2[%dma_start3A_800, %dma_start3A_801] : memref<10000x128xf32, #tpu.memory_space<hbm>> -> memref<10000x128xf32, #tpu.memory_space<hbm>>
      tpu.enqueue_indirect_dma source(%dma_start3A_802 : memref<10000x128xf32, #tpu.memory_space<hbm>>) target(%dma_start3A_796 : memref<128x128xf32, #tpu.memory_space<vmem>>) offsets(%dma_start3A_799 : memref<128xi32, #tpu.memory_space<vmem>>) semaphore(%arg10 : memref<!tpu.dma_semaphore, #tpu.memory_space<semaphore_mem>>)
      %add3A_803 = arith.constant 2 : i32
      %add3A_804 = arith.addi %add3A_573, %add3A_803 : i32
      %add3A_805 = arith.constant 2 : i32
      %add3A_806 = arith.addi %add3A_804, %add3A_805 : i32
      %mul3A_807 = arith.constant 32 : i32
      %mul3A_808 = arith.muli %add3A_806, %mul3A_807 : i32
      %add3A_809 = arith.addi %mul3A_808, %add3A : i32
      %mul3A_810 = arith.constant 128 : i32
      %mul3A_811 = arith.muli %add3A_809, %mul3A_810 : i32
      %dma_start3A_812 = arith.constant 1 : i32
      %dma_start3A_813 = arith.constant 0 : i32
      %dma_start3A_814 = arith.constant 0 : i32
      %dma_start3A_815 = tpu.memref_slice %arg6[%dma_start3A_812, %dma_start3A_813, %dma_start3A_814] : memref<4x2x128xi32, #tpu.memory_space<vmem>> -> memref<1x2x128xi32, #tpu.memory_space<vmem>>
      %dma_start3A_816 = tpu.memref_squeeze %dma_start3A_815 : memref<1x2x128xi32, #tpu.memory_space<vmem>> -> memref<2x128xi32, #tpu.memory_space<vmem>>
      %dma_start3A_817 = arith.constant 0 : i32
      %dma_start3A_818 = tpu.memref_slice %arg3[%dma_start3A_817, %mul3A_811] : memref<2x320000xi32, #tpu.memory_space<hbm>> -> memref<2x128xi32, #tpu.memory_space<hbm>>
      %dma_start3A_819 = arith.constant 0 : i32
      %dma_start3A_820 = arith.constant 0 : i32
      %dma_start3A_821 = tpu.memref_slice %arg6[%dma_start3A_812, %dma_start3A_819, %dma_start3A_820] : memref<4x2x128xi32, #tpu.memory_space<vmem>> -> memref<1x2x128xi32, #tpu.memory_space<vmem>>
      %dma_start3A_822 = tpu.memref_squeeze %dma_start3A_821 : memref<1x2x128xi32, #tpu.memory_space<vmem>> -> memref<2x128xi32, #tpu.memory_space<vmem>>
      %dma_start3A_823 = arith.constant 0 : i32
      %dma_start3A_824 = tpu.memref_slice %arg3[%dma_start3A_823, %mul3A_811] : memref<2x320000xi32, #tpu.memory_space<hbm>> -> memref<2x128xi32, #tpu.memory_space<hbm>>
      tpu.enqueue_dma source(%dma_start3A_824 : memref<2x128xi32, #tpu.memory_space<hbm>>) target(%dma_start3A_822 : memref<2x128xi32, #tpu.memory_space<vmem>>) target_semaphore(%arg9 : memref<!tpu.dma_semaphore, #tpu.memory_space<semaphore_mem>>)
      %dma_wait3A_825 = arith.constant 3 : i32
      %dma_wait3A_826 = arith.constant 0 : i32
      %dma_wait3A_827 = arith.constant 1 : i32
      %dma_wait3A_828 = arith.constant 0 : i32
      %dma_wait3A_829 = arith.constant 0 : i32
      %dma_wait3A_830 = tpu.memref_slice %arg7[%dma_wait3A_827, %dma_wait3A_828, %dma_wait3A_829] : memref<2x128x128xf32, #tpu.memory_space<vmem>> -> memref<1x128x128xf32, #tpu.memory_space<vmem>>
      %dma_wait3A_831 = tpu.memref_squeeze %dma_wait3A_830 : memref<1x128x128xf32, #tpu.memory_space<vmem>> -> memref<128x128xf32, #tpu.memory_space<vmem>>
      %dma_wait3A_832 = arith.constant 0 : i32
      %dma_wait3A_833 = tpu.memref_slice %arg6[%dma_wait3A_825, %dma_wait3A_826, %dma_wait3A_832] : memref<4x2x128xi32, #tpu.memory_space<vmem>> -> memref<1x1x128xi32, #tpu.memory_space<vmem>>
      %dma_wait3A_834 = tpu.memref_squeeze %dma_wait3A_833 : memref<1x1x128xi32, #tpu.memory_space<vmem>> -> memref<128xi32, #tpu.memory_space<vmem>>
      %dma_wait3A_835 = arith.constant 0 : i32
      %dma_wait3A_836 = arith.constant 0 : i32
      %dma_wait3A_837 = tpu.memref_slice %arg2[%dma_wait3A_835, %dma_wait3A_836] : memref<10000x128xf32, #tpu.memory_space<hbm>> -> memref<10000x128xf32, #tpu.memory_space<hbm>>
      tpu.wait_indirect_dma semaphore(%arg11 : memref<!tpu.dma_semaphore, #tpu.memory_space<semaphore_mem>>) src(%dma_wait3A_837 : memref<10000x128xf32, #tpu.memory_space<hbm>>) dst(%dma_wait3A_831 : memref<128x128xf32, #tpu.memory_space<vmem>>)
      %dma_start3A_838 = arith.constant 1 : i32
      %dma_start3A_839 = arith.constant 3 : i32
      %dma_start3A_840 = arith.constant 1 : i32
      %dma_start3A_841 = arith.constant 0 : i32
      %dma_start3A_842 = arith.constant 0 : i32
      %dma_start3A_843 = tpu.memref_slice %arg7[%dma_start3A_838, %dma_start3A_841, %dma_start3A_842] : memref<2x128x128xf32, #tpu.memory_space<vmem>> -> memref<1x128x128xf32, #tpu.memory_space<vmem>>
      %dma_start3A_844 = tpu.memref_squeeze %dma_start3A_843 : memref<1x128x128xf32, #tpu.memory_space<vmem>> -> memref<128x128xf32, #tpu.memory_space<vmem>>
      %dma_start3A_845 = arith.constant 0 : i32
      %dma_start3A_846 = tpu.memref_slice %arg6[%dma_start3A_839, %dma_start3A_840, %dma_start3A_845] : memref<4x2x128xi32, #tpu.memory_space<vmem>> -> memref<1x1x128xi32, #tpu.memory_space<vmem>>
      %dma_start3A_847 = tpu.memref_squeeze %dma_start3A_846 : memref<1x1x128xi32, #tpu.memory_space<vmem>> -> memref<128xi32, #tpu.memory_space<vmem>>
      %dma_start3A_848 = arith.constant 0 : i32
      %dma_start3A_849 = arith.constant 0 : i32
      %dma_start3A_850 = tpu.memref_slice %arg8[%dma_start3A_848, %dma_start3A_849] : memref<10000x128xf32, #tpu.memory_space<vmem_shared>> -> memref<10000x128xf32, #tpu.memory_space<vmem_shared>>
      tpu.enqueue_indirect_dma source(%dma_start3A_844 : memref<128x128xf32, #tpu.memory_space<vmem>>) target(%dma_start3A_850 : memref<10000x128xf32, #tpu.memory_space<vmem_shared>>) offsets(%dma_start3A_847 : memref<128xi32, #tpu.memory_space<vmem>>) semaphore(%arg12 : memref<!tpu.dma_semaphore, #tpu.memory_space<semaphore_mem>>) {add = true}
      %scan3A_851 = arith.constant 0 : i32
      %scan3A_852 = arith.constant 8 : i32
      %scan3A_853 = arith.addi %scan3A_851, %scan3A_852 : i32
      %scan3A_854 = arith.constant 1 : i32
      scf.for %scan3A_950 = %scan3A_851 to %scan3A_853 step %scan3A_854  : i32 {
        %mul3A_951 = arith.constant 1 : i32
        %mul3A_952 = arith.muli %scan3A_950, %mul3A_951 : i32
        %add3A_953 = arith.constant 0 : i32
        %add3A_954 = arith.addi %add3A_953, %mul3A_952 : i32
        %mul3A_955 = arith.constant 16 : i32
        %mul3A_956 = arith.muli %add3A_954, %mul3A_955 : i32
        %get3A = arith.constant 3 : i32
        %get3A_957 = arith.constant 1 : i32
        %get3A_958 = arith.index_cast %get3A : i32 to index
        %get3A_959 = arith.index_cast %get3A_957 : i32 to index
        %get3A_960 = arith.index_cast %mul3A_956 : i32 to index
        %get3A_961 = tpu.vector_load %arg6[%get3A_958, %get3A_959, %get3A_960] {strides = array<i32>} : memref<4x2x128xi32, #tpu.memory_space<vmem>>, vector<16xi32>,
        tpu.vector_store_idx %arg13[%get3A_961], %broadcast_in_dim3A_3 {add = true} : memref<10000xf32, #tpu.memory_space<vmem>>[vector<16xi32>], vector<16xf32>,
      }
      %scan3A_855 = arith.constant 8 : i32
      %dma_wait3A_856 = arith.constant 1 : i32
      %dma_wait3A_857 = arith.constant 0 : i32
      %dma_wait3A_858 = arith.constant 0 : i32
      %dma_wait3A_859 = tpu.memref_slice %arg6[%dma_wait3A_856, %dma_wait3A_857, %dma_wait3A_858] : memref<4x2x128xi32, #tpu.memory_space<vmem>> -> memref<1x2x128xi32, #tpu.memory_space<vmem>>
      %dma_wait3A_860 = tpu.memref_squeeze %dma_wait3A_859 : memref<1x2x128xi32, #tpu.memory_space<vmem>> -> memref<2x128xi32, #tpu.memory_space<vmem>>
      %dma_wait3A_861 = arith.constant 0 : i32
      %dma_wait3A_862 = arith.constant 0 : i32
      %dma_wait3A_863 = tpu.memref_slice %arg3[%dma_wait3A_861, %dma_wait3A_862] : memref<2x320000xi32, #tpu.memory_space<hbm>> -> memref<2x128xi32, #tpu.memory_space<hbm>>
      %dma_wait3A_864 = arith.constant 0 : i32
      %dma_wait3A_865 = arith.constant 0 : i32
      %dma_wait3A_866 = tpu.memref_slice %arg6[%dma_wait3A_856, %dma_wait3A_864, %dma_wait3A_865] : memref<4x2x128xi32, #tpu.memory_space<vmem>> -> memref<1x2x128xi32, #tpu.memory_space<vmem>>
      %dma_wait3A_867 = tpu.memref_squeeze %dma_wait3A_866 : memref<1x2x128xi32, #tpu.memory_space<vmem>> -> memref<2x128xi32, #tpu.memory_space<vmem>>
      %dma_wait3A_868 = arith.constant 0 : i32
      %dma_wait3A_869 = arith.constant 0 : i32
      %dma_wait3A_870 = tpu.memref_slice %arg3[%dma_wait3A_868, %dma_wait3A_869] : memref<2x320000xi32, #tpu.memory_space<hbm>> -> memref<2x128xi32, #tpu.memory_space<hbm>>
      tpu.wait_dma2 semaphore(%arg9 : memref<!tpu.dma_semaphore, #tpu.memory_space<semaphore_mem>>) src(%dma_wait3A_870 : memref<2x128xi32, #tpu.memory_space<hbm>>) dst(%dma_wait3A_867 : memref<2x128xi32, #tpu.memory_space<vmem>>)
      %dma_wait3A_871 = arith.constant 1 : i32
      %dma_wait3A_872 = arith.constant 3 : i32
      %dma_wait3A_873 = arith.constant 1 : i32
      %dma_wait3A_874 = arith.constant 0 : i32
      %dma_wait3A_875 = arith.constant 0 : i32
      %dma_wait3A_876 = tpu.memref_slice %arg7[%dma_wait3A_871, %dma_wait3A_874, %dma_wait3A_875] : memref<2x128x128xf32, #tpu.memory_space<vmem>> -> memref<1x128x128xf32, #tpu.memory_space<vmem>>
      %dma_wait3A_877 = tpu.memref_squeeze %dma_wait3A_876 : memref<1x128x128xf32, #tpu.memory_space<vmem>> -> memref<128x128xf32, #tpu.memory_space<vmem>>
      %dma_wait3A_878 = arith.constant 0 : i32
      %dma_wait3A_879 = tpu.memref_slice %arg6[%dma_wait3A_872, %dma_wait3A_873, %dma_wait3A_878] : memref<4x2x128xi32, #tpu.memory_space<vmem>> -> memref<1x1x128xi32, #tpu.memory_space<vmem>>
      %dma_wait3A_880 = tpu.memref_squeeze %dma_wait3A_879 : memref<1x1x128xi32, #tpu.memory_space<vmem>> -> memref<128xi32, #tpu.memory_space<vmem>>
      %dma_wait3A_881 = arith.constant 0 : i32
      %dma_wait3A_882 = arith.constant 0 : i32
      %dma_wait3A_883 = tpu.memref_slice %arg8[%dma_wait3A_881, %dma_wait3A_882] : memref<10000x128xf32, #tpu.memory_space<vmem_shared>> -> memref<10000x128xf32, #tpu.memory_space<vmem_shared>>
      tpu.wait_indirect_dma semaphore(%arg12 : memref<!tpu.dma_semaphore, #tpu.memory_space<semaphore_mem>>) src(%dma_wait3A_877 : memref<128x128xf32, #tpu.memory_space<vmem>>) dst(%dma_wait3A_883 : memref<10000x128xf32, #tpu.memory_space<vmem_shared>>)
      %dma_start3A_884 = arith.constant 1 : i32
      %dma_start3A_885 = arith.constant 0 : i32
      %dma_start3A_886 = arith.constant 1 : i32
      %dma_start3A_887 = arith.constant 0 : i32
      %dma_start3A_888 = arith.constant 0 : i32
      %dma_start3A_889 = tpu.memref_slice %arg7[%dma_start3A_886, %dma_start3A_887, %dma_start3A_888] : memref<2x128x128xf32, #tpu.memory_space<vmem>> -> memref<1x128x128xf32, #tpu.memory_space<vmem>>
      %dma_start3A_890 = tpu.memref_squeeze %dma_start3A_889 : memref<1x128x128xf32, #tpu.memory_space<vmem>> -> memref<128x128xf32, #tpu.memory_space<vmem>>
      %dma_start3A_891 = arith.constant 0 : i32
      %dma_start3A_892 = tpu.memref_slice %arg6[%dma_start3A_884, %dma_start3A_885, %dma_start3A_891] : memref<4x2x128xi32, #tpu.memory_space<vmem>> -> memref<1x1x128xi32, #tpu.memory_space<vmem>>
      %dma_start3A_893 = tpu.memref_squeeze %dma_start3A_892 : memref<1x1x128xi32, #tpu.memory_space<vmem>> -> memref<128xi32, #tpu.memory_space<vmem>>
      %dma_start3A_894 = arith.constant 0 : i32
      %dma_start3A_895 = arith.constant 0 : i32
      %dma_start3A_896 = tpu.memref_slice %arg2[%dma_start3A_894, %dma_start3A_895] : memref<10000x128xf32, #tpu.memory_space<hbm>> -> memref<10000x128xf32, #tpu.memory_space<hbm>>
      tpu.enqueue_indirect_dma source(%dma_start3A_896 : memref<10000x128xf32, #tpu.memory_space<hbm>>) target(%dma_start3A_890 : memref<128x128xf32, #tpu.memory_space<vmem>>) offsets(%dma_start3A_893 : memref<128xi32, #tpu.memory_space<vmem>>) semaphore(%arg11 : memref<!tpu.dma_semaphore, #tpu.memory_space<semaphore_mem>>)
      %add3A_897 = arith.constant 3 : i32
      %add3A_898 = arith.addi %add3A_573, %add3A_897 : i32
      %add3A_899 = arith.constant 2 : i32
      %add3A_900 = arith.addi %add3A_898, %add3A_899 : i32
      %mul3A_901 = arith.constant 32 : i32
      %mul3A_902 = arith.muli %add3A_900, %mul3A_901 : i32
      %add3A_903 = arith.addi %mul3A_902, %add3A : i32
      %mul3A_904 = arith.constant 128 : i32
      %mul3A_905 = arith.muli %add3A_903, %mul3A_904 : i32
      %dma_start3A_906 = arith.constant 2 : i32
      %dma_start3A_907 = arith.constant 0 : i32
      %dma_start3A_908 = arith.constant 0 : i32
      %dma_start3A_909 = tpu.memref_slice %arg6[%dma_start3A_906, %dma_start3A_907, %dma_start3A_908] : memref<4x2x128xi32, #tpu.memory_space<vmem>> -> memref<1x2x128xi32, #tpu.memory_space<vmem>>
      %dma_start3A_910 = tpu.memref_squeeze %dma_start3A_909 : memref<1x2x128xi32, #tpu.memory_space<vmem>> -> memref<2x128xi32, #tpu.memory_space<vmem>>
      %dma_start3A_911 = arith.constant 0 : i32
      %dma_start3A_912 = tpu.memref_slice %arg3[%dma_start3A_911, %mul3A_905] : memref<2x320000xi32, #tpu.memory_space<hbm>> -> memref<2x128xi32, #tpu.memory_space<hbm>>
      %dma_start3A_913 = arith.constant 0 : i32
      %dma_start3A_914 = arith.constant 0 : i32
      %dma_start3A_915 = tpu.memref_slice %arg6[%dma_start3A_906, %dma_start3A_913, %dma_start3A_914] : memref<4x2x128xi32, #tpu.memory_space<vmem>> -> memref<1x2x128xi32, #tpu.memory_space<vmem>>
      %dma_start3A_916 = tpu.memref_squeeze %dma_start3A_915 : memref<1x2x128xi32, #tpu.memory_space<vmem>> -> memref<2x128xi32, #tpu.memory_space<vmem>>
      %dma_start3A_917 = arith.constant 0 : i32
      %dma_start3A_918 = tpu.memref_slice %arg3[%dma_start3A_917, %mul3A_905] : memref<2x320000xi32, #tpu.memory_space<hbm>> -> memref<2x128xi32, #tpu.memory_space<hbm>>
      tpu.enqueue_dma source(%dma_start3A_918 : memref<2x128xi32, #tpu.memory_space<hbm>>) target(%dma_start3A_916 : memref<2x128xi32, #tpu.memory_space<vmem>>) target_semaphore(%arg9 : memref<!tpu.dma_semaphore, #tpu.memory_space<semaphore_mem>>)
      %dma_wait3A_919 = arith.constant 0 : i32
      %dma_wait3A_920 = arith.constant 0 : i32
      %dma_wait3A_921 = arith.constant 0 : i32
      %dma_wait3A_922 = arith.constant 0 : i32
      %dma_wait3A_923 = arith.constant 0 : i32
      %dma_wait3A_924 = tpu.memref_slice %arg7[%dma_wait3A_921, %dma_wait3A_922, %dma_wait3A_923] : memref<2x128x128xf32, #tpu.memory_space<vmem>> -> memref<1x128x128xf32, #tpu.memory_space<vmem>>
      %dma_wait3A_925 = tpu.memref_squeeze %dma_wait3A_924 : memref<1x128x128xf32, #tpu.memory_space<vmem>> -> memref<128x128xf32, #tpu.memory_space<vmem>>
      %dma_wait3A_926 = arith.constant 0 : i32
      %dma_wait3A_927 = tpu.memref_slice %arg6[%dma_wait3A_919, %dma_wait3A_920, %dma_wait3A_926] : memref<4x2x128xi32, #tpu.memory_space<vmem>> -> memref<1x1x128xi32, #tpu.memory_space<vmem>>
      %dma_wait3A_928 = tpu.memref_squeeze %dma_wait3A_927 : memref<1x1x128xi32, #tpu.memory_space<vmem>> -> memref<128xi32, #tpu.memory_space<vmem>>
      %dma_wait3A_929 = arith.constant 0 : i32
      %dma_wait3A_930 = arith.constant 0 : i32
      %dma_wait3A_931 = tpu.memref_slice %arg2[%dma_wait3A_929, %dma_wait3A_930] : memref<10000x128xf32, #tpu.memory_space<hbm>> -> memref<10000x128xf32, #tpu.memory_space<hbm>>
      tpu.wait_indirect_dma semaphore(%arg10 : memref<!tpu.dma_semaphore, #tpu.memory_space<semaphore_mem>>) src(%dma_wait3A_931 : memref<10000x128xf32, #tpu.memory_space<hbm>>) dst(%dma_wait3A_925 : memref<128x128xf32, #tpu.memory_space<vmem>>)
      %dma_start3A_932 = arith.constant 0 : i32
      %dma_start3A_933 = arith.constant 0 : i32
      %dma_start3A_934 = arith.constant 1 : i32
      %dma_start3A_935 = arith.constant 0 : i32
      %dma_start3A_936 = arith.constant 0 : i32
      %dma_start3A_937 = tpu.memref_slice %arg7[%dma_start3A_932, %dma_start3A_935, %dma_start3A_936] : memref<2x128x128xf32, #tpu.memory_space<vmem>> -> memref<1x128x128xf32, #tpu.memory_space<vmem>>
      %dma_start3A_938 = tpu.memref_squeeze %dma_start3A_937 : memref<1x128x128xf32, #tpu.memory_space<vmem>> -> memref<128x128xf32, #tpu.memory_space<vmem>>
      %dma_start3A_939 = arith.constant 0 : i32
      %dma_start3A_940 = tpu.memref_slice %arg6[%dma_start3A_933, %dma_start3A_934, %dma_start3A_939] : memref<4x2x128xi32, #tpu.memory_space<vmem>> -> memref<1x1x128xi32, #tpu.memory_space<vmem>>
      %dma_start3A_941 = tpu.memref_squeeze %dma_start3A_940 : memref<1x1x128xi32, #tpu.memory_space<vmem>> -> memref<128xi32, #tpu.memory_space<vmem>>
      %dma_start3A_942 = arith.constant 0 : i32
      %dma_start3A_943 = arith.constant 0 : i32
      %dma_start3A_944 = tpu.memref_slice %arg8[%dma_start3A_942, %dma_start3A_943] : memref<10000x128xf32, #tpu.memory_space<vmem_shared>> -> memref<10000x128xf32, #tpu.memory_space<vmem_shared>>
      tpu.enqueue_indirect_dma source(%dma_start3A_938 : memref<128x128xf32, #tpu.memory_space<vmem>>) target(%dma_start3A_944 : memref<10000x128xf32, #tpu.memory_space<vmem_shared>>) offsets(%dma_start3A_941 : memref<128xi32, #tpu.memory_space<vmem>>) semaphore(%arg12 : memref<!tpu.dma_semaphore, #tpu.memory_space<semaphore_mem>>) {add = true}
      %scan3A_945 = arith.constant 0 : i32
      %scan3A_946 = arith.constant 8 : i32
      %scan3A_947 = arith.addi %scan3A_945, %scan3A_946 : i32
      %scan3A_948 = arith.constant 1 : i32
      scf.for %scan3A_950 = %scan3A_945 to %scan3A_947 step %scan3A_948  : i32 {
        %mul3A_951 = arith.constant 1 : i32
        %mul3A_952 = arith.muli %scan3A_950, %mul3A_951 : i32
        %add3A_953 = arith.constant 0 : i32
        %add3A_954 = arith.addi %add3A_953, %mul3A_952 : i32
        %mul3A_955 = arith.constant 16 : i32
        %mul3A_956 = arith.muli %add3A_954, %mul3A_955 : i32
        %get3A = arith.constant 0 : i32
        %get3A_957 = arith.constant 1 : i32
        %get3A_958 = arith.index_cast %get3A : i32 to index
        %get3A_959 = arith.index_cast %get3A_957 : i32 to index
        %get3A_960 = arith.index_cast %mul3A_956 : i32 to index
        %get3A_961 = tpu.vector_load %arg6[%get3A_958, %get3A_959, %get3A_960] {strides = array<i32>} : memref<4x2x128xi32, #tpu.memory_space<vmem>>, vector<16xi32>,
        tpu.vector_store_idx %arg13[%get3A_961], %broadcast_in_dim3A_3 {add = true} : memref<10000xf32, #tpu.memory_space<vmem>>[vector<16xi32>], vector<16xf32>,
      }
      %scan3A_949 = arith.constant 8 : i32
    }
    %scan3A_159 = arith.constant 18 : i32
    %dma_wait3A_160 = arith.constant 2 : i32
    %dma_wait3A_161 = arith.constant 0 : i32
    %dma_wait3A_162 = arith.constant 0 : i32
    %dma_wait3A_163 = tpu.memref_slice %arg6[%dma_wait3A_160, %dma_wait3A_161, %dma_wait3A_162] : memref<4x2x128xi32, #tpu.memory_space<vmem>> -> memref<1x2x128xi32, #tpu.memory_space<vmem>>
    %dma_wait3A_164 = tpu.memref_squeeze %dma_wait3A_163 : memref<1x2x128xi32, #tpu.memory_space<vmem>> -> memref<2x128xi32, #tpu.memory_space<vmem>>
    %dma_wait3A_165 = arith.constant 0 : i32
    %dma_wait3A_166 = arith.constant 0 : i32
    %dma_wait3A_167 = tpu.memref_slice %arg3[%dma_wait3A_165, %dma_wait3A_166] : memref<2x320000xi32, #tpu.memory_space<hbm>> -> memref<2x128xi32, #tpu.memory_space<hbm>>
    %dma_wait3A_168 = arith.constant 0 : i32
    %dma_wait3A_169 = arith.constant 0 : i32
    %dma_wait3A_170 = tpu.memref_slice %arg6[%dma_wait3A_160, %dma_wait3A_168, %dma_wait3A_169] : memref<4x2x128xi32, #tpu.memory_space<vmem>> -> memref<1x2x128xi32, #tpu.memory_space<vmem>>
    %dma_wait3A_171 = tpu.memref_squeeze %dma_wait3A_170 : memref<1x2x128xi32, #tpu.memory_space<vmem>> -> memref<2x128xi32, #tpu.memory_space<vmem>>
    %dma_wait3A_172 = arith.constant 0 : i32
    %dma_wait3A_173 = arith.constant 0 : i32
    %dma_wait3A_174 = tpu.memref_slice %arg3[%dma_wait3A_172, %dma_wait3A_173] : memref<2x320000xi32, #tpu.memory_space<hbm>> -> memref<2x128xi32, #tpu.memory_space<hbm>>
    tpu.wait_dma2 semaphore(%arg9 : memref<!tpu.dma_semaphore, #tpu.memory_space<semaphore_mem>>) src(%dma_wait3A_174 : memref<2x128xi32, #tpu.memory_space<hbm>>) dst(%dma_wait3A_171 : memref<2x128xi32, #tpu.memory_space<vmem>>)
    %dma_wait3A_175 = arith.constant 0 : i32
    %dma_wait3A_176 = arith.constant 0 : i32
    %dma_wait3A_177 = arith.constant 1 : i32
    %dma_wait3A_178 = arith.constant 0 : i32
    %dma_wait3A_179 = arith.constant 0 : i32
    %dma_wait3A_180 = tpu.memref_slice %arg7[%dma_wait3A_175, %dma_wait3A_178, %dma_wait3A_179] : memref<2x128x128xf32, #tpu.memory_space<vmem>> -> memref<1x128x128xf32, #tpu.memory_space<vmem>>
    %dma_wait3A_181 = tpu.memref_squeeze %dma_wait3A_180 : memref<1x128x128xf32, #tpu.memory_space<vmem>> -> memref<128x128xf32, #tpu.memory_space<vmem>>
    %dma_wait3A_182 = arith.constant 0 : i32
    %dma_wait3A_183 = tpu.memref_slice %arg6[%dma_wait3A_176, %dma_wait3A_177, %dma_wait3A_182] : memref<4x2x128xi32, #tpu.memory_space<vmem>> -> memref<1x1x128xi32, #tpu.memory_space<vmem>>
    %dma_wait3A_184 = tpu.memref_squeeze %dma_wait3A_183 : memref<1x1x128xi32, #tpu.memory_space<vmem>> -> memref<128xi32, #tpu.memory_space<vmem>>
    %dma_wait3A_185 = arith.constant 0 : i32
    %dma_wait3A_186 = arith.constant 0 : i32
    %dma_wait3A_187 = tpu.memref_slice %arg8[%dma_wait3A_185, %dma_wait3A_186] : memref<10000x128xf32, #tpu.memory_space<vmem_shared>> -> memref<10000x128xf32, #tpu.memory_space<vmem_shared>>
    tpu.wait_indirect_dma semaphore(%arg12 : memref<!tpu.dma_semaphore, #tpu.memory_space<semaphore_mem>>) src(%dma_wait3A_181 : memref<128x128xf32, #tpu.memory_space<vmem>>) dst(%dma_wait3A_187 : memref<10000x128xf32, #tpu.memory_space<vmem_shared>>)
    %dma_start3A_188 = arith.constant 2 : i32
    %dma_start3A_189 = arith.constant 0 : i32
    %dma_start3A_190 = arith.constant 0 : i32
    %dma_start3A_191 = arith.constant 0 : i32
    %dma_start3A_192 = arith.constant 0 : i32
    %dma_start3A_193 = tpu.memref_slice %arg7[%dma_start3A_190, %dma_start3A_191, %dma_start3A_192] : memref<2x128x128xf32, #tpu.memory_space<vmem>> -> memref<1x128x128xf32, #tpu.memory_space<vmem>>
    %dma_start3A_194 = tpu.memref_squeeze %dma_start3A_193 : memref<1x128x128xf32, #tpu.memory_space<vmem>> -> memref<128x128xf32, #tpu.memory_space<vmem>>
    %dma_start3A_195 = arith.constant 0 : i32
    %dma_start3A_196 = tpu.memref_slice %arg6[%dma_start3A_188, %dma_start3A_189, %dma_start3A_195] : memref<4x2x128xi32, #tpu.memory_space<vmem>> -> memref<1x1x128xi32, #tpu.memory_space<vmem>>
    %dma_start3A_197 = tpu.memref_squeeze %dma_start3A_196 : memref<1x1x128xi32, #tpu.memory_space<vmem>> -> memref<128xi32, #tpu.memory_space<vmem>>
    %dma_start3A_198 = arith.constant 0 : i32
    %dma_start3A_199 = arith.constant 0 : i32
    %dma_start3A_200 = tpu.memref_slice %arg2[%dma_start3A_198, %dma_start3A_199] : memref<10000x128xf32, #tpu.memory_space<hbm>> -> memref<10000x128xf32, #tpu.memory_space<hbm>>
    tpu.enqueue_indirect_dma source(%dma_start3A_200 : memref<10000x128xf32, #tpu.memory_space<hbm>>) target(%dma_start3A_194 : memref<128x128xf32, #tpu.memory_space<vmem>>) offsets(%dma_start3A_197 : memref<128xi32, #tpu.memory_space<vmem>>) semaphore(%arg10 : memref<!tpu.dma_semaphore, #tpu.memory_space<semaphore_mem>>)
    %add3A_201 = arith.constant 2400 : i32
    %add3A_202 = arith.addi %add3A_201, %add3A : i32
    %mul3A_203 = arith.constant 128 : i32
    %mul3A_204 = arith.muli %add3A_202, %mul3A_203 : i32
    %dma_start3A_205 = arith.constant 3 : i32
    %dma_start3A_206 = arith.constant 0 : i32
    %dma_start3A_207 = arith.constant 0 : i32
    %dma_start3A_208 = tpu.memref_slice %arg6[%dma_start3A_205, %dma_start3A_206, %dma_start3A_207] : memref<4x2x128xi32, #tpu.memory_space<vmem>> -> memref<1x2x128xi32, #tpu.memory_space<vmem>>
    %dma_start3A_209 = tpu.memref_squeeze %dma_start3A_208 : memref<1x2x128xi32, #tpu.memory_space<vmem>> -> memref<2x128xi32, #tpu.memory_space<vmem>>
    %dma_start3A_210 = arith.constant 0 : i32
    %dma_start3A_211 = tpu.memref_slice %arg3[%dma_start3A_210, %mul3A_204] : memref<2x320000xi32, #tpu.memory_space<hbm>> -> memref<2x128xi32, #tpu.memory_space<hbm>>
    %dma_start3A_212 = arith.constant 0 : i32
    %dma_start3A_213 = arith.constant 0 : i32
    %dma_start3A_214 = tpu.memref_slice %arg6[%dma_start3A_205, %dma_start3A_212, %dma_start3A_213] : memref<4x2x128xi32, #tpu.memory_space<vmem>> -> memref<1x2x128xi32, #tpu.memory_space<vmem>>
    %dma_start3A_215 = tpu.memref_squeeze %dma_start3A_214 : memref<1x2x128xi32, #tpu.memory_space<vmem>> -> memref<2x128xi32, #tpu.memory_space<vmem>>
    %dma_start3A_216 = arith.constant 0 : i32
    %dma_start3A_217 = tpu.memref_slice %arg3[%dma_start3A_216, %mul3A_204] : memref<2x320000xi32, #tpu.memory_space<hbm>> -> memref<2x128xi32, #tpu.memory_space<hbm>>
    tpu.enqueue_dma source(%dma_start3A_217 : memref<2x128xi32, #tpu.memory_space<hbm>>) target(%dma_start3A_215 : memref<2x128xi32, #tpu.memory_space<vmem>>) target_semaphore(%arg9 : memref<!tpu.dma_semaphore, #tpu.memory_space<semaphore_mem>>)
    %dma_wait3A_218 = arith.constant 1 : i32
    %dma_wait3A_219 = arith.constant 0 : i32
    %dma_wait3A_220 = arith.constant 1 : i32
    %dma_wait3A_221 = arith.constant 0 : i32
    %dma_wait3A_222 = arith.constant 0 : i32
    %dma_wait3A_223 = tpu.memref_slice %arg7[%dma_wait3A_220, %dma_wait3A_221, %dma_wait3A_222] : memref<2x128x128xf32, #tpu.memory_space<vmem>> -> memref<1x128x128xf32, #tpu.memory_space<vmem>>
    %dma_wait3A_224 = tpu.memref_squeeze %dma_wait3A_223 : memref<1x128x128xf32, #tpu.memory_space<vmem>> -> memref<128x128xf32, #tpu.memory_space<vmem>>
    %dma_wait3A_225 = arith.constant 0 : i32
    %dma_wait3A_226 = tpu.memref_slice %arg6[%dma_wait3A_218, %dma_wait3A_219, %dma_wait3A_225] : memref<4x2x128xi32, #tpu.memory_space<vmem>> -> memref<1x1x128xi32, #tpu.memory_space<vmem>>
    %dma_wait3A_227 = tpu.memref_squeeze %dma_wait3A_226 : memref<1x1x128xi32, #tpu.memory_space<vmem>> -> memref<128xi32, #tpu.memory_space<vmem>>
    %dma_wait3A_228 = arith.constant 0 : i32
    %dma_wait3A_229 = arith.constant 0 : i32
    %dma_wait3A_230 = tpu.memref_slice %arg2[%dma_wait3A_228, %dma_wait3A_229] : memref<10000x128xf32, #tpu.memory_space<hbm>> -> memref<10000x128xf32, #tpu.memory_space<hbm>>
    tpu.wait_indirect_dma semaphore(%arg11 : memref<!tpu.dma_semaphore, #tpu.memory_space<semaphore_mem>>) src(%dma_wait3A_230 : memref<10000x128xf32, #tpu.memory_space<hbm>>) dst(%dma_wait3A_224 : memref<128x128xf32, #tpu.memory_space<vmem>>)
    %dma_start3A_231 = arith.constant 1 : i32
    %dma_start3A_232 = arith.constant 1 : i32
    %dma_start3A_233 = arith.constant 1 : i32
    %dma_start3A_234 = arith.constant 0 : i32
    %dma_start3A_235 = arith.constant 0 : i32
    %dma_start3A_236 = tpu.memref_slice %arg7[%dma_start3A_231, %dma_start3A_234, %dma_start3A_235] : memref<2x128x128xf32, #tpu.memory_space<vmem>> -> memref<1x128x128xf32, #tpu.memory_space<vmem>>
    %dma_start3A_237 = tpu.memref_squeeze %dma_start3A_236 : memref<1x128x128xf32, #tpu.memory_space<vmem>> -> memref<128x128xf32, #tpu.memory_space<vmem>>
    %dma_start3A_238 = arith.constant 0 : i32
    %dma_start3A_239 = tpu.memref_slice %arg6[%dma_start3A_232, %dma_start3A_233, %dma_start3A_238] : memref<4x2x128xi32, #tpu.memory_space<vmem>> -> memref<1x1x128xi32, #tpu.memory_space<vmem>>
    %dma_start3A_240 = tpu.memref_squeeze %dma_start3A_239 : memref<1x1x128xi32, #tpu.memory_space<vmem>> -> memref<128xi32, #tpu.memory_space<vmem>>
    %dma_start3A_241 = arith.constant 0 : i32
    %dma_start3A_242 = arith.constant 0 : i32
    %dma_start3A_243 = tpu.memref_slice %arg8[%dma_start3A_241, %dma_start3A_242] : memref<10000x128xf32, #tpu.memory_space<vmem_shared>> -> memref<10000x128xf32, #tpu.memory_space<vmem_shared>>
    tpu.enqueue_indirect_dma source(%dma_start3A_237 : memref<128x128xf32, #tpu.memory_space<vmem>>) target(%dma_start3A_243 : memref<10000x128xf32, #tpu.memory_space<vmem_shared>>) offsets(%dma_start3A_240 : memref<128xi32, #tpu.memory_space<vmem>>) semaphore(%arg12 : memref<!tpu.dma_semaphore, #tpu.memory_space<semaphore_mem>>) {add = true}
    %scan3A_244 = arith.constant 0 : i32
    %scan3A_245 = arith.constant 8 : i32
    %scan3A_246 = arith.addi %scan3A_244, %scan3A_245 : i32
    %scan3A_247 = arith.constant 1 : i32
    scf.for %scan3A_565 = %scan3A_244 to %scan3A_246 step %scan3A_247  : i32 {
      %mul3A_566 = arith.constant 1 : i32
      %mul3A_567 = arith.muli %scan3A_565, %mul3A_566 : i32
      %add3A_568 = arith.constant 0 : i32
      %add3A_569 = arith.addi %add3A_568, %mul3A_567 : i32
      %mul3A_570 = arith.constant 16 : i32
      %mul3A_571 = arith.muli %add3A_569, %mul3A_570 : i32
      %get3A = arith.constant 1 : i32
      %get3A_572 = arith.constant 1 : i32
      %get3A_573 = arith.index_cast %get3A : i32 to index
      %get3A_574 = arith.index_cast %get3A_572 : i32 to index
      %get3A_575 = arith.index_cast %mul3A_571 : i32 to index
      %get3A_576 = tpu.vector_load %arg6[%get3A_573, %get3A_574, %get3A_575] {strides = array<i32>} : memref<4x2x128xi32, #tpu.memory_space<vmem>>, vector<16xi32>,
      tpu.vector_store_idx %arg13[%get3A_576], %broadcast_in_dim3A_3 {add = true} : memref<10000xf32, #tpu.memory_space<vmem>>[vector<16xi32>], vector<16xf32>,
    }
    %scan3A_248 = arith.constant 8 : i32
    %dma_wait3A_249 = arith.constant 3 : i32
    %dma_wait3A_250 = arith.constant 0 : i32
    %dma_wait3A_251 = arith.constant 0 : i32
    %dma_wait3A_252 = tpu.memref_slice %arg6[%dma_wait3A_249, %dma_wait3A_250, %dma_wait3A_251] : memref<4x2x128xi32, #tpu.memory_space<vmem>> -> memref<1x2x128xi32, #tpu.memory_space<vmem>>
    %dma_wait3A_253 = tpu.memref_squeeze %dma_wait3A_252 : memref<1x2x128xi32, #tpu.memory_space<vmem>> -> memref<2x128xi32, #tpu.memory_space<vmem>>
    %dma_wait3A_254 = arith.constant 0 : i32
    %dma_wait3A_255 = arith.constant 0 : i32
    %dma_wait3A_256 = tpu.memref_slice %arg3[%dma_wait3A_254, %dma_wait3A_255] : memref<2x320000xi32, #tpu.memory_space<hbm>> -> memref<2x128xi32, #tpu.memory_space<hbm>>
    %dma_wait3A_257 = arith.constant 0 : i32
    %dma_wait3A_258 = arith.constant 0 : i32
    %dma_wait3A_259 = tpu.memref_slice %arg6[%dma_wait3A_249, %dma_wait3A_257, %dma_wait3A_258] : memref<4x2x128xi32, #tpu.memory_space<vmem>> -> memref<1x2x128xi32, #tpu.memory_space<vmem>>
    %dma_wait3A_260 = tpu.memref_squeeze %dma_wait3A_259 : memref<1x2x128xi32, #tpu.memory_space<vmem>> -> memref<2x128xi32, #tpu.memory_space<vmem>>
    %dma_wait3A_261 = arith.constant 0 : i32
    %dma_wait3A_262 = arith.constant 0 : i32
    %dma_wait3A_263 = tpu.memref_slice %arg3[%dma_wait3A_261, %dma_wait3A_262] : memref<2x320000xi32, #tpu.memory_space<hbm>> -> memref<2x128xi32, #tpu.memory_space<hbm>>
    tpu.wait_dma2 semaphore(%arg9 : memref<!tpu.dma_semaphore, #tpu.memory_space<semaphore_mem>>) src(%dma_wait3A_263 : memref<2x128xi32, #tpu.memory_space<hbm>>) dst(%dma_wait3A_260 : memref<2x128xi32, #tpu.memory_space<vmem>>)
    %dma_wait3A_264 = arith.constant 1 : i32
    %dma_wait3A_265 = arith.constant 1 : i32
    %dma_wait3A_266 = arith.constant 1 : i32
    %dma_wait3A_267 = arith.constant 0 : i32
    %dma_wait3A_268 = arith.constant 0 : i32
    %dma_wait3A_269 = tpu.memref_slice %arg7[%dma_wait3A_264, %dma_wait3A_267, %dma_wait3A_268] : memref<2x128x128xf32, #tpu.memory_space<vmem>> -> memref<1x128x128xf32, #tpu.memory_space<vmem>>
    %dma_wait3A_270 = tpu.memref_squeeze %dma_wait3A_269 : memref<1x128x128xf32, #tpu.memory_space<vmem>> -> memref<128x128xf32, #tpu.memory_space<vmem>>
    %dma_wait3A_271 = arith.constant 0 : i32
    %dma_wait3A_272 = tpu.memref_slice %arg6[%dma_wait3A_265, %dma_wait3A_266, %dma_wait3A_271] : memref<4x2x128xi32, #tpu.memory_space<vmem>> -> memref<1x1x128xi32, #tpu.memory_space<vmem>>
    %dma_wait3A_273 = tpu.memref_squeeze %dma_wait3A_272 : memref<1x1x128xi32, #tpu.memory_space<vmem>> -> memref<128xi32, #tpu.memory_space<vmem>>
    %dma_wait3A_274 = arith.constant 0 : i32
    %dma_wait3A_275 = arith.constant 0 : i32
    %dma_wait3A_276 = tpu.memref_slice %arg8[%dma_wait3A_274, %dma_wait3A_275] : memref<10000x128xf32, #tpu.memory_space<vmem_shared>> -> memref<10000x128xf32, #tpu.memory_space<vmem_shared>>
    tpu.wait_indirect_dma semaphore(%arg12 : memref<!tpu.dma_semaphore, #tpu.memory_space<semaphore_mem>>) src(%dma_wait3A_270 : memref<128x128xf32, #tpu.memory_space<vmem>>) dst(%dma_wait3A_276 : memref<10000x128xf32, #tpu.memory_space<vmem_shared>>)
    %dma_start3A_277 = arith.constant 3 : i32
    %dma_start3A_278 = arith.constant 0 : i32
    %dma_start3A_279 = arith.constant 1 : i32
    %dma_start3A_280 = arith.constant 0 : i32
    %dma_start3A_281 = arith.constant 0 : i32
    %dma_start3A_282 = tpu.memref_slice %arg7[%dma_start3A_279, %dma_start3A_280, %dma_start3A_281] : memref<2x128x128xf32, #tpu.memory_space<vmem>> -> memref<1x128x128xf32, #tpu.memory_space<vmem>>
    %dma_start3A_283 = tpu.memref_squeeze %dma_start3A_282 : memref<1x128x128xf32, #tpu.memory_space<vmem>> -> memref<128x128xf32, #tpu.memory_space<vmem>>
    %dma_start3A_284 = arith.constant 0 : i32
    %dma_start3A_285 = tpu.memref_slice %arg6[%dma_start3A_277, %dma_start3A_278, %dma_start3A_284] : memref<4x2x128xi32, #tpu.memory_space<vmem>> -> memref<1x1x128xi32, #tpu.memory_space<vmem>>
    %dma_start3A_286 = tpu.memref_squeeze %dma_start3A_285 : memref<1x1x128xi32, #tpu.memory_space<vmem>> -> memref<128xi32, #tpu.memory_space<vmem>>
    %dma_start3A_287 = arith.constant 0 : i32
    %dma_start3A_288 = arith.constant 0 : i32
    %dma_start3A_289 = tpu.memref_slice %arg2[%dma_start3A_287, %dma_start3A_288] : memref<10000x128xf32, #tpu.memory_space<hbm>> -> memref<10000x128xf32, #tpu.memory_space<hbm>>
    tpu.enqueue_indirect_dma source(%dma_start3A_289 : memref<10000x128xf32, #tpu.memory_space<hbm>>) target(%dma_start3A_283 : memref<128x128xf32, #tpu.memory_space<vmem>>) offsets(%dma_start3A_286 : memref<128xi32, #tpu.memory_space<vmem>>) semaphore(%arg11 : memref<!tpu.dma_semaphore, #tpu.memory_space<semaphore_mem>>)
    %add3A_290 = arith.constant 2432 : i32
    %add3A_291 = arith.addi %add3A_290, %add3A : i32
    %mul3A_292 = arith.constant 128 : i32
    %mul3A_293 = arith.muli %add3A_291, %mul3A_292 : i32
    %dma_start3A_294 = arith.constant 0 : i32
    %dma_start3A_295 = arith.constant 0 : i32
    %dma_start3A_296 = arith.constant 0 : i32
    %dma_start3A_297 = tpu.memref_slice %arg6[%dma_start3A_294, %dma_start3A_295, %dma_start3A_296] : memref<4x2x128xi32, #tpu.memory_space<vmem>> -> memref<1x2x128xi32, #tpu.memory_space<vmem>>
    %dma_start3A_298 = tpu.memref_squeeze %dma_start3A_297 : memref<1x2x128xi32, #tpu.memory_space<vmem>> -> memref<2x128xi32, #tpu.memory_space<vmem>>
    %dma_start3A_299 = arith.constant 0 : i32
    %dma_start3A_300 = tpu.memref_slice %arg3[%dma_start3A_299, %mul3A_293] : memref<2x320000xi32, #tpu.memory_space<hbm>> -> memref<2x128xi32, #tpu.memory_space<hbm>>
    %dma_start3A_301 = arith.constant 0 : i32
    %dma_start3A_302 = arith.constant 0 : i32
    %dma_start3A_303 = tpu.memref_slice %arg6[%dma_start3A_294, %dma_start3A_301, %dma_start3A_302] : memref<4x2x128xi32, #tpu.memory_space<vmem>> -> memref<1x2x128xi32, #tpu.memory_space<vmem>>
    %dma_start3A_304 = tpu.memref_squeeze %dma_start3A_303 : memref<1x2x128xi32, #tpu.memory_space<vmem>> -> memref<2x128xi32, #tpu.memory_space<vmem>>
    %dma_start3A_305 = arith.constant 0 : i32
    %dma_start3A_306 = tpu.memref_slice %arg3[%dma_start3A_305, %mul3A_293] : memref<2x320000xi32, #tpu.memory_space<hbm>> -> memref<2x128xi32, #tpu.memory_space<hbm>>
    tpu.enqueue_dma source(%dma_start3A_306 : memref<2x128xi32, #tpu.memory_space<hbm>>) target(%dma_start3A_304 : memref<2x128xi32, #tpu.memory_space<vmem>>) target_semaphore(%arg9 : memref<!tpu.dma_semaphore, #tpu.memory_space<semaphore_mem>>)
    %dma_wait3A_307 = arith.constant 2 : i32
    %dma_wait3A_308 = arith.constant 0 : i32
    %dma_wait3A_309 = arith.constant 0 : i32
    %dma_wait3A_310 = arith.constant 0 : i32
    %dma_wait3A_311 = arith.constant 0 : i32
    %dma_wait3A_312 = tpu.memref_slice %arg7[%dma_wait3A_309, %dma_wait3A_310, %dma_wait3A_311] : memref<2x128x128xf32, #tpu.memory_space<vmem>> -> memref<1x128x128xf32, #tpu.memory_space<vmem>>
    %dma_wait3A_313 = tpu.memref_squeeze %dma_wait3A_312 : memref<1x128x128xf32, #tpu.memory_space<vmem>> -> memref<128x128xf32, #tpu.memory_space<vmem>>
    %dma_wait3A_314 = arith.constant 0 : i32
    %dma_wait3A_315 = tpu.memref_slice %arg6[%dma_wait3A_307, %dma_wait3A_308, %dma_wait3A_314] : memref<4x2x128xi32, #tpu.memory_space<vmem>> -> memref<1x1x128xi32, #tpu.memory_space<vmem>>
    %dma_wait3A_316 = tpu.memref_squeeze %dma_wait3A_315 : memref<1x1x128xi32, #tpu.memory_space<vmem>> -> memref<128xi32, #tpu.memory_space<vmem>>
    %dma_wait3A_317 = arith.constant 0 : i32
    %dma_wait3A_318 = arith.constant 0 : i32
    %dma_wait3A_319 = tpu.memref_slice %arg2[%dma_wait3A_317, %dma_wait3A_318] : memref<10000x128xf32, #tpu.memory_space<hbm>> -> memref<10000x128xf32, #tpu.memory_space<hbm>>
    tpu.wait_indirect_dma semaphore(%arg10 : memref<!tpu.dma_semaphore, #tpu.memory_space<semaphore_mem>>) src(%dma_wait3A_319 : memref<10000x128xf32, #tpu.memory_space<hbm>>) dst(%dma_wait3A_313 : memref<128x128xf32, #tpu.memory_space<vmem>>)
    %dma_start3A_320 = arith.constant 0 : i32
    %dma_start3A_321 = arith.constant 2 : i32
    %dma_start3A_322 = arith.constant 1 : i32
    %dma_start3A_323 = arith.constant 0 : i32
    %dma_start3A_324 = arith.constant 0 : i32
    %dma_start3A_325 = tpu.memref_slice %arg7[%dma_start3A_320, %dma_start3A_323, %dma_start3A_324] : memref<2x128x128xf32, #tpu.memory_space<vmem>> -> memref<1x128x128xf32, #tpu.memory_space<vmem>>
    %dma_start3A_326 = tpu.memref_squeeze %dma_start3A_325 : memref<1x128x128xf32, #tpu.memory_space<vmem>> -> memref<128x128xf32, #tpu.memory_space<vmem>>
    %dma_start3A_327 = arith.constant 0 : i32
    %dma_start3A_328 = tpu.memref_slice %arg6[%dma_start3A_321, %dma_start3A_322, %dma_start3A_327] : memref<4x2x128xi32, #tpu.memory_space<vmem>> -> memref<1x1x128xi32, #tpu.memory_space<vmem>>
    %dma_start3A_329 = tpu.memref_squeeze %dma_start3A_328 : memref<1x1x128xi32, #tpu.memory_space<vmem>> -> memref<128xi32, #tpu.memory_space<vmem>>
    %dma_start3A_330 = arith.constant 0 : i32
    %dma_start3A_331 = arith.constant 0 : i32
    %dma_start3A_332 = tpu.memref_slice %arg8[%dma_start3A_330, %dma_start3A_331] : memref<10000x128xf32, #tpu.memory_space<vmem_shared>> -> memref<10000x128xf32, #tpu.memory_space<vmem_shared>>
    tpu.enqueue_indirect_dma source(%dma_start3A_326 : memref<128x128xf32, #tpu.memory_space<vmem>>) target(%dma_start3A_332 : memref<10000x128xf32, #tpu.memory_space<vmem_shared>>) offsets(%dma_start3A_329 : memref<128xi32, #tpu.memory_space<vmem>>) semaphore(%arg12 : memref<!tpu.dma_semaphore, #tpu.memory_space<semaphore_mem>>) {add = true}
    %scan3A_333 = arith.constant 0 : i32
    %scan3A_334 = arith.constant 8 : i32
    %scan3A_335 = arith.addi %scan3A_333, %scan3A_334 : i32
    %scan3A_336 = arith.constant 1 : i32
    scf.for %scan3A_565 = %scan3A_333 to %scan3A_335 step %scan3A_336  : i32 {
      %mul3A_566 = arith.constant 1 : i32
      %mul3A_567 = arith.muli %scan3A_565, %mul3A_566 : i32
      %add3A_568 = arith.constant 0 : i32
      %add3A_569 = arith.addi %add3A_568, %mul3A_567 : i32
      %mul3A_570 = arith.constant 16 : i32
      %mul3A_571 = arith.muli %add3A_569, %mul3A_570 : i32
      %get3A = arith.constant 2 : i32
      %get3A_572 = arith.constant 1 : i32
      %get3A_573 = arith.index_cast %get3A : i32 to index
      %get3A_574 = arith.index_cast %get3A_572 : i32 to index
      %get3A_575 = arith.index_cast %mul3A_571 : i32 to index
      %get3A_576 = tpu.vector_load %arg6[%get3A_573, %get3A_574, %get3A_575] {strides = array<i32>} : memref<4x2x128xi32, #tpu.memory_space<vmem>>, vector<16xi32>,
      tpu.vector_store_idx %arg13[%get3A_576], %broadcast_in_dim3A_3 {add = true} : memref<10000xf32, #tpu.memory_space<vmem>>[vector<16xi32>], vector<16xf32>,
    }
    %scan3A_337 = arith.constant 8 : i32
    %dma_wait3A_338 = arith.constant 0 : i32
    %dma_wait3A_339 = arith.constant 0 : i32
    %dma_wait3A_340 = arith.constant 0 : i32
    %dma_wait3A_341 = tpu.memref_slice %arg6[%dma_wait3A_338, %dma_wait3A_339, %dma_wait3A_340] : memref<4x2x128xi32, #tpu.memory_space<vmem>> -> memref<1x2x128xi32, #tpu.memory_space<vmem>>
    %dma_wait3A_342 = tpu.memref_squeeze %dma_wait3A_341 : memref<1x2x128xi32, #tpu.memory_space<vmem>> -> memref<2x128xi32, #tpu.memory_space<vmem>>
    %dma_wait3A_343 = arith.constant 0 : i32
    %dma_wait3A_344 = arith.constant 0 : i32
    %dma_wait3A_345 = tpu.memref_slice %arg3[%dma_wait3A_343, %dma_wait3A_344] : memref<2x320000xi32, #tpu.memory_space<hbm>> -> memref<2x128xi32, #tpu.memory_space<hbm>>
    %dma_wait3A_346 = arith.constant 0 : i32
    %dma_wait3A_347 = arith.constant 0 : i32
    %dma_wait3A_348 = tpu.memref_slice %arg6[%dma_wait3A_338, %dma_wait3A_346, %dma_wait3A_347] : memref<4x2x128xi32, #tpu.memory_space<vmem>> -> memref<1x2x128xi32, #tpu.memory_space<vmem>>
    %dma_wait3A_349 = tpu.memref_squeeze %dma_wait3A_348 : memref<1x2x128xi32, #tpu.memory_space<vmem>> -> memref<2x128xi32, #tpu.memory_space<vmem>>
    %dma_wait3A_350 = arith.constant 0 : i32
    %dma_wait3A_351 = arith.constant 0 : i32
    %dma_wait3A_352 = tpu.memref_slice %arg3[%dma_wait3A_350, %dma_wait3A_351] : memref<2x320000xi32, #tpu.memory_space<hbm>> -> memref<2x128xi32, #tpu.memory_space<hbm>>
    tpu.wait_dma2 semaphore(%arg9 : memref<!tpu.dma_semaphore, #tpu.memory_space<semaphore_mem>>) src(%dma_wait3A_352 : memref<2x128xi32, #tpu.memory_space<hbm>>) dst(%dma_wait3A_349 : memref<2x128xi32, #tpu.memory_space<vmem>>)
    %dma_wait3A_353 = arith.constant 0 : i32
    %dma_wait3A_354 = arith.constant 2 : i32
    %dma_wait3A_355 = arith.constant 1 : i32
    %dma_wait3A_356 = arith.constant 0 : i32
    %dma_wait3A_357 = arith.constant 0 : i32
    %dma_wait3A_358 = tpu.memref_slice %arg7[%dma_wait3A_353, %dma_wait3A_356, %dma_wait3A_357] : memref<2x128x128xf32, #tpu.memory_space<vmem>> -> memref<1x128x128xf32, #tpu.memory_space<vmem>>
    %dma_wait3A_359 = tpu.memref_squeeze %dma_wait3A_358 : memref<1x128x128xf32, #tpu.memory_space<vmem>> -> memref<128x128xf32, #tpu.memory_space<vmem>>
    %dma_wait3A_360 = arith.constant 0 : i32
    %dma_wait3A_361 = tpu.memref_slice %arg6[%dma_wait3A_354, %dma_wait3A_355, %dma_wait3A_360] : memref<4x2x128xi32, #tpu.memory_space<vmem>> -> memref<1x1x128xi32, #tpu.memory_space<vmem>>
    %dma_wait3A_362 = tpu.memref_squeeze %dma_wait3A_361 : memref<1x1x128xi32, #tpu.memory_space<vmem>> -> memref<128xi32, #tpu.memory_space<vmem>>
    %dma_wait3A_363 = arith.constant 0 : i32
    %dma_wait3A_364 = arith.constant 0 : i32
    %dma_wait3A_365 = tpu.memref_slice %arg8[%dma_wait3A_363, %dma_wait3A_364] : memref<10000x128xf32, #tpu.memory_space<vmem_shared>> -> memref<10000x128xf32, #tpu.memory_space<vmem_shared>>
    tpu.wait_indirect_dma semaphore(%arg12 : memref<!tpu.dma_semaphore, #tpu.memory_space<semaphore_mem>>) src(%dma_wait3A_359 : memref<128x128xf32, #tpu.memory_space<vmem>>) dst(%dma_wait3A_365 : memref<10000x128xf32, #tpu.memory_space<vmem_shared>>)
    %dma_start3A_366 = arith.constant 0 : i32
    %dma_start3A_367 = arith.constant 0 : i32
    %dma_start3A_368 = arith.constant 0 : i32
    %dma_start3A_369 = arith.constant 0 : i32
    %dma_start3A_370 = arith.constant 0 : i32
    %dma_start3A_371 = tpu.memref_slice %arg7[%dma_start3A_368, %dma_start3A_369, %dma_start3A_370] : memref<2x128x128xf32, #tpu.memory_space<vmem>> -> memref<1x128x128xf32, #tpu.memory_space<vmem>>
    %dma_start3A_372 = tpu.memref_squeeze %dma_start3A_371 : memref<1x128x128xf32, #tpu.memory_space<vmem>> -> memref<128x128xf32, #tpu.memory_space<vmem>>
    %dma_start3A_373 = arith.constant 0 : i32
    %dma_start3A_374 = tpu.memref_slice %arg6[%dma_start3A_366, %dma_start3A_367, %dma_start3A_373] : memref<4x2x128xi32, #tpu.memory_space<vmem>> -> memref<1x1x128xi32, #tpu.memory_space<vmem>>
    %dma_start3A_375 = tpu.memref_squeeze %dma_start3A_374 : memref<1x1x128xi32, #tpu.memory_space<vmem>> -> memref<128xi32, #tpu.memory_space<vmem>>
    %dma_start3A_376 = arith.constant 0 : i32
    %dma_start3A_377 = arith.constant 0 : i32
    %dma_start3A_378 = tpu.memref_slice %arg2[%dma_start3A_376, %dma_start3A_377] : memref<10000x128xf32, #tpu.memory_space<hbm>> -> memref<10000x128xf32, #tpu.memory_space<hbm>>
    tpu.enqueue_indirect_dma source(%dma_start3A_378 : memref<10000x128xf32, #tpu.memory_space<hbm>>) target(%dma_start3A_372 : memref<128x128xf32, #tpu.memory_space<vmem>>) offsets(%dma_start3A_375 : memref<128xi32, #tpu.memory_space<vmem>>) semaphore(%arg10 : memref<!tpu.dma_semaphore, #tpu.memory_space<semaphore_mem>>)
    %add3A_379 = arith.constant 2464 : i32
    %add3A_380 = arith.addi %add3A_379, %add3A : i32
    %mul3A_381 = arith.constant 128 : i32
    %mul3A_382 = arith.muli %add3A_380, %mul3A_381 : i32
    %dma_start3A_383 = arith.constant 1 : i32
    %dma_start3A_384 = arith.constant 0 : i32
    %dma_start3A_385 = arith.constant 0 : i32
    %dma_start3A_386 = tpu.memref_slice %arg6[%dma_start3A_383, %dma_start3A_384, %dma_start3A_385] : memref<4x2x128xi32, #tpu.memory_space<vmem>> -> memref<1x2x128xi32, #tpu.memory_space<vmem>>
    %dma_start3A_387 = tpu.memref_squeeze %dma_start3A_386 : memref<1x2x128xi32, #tpu.memory_space<vmem>> -> memref<2x128xi32, #tpu.memory_space<vmem>>
    %dma_start3A_388 = arith.constant 0 : i32
    %dma_start3A_389 = tpu.memref_slice %arg3[%dma_start3A_388, %mul3A_382] : memref<2x320000xi32, #tpu.memory_space<hbm>> -> memref<2x128xi32, #tpu.memory_space<hbm>>
    %dma_start3A_390 = arith.constant 0 : i32
    %dma_start3A_391 = arith.constant 0 : i32
    %dma_start3A_392 = tpu.memref_slice %arg6[%dma_start3A_383, %dma_start3A_390, %dma_start3A_391] : memref<4x2x128xi32, #tpu.memory_space<vmem>> -> memref<1x2x128xi32, #tpu.memory_space<vmem>>
    %dma_start3A_393 = tpu.memref_squeeze %dma_start3A_392 : memref<1x2x128xi32, #tpu.memory_space<vmem>> -> memref<2x128xi32, #tpu.memory_space<vmem>>
    %dma_start3A_394 = arith.constant 0 : i32
    %dma_start3A_395 = tpu.memref_slice %arg3[%dma_start3A_394, %mul3A_382] : memref<2x320000xi32, #tpu.memory_space<hbm>> -> memref<2x128xi32, #tpu.memory_space<hbm>>
    tpu.enqueue_dma source(%dma_start3A_395 : memref<2x128xi32, #tpu.memory_space<hbm>>) target(%dma_start3A_393 : memref<2x128xi32, #tpu.memory_space<vmem>>) target_semaphore(%arg9 : memref<!tpu.dma_semaphore, #tpu.memory_space<semaphore_mem>>)
    %dma_wait3A_396 = arith.constant 3 : i32
    %dma_wait3A_397 = arith.constant 0 : i32
    %dma_wait3A_398 = arith.constant 1 : i32
    %dma_wait3A_399 = arith.constant 0 : i32
    %dma_wait3A_400 = arith.constant 0 : i32
    %dma_wait3A_401 = tpu.memref_slice %arg7[%dma_wait3A_398, %dma_wait3A_399, %dma_wait3A_400] : memref<2x128x128xf32, #tpu.memory_space<vmem>> -> memref<1x128x128xf32, #tpu.memory_space<vmem>>
    %dma_wait3A_402 = tpu.memref_squeeze %dma_wait3A_401 : memref<1x128x128xf32, #tpu.memory_space<vmem>> -> memref<128x128xf32, #tpu.memory_space<vmem>>
    %dma_wait3A_403 = arith.constant 0 : i32
    %dma_wait3A_404 = tpu.memref_slice %arg6[%dma_wait3A_396, %dma_wait3A_397, %dma_wait3A_403] : memref<4x2x128xi32, #tpu.memory_space<vmem>> -> memref<1x1x128xi32, #tpu.memory_space<vmem>>
    %dma_wait3A_405 = tpu.memref_squeeze %dma_wait3A_404 : memref<1x1x128xi32, #tpu.memory_space<vmem>> -> memref<128xi32, #tpu.memory_space<vmem>>
    %dma_wait3A_406 = arith.constant 0 : i32
    %dma_wait3A_407 = arith.constant 0 : i32
    %dma_wait3A_408 = tpu.memref_slice %arg2[%dma_wait3A_406, %dma_wait3A_407] : memref<10000x128xf32, #tpu.memory_space<hbm>> -> memref<10000x128xf32, #tpu.memory_space<hbm>>
    tpu.wait_indirect_dma semaphore(%arg11 : memref<!tpu.dma_semaphore, #tpu.memory_space<semaphore_mem>>) src(%dma_wait3A_408 : memref<10000x128xf32, #tpu.memory_space<hbm>>) dst(%dma_wait3A_402 : memref<128x128xf32, #tpu.memory_space<vmem>>)
    %dma_start3A_409 = arith.constant 1 : i32
    %dma_start3A_410 = arith.constant 3 : i32
    %dma_start3A_411 = arith.constant 1 : i32
    %dma_start3A_412 = arith.constant 0 : i32
    %dma_start3A_413 = arith.constant 0 : i32
    %dma_start3A_414 = tpu.memref_slice %arg7[%dma_start3A_409, %dma_start3A_412, %dma_start3A_413] : memref<2x128x128xf32, #tpu.memory_space<vmem>> -> memref<1x128x128xf32, #tpu.memory_space<vmem>>
    %dma_start3A_415 = tpu.memref_squeeze %dma_start3A_414 : memref<1x128x128xf32, #tpu.memory_space<vmem>> -> memref<128x128xf32, #tpu.memory_space<vmem>>
    %dma_start3A_416 = arith.constant 0 : i32
    %dma_start3A_417 = tpu.memref_slice %arg6[%dma_start3A_410, %dma_start3A_411, %dma_start3A_416] : memref<4x2x128xi32, #tpu.memory_space<vmem>> -> memref<1x1x128xi32, #tpu.memory_space<vmem>>
    %dma_start3A_418 = tpu.memref_squeeze %dma_start3A_417 : memref<1x1x128xi32, #tpu.memory_space<vmem>> -> memref<128xi32, #tpu.memory_space<vmem>>
    %dma_start3A_419 = arith.constant 0 : i32
    %dma_start3A_420 = arith.constant 0 : i32
    %dma_start3A_421 = tpu.memref_slice %arg8[%dma_start3A_419, %dma_start3A_420] : memref<10000x128xf32, #tpu.memory_space<vmem_shared>> -> memref<10000x128xf32, #tpu.memory_space<vmem_shared>>
    tpu.enqueue_indirect_dma source(%dma_start3A_415 : memref<128x128xf32, #tpu.memory_space<vmem>>) target(%dma_start3A_421 : memref<10000x128xf32, #tpu.memory_space<vmem_shared>>) offsets(%dma_start3A_418 : memref<128xi32, #tpu.memory_space<vmem>>) semaphore(%arg12 : memref<!tpu.dma_semaphore, #tpu.memory_space<semaphore_mem>>) {add = true}
    %scan3A_422 = arith.constant 0 : i32
    %scan3A_423 = arith.constant 8 : i32
    %scan3A_424 = arith.addi %scan3A_422, %scan3A_423 : i32
    %scan3A_425 = arith.constant 1 : i32
    scf.for %scan3A_565 = %scan3A_422 to %scan3A_424 step %scan3A_425  : i32 {
      %mul3A_566 = arith.constant 1 : i32
      %mul3A_567 = arith.muli %scan3A_565, %mul3A_566 : i32
      %add3A_568 = arith.constant 0 : i32
      %add3A_569 = arith.addi %add3A_568, %mul3A_567 : i32
      %mul3A_570 = arith.constant 16 : i32
      %mul3A_571 = arith.muli %add3A_569, %mul3A_570 : i32
      %get3A = arith.constant 3 : i32
      %get3A_572 = arith.constant 1 : i32
      %get3A_573 = arith.index_cast %get3A : i32 to index
      %get3A_574 = arith.index_cast %get3A_572 : i32 to index
      %get3A_575 = arith.index_cast %mul3A_571 : i32 to index
      %get3A_576 = tpu.vector_load %arg6[%get3A_573, %get3A_574, %get3A_575] {strides = array<i32>} : memref<4x2x128xi32, #tpu.memory_space<vmem>>, vector<16xi32>,
      tpu.vector_store_idx %arg13[%get3A_576], %broadcast_in_dim3A_3 {add = true} : memref<10000xf32, #tpu.memory_space<vmem>>[vector<16xi32>], vector<16xf32>,
    }
    %scan3A_426 = arith.constant 8 : i32
    %dma_wait3A_427 = arith.constant 1 : i32
    %dma_wait3A_428 = arith.constant 0 : i32
    %dma_wait3A_429 = arith.constant 0 : i32
    %dma_wait3A_430 = tpu.memref_slice %arg6[%dma_wait3A_427, %dma_wait3A_428, %dma_wait3A_429] : memref<4x2x128xi32, #tpu.memory_space<vmem>> -> memref<1x2x128xi32, #tpu.memory_space<vmem>>
    %dma_wait3A_431 = tpu.memref_squeeze %dma_wait3A_430 : memref<1x2x128xi32, #tpu.memory_space<vmem>> -> memref<2x128xi32, #tpu.memory_space<vmem>>
    %dma_wait3A_432 = arith.constant 0 : i32
    %dma_wait3A_433 = arith.constant 0 : i32
    %dma_wait3A_434 = tpu.memref_slice %arg3[%dma_wait3A_432, %dma_wait3A_433] : memref<2x320000xi32, #tpu.memory_space<hbm>> -> memref<2x128xi32, #tpu.memory_space<hbm>>
    %dma_wait3A_435 = arith.constant 0 : i32
    %dma_wait3A_436 = arith.constant 0 : i32
    %dma_wait3A_437 = tpu.memref_slice %arg6[%dma_wait3A_427, %dma_wait3A_435, %dma_wait3A_436] : memref<4x2x128xi32, #tpu.memory_space<vmem>> -> memref<1x2x128xi32, #tpu.memory_space<vmem>>
    %dma_wait3A_438 = tpu.memref_squeeze %dma_wait3A_437 : memref<1x2x128xi32, #tpu.memory_space<vmem>> -> memref<2x128xi32, #tpu.memory_space<vmem>>
    %dma_wait3A_439 = arith.constant 0 : i32
    %dma_wait3A_440 = arith.constant 0 : i32
    %dma_wait3A_441 = tpu.memref_slice %arg3[%dma_wait3A_439, %dma_wait3A_440] : memref<2x320000xi32, #tpu.memory_space<hbm>> -> memref<2x128xi32, #tpu.memory_space<hbm>>
    tpu.wait_dma2 semaphore(%arg9 : memref<!tpu.dma_semaphore, #tpu.memory_space<semaphore_mem>>) src(%dma_wait3A_441 : memref<2x128xi32, #tpu.memory_space<hbm>>) dst(%dma_wait3A_438 : memref<2x128xi32, #tpu.memory_space<vmem>>)
    %dma_wait3A_442 = arith.constant 1 : i32
    %dma_wait3A_443 = arith.constant 3 : i32
    %dma_wait3A_444 = arith.constant 1 : i32
    %dma_wait3A_445 = arith.constant 0 : i32
    %dma_wait3A_446 = arith.constant 0 : i32
    %dma_wait3A_447 = tpu.memref_slice %arg7[%dma_wait3A_442, %dma_wait3A_445, %dma_wait3A_446] : memref<2x128x128xf32, #tpu.memory_space<vmem>> -> memref<1x128x128xf32, #tpu.memory_space<vmem>>
    %dma_wait3A_448 = tpu.memref_squeeze %dma_wait3A_447 : memref<1x128x128xf32, #tpu.memory_space<vmem>> -> memref<128x128xf32, #tpu.memory_space<vmem>>
    %dma_wait3A_449 = arith.constant 0 : i32
    %dma_wait3A_450 = tpu.memref_slice %arg6[%dma_wait3A_443, %dma_wait3A_444, %dma_wait3A_449] : memref<4x2x128xi32, #tpu.memory_space<vmem>> -> memref<1x1x128xi32, #tpu.memory_space<vmem>>
    %dma_wait3A_451 = tpu.memref_squeeze %dma_wait3A_450 : memref<1x1x128xi32, #tpu.memory_space<vmem>> -> memref<128xi32, #tpu.memory_space<vmem>>
    %dma_wait3A_452 = arith.constant 0 : i32
    %dma_wait3A_453 = arith.constant 0 : i32
    %dma_wait3A_454 = tpu.memref_slice %arg8[%dma_wait3A_452, %dma_wait3A_453] : memref<10000x128xf32, #tpu.memory_space<vmem_shared>> -> memref<10000x128xf32, #tpu.memory_space<vmem_shared>>
    tpu.wait_indirect_dma semaphore(%arg12 : memref<!tpu.dma_semaphore, #tpu.memory_space<semaphore_mem>>) src(%dma_wait3A_448 : memref<128x128xf32, #tpu.memory_space<vmem>>) dst(%dma_wait3A_454 : memref<10000x128xf32, #tpu.memory_space<vmem_shared>>)
    %dma_start3A_455 = arith.constant 1 : i32
    %dma_start3A_456 = arith.constant 0 : i32
    %dma_start3A_457 = arith.constant 1 : i32
    %dma_start3A_458 = arith.constant 0 : i32
    %dma_start3A_459 = arith.constant 0 : i32
    %dma_start3A_460 = tpu.memref_slice %arg7[%dma_start3A_457, %dma_start3A_458, %dma_start3A_459] : memref<2x128x128xf32, #tpu.memory_space<vmem>> -> memref<1x128x128xf32, #tpu.memory_space<vmem>>
    %dma_start3A_461 = tpu.memref_squeeze %dma_start3A_460 : memref<1x128x128xf32, #tpu.memory_space<vmem>> -> memref<128x128xf32, #tpu.memory_space<vmem>>
    %dma_start3A_462 = arith.constant 0 : i32
    %dma_start3A_463 = tpu.memref_slice %arg6[%dma_start3A_455, %dma_start3A_456, %dma_start3A_462] : memref<4x2x128xi32, #tpu.memory_space<vmem>> -> memref<1x1x128xi32, #tpu.memory_space<vmem>>
    %dma_start3A_464 = tpu.memref_squeeze %dma_start3A_463 : memref<1x1x128xi32, #tpu.memory_space<vmem>> -> memref<128xi32, #tpu.memory_space<vmem>>
    %dma_start3A_465 = arith.constant 0 : i32
    %dma_start3A_466 = arith.constant 0 : i32
    %dma_start3A_467 = tpu.memref_slice %arg2[%dma_start3A_465, %dma_start3A_466] : memref<10000x128xf32, #tpu.memory_space<hbm>> -> memref<10000x128xf32, #tpu.memory_space<hbm>>
    tpu.enqueue_indirect_dma source(%dma_start3A_467 : memref<10000x128xf32, #tpu.memory_space<hbm>>) target(%dma_start3A_461 : memref<128x128xf32, #tpu.memory_space<vmem>>) offsets(%dma_start3A_464 : memref<128xi32, #tpu.memory_space<vmem>>) semaphore(%arg11 : memref<!tpu.dma_semaphore, #tpu.memory_space<semaphore_mem>>)
    %dma_wait3A_468 = arith.constant 0 : i32
    %dma_wait3A_469 = arith.constant 0 : i32
    %dma_wait3A_470 = arith.constant 0 : i32
    %dma_wait3A_471 = arith.constant 0 : i32
    %dma_wait3A_472 = arith.constant 0 : i32
    %dma_wait3A_473 = tpu.memref_slice %arg7[%dma_wait3A_470, %dma_wait3A_471, %dma_wait3A_472] : memref<2x128x128xf32, #tpu.memory_space<vmem>> -> memref<1x128x128xf32, #tpu.memory_space<vmem>>
    %dma_wait3A_474 = tpu.memref_squeeze %dma_wait3A_473 : memref<1x128x128xf32, #tpu.memory_space<vmem>> -> memref<128x128xf32, #tpu.memory_space<vmem>>
    %dma_wait3A_475 = arith.constant 0 : i32
    %dma_wait3A_476 = tpu.memref_slice %arg6[%dma_wait3A_468, %dma_wait3A_469, %dma_wait3A_475] : memref<4x2x128xi32, #tpu.memory_space<vmem>> -> memref<1x1x128xi32, #tpu.memory_space<vmem>>
    %dma_wait3A_477 = tpu.memref_squeeze %dma_wait3A_476 : memref<1x1x128xi32, #tpu.memory_space<vmem>> -> memref<128xi32, #tpu.memory_space<vmem>>
    %dma_wait3A_478 = arith.constant 0 : i32
    %dma_wait3A_479 = arith.constant 0 : i32
    %dma_wait3A_480 = tpu.memref_slice %arg2[%dma_wait3A_478, %dma_wait3A_479] : memref<10000x128xf32, #tpu.memory_space<hbm>> -> memref<10000x128xf32, #tpu.memory_space<hbm>>
    tpu.wait_indirect_dma semaphore(%arg10 : memref<!tpu.dma_semaphore, #tpu.memory_space<semaphore_mem>>) src(%dma_wait3A_480 : memref<10000x128xf32, #tpu.memory_space<hbm>>) dst(%dma_wait3A_474 : memref<128x128xf32, #tpu.memory_space<vmem>>)
    %dma_start3A_481 = arith.constant 0 : i32
    %dma_start3A_482 = arith.constant 0 : i32
    %dma_start3A_483 = arith.constant 1 : i32
    %dma_start3A_484 = arith.constant 0 : i32
    %dma_start3A_485 = arith.constant 0 : i32
    %dma_start3A_486 = tpu.memref_slice %arg7[%dma_start3A_481, %dma_start3A_484, %dma_start3A_485] : memref<2x128x128xf32, #tpu.memory_space<vmem>> -> memref<1x128x128xf32, #tpu.memory_space<vmem>>
    %dma_start3A_487 = tpu.memref_squeeze %dma_start3A_486 : memref<1x128x128xf32, #tpu.memory_space<vmem>> -> memref<128x128xf32, #tpu.memory_space<vmem>>
    %dma_start3A_488 = arith.constant 0 : i32
    %dma_start3A_489 = tpu.memref_slice %arg6[%dma_start3A_482, %dma_start3A_483, %dma_start3A_488] : memref<4x2x128xi32, #tpu.memory_space<vmem>> -> memref<1x1x128xi32, #tpu.memory_space<vmem>>
    %dma_start3A_490 = tpu.memref_squeeze %dma_start3A_489 : memref<1x1x128xi32, #tpu.memory_space<vmem>> -> memref<128xi32, #tpu.memory_space<vmem>>
    %dma_start3A_491 = arith.constant 0 : i32
    %dma_start3A_492 = arith.constant 0 : i32
    %dma_start3A_493 = tpu.memref_slice %arg8[%dma_start3A_491, %dma_start3A_492] : memref<10000x128xf32, #tpu.memory_space<vmem_shared>> -> memref<10000x128xf32, #tpu.memory_space<vmem_shared>>
    tpu.enqueue_indirect_dma source(%dma_start3A_487 : memref<128x128xf32, #tpu.memory_space<vmem>>) target(%dma_start3A_493 : memref<10000x128xf32, #tpu.memory_space<vmem_shared>>) offsets(%dma_start3A_490 : memref<128xi32, #tpu.memory_space<vmem>>) semaphore(%arg12 : memref<!tpu.dma_semaphore, #tpu.memory_space<semaphore_mem>>) {add = true}
    %scan3A_494 = arith.constant 0 : i32
    %scan3A_495 = arith.constant 8 : i32
    %scan3A_496 = arith.addi %scan3A_494, %scan3A_495 : i32
    %scan3A_497 = arith.constant 1 : i32
    scf.for %scan3A_565 = %scan3A_494 to %scan3A_496 step %scan3A_497  : i32 {
      %mul3A_566 = arith.constant 1 : i32
      %mul3A_567 = arith.muli %scan3A_565, %mul3A_566 : i32
      %add3A_568 = arith.constant 0 : i32
      %add3A_569 = arith.addi %add3A_568, %mul3A_567 : i32
      %mul3A_570 = arith.constant 16 : i32
      %mul3A_571 = arith.muli %add3A_569, %mul3A_570 : i32
      %get3A = arith.constant 0 : i32
      %get3A_572 = arith.constant 1 : i32
      %get3A_573 = arith.index_cast %get3A : i32 to index
      %get3A_574 = arith.index_cast %get3A_572 : i32 to index
      %get3A_575 = arith.index_cast %mul3A_571 : i32 to index
      %get3A_576 = tpu.vector_load %arg6[%get3A_573, %get3A_574, %get3A_575] {strides = array<i32>} : memref<4x2x128xi32, #tpu.memory_space<vmem>>, vector<16xi32>,
      tpu.vector_store_idx %arg13[%get3A_576], %broadcast_in_dim3A_3 {add = true} : memref<10000xf32, #tpu.memory_space<vmem>>[vector<16xi32>], vector<16xf32>,
    }
    %scan3A_498 = arith.constant 8 : i32
    %dma_wait3A_499 = arith.constant 0 : i32
    %dma_wait3A_500 = arith.constant 0 : i32
    %dma_wait3A_501 = arith.constant 1 : i32
    %dma_wait3A_502 = arith.constant 0 : i32
    %dma_wait3A_503 = arith.constant 0 : i32
    %dma_wait3A_504 = tpu.memref_slice %arg7[%dma_wait3A_499, %dma_wait3A_502, %dma_wait3A_503] : memref<2x128x128xf32, #tpu.memory_space<vmem>> -> memref<1x128x128xf32, #tpu.memory_space<vmem>>
    %dma_wait3A_505 = tpu.memref_squeeze %dma_wait3A_504 : memref<1x128x128xf32, #tpu.memory_space<vmem>> -> memref<128x128xf32, #tpu.memory_space<vmem>>
    %dma_wait3A_506 = arith.constant 0 : i32
    %dma_wait3A_507 = tpu.memref_slice %arg6[%dma_wait3A_500, %dma_wait3A_501, %dma_wait3A_506] : memref<4x2x128xi32, #tpu.memory_space<vmem>> -> memref<1x1x128xi32, #tpu.memory_space<vmem>>
    %dma_wait3A_508 = tpu.memref_squeeze %dma_wait3A_507 : memref<1x1x128xi32, #tpu.memory_space<vmem>> -> memref<128xi32, #tpu.memory_space<vmem>>
    %dma_wait3A_509 = arith.constant 0 : i32
    %dma_wait3A_510 = arith.constant 0 : i32
    %dma_wait3A_511 = tpu.memref_slice %arg8[%dma_wait3A_509, %dma_wait3A_510] : memref<10000x128xf32, #tpu.memory_space<vmem_shared>> -> memref<10000x128xf32, #tpu.memory_space<vmem_shared>>
    tpu.wait_indirect_dma semaphore(%arg12 : memref<!tpu.dma_semaphore, #tpu.memory_space<semaphore_mem>>) src(%dma_wait3A_505 : memref<128x128xf32, #tpu.memory_space<vmem>>) dst(%dma_wait3A_511 : memref<10000x128xf32, #tpu.memory_space<vmem_shared>>)
    %dma_wait3A_512 = arith.constant 1 : i32
    %dma_wait3A_513 = arith.constant 0 : i32
    %dma_wait3A_514 = arith.constant 1 : i32
    %dma_wait3A_515 = arith.constant 0 : i32
    %dma_wait3A_516 = arith.constant 0 : i32
    %dma_wait3A_517 = tpu.memref_slice %arg7[%dma_wait3A_514, %dma_wait3A_515, %dma_wait3A_516] : memref<2x128x128xf32, #tpu.memory_space<vmem>> -> memref<1x128x128xf32, #tpu.memory_space<vmem>>
    %dma_wait3A_518 = tpu.memref_squeeze %dma_wait3A_517 : memref<1x128x128xf32, #tpu.memory_space<vmem>> -> memref<128x128xf32, #tpu.memory_space<vmem>>
    %dma_wait3A_519 = arith.constant 0 : i32
    %dma_wait3A_520 = tpu.memref_slice %arg6[%dma_wait3A_512, %dma_wait3A_513, %dma_wait3A_519] : memref<4x2x128xi32, #tpu.memory_space<vmem>> -> memref<1x1x128xi32, #tpu.memory_space<vmem>>
    %dma_wait3A_521 = tpu.memref_squeeze %dma_wait3A_520 : memref<1x1x128xi32, #tpu.memory_space<vmem>> -> memref<128xi32, #tpu.memory_space<vmem>>
    %dma_wait3A_522 = arith.constant 0 : i32
    %dma_wait3A_523 = arith.constant 0 : i32
    %dma_wait3A_524 = tpu.memref_slice %arg2[%dma_wait3A_522, %dma_wait3A_523] : memref<10000x128xf32, #tpu.memory_space<hbm>> -> memref<10000x128xf32, #tpu.memory_space<hbm>>
    tpu.wait_indirect_dma semaphore(%arg11 : memref<!tpu.dma_semaphore, #tpu.memory_space<semaphore_mem>>) src(%dma_wait3A_524 : memref<10000x128xf32, #tpu.memory_space<hbm>>) dst(%dma_wait3A_518 : memref<128x128xf32, #tpu.memory_space<vmem>>)
    %dma_start3A_525 = arith.constant 1 : i32
    %dma_start3A_526 = arith.constant 1 : i32
    %dma_start3A_527 = arith.constant 1 : i32
    %dma_start3A_528 = arith.constant 0 : i32
    %dma_start3A_529 = arith.constant 0 : i32
    %dma_start3A_530 = tpu.memref_slice %arg7[%dma_start3A_525, %dma_start3A_528, %dma_start3A_529] : memref<2x128x128xf32, #tpu.memory_space<vmem>> -> memref<1x128x128xf32, #tpu.memory_space<vmem>>
    %dma_start3A_531 = tpu.memref_squeeze %dma_start3A_530 : memref<1x128x128xf32, #tpu.memory_space<vmem>> -> memref<128x128xf32, #tpu.memory_space<vmem>>
    %dma_start3A_532 = arith.constant 0 : i32
    %dma_start3A_533 = tpu.memref_slice %arg6[%dma_start3A_526, %dma_start3A_527, %dma_start3A_532] : memref<4x2x128xi32, #tpu.memory_space<vmem>> -> memref<1x1x128xi32, #tpu.memory_space<vmem>>
    %dma_start3A_534 = tpu.memref_squeeze %dma_start3A_533 : memref<1x1x128xi32, #tpu.memory_space<vmem>> -> memref<128xi32, #tpu.memory_space<vmem>>
    %dma_start3A_535 = arith.constant 0 : i32
    %dma_start3A_536 = arith.constant 0 : i32
    %dma_start3A_537 = tpu.memref_slice %arg8[%dma_start3A_535, %dma_start3A_536] : memref<10000x128xf32, #tpu.memory_space<vmem_shared>> -> memref<10000x128xf32, #tpu.memory_space<vmem_shared>>
    tpu.enqueue_indirect_dma source(%dma_start3A_531 : memref<128x128xf32, #tpu.memory_space<vmem>>) target(%dma_start3A_537 : memref<10000x128xf32, #tpu.memory_space<vmem_shared>>) offsets(%dma_start3A_534 : memref<128xi32, #tpu.memory_space<vmem>>) semaphore(%arg12 : memref<!tpu.dma_semaphore, #tpu.memory_space<semaphore_mem>>) {add = true}
    %scan3A_538 = arith.constant 0 : i32
    %scan3A_539 = arith.constant 8 : i32
    %scan3A_540 = arith.addi %scan3A_538, %scan3A_539 : i32
    %scan3A_541 = arith.constant 1 : i32
    scf.for %scan3A_565 = %scan3A_538 to %scan3A_540 step %scan3A_541  : i32 {
      %mul3A_566 = arith.constant 1 : i32
      %mul3A_567 = arith.muli %scan3A_565, %mul3A_566 : i32
      %add3A_568 = arith.constant 0 : i32
      %add3A_569 = arith.addi %add3A_568, %mul3A_567 : i32
      %mul3A_570 = arith.constant 16 : i32
      %mul3A_571 = arith.muli %add3A_569, %mul3A_570 : i32
      %get3A = arith.constant 1 : i32
      %get3A_572 = arith.constant 1 : i32
      %get3A_573 = arith.index_cast %get3A : i32 to index
      %get3A_574 = arith.index_cast %get3A_572 : i32 to index
      %get3A_575 = arith.index_cast %mul3A_571 : i32 to index
      %get3A_576 = tpu.vector_load %arg6[%get3A_573, %get3A_574, %get3A_575] {strides = array<i32>} : memref<4x2x128xi32, #tpu.memory_space<vmem>>, vector<16xi32>,
      tpu.vector_store_idx %arg13[%get3A_576], %broadcast_in_dim3A_3 {add = true} : memref<10000xf32, #tpu.memory_space<vmem>>[vector<16xi32>], vector<16xf32>,
    }
    %scan3A_542 = arith.constant 8 : i32
    %dma_wait3A_543 = arith.constant 1 : i32
    %dma_wait3A_544 = arith.constant 1 : i32
    %dma_wait3A_545 = arith.constant 1 : i32
    %dma_wait3A_546 = arith.constant 0 : i32
    %dma_wait3A_547 = arith.constant 0 : i32
    %dma_wait3A_548 = tpu.memref_slice %arg7[%dma_wait3A_543, %dma_wait3A_546, %dma_wait3A_547] : memref<2x128x128xf32, #tpu.memory_space<vmem>> -> memref<1x128x128xf32, #tpu.memory_space<vmem>>
    %dma_wait3A_549 = tpu.memref_squeeze %dma_wait3A_548 : memref<1x128x128xf32, #tpu.memory_space<vmem>> -> memref<128x128xf32, #tpu.memory_space<vmem>>
    %dma_wait3A_550 = arith.constant 0 : i32
    %dma_wait3A_551 = tpu.memref_slice %arg6[%dma_wait3A_544, %dma_wait3A_545, %dma_wait3A_550] : memref<4x2x128xi32, #tpu.memory_space<vmem>> -> memref<1x1x128xi32, #tpu.memory_space<vmem>>
    %dma_wait3A_552 = tpu.memref_squeeze %dma_wait3A_551 : memref<1x1x128xi32, #tpu.memory_space<vmem>> -> memref<128xi32, #tpu.memory_space<vmem>>
    %dma_wait3A_553 = arith.constant 0 : i32
    %dma_wait3A_554 = arith.constant 0 : i32
    %dma_wait3A_555 = tpu.memref_slice %arg8[%dma_wait3A_553, %dma_wait3A_554] : memref<10000x128xf32, #tpu.memory_space<vmem_shared>> -> memref<10000x128xf32, #tpu.memory_space<vmem_shared>>
    tpu.wait_indirect_dma semaphore(%arg12 : memref<!tpu.dma_semaphore, #tpu.memory_space<semaphore_mem>>) src(%dma_wait3A_549 : memref<128x128xf32, #tpu.memory_space<vmem>>) dst(%dma_wait3A_555 : memref<10000x128xf32, #tpu.memory_space<vmem_shared>>)
    %lt3A = arith.constant 4 : i32
    %lt3A_556 = arith.cmpi slt, %add3A, %lt3A : i32
    %convert_element_type3A = arith.extui %lt3A_556 : i1 to i32
    %cond3A = arith.constant 0 : i32
    %cond3A_557 = arith.cmpi ne, %convert_element_type3A, %cond3A : i32
    scf.if %cond3A_557 {
      %add3A_565 = arith.constant 2496 : i32
      %add3A_566 = arith.addi %add3A_565, %add3A : i32
      %mul3A_567 = arith.constant 128 : i32
      %mul3A_568 = arith.muli %add3A_566, %mul3A_567 : i32
      %dma_start3A_569 = arith.constant 0 : i32
      %dma_start3A_570 = arith.constant 0 : i32
      %dma_start3A_571 = arith.constant 0 : i32
      %dma_start3A_572 = tpu.memref_slice %arg6[%dma_start3A_569, %dma_start3A_570, %dma_start3A_571] : memref<4x2x128xi32, #tpu.memory_space<vmem>> -> memref<1x2x128xi32, #tpu.memory_space<vmem>>
      %dma_start3A_573 = tpu.memref_squeeze %dma_start3A_572 : memref<1x2x128xi32, #tpu.memory_space<vmem>> -> memref<2x128xi32, #tpu.memory_space<vmem>>
      %dma_start3A_574 = arith.constant 0 : i32
      %dma_start3A_575 = tpu.memref_slice %arg3[%dma_start3A_574, %mul3A_568] : memref<2x320000xi32, #tpu.memory_space<hbm>> -> memref<2x128xi32, #tpu.memory_space<hbm>>
      %dma_start3A_576 = arith.constant 0 : i32
      %dma_start3A_577 = arith.constant 0 : i32
      %dma_start3A_578 = tpu.memref_slice %arg6[%dma_start3A_569, %dma_start3A_576, %dma_start3A_577] : memref<4x2x128xi32, #tpu.memory_space<vmem>> -> memref<1x2x128xi32, #tpu.memory_space<vmem>>
      %dma_start3A_579 = tpu.memref_squeeze %dma_start3A_578 : memref<1x2x128xi32, #tpu.memory_space<vmem>> -> memref<2x128xi32, #tpu.memory_space<vmem>>
      %dma_start3A_580 = arith.constant 0 : i32
      %dma_start3A_581 = tpu.memref_slice %arg3[%dma_start3A_580, %mul3A_568] : memref<2x320000xi32, #tpu.memory_space<hbm>> -> memref<2x128xi32, #tpu.memory_space<hbm>>
      tpu.enqueue_dma source(%dma_start3A_581 : memref<2x128xi32, #tpu.memory_space<hbm>>) target(%dma_start3A_579 : memref<2x128xi32, #tpu.memory_space<vmem>>) target_semaphore(%arg9 : memref<!tpu.dma_semaphore, #tpu.memory_space<semaphore_mem>>)
      %dma_wait3A_582 = arith.constant 0 : i32
      %dma_wait3A_583 = arith.constant 0 : i32
      %dma_wait3A_584 = arith.constant 0 : i32
      %dma_wait3A_585 = tpu.memref_slice %arg6[%dma_wait3A_582, %dma_wait3A_583, %dma_wait3A_584] : memref<4x2x128xi32, #tpu.memory_space<vmem>> -> memref<1x2x128xi32, #tpu.memory_space<vmem>>
      %dma_wait3A_586 = tpu.memref_squeeze %dma_wait3A_585 : memref<1x2x128xi32, #tpu.memory_space<vmem>> -> memref<2x128xi32, #tpu.memory_space<vmem>>
      %dma_wait3A_587 = arith.constant 0 : i32
      %dma_wait3A_588 = arith.constant 0 : i32
      %dma_wait3A_589 = tpu.memref_slice %arg3[%dma_wait3A_587, %dma_wait3A_588] : memref<2x320000xi32, #tpu.memory_space<hbm>> -> memref<2x128xi32, #tpu.memory_space<hbm>>
      %dma_wait3A_590 = arith.constant 0 : i32
      %dma_wait3A_591 = arith.constant 0 : i32
      %dma_wait3A_592 = tpu.memref_slice %arg6[%dma_wait3A_582, %dma_wait3A_590, %dma_wait3A_591] : memref<4x2x128xi32, #tpu.memory_space<vmem>> -> memref<1x2x128xi32, #tpu.memory_space<vmem>>
      %dma_wait3A_593 = tpu.memref_squeeze %dma_wait3A_592 : memref<1x2x128xi32, #tpu.memory_space<vmem>> -> memref<2x128xi32, #tpu.memory_space<vmem>>
      %dma_wait3A_594 = arith.constant 0 : i32
      %dma_wait3A_595 = arith.constant 0 : i32
      %dma_wait3A_596 = tpu.memref_slice %arg3[%dma_wait3A_594, %dma_wait3A_595] : memref<2x320000xi32, #tpu.memory_space<hbm>> -> memref<2x128xi32, #tpu.memory_space<hbm>>
      tpu.wait_dma2 semaphore(%arg9 : memref<!tpu.dma_semaphore, #tpu.memory_space<semaphore_mem>>) src(%dma_wait3A_596 : memref<2x128xi32, #tpu.memory_space<hbm>>) dst(%dma_wait3A_593 : memref<2x128xi32, #tpu.memory_space<vmem>>)
      %dma_start3A_597 = arith.constant 0 : i32
      %dma_start3A_598 = arith.constant 0 : i32
      %dma_start3A_599 = arith.constant 0 : i32
      %dma_start3A_600 = arith.constant 0 : i32
      %dma_start3A_601 = arith.constant 0 : i32
      %dma_start3A_602 = tpu.memref_slice %arg7[%dma_start3A_599, %dma_start3A_600, %dma_start3A_601] : memref<2x128x128xf32, #tpu.memory_space<vmem>> -> memref<1x128x128xf32, #tpu.memory_space<vmem>>
      %dma_start3A_603 = tpu.memref_squeeze %dma_start3A_602 : memref<1x128x128xf32, #tpu.memory_space<vmem>> -> memref<128x128xf32, #tpu.memory_space<vmem>>
      %dma_start3A_604 = arith.constant 0 : i32
      %dma_start3A_605 = tpu.memref_slice %arg6[%dma_start3A_597, %dma_start3A_598, %dma_start3A_604] : memref<4x2x128xi32, #tpu.memory_space<vmem>> -> memref<1x1x128xi32, #tpu.memory_space<vmem>>
      %dma_start3A_606 = tpu.memref_squeeze %dma_start3A_605 : memref<1x1x128xi32, #tpu.memory_space<vmem>> -> memref<128xi32, #tpu.memory_space<vmem>>
      %dma_start3A_607 = arith.constant 0 : i32
      %dma_start3A_608 = arith.constant 0 : i32
      %dma_start3A_609 = tpu.memref_slice %arg2[%dma_start3A_607, %dma_start3A_608] : memref<10000x128xf32, #tpu.memory_space<hbm>> -> memref<10000x128xf32, #tpu.memory_space<hbm>>
      tpu.enqueue_indirect_dma source(%dma_start3A_609 : memref<10000x128xf32, #tpu.memory_space<hbm>>) target(%dma_start3A_603 : memref<128x128xf32, #tpu.memory_space<vmem>>) offsets(%dma_start3A_606 : memref<128xi32, #tpu.memory_space<vmem>>) semaphore(%arg10 : memref<!tpu.dma_semaphore, #tpu.memory_space<semaphore_mem>>)
      %dma_wait3A_610 = arith.constant 0 : i32
      %dma_wait3A_611 = arith.constant 0 : i32
      %dma_wait3A_612 = arith.constant 0 : i32
      %dma_wait3A_613 = arith.constant 0 : i32
      %dma_wait3A_614 = arith.constant 0 : i32
      %dma_wait3A_615 = tpu.memref_slice %arg7[%dma_wait3A_612, %dma_wait3A_613, %dma_wait3A_614] : memref<2x128x128xf32, #tpu.memory_space<vmem>> -> memref<1x128x128xf32, #tpu.memory_space<vmem>>
      %dma_wait3A_616 = tpu.memref_squeeze %dma_wait3A_615 : memref<1x128x128xf32, #tpu.memory_space<vmem>> -> memref<128x128xf32, #tpu.memory_space<vmem>>
      %dma_wait3A_617 = arith.constant 0 : i32
      %dma_wait3A_618 = tpu.memref_slice %arg6[%dma_wait3A_610, %dma_wait3A_611, %dma_wait3A_617] : memref<4x2x128xi32, #tpu.memory_space<vmem>> -> memref<1x1x128xi32, #tpu.memory_space<vmem>>
      %dma_wait3A_619 = tpu.memref_squeeze %dma_wait3A_618 : memref<1x1x128xi32, #tpu.memory_space<vmem>> -> memref<128xi32, #tpu.memory_space<vmem>>
      %dma_wait3A_620 = arith.constant 0 : i32
      %dma_wait3A_621 = arith.constant 0 : i32
      %dma_wait3A_622 = tpu.memref_slice %arg2[%dma_wait3A_620, %dma_wait3A_621] : memref<10000x128xf32, #tpu.memory_space<hbm>> -> memref<10000x128xf32, #tpu.memory_space<hbm>>
      tpu.wait_indirect_dma semaphore(%arg10 : memref<!tpu.dma_semaphore, #tpu.memory_space<semaphore_mem>>) src(%dma_wait3A_622 : memref<10000x128xf32, #tpu.memory_space<hbm>>) dst(%dma_wait3A_616 : memref<128x128xf32, #tpu.memory_space<vmem>>)
      %run_scoped3A = arith.constant 0 : i32
      %run_scoped3A_623 = arith.constant 0 : i32
      %run_scoped3A_624 = arith.constant 1 : i32
      "tpu.region"() ({
        %run_scoped3A_630 = tpu.sem_alloc : memref<!tpu.dma_semaphore, #tpu.memory_space<semaphore_mem>>
        %dma_start3A_631 = arith.constant 0 : i32
        %dma_start3A_632 = arith.constant 0 : i32
        %dma_start3A_633 = tpu.memref_slice %arg7[%run_scoped3A, %dma_start3A_631, %dma_start3A_632] : memref<2x128x128xf32, #tpu.memory_space<vmem>> -> memref<1x128x128xf32, #tpu.memory_space<vmem>>
        %dma_start3A_634 = tpu.memref_squeeze %dma_start3A_633 : memref<1x128x128xf32, #tpu.memory_space<vmem>> -> memref<128x128xf32, #tpu.memory_space<vmem>>
        %dma_start3A_635 = arith.constant 0 : i32
        %dma_start3A_636 = tpu.memref_slice %arg6[%run_scoped3A_623, %run_scoped3A_624, %dma_start3A_635] : memref<4x2x128xi32, #tpu.memory_space<vmem>> -> memref<1x1x128xi32, #tpu.memory_space<vmem>>
        %dma_start3A_637 = tpu.memref_squeeze %dma_start3A_636 : memref<1x1x128xi32, #tpu.memory_space<vmem>> -> memref<128xi32, #tpu.memory_space<vmem>>
        %dma_start3A_638 = arith.constant 0 : i32
        %dma_start3A_639 = arith.constant 0 : i32
        %dma_start3A_640 = tpu.memref_slice %arg8[%dma_start3A_638, %dma_start3A_639] : memref<10000x128xf32, #tpu.memory_space<vmem_shared>> -> memref<10000x128xf32, #tpu.memory_space<vmem_shared>>
        tpu.enqueue_indirect_dma source(%dma_start3A_634 : memref<128x128xf32, #tpu.memory_space<vmem>>) target(%dma_start3A_640 : memref<10000x128xf32, #tpu.memory_space<vmem_shared>>) offsets(%dma_start3A_637 : memref<128xi32, #tpu.memory_space<vmem>>) semaphore(%run_scoped3A_630 : memref<!tpu.dma_semaphore, #tpu.memory_space<semaphore_mem>>) {add = true}
        %dma_wait3A_641 = arith.constant 0 : i32
        %dma_wait3A_642 = arith.constant 0 : i32
        %dma_wait3A_643 = tpu.memref_slice %arg7[%run_scoped3A, %dma_wait3A_641, %dma_wait3A_642] : memref<2x128x128xf32, #tpu.memory_space<vmem>> -> memref<1x128x128xf32, #tpu.memory_space<vmem>>
        %dma_wait3A_644 = tpu.memref_squeeze %dma_wait3A_643 : memref<1x128x128xf32, #tpu.memory_space<vmem>> -> memref<128x128xf32, #tpu.memory_space<vmem>>
        %dma_wait3A_645 = arith.constant 0 : i32
        %dma_wait3A_646 = tpu.memref_slice %arg6[%run_scoped3A_623, %run_scoped3A_624, %dma_wait3A_645] : memref<4x2x128xi32, #tpu.memory_space<vmem>> -> memref<1x1x128xi32, #tpu.memory_space<vmem>>
        %dma_wait3A_647 = tpu.memref_squeeze %dma_wait3A_646 : memref<1x1x128xi32, #tpu.memory_space<vmem>> -> memref<128xi32, #tpu.memory_space<vmem>>
        %dma_wait3A_648 = arith.constant 0 : i32
        %dma_wait3A_649 = arith.constant 0 : i32
        %dma_wait3A_650 = tpu.memref_slice %arg8[%dma_wait3A_648, %dma_wait3A_649] : memref<10000x128xf32, #tpu.memory_space<vmem_shared>> -> memref<10000x128xf32, #tpu.memory_space<vmem_shared>>
        tpu.wait_indirect_dma semaphore(%run_scoped3A_630 : memref<!tpu.dma_semaphore, #tpu.memory_space<semaphore_mem>>) src(%dma_wait3A_644 : memref<128x128xf32, #tpu.memory_space<vmem>>) dst(%dma_wait3A_650 : memref<10000x128xf32, #tpu.memory_space<vmem_shared>>)
        tpu.yield
      }) : () -> ()
      %scan3A_625 = arith.constant 0 : i32
      %scan3A_626 = arith.constant 8 : i32
      %scan3A_627 = arith.addi %scan3A_625, %scan3A_626 : i32
      %scan3A_628 = arith.constant 1 : i32
      scf.for %scan3A_630 = %scan3A_625 to %scan3A_627 step %scan3A_628  : i32 {
        %mul3A_631 = arith.constant 1 : i32
        %mul3A_632 = arith.muli %scan3A_630, %mul3A_631 : i32
        %add3A_633 = arith.constant 0 : i32
        %add3A_634 = arith.addi %add3A_633, %mul3A_632 : i32
        %mul3A_635 = arith.constant 16 : i32
        %mul3A_636 = arith.muli %add3A_634, %mul3A_635 : i32
        %get3A = arith.constant 0 : i32
        %get3A_637 = arith.constant 1 : i32
        %get3A_638 = arith.index_cast %get3A : i32 to index
        %get3A_639 = arith.index_cast %get3A_637 : i32 to index
        %get3A_640 = arith.index_cast %mul3A_636 : i32 to index
        %get3A_641 = tpu.vector_load %arg6[%get3A_638, %get3A_639, %get3A_640] {strides = array<i32>} : memref<4x2x128xi32, #tpu.memory_space<vmem>>, vector<16xi32>,
        tpu.vector_store_idx %arg13[%get3A_641], %broadcast_in_dim3A_3 {add = true} : memref<10000xf32, #tpu.memory_space<vmem>>[vector<16xi32>], vector<16xf32>,
      }
      %scan3A_629 = arith.constant 8 : i32
    } else {
    }
    %barrier3A_558 = arith.constant 0 : index
    tpu.barrier barrier_id(%barrier3A_558)
    %scan3A_559 = arith.constant 0 : i32
    %scan3A_560 = arith.constant 0 : i32
    %scan3A_561 = arith.constant 8 : i32
    %scan3A_562 = arith.addi %scan3A_560, %scan3A_561 : i32
    %scan3A_563 = arith.constant 1 : i32
    scf.for %scan3A_565 = %scan3A_560 to %scan3A_562 step %scan3A_563  : i32 {
      %mul3A_566 = arith.constant 1 : i32
      %mul3A_567 = arith.muli %scan3A_565, %mul3A_566 : i32
      %add3A_568 = arith.constant 0 : i32
      %add3A_569 = arith.addi %add3A_568, %mul3A_567 : i32
      %mul3A_570 = arith.constant 16 : i32
      %mul3A_571 = arith.muli %add3A_569, %mul3A_570 : i32
      %add3A_572 = arith.addi %mul3A_571, %arg1 : i32
      %lt3A_573 = arith.constant 125 : i32
      %lt3A_574 = arith.cmpi slt, %add3A_572, %lt3A_573 : i32
      %convert_element_type3A_575 = arith.extui %lt3A_574 : i1 to i32
      %cond3A_576 = arith.constant 0 : i32
      %cond3A_577 = arith.cmpi ne, %convert_element_type3A_575, %cond3A_576 : i32
      scf.if %cond3A_577 {
        %mul3A_578 = arith.constant 80 : i32
        %mul3A_579 = arith.muli %add3A_572, %mul3A_578 : i32
        "tpu.region"() ({
          %run_scoped3A = tpu.sem_alloc : memref<!tpu.dma_semaphore, #tpu.memory_space<semaphore_mem>>
          %dma_start3A_582 = arith.constant 0 : i32
          %dma_start3A_583 = arith.constant 0 : i32
          %dma_start3A_584 = tpu.memref_slice %arg7[%scan3A_559, %dma_start3A_582, %dma_start3A_583] : memref<2x128x128xf32, #tpu.memory_space<vmem>> -> memref<1x80x128xf32, #tpu.memory_space<vmem>>
          %dma_start3A_585 = tpu.memref_squeeze %dma_start3A_584 : memref<1x80x128xf32, #tpu.memory_space<vmem>> -> memref<80x128xf32, #tpu.memory_space<vmem>>
          %dma_start3A_586 = arith.constant 0 : i32
          %dma_start3A_587 = tpu.memref_slice %arg8[%mul3A_579, %dma_start3A_586] : memref<10000x128xf32, #tpu.memory_space<vmem_shared>> -> memref<80x128xf32, #tpu.memory_space<vmem_shared>>
          %dma_start3A_588 = arith.constant 0 : i32
          %dma_start3A_589 = arith.constant 0 : i32
          %dma_start3A_590 = tpu.memref_slice %arg7[%scan3A_559, %dma_start3A_588, %dma_start3A_589] : memref<2x128x128xf32, #tpu.memory_space<vmem>> -> memref<1x80x128xf32, #tpu.memory_space<vmem>>
          %dma_start3A_591 = tpu.memref_squeeze %dma_start3A_590 : memref<1x80x128xf32, #tpu.memory_space<vmem>> -> memref<80x128xf32, #tpu.memory_space<vmem>>
          %dma_start3A_592 = arith.constant 0 : i32
          %dma_start3A_593 = tpu.memref_slice %arg8[%mul3A_579, %dma_start3A_592] : memref<10000x128xf32, #tpu.memory_space<vmem_shared>> -> memref<80x128xf32, #tpu.memory_space<vmem_shared>>
          tpu.enqueue_dma source(%dma_start3A_593 : memref<80x128xf32, #tpu.memory_space<vmem_shared>>) target(%dma_start3A_591 : memref<80x128xf32, #tpu.memory_space<vmem>>) target_semaphore(%run_scoped3A : memref<!tpu.dma_semaphore, #tpu.memory_space<semaphore_mem>>)
          %dma_wait3A_594 = arith.constant 0 : i32
          %dma_wait3A_595 = arith.constant 0 : i32
          %dma_wait3A_596 = tpu.memref_slice %arg7[%scan3A_559, %dma_wait3A_594, %dma_wait3A_595] : memref<2x128x128xf32, #tpu.memory_space<vmem>> -> memref<1x80x128xf32, #tpu.memory_space<vmem>>
          %dma_wait3A_597 = tpu.memref_squeeze %dma_wait3A_596 : memref<1x80x128xf32, #tpu.memory_space<vmem>> -> memref<80x128xf32, #tpu.memory_space<vmem>>
          %dma_wait3A_598 = arith.constant 0 : i32
          %dma_wait3A_599 = tpu.memref_slice %arg8[%mul3A_579, %dma_wait3A_598] : memref<10000x128xf32, #tpu.memory_space<vmem_shared>> -> memref<80x128xf32, #tpu.memory_space<vmem_shared>>
          %dma_wait3A_600 = arith.constant 0 : i32
          %dma_wait3A_601 = arith.constant 0 : i32
          %dma_wait3A_602 = tpu.memref_slice %arg7[%scan3A_559, %dma_wait3A_600, %dma_wait3A_601] : memref<2x128x128xf32, #tpu.memory_space<vmem>> -> memref<1x80x128xf32, #tpu.memory_space<vmem>>
          %dma_wait3A_603 = tpu.memref_squeeze %dma_wait3A_602 : memref<1x80x128xf32, #tpu.memory_space<vmem>> -> memref<80x128xf32, #tpu.memory_space<vmem>>
          %dma_wait3A_604 = arith.constant 0 : i32
          %dma_wait3A_605 = tpu.memref_slice %arg8[%mul3A_579, %dma_wait3A_604] : memref<10000x128xf32, #tpu.memory_space<vmem_shared>> -> memref<80x128xf32, #tpu.memory_space<vmem_shared>>
          tpu.wait_dma2 semaphore(%run_scoped3A : memref<!tpu.dma_semaphore, #tpu.memory_space<semaphore_mem>>) src(%dma_wait3A_605 : memref<80x128xf32, #tpu.memory_space<vmem_shared>>) dst(%dma_wait3A_603 : memref<80x128xf32, #tpu.memory_space<vmem>>)
          tpu.yield
        }) : () -> ()
        %mul3A_580 = arith.constant 80 : i32
        %mul3A_581 = arith.muli %add3A_572, %mul3A_580 : i32
        "tpu.region"() ({
          %run_scoped3A = tpu.sem_alloc : memref<!tpu.dma_semaphore, #tpu.memory_space<semaphore_mem>>
          %dma_start3A_582 = arith.constant 0 : i32
          %dma_start3A_583 = arith.constant 0 : i32
          %dma_start3A_584 = tpu.memref_slice %arg7[%scan3A_559, %dma_start3A_582, %dma_start3A_583] : memref<2x128x128xf32, #tpu.memory_space<vmem>> -> memref<1x80x128xf32, #tpu.memory_space<vmem>>
          %dma_start3A_585 = tpu.memref_squeeze %dma_start3A_584 : memref<1x80x128xf32, #tpu.memory_space<vmem>> -> memref<80x128xf32, #tpu.memory_space<vmem>>
          %dma_start3A_586 = arith.constant 0 : i32
          %dma_start3A_587 = tpu.memref_slice %arg4[%arg0, %mul3A_581, %dma_start3A_586] : memref<2x10000x128xf32, #tpu.memory_space<hbm>> -> memref<1x80x128xf32, #tpu.memory_space<hbm>>
          %dma_start3A_588 = tpu.memref_squeeze %dma_start3A_587 : memref<1x80x128xf32, #tpu.memory_space<hbm>> -> memref<80x128xf32, #tpu.memory_space<hbm>>
          %dma_start3A_589 = arith.constant 0 : i32
          %dma_start3A_590 = tpu.memref_slice %arg4[%arg0, %mul3A_581, %dma_start3A_589] : memref<2x10000x128xf32, #tpu.memory_space<hbm>> -> memref<1x80x128xf32, #tpu.memory_space<hbm>>
          %dma_start3A_591 = tpu.memref_squeeze %dma_start3A_590 : memref<1x80x128xf32, #tpu.memory_space<hbm>> -> memref<80x128xf32, #tpu.memory_space<hbm>>
          %dma_start3A_592 = arith.constant 0 : i32
          %dma_start3A_593 = arith.constant 0 : i32
          %dma_start3A_594 = tpu.memref_slice %arg7[%scan3A_559, %dma_start3A_592, %dma_start3A_593] : memref<2x128x128xf32, #tpu.memory_space<vmem>> -> memref<1x80x128xf32, #tpu.memory_space<vmem>>
          %dma_start3A_595 = tpu.memref_squeeze %dma_start3A_594 : memref<1x80x128xf32, #tpu.memory_space<vmem>> -> memref<80x128xf32, #tpu.memory_space<vmem>>
          tpu.enqueue_dma source(%dma_start3A_595 : memref<80x128xf32, #tpu.memory_space<vmem>>) target(%dma_start3A_591 : memref<80x128xf32, #tpu.memory_space<hbm>>) target_semaphore(%run_scoped3A : memref<!tpu.dma_semaphore, #tpu.memory_space<semaphore_mem>>)
          %dma_wait3A_596 = arith.constant 0 : i32
          %dma_wait3A_597 = arith.constant 0 : i32
          %dma_wait3A_598 = tpu.memref_slice %arg7[%scan3A_559, %dma_wait3A_596, %dma_wait3A_597] : memref<2x128x128xf32, #tpu.memory_space<vmem>> -> memref<1x80x128xf32, #tpu.memory_space<vmem>>
          %dma_wait3A_599 = tpu.memref_squeeze %dma_wait3A_598 : memref<1x80x128xf32, #tpu.memory_space<vmem>> -> memref<80x128xf32, #tpu.memory_space<vmem>>
          %dma_wait3A_600 = arith.constant 0 : i32
          %dma_wait3A_601 = tpu.memref_slice %arg4[%arg0, %mul3A_581, %dma_wait3A_600] : memref<2x10000x128xf32, #tpu.memory_space<hbm>> -> memref<1x80x128xf32, #tpu.memory_space<hbm>>
          %dma_wait3A_602 = tpu.memref_squeeze %dma_wait3A_601 : memref<1x80x128xf32, #tpu.memory_space<hbm>> -> memref<80x128xf32, #tpu.memory_space<hbm>>
          %dma_wait3A_603 = arith.constant 0 : i32
          %dma_wait3A_604 = tpu.memref_slice %arg4[%arg0, %mul3A_581, %dma_wait3A_603] : memref<2x10000x128xf32, #tpu.memory_space<hbm>> -> memref<1x80x128xf32, #tpu.memory_space<hbm>>
          %dma_wait3A_605 = tpu.memref_squeeze %dma_wait3A_604 : memref<1x80x128xf32, #tpu.memory_space<hbm>> -> memref<80x128xf32, #tpu.memory_space<hbm>>
          %dma_wait3A_606 = arith.constant 0 : i32
          %dma_wait3A_607 = arith.constant 0 : i32
          %dma_wait3A_608 = tpu.memref_slice %arg7[%scan3A_559, %dma_wait3A_606, %dma_wait3A_607] : memref<2x128x128xf32, #tpu.memory_space<vmem>> -> memref<1x80x128xf32, #tpu.memory_space<vmem>>
          %dma_wait3A_609 = tpu.memref_squeeze %dma_wait3A_608 : memref<1x80x128xf32, #tpu.memory_space<vmem>> -> memref<80x128xf32, #tpu.memory_space<vmem>>
          tpu.wait_dma2 semaphore(%run_scoped3A : memref<!tpu.dma_semaphore, #tpu.memory_space<semaphore_mem>>) src(%dma_wait3A_609 : memref<80x128xf32, #tpu.memory_space<vmem>>) dst(%dma_wait3A_605 : memref<80x128xf32, #tpu.memory_space<hbm>>)
          tpu.yield
        }) : () -> ()
      } else {
      }
    }
    %scan3A_564 = arith.constant 8 : i32
    "tpu.region"() ({
      %run_scoped3A = tpu.sem_alloc : memref<!tpu.dma_semaphore, #tpu.memory_space<semaphore_mem>>
      %dma_start3A_565 = arith.constant 0 : i32
      %dma_start3A_566 = tpu.memref_slice %arg5[%add3A, %dma_start3A_565] : memref<32x10000xf32, #tpu.memory_space<hbm>> -> memref<1x10000xf32, #tpu.memory_space<hbm>>
      %dma_start3A_567 = tpu.memref_squeeze %dma_start3A_566 : memref<1x10000xf32, #tpu.memory_space<hbm>> -> memref<10000xf32, #tpu.memory_space<hbm>>
      %dma_start3A_568 = arith.constant 0 : i32
      %dma_start3A_569 = tpu.memref_slice %arg5[%add3A, %dma_start3A_568] : memref<32x10000xf32, #tpu.memory_space<hbm>> -> memref<1x10000xf32, #tpu.memory_space<hbm>>
      %dma_start3A_570 = tpu.memref_squeeze %dma_start3A_569 : memref<1x10000xf32, #tpu.memory_space<hbm>> -> memref<10000xf32, #tpu.memory_space<hbm>>
      tpu.enqueue_dma source(%arg13 : memref<10000xf32, #tpu.memory_space<vmem>>) target(%dma_start3A_570 : memref<10000xf32, #tpu.memory_space<hbm>>) target_semaphore(%run_scoped3A : memref<!tpu.dma_semaphore, #tpu.memory_space<semaphore_mem>>)
      %dma_wait3A_571 = arith.constant 0 : i32
      %dma_wait3A_572 = tpu.memref_slice %arg5[%add3A, %dma_wait3A_571] : memref<32x10000xf32, #tpu.memory_space<hbm>> -> memref<1x10000xf32, #tpu.memory_space<hbm>>
      %dma_wait3A_573 = tpu.memref_squeeze %dma_wait3A_572 : memref<1x10000xf32, #tpu.memory_space<hbm>> -> memref<10000xf32, #tpu.memory_space<hbm>>
      %dma_wait3A_574 = arith.constant 0 : i32
      %dma_wait3A_575 = tpu.memref_slice %arg5[%add3A, %dma_wait3A_574] : memref<32x10000xf32, #tpu.memory_space<hbm>> -> memref<1x10000xf32, #tpu.memory_space<hbm>>
      %dma_wait3A_576 = tpu.memref_squeeze %dma_wait3A_575 : memref<1x10000xf32, #tpu.memory_space<hbm>> -> memref<10000xf32, #tpu.memory_space<hbm>>
      tpu.wait_dma2 semaphore(%run_scoped3A : memref<!tpu.dma_semaphore, #tpu.memory_space<semaphore_mem>>) src(%arg13 : memref<10000xf32, #tpu.memory_space<vmem>>) dst(%dma_wait3A_576 : memref<10000xf32, #tpu.memory_space<hbm>>)
      tpu.yield
    }) : () -> ()
    return
  }
}

#map = affine_map<(d0, d1) -> (0, 0)>
#map1 = affine_map<(d0, d1) -> (0, 0, 0)>
module attributes {stable_mosaic.version = 14 : i64} {
  func.func @body(%arg0: i32, %arg1: i32, %arg2: memref<10000x128xf32, #tpu.memory_space<hbm>>, %arg3: memref<2x320000xi32, #tpu.memory_space<hbm>>, %arg4: memref<2x10000x128xf32, #tpu.memory_space<hbm>>, %arg5: memref<4x2x128xi32, #tpu.memory_space<vmem>>, %arg6: memref<2x128x128xf32, #tpu.memory_space<vmem>>, %arg7: memref<10000x128xf32, #tpu.memory_space<vmem_shared>>, %arg8: memref<!tpu.dma_semaphore, #tpu.memory_space<semaphore_mem>>, %arg9: memref<!tpu.dma_semaphore, #tpu.memory_space<semaphore_mem>>, %arg10: memref<!tpu.dma_semaphore, #tpu.memory_space<semaphore_mem>>, %arg11: memref<!tpu.dma_semaphore, #tpu.memory_space<semaphore_mem>>) attributes {dimension_semantics = [#tpu.dimension_semantics<core_parallel>, #tpu.dimension_semantics<subcore_parallel>], iteration_bounds = array<i64: 2, 16>, scalar_prefetch = 0 : i64, scratch_operands = 7 : i64, tpu.core_type = #tpu.core_type<sc_vector_subcore>, window_params = [{transform_indices = #map}, {transform_indices = #map}, {transform_indices = #map1}]} {
    %mul3A = arith.constant 2 : i32
    %mul3A_0 = arith.muli %arg1, %mul3A : i32
    %add3A = arith.addi %mul3A_0, %arg0 : i32
    %broadcast_in_dim3A = arith.constant 0.000000e+00 : f32
    %broadcast_in_dim3A_1 = vector.broadcast %broadcast_in_dim3A : f32 to vector<16xf32>
    %broadcast_in_dim3A_2 = arith.constant 1.000000e+00 : f32
    %broadcast_in_dim3A_3 = vector.broadcast %broadcast_in_dim3A_2 : f32 to vector<16xf32>
    %scan3A = arith.constant 0 : i32
    %scan3A_4 = arith.constant 80 : i32
    %scan3A_5 = arith.addi %scan3A, %scan3A_4 : i32
    %scan3A_6 = arith.constant 1 : i32
    scf.for %scan3A_530 = %scan3A to %scan3A_5 step %scan3A_6  : i32 {
      %mul3A_531 = arith.constant 1 : i32
      %mul3A_532 = arith.muli %scan3A_530, %mul3A_531 : i32
      %add3A_533 = arith.constant 0 : i32
      %add3A_534 = arith.addi %add3A_533, %mul3A_532 : i32
      %scan3A_535 = arith.constant 0 : i32
      %scan3A_536 = arith.constant 8 : i32
      %scan3A_537 = arith.addi %scan3A_535, %scan3A_536 : i32
      %scan3A_538 = arith.constant 1 : i32
      scf.for %scan3A_540 = %scan3A_535 to %scan3A_537 step %scan3A_538  : i32 {
        %mul3A_541 = arith.constant 1 : i32
        %mul3A_542 = arith.muli %scan3A_540, %mul3A_541 : i32
        %add3A_543 = arith.constant 0 : i32
        %add3A_544 = arith.addi %add3A_543, %mul3A_542 : i32
        %mul3A_545 = arith.constant 16 : i32
        %mul3A_546 = arith.muli %add3A_544, %mul3A_545 : i32
        %swap3A = arith.constant 0 : i32
        %swap3A_547 = arith.index_cast %swap3A : i32 to index
        %swap3A_548 = arith.index_cast %add3A_534 : i32 to index
        %swap3A_549 = arith.index_cast %mul3A_546 : i32 to index
        %swap3A_550 = tpu.vector_load %arg6[%swap3A_547, %swap3A_548, %swap3A_549] {strides = array<i32>} : memref<2x128x128xf32, #tpu.memory_space<vmem>>, vector<16xf32>,
        tpu.vector_store %arg6[%swap3A_547, %swap3A_548, %swap3A_549], %broadcast_in_dim3A_1 {strides = array<i32>} : memref<2x128x128xf32, #tpu.memory_space<vmem>>, vector<16xf32>,
      }
      %scan3A_539 = arith.constant 8 : i32
    }
    %scan3A_7 = arith.constant 80 : i32
    %scan3A_8 = arith.constant 0 : i32
    %scan3A_9 = arith.constant 0 : i32
    %scan3A_10 = arith.constant 8 : i32
    %scan3A_11 = arith.addi %scan3A_9, %scan3A_10 : i32
    %scan3A_12 = arith.constant 1 : i32
    scf.for %scan3A_530 = %scan3A_9 to %scan3A_11 step %scan3A_12  : i32 {
      %mul3A_531 = arith.constant 1 : i32
      %mul3A_532 = arith.muli %scan3A_530, %mul3A_531 : i32
      %add3A_533 = arith.constant 0 : i32
      %add3A_534 = arith.addi %add3A_533, %mul3A_532 : i32
      %mul3A_535 = arith.constant 16 : i32
      %mul3A_536 = arith.muli %add3A_534, %mul3A_535 : i32
      %add3A_537 = arith.addi %mul3A_536, %arg1 : i32
      %lt3A_538 = arith.constant 125 : i32
      %lt3A_539 = arith.cmpi slt, %add3A_537, %lt3A_538 : i32
      %convert_element_type3A_540 = arith.extui %lt3A_539 : i1 to i32
      %cond3A_541 = arith.constant 0 : i32
      %cond3A_542 = arith.cmpi ne, %convert_element_type3A_540, %cond3A_541 : i32
      scf.if %cond3A_542 {
        %mul3A_543 = arith.constant 80 : i32
        %mul3A_544 = arith.muli %add3A_537, %mul3A_543 : i32
        "tpu.region"() ({
          %run_scoped3A = tpu.sem_alloc : memref<!tpu.dma_semaphore, #tpu.memory_space<semaphore_mem>>
          %dma_start3A_545 = arith.constant 0 : i32
          %dma_start3A_546 = arith.constant 0 : i32
          %dma_start3A_547 = tpu.memref_slice %arg6[%scan3A_8, %dma_start3A_545, %dma_start3A_546] : memref<2x128x128xf32, #tpu.memory_space<vmem>> -> memref<1x80x128xf32, #tpu.memory_space<vmem>>
          %dma_start3A_548 = tpu.memref_squeeze %dma_start3A_547 : memref<1x80x128xf32, #tpu.memory_space<vmem>> -> memref<80x128xf32, #tpu.memory_space<vmem>>
          %dma_start3A_549 = arith.constant 0 : i32
          %dma_start3A_550 = tpu.memref_slice %arg7[%mul3A_544, %dma_start3A_549] : memref<10000x128xf32, #tpu.memory_space<vmem_shared>> -> memref<80x128xf32, #tpu.memory_space<vmem_shared>>
          %dma_start3A_551 = arith.constant 0 : i32
          %dma_start3A_552 = tpu.memref_slice %arg7[%mul3A_544, %dma_start3A_551] : memref<10000x128xf32, #tpu.memory_space<vmem_shared>> -> memref<80x128xf32, #tpu.memory_space<vmem_shared>>
          %dma_start3A_553 = arith.constant 0 : i32
          %dma_start3A_554 = arith.constant 0 : i32
          %dma_start3A_555 = tpu.memref_slice %arg6[%scan3A_8, %dma_start3A_553, %dma_start3A_554] : memref<2x128x128xf32, #tpu.memory_space<vmem>> -> memref<1x80x128xf32, #tpu.memory_space<vmem>>
          %dma_start3A_556 = tpu.memref_squeeze %dma_start3A_555 : memref<1x80x128xf32, #tpu.memory_space<vmem>> -> memref<80x128xf32, #tpu.memory_space<vmem>>
          tpu.enqueue_dma source(%dma_start3A_556 : memref<80x128xf32, #tpu.memory_space<vmem>>) target(%dma_start3A_552 : memref<80x128xf32, #tpu.memory_space<vmem_shared>>) target_semaphore(%run_scoped3A : memref<!tpu.dma_semaphore, #tpu.memory_space<semaphore_mem>>)
          %dma_wait3A_557 = arith.constant 0 : i32
          %dma_wait3A_558 = arith.constant 0 : i32
          %dma_wait3A_559 = tpu.memref_slice %arg6[%scan3A_8, %dma_wait3A_557, %dma_wait3A_558] : memref<2x128x128xf32, #tpu.memory_space<vmem>> -> memref<1x80x128xf32, #tpu.memory_space<vmem>>
          %dma_wait3A_560 = tpu.memref_squeeze %dma_wait3A_559 : memref<1x80x128xf32, #tpu.memory_space<vmem>> -> memref<80x128xf32, #tpu.memory_space<vmem>>
          %dma_wait3A_561 = arith.constant 0 : i32
          %dma_wait3A_562 = tpu.memref_slice %arg7[%mul3A_544, %dma_wait3A_561] : memref<10000x128xf32, #tpu.memory_space<vmem_shared>> -> memref<80x128xf32, #tpu.memory_space<vmem_shared>>
          %dma_wait3A_563 = arith.constant 0 : i32
          %dma_wait3A_564 = tpu.memref_slice %arg7[%mul3A_544, %dma_wait3A_563] : memref<10000x128xf32, #tpu.memory_space<vmem_shared>> -> memref<80x128xf32, #tpu.memory_space<vmem_shared>>
          %dma_wait3A_565 = arith.constant 0 : i32
          %dma_wait3A_566 = arith.constant 0 : i32
          %dma_wait3A_567 = tpu.memref_slice %arg6[%scan3A_8, %dma_wait3A_565, %dma_wait3A_566] : memref<2x128x128xf32, #tpu.memory_space<vmem>> -> memref<1x80x128xf32, #tpu.memory_space<vmem>>
          %dma_wait3A_568 = tpu.memref_squeeze %dma_wait3A_567 : memref<1x80x128xf32, #tpu.memory_space<vmem>> -> memref<80x128xf32, #tpu.memory_space<vmem>>
          tpu.wait_dma2 semaphore(%run_scoped3A : memref<!tpu.dma_semaphore, #tpu.memory_space<semaphore_mem>>) src(%dma_wait3A_568 : memref<80x128xf32, #tpu.memory_space<vmem>>) dst(%dma_wait3A_564 : memref<80x128xf32, #tpu.memory_space<vmem_shared>>)
          tpu.yield
        }) : () -> ()
      } else {
      }
    }
    %scan3A_13 = arith.constant 8 : i32
    %barrier3A = arith.constant 0 : index
    tpu.barrier barrier_id(%barrier3A)
    %add3A_14 = arith.constant 0 : i32
    %add3A_15 = arith.addi %add3A_14, %add3A : i32
    %mul3A_16 = arith.constant 128 : i32
    %mul3A_17 = arith.muli %add3A_15, %mul3A_16 : i32
    %dma_start3A = arith.constant 0 : i32
    %dma_start3A_18 = arith.constant 0 : i32
    %dma_start3A_19 = arith.constant 0 : i32
    %dma_start3A_20 = tpu.memref_slice %arg5[%dma_start3A, %dma_start3A_18, %dma_start3A_19] : memref<4x2x128xi32, #tpu.memory_space<vmem>> -> memref<1x2x128xi32, #tpu.memory_space<vmem>>
    %dma_start3A_21 = tpu.memref_squeeze %dma_start3A_20 : memref<1x2x128xi32, #tpu.memory_space<vmem>> -> memref<2x128xi32, #tpu.memory_space<vmem>>
    %dma_start3A_22 = arith.constant 0 : i32
    %dma_start3A_23 = tpu.memref_slice %arg3[%dma_start3A_22, %mul3A_17] : memref<2x320000xi32, #tpu.memory_space<hbm>> -> memref<2x128xi32, #tpu.memory_space<hbm>>
    %dma_start3A_24 = arith.constant 0 : i32
    %dma_start3A_25 = arith.constant 0 : i32
    %dma_start3A_26 = tpu.memref_slice %arg5[%dma_start3A, %dma_start3A_24, %dma_start3A_25] : memref<4x2x128xi32, #tpu.memory_space<vmem>> -> memref<1x2x128xi32, #tpu.memory_space<vmem>>
    %dma_start3A_27 = tpu.memref_squeeze %dma_start3A_26 : memref<1x2x128xi32, #tpu.memory_space<vmem>> -> memref<2x128xi32, #tpu.memory_space<vmem>>
    %dma_start3A_28 = arith.constant 0 : i32
    %dma_start3A_29 = tpu.memref_slice %arg3[%dma_start3A_28, %mul3A_17] : memref<2x320000xi32, #tpu.memory_space<hbm>> -> memref<2x128xi32, #tpu.memory_space<hbm>>
    tpu.enqueue_dma source(%dma_start3A_29 : memref<2x128xi32, #tpu.memory_space<hbm>>) target(%dma_start3A_27 : memref<2x128xi32, #tpu.memory_space<vmem>>) target_semaphore(%arg8 : memref<!tpu.dma_semaphore, #tpu.memory_space<semaphore_mem>>)
    %dma_wait3A = arith.constant 0 : i32
    %dma_wait3A_30 = arith.constant 0 : i32
    %dma_wait3A_31 = arith.constant 0 : i32
    %dma_wait3A_32 = tpu.memref_slice %arg5[%dma_wait3A, %dma_wait3A_30, %dma_wait3A_31] : memref<4x2x128xi32, #tpu.memory_space<vmem>> -> memref<1x2x128xi32, #tpu.memory_space<vmem>>
    %dma_wait3A_33 = tpu.memref_squeeze %dma_wait3A_32 : memref<1x2x128xi32, #tpu.memory_space<vmem>> -> memref<2x128xi32, #tpu.memory_space<vmem>>
    %dma_wait3A_34 = arith.constant 0 : i32
    %dma_wait3A_35 = arith.constant 0 : i32
    %dma_wait3A_36 = tpu.memref_slice %arg3[%dma_wait3A_34, %dma_wait3A_35] : memref<2x320000xi32, #tpu.memory_space<hbm>> -> memref<2x128xi32, #tpu.memory_space<hbm>>
    %dma_wait3A_37 = arith.constant 0 : i32
    %dma_wait3A_38 = arith.constant 0 : i32
    %dma_wait3A_39 = tpu.memref_slice %arg5[%dma_wait3A, %dma_wait3A_37, %dma_wait3A_38] : memref<4x2x128xi32, #tpu.memory_space<vmem>> -> memref<1x2x128xi32, #tpu.memory_space<vmem>>
    %dma_wait3A_40 = tpu.memref_squeeze %dma_wait3A_39 : memref<1x2x128xi32, #tpu.memory_space<vmem>> -> memref<2x128xi32, #tpu.memory_space<vmem>>
    %dma_wait3A_41 = arith.constant 0 : i32
    %dma_wait3A_42 = arith.constant 0 : i32
    %dma_wait3A_43 = tpu.memref_slice %arg3[%dma_wait3A_41, %dma_wait3A_42] : memref<2x320000xi32, #tpu.memory_space<hbm>> -> memref<2x128xi32, #tpu.memory_space<hbm>>
    tpu.wait_dma2 semaphore(%arg8 : memref<!tpu.dma_semaphore, #tpu.memory_space<semaphore_mem>>) src(%dma_wait3A_43 : memref<2x128xi32, #tpu.memory_space<hbm>>) dst(%dma_wait3A_40 : memref<2x128xi32, #tpu.memory_space<vmem>>)
    %dma_start3A_44 = arith.constant 0 : i32
    %dma_start3A_45 = arith.constant 0 : i32
    %dma_start3A_46 = arith.constant 0 : i32
    %dma_start3A_47 = arith.constant 0 : i32
    %dma_start3A_48 = arith.constant 0 : i32
    %dma_start3A_49 = tpu.memref_slice %arg6[%dma_start3A_46, %dma_start3A_47, %dma_start3A_48] : memref<2x128x128xf32, #tpu.memory_space<vmem>> -> memref<1x128x128xf32, #tpu.memory_space<vmem>>
    %dma_start3A_50 = tpu.memref_squeeze %dma_start3A_49 : memref<1x128x128xf32, #tpu.memory_space<vmem>> -> memref<128x128xf32, #tpu.memory_space<vmem>>
    %dma_start3A_51 = arith.constant 0 : i32
    %dma_start3A_52 = tpu.memref_slice %arg5[%dma_start3A_44, %dma_start3A_45, %dma_start3A_51] : memref<4x2x128xi32, #tpu.memory_space<vmem>> -> memref<1x1x128xi32, #tpu.memory_space<vmem>>
    %dma_start3A_53 = tpu.memref_squeeze %dma_start3A_52 : memref<1x1x128xi32, #tpu.memory_space<vmem>> -> memref<128xi32, #tpu.memory_space<vmem>>
    %dma_start3A_54 = arith.constant 0 : i32
    %dma_start3A_55 = arith.constant 0 : i32
    %dma_start3A_56 = tpu.memref_slice %arg2[%dma_start3A_54, %dma_start3A_55] : memref<10000x128xf32, #tpu.memory_space<hbm>> -> memref<10000x128xf32, #tpu.memory_space<hbm>>
    tpu.enqueue_indirect_dma source(%dma_start3A_56 : memref<10000x128xf32, #tpu.memory_space<hbm>>) target(%dma_start3A_50 : memref<128x128xf32, #tpu.memory_space<vmem>>) offsets(%dma_start3A_53 : memref<128xi32, #tpu.memory_space<vmem>>) semaphore(%arg9 : memref<!tpu.dma_semaphore, #tpu.memory_space<semaphore_mem>>)
    %add3A_57 = arith.constant 32 : i32
    %add3A_58 = arith.addi %add3A_57, %add3A : i32
    %mul3A_59 = arith.constant 128 : i32
    %mul3A_60 = arith.muli %add3A_58, %mul3A_59 : i32
    %dma_start3A_61 = arith.constant 1 : i32
    %dma_start3A_62 = arith.constant 0 : i32
    %dma_start3A_63 = arith.constant 0 : i32
    %dma_start3A_64 = tpu.memref_slice %arg5[%dma_start3A_61, %dma_start3A_62, %dma_start3A_63] : memref<4x2x128xi32, #tpu.memory_space<vmem>> -> memref<1x2x128xi32, #tpu.memory_space<vmem>>
    %dma_start3A_65 = tpu.memref_squeeze %dma_start3A_64 : memref<1x2x128xi32, #tpu.memory_space<vmem>> -> memref<2x128xi32, #tpu.memory_space<vmem>>
    %dma_start3A_66 = arith.constant 0 : i32
    %dma_start3A_67 = tpu.memref_slice %arg3[%dma_start3A_66, %mul3A_60] : memref<2x320000xi32, #tpu.memory_space<hbm>> -> memref<2x128xi32, #tpu.memory_space<hbm>>
    %dma_start3A_68 = arith.constant 0 : i32
    %dma_start3A_69 = arith.constant 0 : i32
    %dma_start3A_70 = tpu.memref_slice %arg5[%dma_start3A_61, %dma_start3A_68, %dma_start3A_69] : memref<4x2x128xi32, #tpu.memory_space<vmem>> -> memref<1x2x128xi32, #tpu.memory_space<vmem>>
    %dma_start3A_71 = tpu.memref_squeeze %dma_start3A_70 : memref<1x2x128xi32, #tpu.memory_space<vmem>> -> memref<2x128xi32, #tpu.memory_space<vmem>>
    %dma_start3A_72 = arith.constant 0 : i32
    %dma_start3A_73 = tpu.memref_slice %arg3[%dma_start3A_72, %mul3A_60] : memref<2x320000xi32, #tpu.memory_space<hbm>> -> memref<2x128xi32, #tpu.memory_space<hbm>>
    tpu.enqueue_dma source(%dma_start3A_73 : memref<2x128xi32, #tpu.memory_space<hbm>>) target(%dma_start3A_71 : memref<2x128xi32, #tpu.memory_space<vmem>>) target_semaphore(%arg8 : memref<!tpu.dma_semaphore, #tpu.memory_space<semaphore_mem>>)
    %dma_wait3A_74 = arith.constant 1 : i32
    %dma_wait3A_75 = arith.constant 0 : i32
    %dma_wait3A_76 = arith.constant 0 : i32
    %dma_wait3A_77 = tpu.memref_slice %arg5[%dma_wait3A_74, %dma_wait3A_75, %dma_wait3A_76] : memref<4x2x128xi32, #tpu.memory_space<vmem>> -> memref<1x2x128xi32, #tpu.memory_space<vmem>>
    %dma_wait3A_78 = tpu.memref_squeeze %dma_wait3A_77 : memref<1x2x128xi32, #tpu.memory_space<vmem>> -> memref<2x128xi32, #tpu.memory_space<vmem>>
    %dma_wait3A_79 = arith.constant 0 : i32
    %dma_wait3A_80 = arith.constant 0 : i32
    %dma_wait3A_81 = tpu.memref_slice %arg3[%dma_wait3A_79, %dma_wait3A_80] : memref<2x320000xi32, #tpu.memory_space<hbm>> -> memref<2x128xi32, #tpu.memory_space<hbm>>
    %dma_wait3A_82 = arith.constant 0 : i32
    %dma_wait3A_83 = arith.constant 0 : i32
    %dma_wait3A_84 = tpu.memref_slice %arg5[%dma_wait3A_74, %dma_wait3A_82, %dma_wait3A_83] : memref<4x2x128xi32, #tpu.memory_space<vmem>> -> memref<1x2x128xi32, #tpu.memory_space<vmem>>
    %dma_wait3A_85 = tpu.memref_squeeze %dma_wait3A_84 : memref<1x2x128xi32, #tpu.memory_space<vmem>> -> memref<2x128xi32, #tpu.memory_space<vmem>>
    %dma_wait3A_86 = arith.constant 0 : i32
    %dma_wait3A_87 = arith.constant 0 : i32
    %dma_wait3A_88 = tpu.memref_slice %arg3[%dma_wait3A_86, %dma_wait3A_87] : memref<2x320000xi32, #tpu.memory_space<hbm>> -> memref<2x128xi32, #tpu.memory_space<hbm>>
    tpu.wait_dma2 semaphore(%arg8 : memref<!tpu.dma_semaphore, #tpu.memory_space<semaphore_mem>>) src(%dma_wait3A_88 : memref<2x128xi32, #tpu.memory_space<hbm>>) dst(%dma_wait3A_85 : memref<2x128xi32, #tpu.memory_space<vmem>>)
    %dma_start3A_89 = arith.constant 1 : i32
    %dma_start3A_90 = arith.constant 0 : i32
    %dma_start3A_91 = arith.constant 1 : i32
    %dma_start3A_92 = arith.constant 0 : i32
    %dma_start3A_93 = arith.constant 0 : i32
    %dma_start3A_94 = tpu.memref_slice %arg6[%dma_start3A_91, %dma_start3A_92, %dma_start3A_93] : memref<2x128x128xf32, #tpu.memory_space<vmem>> -> memref<1x128x128xf32, #tpu.memory_space<vmem>>
    %dma_start3A_95 = tpu.memref_squeeze %dma_start3A_94 : memref<1x128x128xf32, #tpu.memory_space<vmem>> -> memref<128x128xf32, #tpu.memory_space<vmem>>
    %dma_start3A_96 = arith.constant 0 : i32
    %dma_start3A_97 = tpu.memref_slice %arg5[%dma_start3A_89, %dma_start3A_90, %dma_start3A_96] : memref<4x2x128xi32, #tpu.memory_space<vmem>> -> memref<1x1x128xi32, #tpu.memory_space<vmem>>
    %dma_start3A_98 = tpu.memref_squeeze %dma_start3A_97 : memref<1x1x128xi32, #tpu.memory_space<vmem>> -> memref<128xi32, #tpu.memory_space<vmem>>
    %dma_start3A_99 = arith.constant 0 : i32
    %dma_start3A_100 = arith.constant 0 : i32
    %dma_start3A_101 = tpu.memref_slice %arg2[%dma_start3A_99, %dma_start3A_100] : memref<10000x128xf32, #tpu.memory_space<hbm>> -> memref<10000x128xf32, #tpu.memory_space<hbm>>
    tpu.enqueue_indirect_dma source(%dma_start3A_101 : memref<10000x128xf32, #tpu.memory_space<hbm>>) target(%dma_start3A_95 : memref<128x128xf32, #tpu.memory_space<vmem>>) offsets(%dma_start3A_98 : memref<128xi32, #tpu.memory_space<vmem>>) semaphore(%arg10 : memref<!tpu.dma_semaphore, #tpu.memory_space<semaphore_mem>>)
    %add3A_102 = arith.constant 64 : i32
    %add3A_103 = arith.addi %add3A_102, %add3A : i32
    %mul3A_104 = arith.constant 128 : i32
    %mul3A_105 = arith.muli %add3A_103, %mul3A_104 : i32
    %dma_start3A_106 = arith.constant 2 : i32
    %dma_start3A_107 = arith.constant 0 : i32
    %dma_start3A_108 = arith.constant 0 : i32
    %dma_start3A_109 = tpu.memref_slice %arg5[%dma_start3A_106, %dma_start3A_107, %dma_start3A_108] : memref<4x2x128xi32, #tpu.memory_space<vmem>> -> memref<1x2x128xi32, #tpu.memory_space<vmem>>
    %dma_start3A_110 = tpu.memref_squeeze %dma_start3A_109 : memref<1x2x128xi32, #tpu.memory_space<vmem>> -> memref<2x128xi32, #tpu.memory_space<vmem>>
    %dma_start3A_111 = arith.constant 0 : i32
    %dma_start3A_112 = tpu.memref_slice %arg3[%dma_start3A_111, %mul3A_105] : memref<2x320000xi32, #tpu.memory_space<hbm>> -> memref<2x128xi32, #tpu.memory_space<hbm>>
    %dma_start3A_113 = arith.constant 0 : i32
    %dma_start3A_114 = arith.constant 0 : i32
    %dma_start3A_115 = tpu.memref_slice %arg5[%dma_start3A_106, %dma_start3A_113, %dma_start3A_114] : memref<4x2x128xi32, #tpu.memory_space<vmem>> -> memref<1x2x128xi32, #tpu.memory_space<vmem>>
    %dma_start3A_116 = tpu.memref_squeeze %dma_start3A_115 : memref<1x2x128xi32, #tpu.memory_space<vmem>> -> memref<2x128xi32, #tpu.memory_space<vmem>>
    %dma_start3A_117 = arith.constant 0 : i32
    %dma_start3A_118 = tpu.memref_slice %arg3[%dma_start3A_117, %mul3A_105] : memref<2x320000xi32, #tpu.memory_space<hbm>> -> memref<2x128xi32, #tpu.memory_space<hbm>>
    tpu.enqueue_dma source(%dma_start3A_118 : memref<2x128xi32, #tpu.memory_space<hbm>>) target(%dma_start3A_116 : memref<2x128xi32, #tpu.memory_space<vmem>>) target_semaphore(%arg8 : memref<!tpu.dma_semaphore, #tpu.memory_space<semaphore_mem>>)
    %dma_wait3A_119 = arith.constant 0 : i32
    %dma_wait3A_120 = arith.constant 0 : i32
    %dma_wait3A_121 = arith.constant 0 : i32
    %dma_wait3A_122 = arith.constant 0 : i32
    %dma_wait3A_123 = arith.constant 0 : i32
    %dma_wait3A_124 = tpu.memref_slice %arg6[%dma_wait3A_121, %dma_wait3A_122, %dma_wait3A_123] : memref<2x128x128xf32, #tpu.memory_space<vmem>> -> memref<1x128x128xf32, #tpu.memory_space<vmem>>
    %dma_wait3A_125 = tpu.memref_squeeze %dma_wait3A_124 : memref<1x128x128xf32, #tpu.memory_space<vmem>> -> memref<128x128xf32, #tpu.memory_space<vmem>>
    %dma_wait3A_126 = arith.constant 0 : i32
    %dma_wait3A_127 = tpu.memref_slice %arg5[%dma_wait3A_119, %dma_wait3A_120, %dma_wait3A_126] : memref<4x2x128xi32, #tpu.memory_space<vmem>> -> memref<1x1x128xi32, #tpu.memory_space<vmem>>
    %dma_wait3A_128 = tpu.memref_squeeze %dma_wait3A_127 : memref<1x1x128xi32, #tpu.memory_space<vmem>> -> memref<128xi32, #tpu.memory_space<vmem>>
    %dma_wait3A_129 = arith.constant 0 : i32
    %dma_wait3A_130 = arith.constant 0 : i32
    %dma_wait3A_131 = tpu.memref_slice %arg2[%dma_wait3A_129, %dma_wait3A_130] : memref<10000x128xf32, #tpu.memory_space<hbm>> -> memref<10000x128xf32, #tpu.memory_space<hbm>>
    tpu.wait_indirect_dma semaphore(%arg9 : memref<!tpu.dma_semaphore, #tpu.memory_space<semaphore_mem>>) src(%dma_wait3A_131 : memref<10000x128xf32, #tpu.memory_space<hbm>>) dst(%dma_wait3A_125 : memref<128x128xf32, #tpu.memory_space<vmem>>)
    %dma_start3A_132 = arith.constant 0 : i32
    %dma_start3A_133 = arith.constant 0 : i32
    %dma_start3A_134 = arith.constant 1 : i32
    %dma_start3A_135 = arith.constant 0 : i32
    %dma_start3A_136 = arith.constant 0 : i32
    %dma_start3A_137 = tpu.memref_slice %arg6[%dma_start3A_132, %dma_start3A_135, %dma_start3A_136] : memref<2x128x128xf32, #tpu.memory_space<vmem>> -> memref<1x128x128xf32, #tpu.memory_space<vmem>>
    %dma_start3A_138 = tpu.memref_squeeze %dma_start3A_137 : memref<1x128x128xf32, #tpu.memory_space<vmem>> -> memref<128x128xf32, #tpu.memory_space<vmem>>
    %dma_start3A_139 = arith.constant 0 : i32
    %dma_start3A_140 = tpu.memref_slice %arg5[%dma_start3A_133, %dma_start3A_134, %dma_start3A_139] : memref<4x2x128xi32, #tpu.memory_space<vmem>> -> memref<1x1x128xi32, #tpu.memory_space<vmem>>
    %dma_start3A_141 = tpu.memref_squeeze %dma_start3A_140 : memref<1x1x128xi32, #tpu.memory_space<vmem>> -> memref<128xi32, #tpu.memory_space<vmem>>
    %dma_start3A_142 = arith.constant 0 : i32
    %dma_start3A_143 = arith.constant 0 : i32
    %dma_start3A_144 = tpu.memref_slice %arg7[%dma_start3A_142, %dma_start3A_143] : memref<10000x128xf32, #tpu.memory_space<vmem_shared>> -> memref<10000x128xf32, #tpu.memory_space<vmem_shared>>
    tpu.enqueue_indirect_dma source(%dma_start3A_138 : memref<128x128xf32, #tpu.memory_space<vmem>>) target(%dma_start3A_144 : memref<10000x128xf32, #tpu.memory_space<vmem_shared>>) offsets(%dma_start3A_141 : memref<128xi32, #tpu.memory_space<vmem>>) semaphore(%arg11 : memref<!tpu.dma_semaphore, #tpu.memory_space<semaphore_mem>>) {add = true}
    %scan3A_145 = arith.constant 0 : i32
    %scan3A_146 = arith.constant 18 : i32
    %scan3A_147 = arith.addi %scan3A_145, %scan3A_146 : i32
    %scan3A_148 = arith.constant 1 : i32
    scf.for %scan3A_530 = %scan3A_145 to %scan3A_147 step %scan3A_148  : i32 {
      %mul3A_531 = arith.constant 1 : i32
      %mul3A_532 = arith.muli %scan3A_530, %mul3A_531 : i32
      %add3A_533 = arith.constant 0 : i32
      %add3A_534 = arith.addi %add3A_533, %mul3A_532 : i32
      %mul3A_535 = arith.constant 4 : i32
      %mul3A_536 = arith.muli %add3A_534, %mul3A_535 : i32
      %add3A_537 = arith.constant 1 : i32
      %add3A_538 = arith.addi %mul3A_536, %add3A_537 : i32
      %dma_wait3A_539 = arith.constant 2 : i32
      %dma_wait3A_540 = arith.constant 0 : i32
      %dma_wait3A_541 = arith.constant 0 : i32
      %dma_wait3A_542 = tpu.memref_slice %arg5[%dma_wait3A_539, %dma_wait3A_540, %dma_wait3A_541] : memref<4x2x128xi32, #tpu.memory_space<vmem>> -> memref<1x2x128xi32, #tpu.memory_space<vmem>>
      %dma_wait3A_543 = tpu.memref_squeeze %dma_wait3A_542 : memref<1x2x128xi32, #tpu.memory_space<vmem>> -> memref<2x128xi32, #tpu.memory_space<vmem>>
      %dma_wait3A_544 = arith.constant 0 : i32
      %dma_wait3A_545 = arith.constant 0 : i32
      %dma_wait3A_546 = tpu.memref_slice %arg3[%dma_wait3A_544, %dma_wait3A_545] : memref<2x320000xi32, #tpu.memory_space<hbm>> -> memref<2x128xi32, #tpu.memory_space<hbm>>
      %dma_wait3A_547 = arith.constant 0 : i32
      %dma_wait3A_548 = arith.constant 0 : i32
      %dma_wait3A_549 = tpu.memref_slice %arg5[%dma_wait3A_539, %dma_wait3A_547, %dma_wait3A_548] : memref<4x2x128xi32, #tpu.memory_space<vmem>> -> memref<1x2x128xi32, #tpu.memory_space<vmem>>
      %dma_wait3A_550 = tpu.memref_squeeze %dma_wait3A_549 : memref<1x2x128xi32, #tpu.memory_space<vmem>> -> memref<2x128xi32, #tpu.memory_space<vmem>>
      %dma_wait3A_551 = arith.constant 0 : i32
      %dma_wait3A_552 = arith.constant 0 : i32
      %dma_wait3A_553 = tpu.memref_slice %arg3[%dma_wait3A_551, %dma_wait3A_552] : memref<2x320000xi32, #tpu.memory_space<hbm>> -> memref<2x128xi32, #tpu.memory_space<hbm>>
      tpu.wait_dma2 semaphore(%arg8 : memref<!tpu.dma_semaphore, #tpu.memory_space<semaphore_mem>>) src(%dma_wait3A_553 : memref<2x128xi32, #tpu.memory_space<hbm>>) dst(%dma_wait3A_550 : memref<2x128xi32, #tpu.memory_space<vmem>>)
      %dma_wait3A_554 = arith.constant 0 : i32
      %dma_wait3A_555 = arith.constant 0 : i32
      %dma_wait3A_556 = arith.constant 1 : i32
      %dma_wait3A_557 = arith.constant 0 : i32
      %dma_wait3A_558 = arith.constant 0 : i32
      %dma_wait3A_559 = tpu.memref_slice %arg6[%dma_wait3A_554, %dma_wait3A_557, %dma_wait3A_558] : memref<2x128x128xf32, #tpu.memory_space<vmem>> -> memref<1x128x128xf32, #tpu.memory_space<vmem>>
      %dma_wait3A_560 = tpu.memref_squeeze %dma_wait3A_559 : memref<1x128x128xf32, #tpu.memory_space<vmem>> -> memref<128x128xf32, #tpu.memory_space<vmem>>
      %dma_wait3A_561 = arith.constant 0 : i32
      %dma_wait3A_562 = tpu.memref_slice %arg5[%dma_wait3A_555, %dma_wait3A_556, %dma_wait3A_561] : memref<4x2x128xi32, #tpu.memory_space<vmem>> -> memref<1x1x128xi32, #tpu.memory_space<vmem>>
      %dma_wait3A_563 = tpu.memref_squeeze %dma_wait3A_562 : memref<1x1x128xi32, #tpu.memory_space<vmem>> -> memref<128xi32, #tpu.memory_space<vmem>>
      %dma_wait3A_564 = arith.constant 0 : i32
      %dma_wait3A_565 = arith.constant 0 : i32
      %dma_wait3A_566 = tpu.memref_slice %arg7[%dma_wait3A_564, %dma_wait3A_565] : memref<10000x128xf32, #tpu.memory_space<vmem_shared>> -> memref<10000x128xf32, #tpu.memory_space<vmem_shared>>
      tpu.wait_indirect_dma semaphore(%arg11 : memref<!tpu.dma_semaphore, #tpu.memory_space<semaphore_mem>>) src(%dma_wait3A_560 : memref<128x128xf32, #tpu.memory_space<vmem>>) dst(%dma_wait3A_566 : memref<10000x128xf32, #tpu.memory_space<vmem_shared>>)
      %dma_start3A_567 = arith.constant 2 : i32
      %dma_start3A_568 = arith.constant 0 : i32
      %dma_start3A_569 = arith.constant 0 : i32
      %dma_start3A_570 = arith.constant 0 : i32
      %dma_start3A_571 = arith.constant 0 : i32
      %dma_start3A_572 = tpu.memref_slice %arg6[%dma_start3A_569, %dma_start3A_570, %dma_start3A_571] : memref<2x128x128xf32, #tpu.memory_space<vmem>> -> memref<1x128x128xf32, #tpu.memory_space<vmem>>
      %dma_start3A_573 = tpu.memref_squeeze %dma_start3A_572 : memref<1x128x128xf32, #tpu.memory_space<vmem>> -> memref<128x128xf32, #tpu.memory_space<vmem>>
      %dma_start3A_574 = arith.constant 0 : i32
      %dma_start3A_575 = tpu.memref_slice %arg5[%dma_start3A_567, %dma_start3A_568, %dma_start3A_574] : memref<4x2x128xi32, #tpu.memory_space<vmem>> -> memref<1x1x128xi32, #tpu.memory_space<vmem>>
      %dma_start3A_576 = tpu.memref_squeeze %dma_start3A_575 : memref<1x1x128xi32, #tpu.memory_space<vmem>> -> memref<128xi32, #tpu.memory_space<vmem>>
      %dma_start3A_577 = arith.constant 0 : i32
      %dma_start3A_578 = arith.constant 0 : i32
      %dma_start3A_579 = tpu.memref_slice %arg2[%dma_start3A_577, %dma_start3A_578] : memref<10000x128xf32, #tpu.memory_space<hbm>> -> memref<10000x128xf32, #tpu.memory_space<hbm>>
      tpu.enqueue_indirect_dma source(%dma_start3A_579 : memref<10000x128xf32, #tpu.memory_space<hbm>>) target(%dma_start3A_573 : memref<128x128xf32, #tpu.memory_space<vmem>>) offsets(%dma_start3A_576 : memref<128xi32, #tpu.memory_space<vmem>>) semaphore(%arg9 : memref<!tpu.dma_semaphore, #tpu.memory_space<semaphore_mem>>)
      %add3A_580 = arith.constant 0 : i32
      %add3A_581 = arith.addi %add3A_538, %add3A_580 : i32
      %add3A_582 = arith.constant 2 : i32
      %add3A_583 = arith.addi %add3A_581, %add3A_582 : i32
      %mul3A_584 = arith.constant 32 : i32
      %mul3A_585 = arith.muli %add3A_583, %mul3A_584 : i32
      %add3A_586 = arith.addi %mul3A_585, %add3A : i32
      %mul3A_587 = arith.constant 128 : i32
      %mul3A_588 = arith.muli %add3A_586, %mul3A_587 : i32
      %dma_start3A_589 = arith.constant 3 : i32
      %dma_start3A_590 = arith.constant 0 : i32
      %dma_start3A_591 = arith.constant 0 : i32
      %dma_start3A_592 = tpu.memref_slice %arg5[%dma_start3A_589, %dma_start3A_590, %dma_start3A_591] : memref<4x2x128xi32, #tpu.memory_space<vmem>> -> memref<1x2x128xi32, #tpu.memory_space<vmem>>
      %dma_start3A_593 = tpu.memref_squeeze %dma_start3A_592 : memref<1x2x128xi32, #tpu.memory_space<vmem>> -> memref<2x128xi32, #tpu.memory_space<vmem>>
      %dma_start3A_594 = arith.constant 0 : i32
      %dma_start3A_595 = tpu.memref_slice %arg3[%dma_start3A_594, %mul3A_588] : memref<2x320000xi32, #tpu.memory_space<hbm>> -> memref<2x128xi32, #tpu.memory_space<hbm>>
      %dma_start3A_596 = arith.constant 0 : i32
      %dma_start3A_597 = arith.constant 0 : i32
      %dma_start3A_598 = tpu.memref_slice %arg5[%dma_start3A_589, %dma_start3A_596, %dma_start3A_597] : memref<4x2x128xi32, #tpu.memory_space<vmem>> -> memref<1x2x128xi32, #tpu.memory_space<vmem>>
      %dma_start3A_599 = tpu.memref_squeeze %dma_start3A_598 : memref<1x2x128xi32, #tpu.memory_space<vmem>> -> memref<2x128xi32, #tpu.memory_space<vmem>>
      %dma_start3A_600 = arith.constant 0 : i32
      %dma_start3A_601 = tpu.memref_slice %arg3[%dma_start3A_600, %mul3A_588] : memref<2x320000xi32, #tpu.memory_space<hbm>> -> memref<2x128xi32, #tpu.memory_space<hbm>>
      tpu.enqueue_dma source(%dma_start3A_601 : memref<2x128xi32, #tpu.memory_space<hbm>>) target(%dma_start3A_599 : memref<2x128xi32, #tpu.memory_space<vmem>>) target_semaphore(%arg8 : memref<!tpu.dma_semaphore, #tpu.memory_space<semaphore_mem>>)
      %dma_wait3A_602 = arith.constant 1 : i32
      %dma_wait3A_603 = arith.constant 0 : i32
      %dma_wait3A_604 = arith.constant 1 : i32
      %dma_wait3A_605 = arith.constant 0 : i32
      %dma_wait3A_606 = arith.constant 0 : i32
      %dma_wait3A_607 = tpu.memref_slice %arg6[%dma_wait3A_604, %dma_wait3A_605, %dma_wait3A_606] : memref<2x128x128xf32, #tpu.memory_space<vmem>> -> memref<1x128x128xf32, #tpu.memory_space<vmem>>
      %dma_wait3A_608 = tpu.memref_squeeze %dma_wait3A_607 : memref<1x128x128xf32, #tpu.memory_space<vmem>> -> memref<128x128xf32, #tpu.memory_space<vmem>>
      %dma_wait3A_609 = arith.constant 0 : i32
      %dma_wait3A_610 = tpu.memref_slice %arg5[%dma_wait3A_602, %dma_wait3A_603, %dma_wait3A_609] : memref<4x2x128xi32, #tpu.memory_space<vmem>> -> memref<1x1x128xi32, #tpu.memory_space<vmem>>
      %dma_wait3A_611 = tpu.memref_squeeze %dma_wait3A_610 : memref<1x1x128xi32, #tpu.memory_space<vmem>> -> memref<128xi32, #tpu.memory_space<vmem>>
      %dma_wait3A_612 = arith.constant 0 : i32
      %dma_wait3A_613 = arith.constant 0 : i32
      %dma_wait3A_614 = tpu.memref_slice %arg2[%dma_wait3A_612, %dma_wait3A_613] : memref<10000x128xf32, #tpu.memory_space<hbm>> -> memref<10000x128xf32, #tpu.memory_space<hbm>>
      tpu.wait_indirect_dma semaphore(%arg10 : memref<!tpu.dma_semaphore, #tpu.memory_space<semaphore_mem>>) src(%dma_wait3A_614 : memref<10000x128xf32, #tpu.memory_space<hbm>>) dst(%dma_wait3A_608 : memref<128x128xf32, #tpu.memory_space<vmem>>)
      %dma_start3A_615 = arith.constant 1 : i32
      %dma_start3A_616 = arith.constant 1 : i32
      %dma_start3A_617 = arith.constant 1 : i32
      %dma_start3A_618 = arith.constant 0 : i32
      %dma_start3A_619 = arith.constant 0 : i32
      %dma_start3A_620 = tpu.memref_slice %arg6[%dma_start3A_615, %dma_start3A_618, %dma_start3A_619] : memref<2x128x128xf32, #tpu.memory_space<vmem>> -> memref<1x128x128xf32, #tpu.memory_space<vmem>>
      %dma_start3A_621 = tpu.memref_squeeze %dma_start3A_620 : memref<1x128x128xf32, #tpu.memory_space<vmem>> -> memref<128x128xf32, #tpu.memory_space<vmem>>
      %dma_start3A_622 = arith.constant 0 : i32
      %dma_start3A_623 = tpu.memref_slice %arg5[%dma_start3A_616, %dma_start3A_617, %dma_start3A_622] : memref<4x2x128xi32, #tpu.memory_space<vmem>> -> memref<1x1x128xi32, #tpu.memory_space<vmem>>
      %dma_start3A_624 = tpu.memref_squeeze %dma_start3A_623 : memref<1x1x128xi32, #tpu.memory_space<vmem>> -> memref<128xi32, #tpu.memory_space<vmem>>
      %dma_start3A_625 = arith.constant 0 : i32
      %dma_start3A_626 = arith.constant 0 : i32
      %dma_start3A_627 = tpu.memref_slice %arg7[%dma_start3A_625, %dma_start3A_626] : memref<10000x128xf32, #tpu.memory_space<vmem_shared>> -> memref<10000x128xf32, #tpu.memory_space<vmem_shared>>
      tpu.enqueue_indirect_dma source(%dma_start3A_621 : memref<128x128xf32, #tpu.memory_space<vmem>>) target(%dma_start3A_627 : memref<10000x128xf32, #tpu.memory_space<vmem_shared>>) offsets(%dma_start3A_624 : memref<128xi32, #tpu.memory_space<vmem>>) semaphore(%arg11 : memref<!tpu.dma_semaphore, #tpu.memory_space<semaphore_mem>>) {add = true}
      %dma_wait3A_628 = arith.constant 3 : i32
      %dma_wait3A_629 = arith.constant 0 : i32
      %dma_wait3A_630 = arith.constant 0 : i32
      %dma_wait3A_631 = tpu.memref_slice %arg5[%dma_wait3A_628, %dma_wait3A_629, %dma_wait3A_630] : memref<4x2x128xi32, #tpu.memory_space<vmem>> -> memref<1x2x128xi32, #tpu.memory_space<vmem>>
      %dma_wait3A_632 = tpu.memref_squeeze %dma_wait3A_631 : memref<1x2x128xi32, #tpu.memory_space<vmem>> -> memref<2x128xi32, #tpu.memory_space<vmem>>
      %dma_wait3A_633 = arith.constant 0 : i32
      %dma_wait3A_634 = arith.constant 0 : i32
      %dma_wait3A_635 = tpu.memref_slice %arg3[%dma_wait3A_633, %dma_wait3A_634] : memref<2x320000xi32, #tpu.memory_space<hbm>> -> memref<2x128xi32, #tpu.memory_space<hbm>>
      %dma_wait3A_636 = arith.constant 0 : i32
      %dma_wait3A_637 = arith.constant 0 : i32
      %dma_wait3A_638 = tpu.memref_slice %arg5[%dma_wait3A_628, %dma_wait3A_636, %dma_wait3A_637] : memref<4x2x128xi32, #tpu.memory_space<vmem>> -> memref<1x2x128xi32, #tpu.memory_space<vmem>>
      %dma_wait3A_639 = tpu.memref_squeeze %dma_wait3A_638 : memref<1x2x128xi32, #tpu.memory_space<vmem>> -> memref<2x128xi32, #tpu.memory_space<vmem>>
      %dma_wait3A_640 = arith.constant 0 : i32
      %dma_wait3A_641 = arith.constant 0 : i32
      %dma_wait3A_642 = tpu.memref_slice %arg3[%dma_wait3A_640, %dma_wait3A_641] : memref<2x320000xi32, #tpu.memory_space<hbm>> -> memref<2x128xi32, #tpu.memory_space<hbm>>
      tpu.wait_dma2 semaphore(%arg8 : memref<!tpu.dma_semaphore, #tpu.memory_space<semaphore_mem>>) src(%dma_wait3A_642 : memref<2x128xi32, #tpu.memory_space<hbm>>) dst(%dma_wait3A_639 : memref<2x128xi32, #tpu.memory_space<vmem>>)
      %dma_wait3A_643 = arith.constant 1 : i32
      %dma_wait3A_644 = arith.constant 1 : i32
      %dma_wait3A_645 = arith.constant 1 : i32
      %dma_wait3A_646 = arith.constant 0 : i32
      %dma_wait3A_647 = arith.constant 0 : i32
      %dma_wait3A_648 = tpu.memref_slice %arg6[%dma_wait3A_643, %dma_wait3A_646, %dma_wait3A_647] : memref<2x128x128xf32, #tpu.memory_space<vmem>> -> memref<1x128x128xf32, #tpu.memory_space<vmem>>
      %dma_wait3A_649 = tpu.memref_squeeze %dma_wait3A_648 : memref<1x128x128xf32, #tpu.memory_space<vmem>> -> memref<128x128xf32, #tpu.memory_space<vmem>>
      %dma_wait3A_650 = arith.constant 0 : i32
      %dma_wait3A_651 = tpu.memref_slice %arg5[%dma_wait3A_644, %dma_wait3A_645, %dma_wait3A_650] : memref<4x2x128xi32, #tpu.memory_space<vmem>> -> memref<1x1x128xi32, #tpu.memory_space<vmem>>
      %dma_wait3A_652 = tpu.memref_squeeze %dma_wait3A_651 : memref<1x1x128xi32, #tpu.memory_space<vmem>> -> memref<128xi32, #tpu.memory_space<vmem>>
      %dma_wait3A_653 = arith.constant 0 : i32
      %dma_wait3A_654 = arith.constant 0 : i32
      %dma_wait3A_655 = tpu.memref_slice %arg7[%dma_wait3A_653, %dma_wait3A_654] : memref<10000x128xf32, #tpu.memory_space<vmem_shared>> -> memref<10000x128xf32, #tpu.memory_space<vmem_shared>>
      tpu.wait_indirect_dma semaphore(%arg11 : memref<!tpu.dma_semaphore, #tpu.memory_space<semaphore_mem>>) src(%dma_wait3A_649 : memref<128x128xf32, #tpu.memory_space<vmem>>) dst(%dma_wait3A_655 : memref<10000x128xf32, #tpu.memory_space<vmem_shared>>)
      %dma_start3A_656 = arith.constant 3 : i32
      %dma_start3A_657 = arith.constant 0 : i32
      %dma_start3A_658 = arith.constant 1 : i32
      %dma_start3A_659 = arith.constant 0 : i32
      %dma_start3A_660 = arith.constant 0 : i32
      %dma_start3A_661 = tpu.memref_slice %arg6[%dma_start3A_658, %dma_start3A_659, %dma_start3A_660] : memref<2x128x128xf32, #tpu.memory_space<vmem>> -> memref<1x128x128xf32, #tpu.memory_space<vmem>>
      %dma_start3A_662 = tpu.memref_squeeze %dma_start3A_661 : memref<1x128x128xf32, #tpu.memory_space<vmem>> -> memref<128x128xf32, #tpu.memory_space<vmem>>
      %dma_start3A_663 = arith.constant 0 : i32
      %dma_start3A_664 = tpu.memref_slice %arg5[%dma_start3A_656, %dma_start3A_657, %dma_start3A_663] : memref<4x2x128xi32, #tpu.memory_space<vmem>> -> memref<1x1x128xi32, #tpu.memory_space<vmem>>
      %dma_start3A_665 = tpu.memref_squeeze %dma_start3A_664 : memref<1x1x128xi32, #tpu.memory_space<vmem>> -> memref<128xi32, #tpu.memory_space<vmem>>
      %dma_start3A_666 = arith.constant 0 : i32
      %dma_start3A_667 = arith.constant 0 : i32
      %dma_start3A_668 = tpu.memref_slice %arg2[%dma_start3A_666, %dma_start3A_667] : memref<10000x128xf32, #tpu.memory_space<hbm>> -> memref<10000x128xf32, #tpu.memory_space<hbm>>
      tpu.enqueue_indirect_dma source(%dma_start3A_668 : memref<10000x128xf32, #tpu.memory_space<hbm>>) target(%dma_start3A_662 : memref<128x128xf32, #tpu.memory_space<vmem>>) offsets(%dma_start3A_665 : memref<128xi32, #tpu.memory_space<vmem>>) semaphore(%arg10 : memref<!tpu.dma_semaphore, #tpu.memory_space<semaphore_mem>>)
      %add3A_669 = arith.constant 1 : i32
      %add3A_670 = arith.addi %add3A_538, %add3A_669 : i32
      %add3A_671 = arith.constant 2 : i32
      %add3A_672 = arith.addi %add3A_670, %add3A_671 : i32
      %mul3A_673 = arith.constant 32 : i32
      %mul3A_674 = arith.muli %add3A_672, %mul3A_673 : i32
      %add3A_675 = arith.addi %mul3A_674, %add3A : i32
      %mul3A_676 = arith.constant 128 : i32
      %mul3A_677 = arith.muli %add3A_675, %mul3A_676 : i32
      %dma_start3A_678 = arith.constant 0 : i32
      %dma_start3A_679 = arith.constant 0 : i32
      %dma_start3A_680 = arith.constant 0 : i32
      %dma_start3A_681 = tpu.memref_slice %arg5[%dma_start3A_678, %dma_start3A_679, %dma_start3A_680] : memref<4x2x128xi32, #tpu.memory_space<vmem>> -> memref<1x2x128xi32, #tpu.memory_space<vmem>>
      %dma_start3A_682 = tpu.memref_squeeze %dma_start3A_681 : memref<1x2x128xi32, #tpu.memory_space<vmem>> -> memref<2x128xi32, #tpu.memory_space<vmem>>
      %dma_start3A_683 = arith.constant 0 : i32
      %dma_start3A_684 = tpu.memref_slice %arg3[%dma_start3A_683, %mul3A_677] : memref<2x320000xi32, #tpu.memory_space<hbm>> -> memref<2x128xi32, #tpu.memory_space<hbm>>
      %dma_start3A_685 = arith.constant 0 : i32
      %dma_start3A_686 = arith.constant 0 : i32
      %dma_start3A_687 = tpu.memref_slice %arg5[%dma_start3A_678, %dma_start3A_685, %dma_start3A_686] : memref<4x2x128xi32, #tpu.memory_space<vmem>> -> memref<1x2x128xi32, #tpu.memory_space<vmem>>
      %dma_start3A_688 = tpu.memref_squeeze %dma_start3A_687 : memref<1x2x128xi32, #tpu.memory_space<vmem>> -> memref<2x128xi32, #tpu.memory_space<vmem>>
      %dma_start3A_689 = arith.constant 0 : i32
      %dma_start3A_690 = tpu.memref_slice %arg3[%dma_start3A_689, %mul3A_677] : memref<2x320000xi32, #tpu.memory_space<hbm>> -> memref<2x128xi32, #tpu.memory_space<hbm>>
      tpu.enqueue_dma source(%dma_start3A_690 : memref<2x128xi32, #tpu.memory_space<hbm>>) target(%dma_start3A_688 : memref<2x128xi32, #tpu.memory_space<vmem>>) target_semaphore(%arg8 : memref<!tpu.dma_semaphore, #tpu.memory_space<semaphore_mem>>)
      %dma_wait3A_691 = arith.constant 2 : i32
      %dma_wait3A_692 = arith.constant 0 : i32
      %dma_wait3A_693 = arith.constant 0 : i32
      %dma_wait3A_694 = arith.constant 0 : i32
      %dma_wait3A_695 = arith.constant 0 : i32
      %dma_wait3A_696 = tpu.memref_slice %arg6[%dma_wait3A_693, %dma_wait3A_694, %dma_wait3A_695] : memref<2x128x128xf32, #tpu.memory_space<vmem>> -> memref<1x128x128xf32, #tpu.memory_space<vmem>>
      %dma_wait3A_697 = tpu.memref_squeeze %dma_wait3A_696 : memref<1x128x128xf32, #tpu.memory_space<vmem>> -> memref<128x128xf32, #tpu.memory_space<vmem>>
      %dma_wait3A_698 = arith.constant 0 : i32
      %dma_wait3A_699 = tpu.memref_slice %arg5[%dma_wait3A_691, %dma_wait3A_692, %dma_wait3A_698] : memref<4x2x128xi32, #tpu.memory_space<vmem>> -> memref<1x1x128xi32, #tpu.memory_space<vmem>>
      %dma_wait3A_700 = tpu.memref_squeeze %dma_wait3A_699 : memref<1x1x128xi32, #tpu.memory_space<vmem>> -> memref<128xi32, #tpu.memory_space<vmem>>
      %dma_wait3A_701 = arith.constant 0 : i32
      %dma_wait3A_702 = arith.constant 0 : i32
      %dma_wait3A_703 = tpu.memref_slice %arg2[%dma_wait3A_701, %dma_wait3A_702] : memref<10000x128xf32, #tpu.memory_space<hbm>> -> memref<10000x128xf32, #tpu.memory_space<hbm>>
      tpu.wait_indirect_dma semaphore(%arg9 : memref<!tpu.dma_semaphore, #tpu.memory_space<semaphore_mem>>) src(%dma_wait3A_703 : memref<10000x128xf32, #tpu.memory_space<hbm>>) dst(%dma_wait3A_697 : memref<128x128xf32, #tpu.memory_space<vmem>>)
      %dma_start3A_704 = arith.constant 0 : i32
      %dma_start3A_705 = arith.constant 2 : i32
      %dma_start3A_706 = arith.constant 1 : i32
      %dma_start3A_707 = arith.constant 0 : i32
      %dma_start3A_708 = arith.constant 0 : i32
      %dma_start3A_709 = tpu.memref_slice %arg6[%dma_start3A_704, %dma_start3A_707, %dma_start3A_708] : memref<2x128x128xf32, #tpu.memory_space<vmem>> -> memref<1x128x128xf32, #tpu.memory_space<vmem>>
      %dma_start3A_710 = tpu.memref_squeeze %dma_start3A_709 : memref<1x128x128xf32, #tpu.memory_space<vmem>> -> memref<128x128xf32, #tpu.memory_space<vmem>>
      %dma_start3A_711 = arith.constant 0 : i32
      %dma_start3A_712 = tpu.memref_slice %arg5[%dma_start3A_705, %dma_start3A_706, %dma_start3A_711] : memref<4x2x128xi32, #tpu.memory_space<vmem>> -> memref<1x1x128xi32, #tpu.memory_space<vmem>>
      %dma_start3A_713 = tpu.memref_squeeze %dma_start3A_712 : memref<1x1x128xi32, #tpu.memory_space<vmem>> -> memref<128xi32, #tpu.memory_space<vmem>>
      %dma_start3A_714 = arith.constant 0 : i32
      %dma_start3A_715 = arith.constant 0 : i32
      %dma_start3A_716 = tpu.memref_slice %arg7[%dma_start3A_714, %dma_start3A_715] : memref<10000x128xf32, #tpu.memory_space<vmem_shared>> -> memref<10000x128xf32, #tpu.memory_space<vmem_shared>>
      tpu.enqueue_indirect_dma source(%dma_start3A_710 : memref<128x128xf32, #tpu.memory_space<vmem>>) target(%dma_start3A_716 : memref<10000x128xf32, #tpu.memory_space<vmem_shared>>) offsets(%dma_start3A_713 : memref<128xi32, #tpu.memory_space<vmem>>) semaphore(%arg11 : memref<!tpu.dma_semaphore, #tpu.memory_space<semaphore_mem>>) {add = true}
      %dma_wait3A_717 = arith.constant 0 : i32
      %dma_wait3A_718 = arith.constant 0 : i32
      %dma_wait3A_719 = arith.constant 0 : i32
      %dma_wait3A_720 = tpu.memref_slice %arg5[%dma_wait3A_717, %dma_wait3A_718, %dma_wait3A_719] : memref<4x2x128xi32, #tpu.memory_space<vmem>> -> memref<1x2x128xi32, #tpu.memory_space<vmem>>
      %dma_wait3A_721 = tpu.memref_squeeze %dma_wait3A_720 : memref<1x2x128xi32, #tpu.memory_space<vmem>> -> memref<2x128xi32, #tpu.memory_space<vmem>>
      %dma_wait3A_722 = arith.constant 0 : i32
      %dma_wait3A_723 = arith.constant 0 : i32
      %dma_wait3A_724 = tpu.memref_slice %arg3[%dma_wait3A_722, %dma_wait3A_723] : memref<2x320000xi32, #tpu.memory_space<hbm>> -> memref<2x128xi32, #tpu.memory_space<hbm>>
      %dma_wait3A_725 = arith.constant 0 : i32
      %dma_wait3A_726 = arith.constant 0 : i32
      %dma_wait3A_727 = tpu.memref_slice %arg5[%dma_wait3A_717, %dma_wait3A_725, %dma_wait3A_726] : memref<4x2x128xi32, #tpu.memory_space<vmem>> -> memref<1x2x128xi32, #tpu.memory_space<vmem>>
      %dma_wait3A_728 = tpu.memref_squeeze %dma_wait3A_727 : memref<1x2x128xi32, #tpu.memory_space<vmem>> -> memref<2x128xi32, #tpu.memory_space<vmem>>
      %dma_wait3A_729 = arith.constant 0 : i32
      %dma_wait3A_730 = arith.constant 0 : i32
      %dma_wait3A_731 = tpu.memref_slice %arg3[%dma_wait3A_729, %dma_wait3A_730] : memref<2x320000xi32, #tpu.memory_space<hbm>> -> memref<2x128xi32, #tpu.memory_space<hbm>>
      tpu.wait_dma2 semaphore(%arg8 : memref<!tpu.dma_semaphore, #tpu.memory_space<semaphore_mem>>) src(%dma_wait3A_731 : memref<2x128xi32, #tpu.memory_space<hbm>>) dst(%dma_wait3A_728 : memref<2x128xi32, #tpu.memory_space<vmem>>)
      %dma_wait3A_732 = arith.constant 0 : i32
      %dma_wait3A_733 = arith.constant 2 : i32
      %dma_wait3A_734 = arith.constant 1 : i32
      %dma_wait3A_735 = arith.constant 0 : i32
      %dma_wait3A_736 = arith.constant 0 : i32
      %dma_wait3A_737 = tpu.memref_slice %arg6[%dma_wait3A_732, %dma_wait3A_735, %dma_wait3A_736] : memref<2x128x128xf32, #tpu.memory_space<vmem>> -> memref<1x128x128xf32, #tpu.memory_space<vmem>>
      %dma_wait3A_738 = tpu.memref_squeeze %dma_wait3A_737 : memref<1x128x128xf32, #tpu.memory_space<vmem>> -> memref<128x128xf32, #tpu.memory_space<vmem>>
      %dma_wait3A_739 = arith.constant 0 : i32
      %dma_wait3A_740 = tpu.memref_slice %arg5[%dma_wait3A_733, %dma_wait3A_734, %dma_wait3A_739] : memref<4x2x128xi32, #tpu.memory_space<vmem>> -> memref<1x1x128xi32, #tpu.memory_space<vmem>>
      %dma_wait3A_741 = tpu.memref_squeeze %dma_wait3A_740 : memref<1x1x128xi32, #tpu.memory_space<vmem>> -> memref<128xi32, #tpu.memory_space<vmem>>
      %dma_wait3A_742 = arith.constant 0 : i32
      %dma_wait3A_743 = arith.constant 0 : i32
      %dma_wait3A_744 = tpu.memref_slice %arg7[%dma_wait3A_742, %dma_wait3A_743] : memref<10000x128xf32, #tpu.memory_space<vmem_shared>> -> memref<10000x128xf32, #tpu.memory_space<vmem_shared>>
      tpu.wait_indirect_dma semaphore(%arg11 : memref<!tpu.dma_semaphore, #tpu.memory_space<semaphore_mem>>) src(%dma_wait3A_738 : memref<128x128xf32, #tpu.memory_space<vmem>>) dst(%dma_wait3A_744 : memref<10000x128xf32, #tpu.memory_space<vmem_shared>>)
      %dma_start3A_745 = arith.constant 0 : i32
      %dma_start3A_746 = arith.constant 0 : i32
      %dma_start3A_747 = arith.constant 0 : i32
      %dma_start3A_748 = arith.constant 0 : i32
      %dma_start3A_749 = arith.constant 0 : i32
      %dma_start3A_750 = tpu.memref_slice %arg6[%dma_start3A_747, %dma_start3A_748, %dma_start3A_749] : memref<2x128x128xf32, #tpu.memory_space<vmem>> -> memref<1x128x128xf32, #tpu.memory_space<vmem>>
      %dma_start3A_751 = tpu.memref_squeeze %dma_start3A_750 : memref<1x128x128xf32, #tpu.memory_space<vmem>> -> memref<128x128xf32, #tpu.memory_space<vmem>>
      %dma_start3A_752 = arith.constant 0 : i32
      %dma_start3A_753 = tpu.memref_slice %arg5[%dma_start3A_745, %dma_start3A_746, %dma_start3A_752] : memref<4x2x128xi32, #tpu.memory_space<vmem>> -> memref<1x1x128xi32, #tpu.memory_space<vmem>>
      %dma_start3A_754 = tpu.memref_squeeze %dma_start3A_753 : memref<1x1x128xi32, #tpu.memory_space<vmem>> -> memref<128xi32, #tpu.memory_space<vmem>>
      %dma_start3A_755 = arith.constant 0 : i32
      %dma_start3A_756 = arith.constant 0 : i32
      %dma_start3A_757 = tpu.memref_slice %arg2[%dma_start3A_755, %dma_start3A_756] : memref<10000x128xf32, #tpu.memory_space<hbm>> -> memref<10000x128xf32, #tpu.memory_space<hbm>>
      tpu.enqueue_indirect_dma source(%dma_start3A_757 : memref<10000x128xf32, #tpu.memory_space<hbm>>) target(%dma_start3A_751 : memref<128x128xf32, #tpu.memory_space<vmem>>) offsets(%dma_start3A_754 : memref<128xi32, #tpu.memory_space<vmem>>) semaphore(%arg9 : memref<!tpu.dma_semaphore, #tpu.memory_space<semaphore_mem>>)
      %add3A_758 = arith.constant 2 : i32
      %add3A_759 = arith.addi %add3A_538, %add3A_758 : i32
      %add3A_760 = arith.constant 2 : i32
      %add3A_761 = arith.addi %add3A_759, %add3A_760 : i32
      %mul3A_762 = arith.constant 32 : i32
      %mul3A_763 = arith.muli %add3A_761, %mul3A_762 : i32
      %add3A_764 = arith.addi %mul3A_763, %add3A : i32
      %mul3A_765 = arith.constant 128 : i32
      %mul3A_766 = arith.muli %add3A_764, %mul3A_765 : i32
      %dma_start3A_767 = arith.constant 1 : i32
      %dma_start3A_768 = arith.constant 0 : i32
      %dma_start3A_769 = arith.constant 0 : i32
      %dma_start3A_770 = tpu.memref_slice %arg5[%dma_start3A_767, %dma_start3A_768, %dma_start3A_769] : memref<4x2x128xi32, #tpu.memory_space<vmem>> -> memref<1x2x128xi32, #tpu.memory_space<vmem>>
      %dma_start3A_771 = tpu.memref_squeeze %dma_start3A_770 : memref<1x2x128xi32, #tpu.memory_space<vmem>> -> memref<2x128xi32, #tpu.memory_space<vmem>>
      %dma_start3A_772 = arith.constant 0 : i32
      %dma_start3A_773 = tpu.memref_slice %arg3[%dma_start3A_772, %mul3A_766] : memref<2x320000xi32, #tpu.memory_space<hbm>> -> memref<2x128xi32, #tpu.memory_space<hbm>>
      %dma_start3A_774 = arith.constant 0 : i32
      %dma_start3A_775 = arith.constant 0 : i32
      %dma_start3A_776 = tpu.memref_slice %arg5[%dma_start3A_767, %dma_start3A_774, %dma_start3A_775] : memref<4x2x128xi32, #tpu.memory_space<vmem>> -> memref<1x2x128xi32, #tpu.memory_space<vmem>>
      %dma_start3A_777 = tpu.memref_squeeze %dma_start3A_776 : memref<1x2x128xi32, #tpu.memory_space<vmem>> -> memref<2x128xi32, #tpu.memory_space<vmem>>
      %dma_start3A_778 = arith.constant 0 : i32
      %dma_start3A_779 = tpu.memref_slice %arg3[%dma_start3A_778, %mul3A_766] : memref<2x320000xi32, #tpu.memory_space<hbm>> -> memref<2x128xi32, #tpu.memory_space<hbm>>
      tpu.enqueue_dma source(%dma_start3A_779 : memref<2x128xi32, #tpu.memory_space<hbm>>) target(%dma_start3A_777 : memref<2x128xi32, #tpu.memory_space<vmem>>) target_semaphore(%arg8 : memref<!tpu.dma_semaphore, #tpu.memory_space<semaphore_mem>>)
      %dma_wait3A_780 = arith.constant 3 : i32
      %dma_wait3A_781 = arith.constant 0 : i32
      %dma_wait3A_782 = arith.constant 1 : i32
      %dma_wait3A_783 = arith.constant 0 : i32
      %dma_wait3A_784 = arith.constant 0 : i32
      %dma_wait3A_785 = tpu.memref_slice %arg6[%dma_wait3A_782, %dma_wait3A_783, %dma_wait3A_784] : memref<2x128x128xf32, #tpu.memory_space<vmem>> -> memref<1x128x128xf32, #tpu.memory_space<vmem>>
      %dma_wait3A_786 = tpu.memref_squeeze %dma_wait3A_785 : memref<1x128x128xf32, #tpu.memory_space<vmem>> -> memref<128x128xf32, #tpu.memory_space<vmem>>
      %dma_wait3A_787 = arith.constant 0 : i32
      %dma_wait3A_788 = tpu.memref_slice %arg5[%dma_wait3A_780, %dma_wait3A_781, %dma_wait3A_787] : memref<4x2x128xi32, #tpu.memory_space<vmem>> -> memref<1x1x128xi32, #tpu.memory_space<vmem>>
      %dma_wait3A_789 = tpu.memref_squeeze %dma_wait3A_788 : memref<1x1x128xi32, #tpu.memory_space<vmem>> -> memref<128xi32, #tpu.memory_space<vmem>>
      %dma_wait3A_790 = arith.constant 0 : i32
      %dma_wait3A_791 = arith.constant 0 : i32
      %dma_wait3A_792 = tpu.memref_slice %arg2[%dma_wait3A_790, %dma_wait3A_791] : memref<10000x128xf32, #tpu.memory_space<hbm>> -> memref<10000x128xf32, #tpu.memory_space<hbm>>
      tpu.wait_indirect_dma semaphore(%arg10 : memref<!tpu.dma_semaphore, #tpu.memory_space<semaphore_mem>>) src(%dma_wait3A_792 : memref<10000x128xf32, #tpu.memory_space<hbm>>) dst(%dma_wait3A_786 : memref<128x128xf32, #tpu.memory_space<vmem>>)
      %dma_start3A_793 = arith.constant 1 : i32
      %dma_start3A_794 = arith.constant 3 : i32
      %dma_start3A_795 = arith.constant 1 : i32
      %dma_start3A_796 = arith.constant 0 : i32
      %dma_start3A_797 = arith.constant 0 : i32
      %dma_start3A_798 = tpu.memref_slice %arg6[%dma_start3A_793, %dma_start3A_796, %dma_start3A_797] : memref<2x128x128xf32, #tpu.memory_space<vmem>> -> memref<1x128x128xf32, #tpu.memory_space<vmem>>
      %dma_start3A_799 = tpu.memref_squeeze %dma_start3A_798 : memref<1x128x128xf32, #tpu.memory_space<vmem>> -> memref<128x128xf32, #tpu.memory_space<vmem>>
      %dma_start3A_800 = arith.constant 0 : i32
      %dma_start3A_801 = tpu.memref_slice %arg5[%dma_start3A_794, %dma_start3A_795, %dma_start3A_800] : memref<4x2x128xi32, #tpu.memory_space<vmem>> -> memref<1x1x128xi32, #tpu.memory_space<vmem>>
      %dma_start3A_802 = tpu.memref_squeeze %dma_start3A_801 : memref<1x1x128xi32, #tpu.memory_space<vmem>> -> memref<128xi32, #tpu.memory_space<vmem>>
      %dma_start3A_803 = arith.constant 0 : i32
      %dma_start3A_804 = arith.constant 0 : i32
      %dma_start3A_805 = tpu.memref_slice %arg7[%dma_start3A_803, %dma_start3A_804] : memref<10000x128xf32, #tpu.memory_space<vmem_shared>> -> memref<10000x128xf32, #tpu.memory_space<vmem_shared>>
      tpu.enqueue_indirect_dma source(%dma_start3A_799 : memref<128x128xf32, #tpu.memory_space<vmem>>) target(%dma_start3A_805 : memref<10000x128xf32, #tpu.memory_space<vmem_shared>>) offsets(%dma_start3A_802 : memref<128xi32, #tpu.memory_space<vmem>>) semaphore(%arg11 : memref<!tpu.dma_semaphore, #tpu.memory_space<semaphore_mem>>) {add = true}
      %dma_wait3A_806 = arith.constant 1 : i32
      %dma_wait3A_807 = arith.constant 0 : i32
      %dma_wait3A_808 = arith.constant 0 : i32
      %dma_wait3A_809 = tpu.memref_slice %arg5[%dma_wait3A_806, %dma_wait3A_807, %dma_wait3A_808] : memref<4x2x128xi32, #tpu.memory_space<vmem>> -> memref<1x2x128xi32, #tpu.memory_space<vmem>>
      %dma_wait3A_810 = tpu.memref_squeeze %dma_wait3A_809 : memref<1x2x128xi32, #tpu.memory_space<vmem>> -> memref<2x128xi32, #tpu.memory_space<vmem>>
      %dma_wait3A_811 = arith.constant 0 : i32
      %dma_wait3A_812 = arith.constant 0 : i32
      %dma_wait3A_813 = tpu.memref_slice %arg3[%dma_wait3A_811, %dma_wait3A_812] : memref<2x320000xi32, #tpu.memory_space<hbm>> -> memref<2x128xi32, #tpu.memory_space<hbm>>
      %dma_wait3A_814 = arith.constant 0 : i32
      %dma_wait3A_815 = arith.constant 0 : i32
      %dma_wait3A_816 = tpu.memref_slice %arg5[%dma_wait3A_806, %dma_wait3A_814, %dma_wait3A_815] : memref<4x2x128xi32, #tpu.memory_space<vmem>> -> memref<1x2x128xi32, #tpu.memory_space<vmem>>
      %dma_wait3A_817 = tpu.memref_squeeze %dma_wait3A_816 : memref<1x2x128xi32, #tpu.memory_space<vmem>> -> memref<2x128xi32, #tpu.memory_space<vmem>>
      %dma_wait3A_818 = arith.constant 0 : i32
      %dma_wait3A_819 = arith.constant 0 : i32
      %dma_wait3A_820 = tpu.memref_slice %arg3[%dma_wait3A_818, %dma_wait3A_819] : memref<2x320000xi32, #tpu.memory_space<hbm>> -> memref<2x128xi32, #tpu.memory_space<hbm>>
      tpu.wait_dma2 semaphore(%arg8 : memref<!tpu.dma_semaphore, #tpu.memory_space<semaphore_mem>>) src(%dma_wait3A_820 : memref<2x128xi32, #tpu.memory_space<hbm>>) dst(%dma_wait3A_817 : memref<2x128xi32, #tpu.memory_space<vmem>>)
      %dma_wait3A_821 = arith.constant 1 : i32
      %dma_wait3A_822 = arith.constant 3 : i32
      %dma_wait3A_823 = arith.constant 1 : i32
      %dma_wait3A_824 = arith.constant 0 : i32
      %dma_wait3A_825 = arith.constant 0 : i32
      %dma_wait3A_826 = tpu.memref_slice %arg6[%dma_wait3A_821, %dma_wait3A_824, %dma_wait3A_825] : memref<2x128x128xf32, #tpu.memory_space<vmem>> -> memref<1x128x128xf32, #tpu.memory_space<vmem>>
      %dma_wait3A_827 = tpu.memref_squeeze %dma_wait3A_826 : memref<1x128x128xf32, #tpu.memory_space<vmem>> -> memref<128x128xf32, #tpu.memory_space<vmem>>
      %dma_wait3A_828 = arith.constant 0 : i32
      %dma_wait3A_829 = tpu.memref_slice %arg5[%dma_wait3A_822, %dma_wait3A_823, %dma_wait3A_828] : memref<4x2x128xi32, #tpu.memory_space<vmem>> -> memref<1x1x128xi32, #tpu.memory_space<vmem>>
      %dma_wait3A_830 = tpu.memref_squeeze %dma_wait3A_829 : memref<1x1x128xi32, #tpu.memory_space<vmem>> -> memref<128xi32, #tpu.memory_space<vmem>>
      %dma_wait3A_831 = arith.constant 0 : i32
      %dma_wait3A_832 = arith.constant 0 : i32
      %dma_wait3A_833 = tpu.memref_slice %arg7[%dma_wait3A_831, %dma_wait3A_832] : memref<10000x128xf32, #tpu.memory_space<vmem_shared>> -> memref<10000x128xf32, #tpu.memory_space<vmem_shared>>
      tpu.wait_indirect_dma semaphore(%arg11 : memref<!tpu.dma_semaphore, #tpu.memory_space<semaphore_mem>>) src(%dma_wait3A_827 : memref<128x128xf32, #tpu.memory_space<vmem>>) dst(%dma_wait3A_833 : memref<10000x128xf32, #tpu.memory_space<vmem_shared>>)
      %dma_start3A_834 = arith.constant 1 : i32
      %dma_start3A_835 = arith.constant 0 : i32
      %dma_start3A_836 = arith.constant 1 : i32
      %dma_start3A_837 = arith.constant 0 : i32
      %dma_start3A_838 = arith.constant 0 : i32
      %dma_start3A_839 = tpu.memref_slice %arg6[%dma_start3A_836, %dma_start3A_837, %dma_start3A_838] : memref<2x128x128xf32, #tpu.memory_space<vmem>> -> memref<1x128x128xf32, #tpu.memory_space<vmem>>
      %dma_start3A_840 = tpu.memref_squeeze %dma_start3A_839 : memref<1x128x128xf32, #tpu.memory_space<vmem>> -> memref<128x128xf32, #tpu.memory_space<vmem>>
      %dma_start3A_841 = arith.constant 0 : i32
      %dma_start3A_842 = tpu.memref_slice %arg5[%dma_start3A_834, %dma_start3A_835, %dma_start3A_841] : memref<4x2x128xi32, #tpu.memory_space<vmem>> -> memref<1x1x128xi32, #tpu.memory_space<vmem>>
      %dma_start3A_843 = tpu.memref_squeeze %dma_start3A_842 : memref<1x1x128xi32, #tpu.memory_space<vmem>> -> memref<128xi32, #tpu.memory_space<vmem>>
      %dma_start3A_844 = arith.constant 0 : i32
      %dma_start3A_845 = arith.constant 0 : i32
      %dma_start3A_846 = tpu.memref_slice %arg2[%dma_start3A_844, %dma_start3A_845] : memref<10000x128xf32, #tpu.memory_space<hbm>> -> memref<10000x128xf32, #tpu.memory_space<hbm>>
      tpu.enqueue_indirect_dma source(%dma_start3A_846 : memref<10000x128xf32, #tpu.memory_space<hbm>>) target(%dma_start3A_840 : memref<128x128xf32, #tpu.memory_space<vmem>>) offsets(%dma_start3A_843 : memref<128xi32, #tpu.memory_space<vmem>>) semaphore(%arg10 : memref<!tpu.dma_semaphore, #tpu.memory_space<semaphore_mem>>)
      %add3A_847 = arith.constant 3 : i32
      %add3A_848 = arith.addi %add3A_538, %add3A_847 : i32
      %add3A_849 = arith.constant 2 : i32
      %add3A_850 = arith.addi %add3A_848, %add3A_849 : i32
      %mul3A_851 = arith.constant 32 : i32
      %mul3A_852 = arith.muli %add3A_850, %mul3A_851 : i32
      %add3A_853 = arith.addi %mul3A_852, %add3A : i32
      %mul3A_854 = arith.constant 128 : i32
      %mul3A_855 = arith.muli %add3A_853, %mul3A_854 : i32
      %dma_start3A_856 = arith.constant 2 : i32
      %dma_start3A_857 = arith.constant 0 : i32
      %dma_start3A_858 = arith.constant 0 : i32
      %dma_start3A_859 = tpu.memref_slice %arg5[%dma_start3A_856, %dma_start3A_857, %dma_start3A_858] : memref<4x2x128xi32, #tpu.memory_space<vmem>> -> memref<1x2x128xi32, #tpu.memory_space<vmem>>
      %dma_start3A_860 = tpu.memref_squeeze %dma_start3A_859 : memref<1x2x128xi32, #tpu.memory_space<vmem>> -> memref<2x128xi32, #tpu.memory_space<vmem>>
      %dma_start3A_861 = arith.constant 0 : i32
      %dma_start3A_862 = tpu.memref_slice %arg3[%dma_start3A_861, %mul3A_855] : memref<2x320000xi32, #tpu.memory_space<hbm>> -> memref<2x128xi32, #tpu.memory_space<hbm>>
      %dma_start3A_863 = arith.constant 0 : i32
      %dma_start3A_864 = arith.constant 0 : i32
      %dma_start3A_865 = tpu.memref_slice %arg5[%dma_start3A_856, %dma_start3A_863, %dma_start3A_864] : memref<4x2x128xi32, #tpu.memory_space<vmem>> -> memref<1x2x128xi32, #tpu.memory_space<vmem>>
      %dma_start3A_866 = tpu.memref_squeeze %dma_start3A_865 : memref<1x2x128xi32, #tpu.memory_space<vmem>> -> memref<2x128xi32, #tpu.memory_space<vmem>>
      %dma_start3A_867 = arith.constant 0 : i32
      %dma_start3A_868 = tpu.memref_slice %arg3[%dma_start3A_867, %mul3A_855] : memref<2x320000xi32, #tpu.memory_space<hbm>> -> memref<2x128xi32, #tpu.memory_space<hbm>>
      tpu.enqueue_dma source(%dma_start3A_868 : memref<2x128xi32, #tpu.memory_space<hbm>>) target(%dma_start3A_866 : memref<2x128xi32, #tpu.memory_space<vmem>>) target_semaphore(%arg8 : memref<!tpu.dma_semaphore, #tpu.memory_space<semaphore_mem>>)
      %dma_wait3A_869 = arith.constant 0 : i32
      %dma_wait3A_870 = arith.constant 0 : i32
      %dma_wait3A_871 = arith.constant 0 : i32
      %dma_wait3A_872 = arith.constant 0 : i32
      %dma_wait3A_873 = arith.constant 0 : i32
      %dma_wait3A_874 = tpu.memref_slice %arg6[%dma_wait3A_871, %dma_wait3A_872, %dma_wait3A_873] : memref<2x128x128xf32, #tpu.memory_space<vmem>> -> memref<1x128x128xf32, #tpu.memory_space<vmem>>
      %dma_wait3A_875 = tpu.memref_squeeze %dma_wait3A_874 : memref<1x128x128xf32, #tpu.memory_space<vmem>> -> memref<128x128xf32, #tpu.memory_space<vmem>>
      %dma_wait3A_876 = arith.constant 0 : i32
      %dma_wait3A_877 = tpu.memref_slice %arg5[%dma_wait3A_869, %dma_wait3A_870, %dma_wait3A_876] : memref<4x2x128xi32, #tpu.memory_space<vmem>> -> memref<1x1x128xi32, #tpu.memory_space<vmem>>
      %dma_wait3A_878 = tpu.memref_squeeze %dma_wait3A_877 : memref<1x1x128xi32, #tpu.memory_space<vmem>> -> memref<128xi32, #tpu.memory_space<vmem>>
      %dma_wait3A_879 = arith.constant 0 : i32
      %dma_wait3A_880 = arith.constant 0 : i32
      %dma_wait3A_881 = tpu.memref_slice %arg2[%dma_wait3A_879, %dma_wait3A_880] : memref<10000x128xf32, #tpu.memory_space<hbm>> -> memref<10000x128xf32, #tpu.memory_space<hbm>>
      tpu.wait_indirect_dma semaphore(%arg9 : memref<!tpu.dma_semaphore, #tpu.memory_space<semaphore_mem>>) src(%dma_wait3A_881 : memref<10000x128xf32, #tpu.memory_space<hbm>>) dst(%dma_wait3A_875 : memref<128x128xf32, #tpu.memory_space<vmem>>)
      %dma_start3A_882 = arith.constant 0 : i32
      %dma_start3A_883 = arith.constant 0 : i32
      %dma_start3A_884 = arith.constant 1 : i32
      %dma_start3A_885 = arith.constant 0 : i32
      %dma_start3A_886 = arith.constant 0 : i32
      %dma_start3A_887 = tpu.memref_slice %arg6[%dma_start3A_882, %dma_start3A_885, %dma_start3A_886] : memref<2x128x128xf32, #tpu.memory_space<vmem>> -> memref<1x128x128xf32, #tpu.memory_space<vmem>>
      %dma_start3A_888 = tpu.memref_squeeze %dma_start3A_887 : memref<1x128x128xf32, #tpu.memory_space<vmem>> -> memref<128x128xf32, #tpu.memory_space<vmem>>
      %dma_start3A_889 = arith.constant 0 : i32
      %dma_start3A_890 = tpu.memref_slice %arg5[%dma_start3A_883, %dma_start3A_884, %dma_start3A_889] : memref<4x2x128xi32, #tpu.memory_space<vmem>> -> memref<1x1x128xi32, #tpu.memory_space<vmem>>
      %dma_start3A_891 = tpu.memref_squeeze %dma_start3A_890 : memref<1x1x128xi32, #tpu.memory_space<vmem>> -> memref<128xi32, #tpu.memory_space<vmem>>
      %dma_start3A_892 = arith.constant 0 : i32
      %dma_start3A_893 = arith.constant 0 : i32
      %dma_start3A_894 = tpu.memref_slice %arg7[%dma_start3A_892, %dma_start3A_893] : memref<10000x128xf32, #tpu.memory_space<vmem_shared>> -> memref<10000x128xf32, #tpu.memory_space<vmem_shared>>
      tpu.enqueue_indirect_dma source(%dma_start3A_888 : memref<128x128xf32, #tpu.memory_space<vmem>>) target(%dma_start3A_894 : memref<10000x128xf32, #tpu.memory_space<vmem_shared>>) offsets(%dma_start3A_891 : memref<128xi32, #tpu.memory_space<vmem>>) semaphore(%arg11 : memref<!tpu.dma_semaphore, #tpu.memory_space<semaphore_mem>>) {add = true}
    }
    %scan3A_149 = arith.constant 18 : i32
    %dma_wait3A_150 = arith.constant 2 : i32
    %dma_wait3A_151 = arith.constant 0 : i32
    %dma_wait3A_152 = arith.constant 0 : i32
    %dma_wait3A_153 = tpu.memref_slice %arg5[%dma_wait3A_150, %dma_wait3A_151, %dma_wait3A_152] : memref<4x2x128xi32, #tpu.memory_space<vmem>> -> memref<1x2x128xi32, #tpu.memory_space<vmem>>
    %dma_wait3A_154 = tpu.memref_squeeze %dma_wait3A_153 : memref<1x2x128xi32, #tpu.memory_space<vmem>> -> memref<2x128xi32, #tpu.memory_space<vmem>>
    %dma_wait3A_155 = arith.constant 0 : i32
    %dma_wait3A_156 = arith.constant 0 : i32
    %dma_wait3A_157 = tpu.memref_slice %arg3[%dma_wait3A_155, %dma_wait3A_156] : memref<2x320000xi32, #tpu.memory_space<hbm>> -> memref<2x128xi32, #tpu.memory_space<hbm>>
    %dma_wait3A_158 = arith.constant 0 : i32
    %dma_wait3A_159 = arith.constant 0 : i32
    %dma_wait3A_160 = tpu.memref_slice %arg5[%dma_wait3A_150, %dma_wait3A_158, %dma_wait3A_159] : memref<4x2x128xi32, #tpu.memory_space<vmem>> -> memref<1x2x128xi32, #tpu.memory_space<vmem>>
    %dma_wait3A_161 = tpu.memref_squeeze %dma_wait3A_160 : memref<1x2x128xi32, #tpu.memory_space<vmem>> -> memref<2x128xi32, #tpu.memory_space<vmem>>
    %dma_wait3A_162 = arith.constant 0 : i32
    %dma_wait3A_163 = arith.constant 0 : i32
    %dma_wait3A_164 = tpu.memref_slice %arg3[%dma_wait3A_162, %dma_wait3A_163] : memref<2x320000xi32, #tpu.memory_space<hbm>> -> memref<2x128xi32, #tpu.memory_space<hbm>>
    tpu.wait_dma2 semaphore(%arg8 : memref<!tpu.dma_semaphore, #tpu.memory_space<semaphore_mem>>) src(%dma_wait3A_164 : memref<2x128xi32, #tpu.memory_space<hbm>>) dst(%dma_wait3A_161 : memref<2x128xi32, #tpu.memory_space<vmem>>)
    %dma_wait3A_165 = arith.constant 0 : i32
    %dma_wait3A_166 = arith.constant 0 : i32
    %dma_wait3A_167 = arith.constant 1 : i32
    %dma_wait3A_168 = arith.constant 0 : i32
    %dma_wait3A_169 = arith.constant 0 : i32
    %dma_wait3A_170 = tpu.memref_slice %arg6[%dma_wait3A_165, %dma_wait3A_168, %dma_wait3A_169] : memref<2x128x128xf32, #tpu.memory_space<vmem>> -> memref<1x128x128xf32, #tpu.memory_space<vmem>>
    %dma_wait3A_171 = tpu.memref_squeeze %dma_wait3A_170 : memref<1x128x128xf32, #tpu.memory_space<vmem>> -> memref<128x128xf32, #tpu.memory_space<vmem>>
    %dma_wait3A_172 = arith.constant 0 : i32
    %dma_wait3A_173 = tpu.memref_slice %arg5[%dma_wait3A_166, %dma_wait3A_167, %dma_wait3A_172] : memref<4x2x128xi32, #tpu.memory_space<vmem>> -> memref<1x1x128xi32, #tpu.memory_space<vmem>>
    %dma_wait3A_174 = tpu.memref_squeeze %dma_wait3A_173 : memref<1x1x128xi32, #tpu.memory_space<vmem>> -> memref<128xi32, #tpu.memory_space<vmem>>
    %dma_wait3A_175 = arith.constant 0 : i32
    %dma_wait3A_176 = arith.constant 0 : i32
    %dma_wait3A_177 = tpu.memref_slice %arg7[%dma_wait3A_175, %dma_wait3A_176] : memref<10000x128xf32, #tpu.memory_space<vmem_shared>> -> memref<10000x128xf32, #tpu.memory_space<vmem_shared>>
    tpu.wait_indirect_dma semaphore(%arg11 : memref<!tpu.dma_semaphore, #tpu.memory_space<semaphore_mem>>) src(%dma_wait3A_171 : memref<128x128xf32, #tpu.memory_space<vmem>>) dst(%dma_wait3A_177 : memref<10000x128xf32, #tpu.memory_space<vmem_shared>>)
    %dma_start3A_178 = arith.constant 2 : i32
    %dma_start3A_179 = arith.constant 0 : i32
    %dma_start3A_180 = arith.constant 0 : i32
    %dma_start3A_181 = arith.constant 0 : i32
    %dma_start3A_182 = arith.constant 0 : i32
    %dma_start3A_183 = tpu.memref_slice %arg6[%dma_start3A_180, %dma_start3A_181, %dma_start3A_182] : memref<2x128x128xf32, #tpu.memory_space<vmem>> -> memref<1x128x128xf32, #tpu.memory_space<vmem>>
    %dma_start3A_184 = tpu.memref_squeeze %dma_start3A_183 : memref<1x128x128xf32, #tpu.memory_space<vmem>> -> memref<128x128xf32, #tpu.memory_space<vmem>>
    %dma_start3A_185 = arith.constant 0 : i32
    %dma_start3A_186 = tpu.memref_slice %arg5[%dma_start3A_178, %dma_start3A_179, %dma_start3A_185] : memref<4x2x128xi32, #tpu.memory_space<vmem>> -> memref<1x1x128xi32, #tpu.memory_space<vmem>>
    %dma_start3A_187 = tpu.memref_squeeze %dma_start3A_186 : memref<1x1x128xi32, #tpu.memory_space<vmem>> -> memref<128xi32, #tpu.memory_space<vmem>>
    %dma_start3A_188 = arith.constant 0 : i32
    %dma_start3A_189 = arith.constant 0 : i32
    %dma_start3A_190 = tpu.memref_slice %arg2[%dma_start3A_188, %dma_start3A_189] : memref<10000x128xf32, #tpu.memory_space<hbm>> -> memref<10000x128xf32, #tpu.memory_space<hbm>>
    tpu.enqueue_indirect_dma source(%dma_start3A_190 : memref<10000x128xf32, #tpu.memory_space<hbm>>) target(%dma_start3A_184 : memref<128x128xf32, #tpu.memory_space<vmem>>) offsets(%dma_start3A_187 : memref<128xi32, #tpu.memory_space<vmem>>) semaphore(%arg9 : memref<!tpu.dma_semaphore, #tpu.memory_space<semaphore_mem>>)
    %add3A_191 = arith.constant 2400 : i32
    %add3A_192 = arith.addi %add3A_191, %add3A : i32
    %mul3A_193 = arith.constant 128 : i32
    %mul3A_194 = arith.muli %add3A_192, %mul3A_193 : i32
    %dma_start3A_195 = arith.constant 3 : i32
    %dma_start3A_196 = arith.constant 0 : i32
    %dma_start3A_197 = arith.constant 0 : i32
    %dma_start3A_198 = tpu.memref_slice %arg5[%dma_start3A_195, %dma_start3A_196, %dma_start3A_197] : memref<4x2x128xi32, #tpu.memory_space<vmem>> -> memref<1x2x128xi32, #tpu.memory_space<vmem>>
    %dma_start3A_199 = tpu.memref_squeeze %dma_start3A_198 : memref<1x2x128xi32, #tpu.memory_space<vmem>> -> memref<2x128xi32, #tpu.memory_space<vmem>>
    %dma_start3A_200 = arith.constant 0 : i32
    %dma_start3A_201 = tpu.memref_slice %arg3[%dma_start3A_200, %mul3A_194] : memref<2x320000xi32, #tpu.memory_space<hbm>> -> memref<2x128xi32, #tpu.memory_space<hbm>>
    %dma_start3A_202 = arith.constant 0 : i32
    %dma_start3A_203 = arith.constant 0 : i32
    %dma_start3A_204 = tpu.memref_slice %arg5[%dma_start3A_195, %dma_start3A_202, %dma_start3A_203] : memref<4x2x128xi32, #tpu.memory_space<vmem>> -> memref<1x2x128xi32, #tpu.memory_space<vmem>>
    %dma_start3A_205 = tpu.memref_squeeze %dma_start3A_204 : memref<1x2x128xi32, #tpu.memory_space<vmem>> -> memref<2x128xi32, #tpu.memory_space<vmem>>
    %dma_start3A_206 = arith.constant 0 : i32
    %dma_start3A_207 = tpu.memref_slice %arg3[%dma_start3A_206, %mul3A_194] : memref<2x320000xi32, #tpu.memory_space<hbm>> -> memref<2x128xi32, #tpu.memory_space<hbm>>
    tpu.enqueue_dma source(%dma_start3A_207 : memref<2x128xi32, #tpu.memory_space<hbm>>) target(%dma_start3A_205 : memref<2x128xi32, #tpu.memory_space<vmem>>) target_semaphore(%arg8 : memref<!tpu.dma_semaphore, #tpu.memory_space<semaphore_mem>>)
    %dma_wait3A_208 = arith.constant 1 : i32
    %dma_wait3A_209 = arith.constant 0 : i32
    %dma_wait3A_210 = arith.constant 1 : i32
    %dma_wait3A_211 = arith.constant 0 : i32
    %dma_wait3A_212 = arith.constant 0 : i32
    %dma_wait3A_213 = tpu.memref_slice %arg6[%dma_wait3A_210, %dma_wait3A_211, %dma_wait3A_212] : memref<2x128x128xf32, #tpu.memory_space<vmem>> -> memref<1x128x128xf32, #tpu.memory_space<vmem>>
    %dma_wait3A_214 = tpu.memref_squeeze %dma_wait3A_213 : memref<1x128x128xf32, #tpu.memory_space<vmem>> -> memref<128x128xf32, #tpu.memory_space<vmem>>
    %dma_wait3A_215 = arith.constant 0 : i32
    %dma_wait3A_216 = tpu.memref_slice %arg5[%dma_wait3A_208, %dma_wait3A_209, %dma_wait3A_215] : memref<4x2x128xi32, #tpu.memory_space<vmem>> -> memref<1x1x128xi32, #tpu.memory_space<vmem>>
    %dma_wait3A_217 = tpu.memref_squeeze %dma_wait3A_216 : memref<1x1x128xi32, #tpu.memory_space<vmem>> -> memref<128xi32, #tpu.memory_space<vmem>>
    %dma_wait3A_218 = arith.constant 0 : i32
    %dma_wait3A_219 = arith.constant 0 : i32
    %dma_wait3A_220 = tpu.memref_slice %arg2[%dma_wait3A_218, %dma_wait3A_219] : memref<10000x128xf32, #tpu.memory_space<hbm>> -> memref<10000x128xf32, #tpu.memory_space<hbm>>
    tpu.wait_indirect_dma semaphore(%arg10 : memref<!tpu.dma_semaphore, #tpu.memory_space<semaphore_mem>>) src(%dma_wait3A_220 : memref<10000x128xf32, #tpu.memory_space<hbm>>) dst(%dma_wait3A_214 : memref<128x128xf32, #tpu.memory_space<vmem>>)
    %dma_start3A_221 = arith.constant 1 : i32
    %dma_start3A_222 = arith.constant 1 : i32
    %dma_start3A_223 = arith.constant 1 : i32
    %dma_start3A_224 = arith.constant 0 : i32
    %dma_start3A_225 = arith.constant 0 : i32
    %dma_start3A_226 = tpu.memref_slice %arg6[%dma_start3A_221, %dma_start3A_224, %dma_start3A_225] : memref<2x128x128xf32, #tpu.memory_space<vmem>> -> memref<1x128x128xf32, #tpu.memory_space<vmem>>
    %dma_start3A_227 = tpu.memref_squeeze %dma_start3A_226 : memref<1x128x128xf32, #tpu.memory_space<vmem>> -> memref<128x128xf32, #tpu.memory_space<vmem>>
    %dma_start3A_228 = arith.constant 0 : i32
    %dma_start3A_229 = tpu.memref_slice %arg5[%dma_start3A_222, %dma_start3A_223, %dma_start3A_228] : memref<4x2x128xi32, #tpu.memory_space<vmem>> -> memref<1x1x128xi32, #tpu.memory_space<vmem>>
    %dma_start3A_230 = tpu.memref_squeeze %dma_start3A_229 : memref<1x1x128xi32, #tpu.memory_space<vmem>> -> memref<128xi32, #tpu.memory_space<vmem>>
    %dma_start3A_231 = arith.constant 0 : i32
    %dma_start3A_232 = arith.constant 0 : i32
    %dma_start3A_233 = tpu.memref_slice %arg7[%dma_start3A_231, %dma_start3A_232] : memref<10000x128xf32, #tpu.memory_space<vmem_shared>> -> memref<10000x128xf32, #tpu.memory_space<vmem_shared>>
    tpu.enqueue_indirect_dma source(%dma_start3A_227 : memref<128x128xf32, #tpu.memory_space<vmem>>) target(%dma_start3A_233 : memref<10000x128xf32, #tpu.memory_space<vmem_shared>>) offsets(%dma_start3A_230 : memref<128xi32, #tpu.memory_space<vmem>>) semaphore(%arg11 : memref<!tpu.dma_semaphore, #tpu.memory_space<semaphore_mem>>) {add = true}
    %dma_wait3A_234 = arith.constant 3 : i32
    %dma_wait3A_235 = arith.constant 0 : i32
    %dma_wait3A_236 = arith.constant 0 : i32
    %dma_wait3A_237 = tpu.memref_slice %arg5[%dma_wait3A_234, %dma_wait3A_235, %dma_wait3A_236] : memref<4x2x128xi32, #tpu.memory_space<vmem>> -> memref<1x2x128xi32, #tpu.memory_space<vmem>>
    %dma_wait3A_238 = tpu.memref_squeeze %dma_wait3A_237 : memref<1x2x128xi32, #tpu.memory_space<vmem>> -> memref<2x128xi32, #tpu.memory_space<vmem>>
    %dma_wait3A_239 = arith.constant 0 : i32
    %dma_wait3A_240 = arith.constant 0 : i32
    %dma_wait3A_241 = tpu.memref_slice %arg3[%dma_wait3A_239, %dma_wait3A_240] : memref<2x320000xi32, #tpu.memory_space<hbm>> -> memref<2x128xi32, #tpu.memory_space<hbm>>
    %dma_wait3A_242 = arith.constant 0 : i32
    %dma_wait3A_243 = arith.constant 0 : i32
    %dma_wait3A_244 = tpu.memref_slice %arg5[%dma_wait3A_234, %dma_wait3A_242, %dma_wait3A_243] : memref<4x2x128xi32, #tpu.memory_space<vmem>> -> memref<1x2x128xi32, #tpu.memory_space<vmem>>
    %dma_wait3A_245 = tpu.memref_squeeze %dma_wait3A_244 : memref<1x2x128xi32, #tpu.memory_space<vmem>> -> memref<2x128xi32, #tpu.memory_space<vmem>>
    %dma_wait3A_246 = arith.constant 0 : i32
    %dma_wait3A_247 = arith.constant 0 : i32
    %dma_wait3A_248 = tpu.memref_slice %arg3[%dma_wait3A_246, %dma_wait3A_247] : memref<2x320000xi32, #tpu.memory_space<hbm>> -> memref<2x128xi32, #tpu.memory_space<hbm>>
    tpu.wait_dma2 semaphore(%arg8 : memref<!tpu.dma_semaphore, #tpu.memory_space<semaphore_mem>>) src(%dma_wait3A_248 : memref<2x128xi32, #tpu.memory_space<hbm>>) dst(%dma_wait3A_245 : memref<2x128xi32, #tpu.memory_space<vmem>>)
    %dma_wait3A_249 = arith.constant 1 : i32
    %dma_wait3A_250 = arith.constant 1 : i32
    %dma_wait3A_251 = arith.constant 1 : i32
    %dma_wait3A_252 = arith.constant 0 : i32
    %dma_wait3A_253 = arith.constant 0 : i32
    %dma_wait3A_254 = tpu.memref_slice %arg6[%dma_wait3A_249, %dma_wait3A_252, %dma_wait3A_253] : memref<2x128x128xf32, #tpu.memory_space<vmem>> -> memref<1x128x128xf32, #tpu.memory_space<vmem>>
    %dma_wait3A_255 = tpu.memref_squeeze %dma_wait3A_254 : memref<1x128x128xf32, #tpu.memory_space<vmem>> -> memref<128x128xf32, #tpu.memory_space<vmem>>
    %dma_wait3A_256 = arith.constant 0 : i32
    %dma_wait3A_257 = tpu.memref_slice %arg5[%dma_wait3A_250, %dma_wait3A_251, %dma_wait3A_256] : memref<4x2x128xi32, #tpu.memory_space<vmem>> -> memref<1x1x128xi32, #tpu.memory_space<vmem>>
    %dma_wait3A_258 = tpu.memref_squeeze %dma_wait3A_257 : memref<1x1x128xi32, #tpu.memory_space<vmem>> -> memref<128xi32, #tpu.memory_space<vmem>>
    %dma_wait3A_259 = arith.constant 0 : i32
    %dma_wait3A_260 = arith.constant 0 : i32
    %dma_wait3A_261 = tpu.memref_slice %arg7[%dma_wait3A_259, %dma_wait3A_260] : memref<10000x128xf32, #tpu.memory_space<vmem_shared>> -> memref<10000x128xf32, #tpu.memory_space<vmem_shared>>
    tpu.wait_indirect_dma semaphore(%arg11 : memref<!tpu.dma_semaphore, #tpu.memory_space<semaphore_mem>>) src(%dma_wait3A_255 : memref<128x128xf32, #tpu.memory_space<vmem>>) dst(%dma_wait3A_261 : memref<10000x128xf32, #tpu.memory_space<vmem_shared>>)
    %dma_start3A_262 = arith.constant 3 : i32
    %dma_start3A_263 = arith.constant 0 : i32
    %dma_start3A_264 = arith.constant 1 : i32
    %dma_start3A_265 = arith.constant 0 : i32
    %dma_start3A_266 = arith.constant 0 : i32
    %dma_start3A_267 = tpu.memref_slice %arg6[%dma_start3A_264, %dma_start3A_265, %dma_start3A_266] : memref<2x128x128xf32, #tpu.memory_space<vmem>> -> memref<1x128x128xf32, #tpu.memory_space<vmem>>
    %dma_start3A_268 = tpu.memref_squeeze %dma_start3A_267 : memref<1x128x128xf32, #tpu.memory_space<vmem>> -> memref<128x128xf32, #tpu.memory_space<vmem>>
    %dma_start3A_269 = arith.constant 0 : i32
    %dma_start3A_270 = tpu.memref_slice %arg5[%dma_start3A_262, %dma_start3A_263, %dma_start3A_269] : memref<4x2x128xi32, #tpu.memory_space<vmem>> -> memref<1x1x128xi32, #tpu.memory_space<vmem>>
    %dma_start3A_271 = tpu.memref_squeeze %dma_start3A_270 : memref<1x1x128xi32, #tpu.memory_space<vmem>> -> memref<128xi32, #tpu.memory_space<vmem>>
    %dma_start3A_272 = arith.constant 0 : i32
    %dma_start3A_273 = arith.constant 0 : i32
    %dma_start3A_274 = tpu.memref_slice %arg2[%dma_start3A_272, %dma_start3A_273] : memref<10000x128xf32, #tpu.memory_space<hbm>> -> memref<10000x128xf32, #tpu.memory_space<hbm>>
    tpu.enqueue_indirect_dma source(%dma_start3A_274 : memref<10000x128xf32, #tpu.memory_space<hbm>>) target(%dma_start3A_268 : memref<128x128xf32, #tpu.memory_space<vmem>>) offsets(%dma_start3A_271 : memref<128xi32, #tpu.memory_space<vmem>>) semaphore(%arg10 : memref<!tpu.dma_semaphore, #tpu.memory_space<semaphore_mem>>)
    %add3A_275 = arith.constant 2432 : i32
    %add3A_276 = arith.addi %add3A_275, %add3A : i32
    %mul3A_277 = arith.constant 128 : i32
    %mul3A_278 = arith.muli %add3A_276, %mul3A_277 : i32
    %dma_start3A_279 = arith.constant 0 : i32
    %dma_start3A_280 = arith.constant 0 : i32
    %dma_start3A_281 = arith.constant 0 : i32
    %dma_start3A_282 = tpu.memref_slice %arg5[%dma_start3A_279, %dma_start3A_280, %dma_start3A_281] : memref<4x2x128xi32, #tpu.memory_space<vmem>> -> memref<1x2x128xi32, #tpu.memory_space<vmem>>
    %dma_start3A_283 = tpu.memref_squeeze %dma_start3A_282 : memref<1x2x128xi32, #tpu.memory_space<vmem>> -> memref<2x128xi32, #tpu.memory_space<vmem>>
    %dma_start3A_284 = arith.constant 0 : i32
    %dma_start3A_285 = tpu.memref_slice %arg3[%dma_start3A_284, %mul3A_278] : memref<2x320000xi32, #tpu.memory_space<hbm>> -> memref<2x128xi32, #tpu.memory_space<hbm>>
    %dma_start3A_286 = arith.constant 0 : i32
    %dma_start3A_287 = arith.constant 0 : i32
    %dma_start3A_288 = tpu.memref_slice %arg5[%dma_start3A_279, %dma_start3A_286, %dma_start3A_287] : memref<4x2x128xi32, #tpu.memory_space<vmem>> -> memref<1x2x128xi32, #tpu.memory_space<vmem>>
    %dma_start3A_289 = tpu.memref_squeeze %dma_start3A_288 : memref<1x2x128xi32, #tpu.memory_space<vmem>> -> memref<2x128xi32, #tpu.memory_space<vmem>>
    %dma_start3A_290 = arith.constant 0 : i32
    %dma_start3A_291 = tpu.memref_slice %arg3[%dma_start3A_290, %mul3A_278] : memref<2x320000xi32, #tpu.memory_space<hbm>> -> memref<2x128xi32, #tpu.memory_space<hbm>>
    tpu.enqueue_dma source(%dma_start3A_291 : memref<2x128xi32, #tpu.memory_space<hbm>>) target(%dma_start3A_289 : memref<2x128xi32, #tpu.memory_space<vmem>>) target_semaphore(%arg8 : memref<!tpu.dma_semaphore, #tpu.memory_space<semaphore_mem>>)
    %dma_wait3A_292 = arith.constant 2 : i32
    %dma_wait3A_293 = arith.constant 0 : i32
    %dma_wait3A_294 = arith.constant 0 : i32
    %dma_wait3A_295 = arith.constant 0 : i32
    %dma_wait3A_296 = arith.constant 0 : i32
    %dma_wait3A_297 = tpu.memref_slice %arg6[%dma_wait3A_294, %dma_wait3A_295, %dma_wait3A_296] : memref<2x128x128xf32, #tpu.memory_space<vmem>> -> memref<1x128x128xf32, #tpu.memory_space<vmem>>
    %dma_wait3A_298 = tpu.memref_squeeze %dma_wait3A_297 : memref<1x128x128xf32, #tpu.memory_space<vmem>> -> memref<128x128xf32, #tpu.memory_space<vmem>>
    %dma_wait3A_299 = arith.constant 0 : i32
    %dma_wait3A_300 = tpu.memref_slice %arg5[%dma_wait3A_292, %dma_wait3A_293, %dma_wait3A_299] : memref<4x2x128xi32, #tpu.memory_space<vmem>> -> memref<1x1x128xi32, #tpu.memory_space<vmem>>
    %dma_wait3A_301 = tpu.memref_squeeze %dma_wait3A_300 : memref<1x1x128xi32, #tpu.memory_space<vmem>> -> memref<128xi32, #tpu.memory_space<vmem>>
    %dma_wait3A_302 = arith.constant 0 : i32
    %dma_wait3A_303 = arith.constant 0 : i32
    %dma_wait3A_304 = tpu.memref_slice %arg2[%dma_wait3A_302, %dma_wait3A_303] : memref<10000x128xf32, #tpu.memory_space<hbm>> -> memref<10000x128xf32, #tpu.memory_space<hbm>>
    tpu.wait_indirect_dma semaphore(%arg9 : memref<!tpu.dma_semaphore, #tpu.memory_space<semaphore_mem>>) src(%dma_wait3A_304 : memref<10000x128xf32, #tpu.memory_space<hbm>>) dst(%dma_wait3A_298 : memref<128x128xf32, #tpu.memory_space<vmem>>)
    %dma_start3A_305 = arith.constant 0 : i32
    %dma_start3A_306 = arith.constant 2 : i32
    %dma_start3A_307 = arith.constant 1 : i32
    %dma_start3A_308 = arith.constant 0 : i32
    %dma_start3A_309 = arith.constant 0 : i32
    %dma_start3A_310 = tpu.memref_slice %arg6[%dma_start3A_305, %dma_start3A_308, %dma_start3A_309] : memref<2x128x128xf32, #tpu.memory_space<vmem>> -> memref<1x128x128xf32, #tpu.memory_space<vmem>>
    %dma_start3A_311 = tpu.memref_squeeze %dma_start3A_310 : memref<1x128x128xf32, #tpu.memory_space<vmem>> -> memref<128x128xf32, #tpu.memory_space<vmem>>
    %dma_start3A_312 = arith.constant 0 : i32
    %dma_start3A_313 = tpu.memref_slice %arg5[%dma_start3A_306, %dma_start3A_307, %dma_start3A_312] : memref<4x2x128xi32, #tpu.memory_space<vmem>> -> memref<1x1x128xi32, #tpu.memory_space<vmem>>
    %dma_start3A_314 = tpu.memref_squeeze %dma_start3A_313 : memref<1x1x128xi32, #tpu.memory_space<vmem>> -> memref<128xi32, #tpu.memory_space<vmem>>
    %dma_start3A_315 = arith.constant 0 : i32
    %dma_start3A_316 = arith.constant 0 : i32
    %dma_start3A_317 = tpu.memref_slice %arg7[%dma_start3A_315, %dma_start3A_316] : memref<10000x128xf32, #tpu.memory_space<vmem_shared>> -> memref<10000x128xf32, #tpu.memory_space<vmem_shared>>
    tpu.enqueue_indirect_dma source(%dma_start3A_311 : memref<128x128xf32, #tpu.memory_space<vmem>>) target(%dma_start3A_317 : memref<10000x128xf32, #tpu.memory_space<vmem_shared>>) offsets(%dma_start3A_314 : memref<128xi32, #tpu.memory_space<vmem>>) semaphore(%arg11 : memref<!tpu.dma_semaphore, #tpu.memory_space<semaphore_mem>>) {add = true}
    %dma_wait3A_318 = arith.constant 0 : i32
    %dma_wait3A_319 = arith.constant 0 : i32
    %dma_wait3A_320 = arith.constant 0 : i32
    %dma_wait3A_321 = tpu.memref_slice %arg5[%dma_wait3A_318, %dma_wait3A_319, %dma_wait3A_320] : memref<4x2x128xi32, #tpu.memory_space<vmem>> -> memref<1x2x128xi32, #tpu.memory_space<vmem>>
    %dma_wait3A_322 = tpu.memref_squeeze %dma_wait3A_321 : memref<1x2x128xi32, #tpu.memory_space<vmem>> -> memref<2x128xi32, #tpu.memory_space<vmem>>
    %dma_wait3A_323 = arith.constant 0 : i32
    %dma_wait3A_324 = arith.constant 0 : i32
    %dma_wait3A_325 = tpu.memref_slice %arg3[%dma_wait3A_323, %dma_wait3A_324] : memref<2x320000xi32, #tpu.memory_space<hbm>> -> memref<2x128xi32, #tpu.memory_space<hbm>>
    %dma_wait3A_326 = arith.constant 0 : i32
    %dma_wait3A_327 = arith.constant 0 : i32
    %dma_wait3A_328 = tpu.memref_slice %arg5[%dma_wait3A_318, %dma_wait3A_326, %dma_wait3A_327] : memref<4x2x128xi32, #tpu.memory_space<vmem>> -> memref<1x2x128xi32, #tpu.memory_space<vmem>>
    %dma_wait3A_329 = tpu.memref_squeeze %dma_wait3A_328 : memref<1x2x128xi32, #tpu.memory_space<vmem>> -> memref<2x128xi32, #tpu.memory_space<vmem>>
    %dma_wait3A_330 = arith.constant 0 : i32
    %dma_wait3A_331 = arith.constant 0 : i32
    %dma_wait3A_332 = tpu.memref_slice %arg3[%dma_wait3A_330, %dma_wait3A_331] : memref<2x320000xi32, #tpu.memory_space<hbm>> -> memref<2x128xi32, #tpu.memory_space<hbm>>
    tpu.wait_dma2 semaphore(%arg8 : memref<!tpu.dma_semaphore, #tpu.memory_space<semaphore_mem>>) src(%dma_wait3A_332 : memref<2x128xi32, #tpu.memory_space<hbm>>) dst(%dma_wait3A_329 : memref<2x128xi32, #tpu.memory_space<vmem>>)
    %dma_wait3A_333 = arith.constant 0 : i32
    %dma_wait3A_334 = arith.constant 2 : i32
    %dma_wait3A_335 = arith.constant 1 : i32
    %dma_wait3A_336 = arith.constant 0 : i32
    %dma_wait3A_337 = arith.constant 0 : i32
    %dma_wait3A_338 = tpu.memref_slice %arg6[%dma_wait3A_333, %dma_wait3A_336, %dma_wait3A_337] : memref<2x128x128xf32, #tpu.memory_space<vmem>> -> memref<1x128x128xf32, #tpu.memory_space<vmem>>
    %dma_wait3A_339 = tpu.memref_squeeze %dma_wait3A_338 : memref<1x128x128xf32, #tpu.memory_space<vmem>> -> memref<128x128xf32, #tpu.memory_space<vmem>>
    %dma_wait3A_340 = arith.constant 0 : i32
    %dma_wait3A_341 = tpu.memref_slice %arg5[%dma_wait3A_334, %dma_wait3A_335, %dma_wait3A_340] : memref<4x2x128xi32, #tpu.memory_space<vmem>> -> memref<1x1x128xi32, #tpu.memory_space<vmem>>
    %dma_wait3A_342 = tpu.memref_squeeze %dma_wait3A_341 : memref<1x1x128xi32, #tpu.memory_space<vmem>> -> memref<128xi32, #tpu.memory_space<vmem>>
    %dma_wait3A_343 = arith.constant 0 : i32
    %dma_wait3A_344 = arith.constant 0 : i32
    %dma_wait3A_345 = tpu.memref_slice %arg7[%dma_wait3A_343, %dma_wait3A_344] : memref<10000x128xf32, #tpu.memory_space<vmem_shared>> -> memref<10000x128xf32, #tpu.memory_space<vmem_shared>>
    tpu.wait_indirect_dma semaphore(%arg11 : memref<!tpu.dma_semaphore, #tpu.memory_space<semaphore_mem>>) src(%dma_wait3A_339 : memref<128x128xf32, #tpu.memory_space<vmem>>) dst(%dma_wait3A_345 : memref<10000x128xf32, #tpu.memory_space<vmem_shared>>)
    %dma_start3A_346 = arith.constant 0 : i32
    %dma_start3A_347 = arith.constant 0 : i32
    %dma_start3A_348 = arith.constant 0 : i32
    %dma_start3A_349 = arith.constant 0 : i32
    %dma_start3A_350 = arith.constant 0 : i32
    %dma_start3A_351 = tpu.memref_slice %arg6[%dma_start3A_348, %dma_start3A_349, %dma_start3A_350] : memref<2x128x128xf32, #tpu.memory_space<vmem>> -> memref<1x128x128xf32, #tpu.memory_space<vmem>>
    %dma_start3A_352 = tpu.memref_squeeze %dma_start3A_351 : memref<1x128x128xf32, #tpu.memory_space<vmem>> -> memref<128x128xf32, #tpu.memory_space<vmem>>
    %dma_start3A_353 = arith.constant 0 : i32
    %dma_start3A_354 = tpu.memref_slice %arg5[%dma_start3A_346, %dma_start3A_347, %dma_start3A_353] : memref<4x2x128xi32, #tpu.memory_space<vmem>> -> memref<1x1x128xi32, #tpu.memory_space<vmem>>
    %dma_start3A_355 = tpu.memref_squeeze %dma_start3A_354 : memref<1x1x128xi32, #tpu.memory_space<vmem>> -> memref<128xi32, #tpu.memory_space<vmem>>
    %dma_start3A_356 = arith.constant 0 : i32
    %dma_start3A_357 = arith.constant 0 : i32
    %dma_start3A_358 = tpu.memref_slice %arg2[%dma_start3A_356, %dma_start3A_357] : memref<10000x128xf32, #tpu.memory_space<hbm>> -> memref<10000x128xf32, #tpu.memory_space<hbm>>
    tpu.enqueue_indirect_dma source(%dma_start3A_358 : memref<10000x128xf32, #tpu.memory_space<hbm>>) target(%dma_start3A_352 : memref<128x128xf32, #tpu.memory_space<vmem>>) offsets(%dma_start3A_355 : memref<128xi32, #tpu.memory_space<vmem>>) semaphore(%arg9 : memref<!tpu.dma_semaphore, #tpu.memory_space<semaphore_mem>>)
    %add3A_359 = arith.constant 2464 : i32
    %add3A_360 = arith.addi %add3A_359, %add3A : i32
    %mul3A_361 = arith.constant 128 : i32
    %mul3A_362 = arith.muli %add3A_360, %mul3A_361 : i32
    %dma_start3A_363 = arith.constant 1 : i32
    %dma_start3A_364 = arith.constant 0 : i32
    %dma_start3A_365 = arith.constant 0 : i32
    %dma_start3A_366 = tpu.memref_slice %arg5[%dma_start3A_363, %dma_start3A_364, %dma_start3A_365] : memref<4x2x128xi32, #tpu.memory_space<vmem>> -> memref<1x2x128xi32, #tpu.memory_space<vmem>>
    %dma_start3A_367 = tpu.memref_squeeze %dma_start3A_366 : memref<1x2x128xi32, #tpu.memory_space<vmem>> -> memref<2x128xi32, #tpu.memory_space<vmem>>
    %dma_start3A_368 = arith.constant 0 : i32
    %dma_start3A_369 = tpu.memref_slice %arg3[%dma_start3A_368, %mul3A_362] : memref<2x320000xi32, #tpu.memory_space<hbm>> -> memref<2x128xi32, #tpu.memory_space<hbm>>
    %dma_start3A_370 = arith.constant 0 : i32
    %dma_start3A_371 = arith.constant 0 : i32
    %dma_start3A_372 = tpu.memref_slice %arg5[%dma_start3A_363, %dma_start3A_370, %dma_start3A_371] : memref<4x2x128xi32, #tpu.memory_space<vmem>> -> memref<1x2x128xi32, #tpu.memory_space<vmem>>
    %dma_start3A_373 = tpu.memref_squeeze %dma_start3A_372 : memref<1x2x128xi32, #tpu.memory_space<vmem>> -> memref<2x128xi32, #tpu.memory_space<vmem>>
    %dma_start3A_374 = arith.constant 0 : i32
    %dma_start3A_375 = tpu.memref_slice %arg3[%dma_start3A_374, %mul3A_362] : memref<2x320000xi32, #tpu.memory_space<hbm>> -> memref<2x128xi32, #tpu.memory_space<hbm>>
    tpu.enqueue_dma source(%dma_start3A_375 : memref<2x128xi32, #tpu.memory_space<hbm>>) target(%dma_start3A_373 : memref<2x128xi32, #tpu.memory_space<vmem>>) target_semaphore(%arg8 : memref<!tpu.dma_semaphore, #tpu.memory_space<semaphore_mem>>)
    %dma_wait3A_376 = arith.constant 3 : i32
    %dma_wait3A_377 = arith.constant 0 : i32
    %dma_wait3A_378 = arith.constant 1 : i32
    %dma_wait3A_379 = arith.constant 0 : i32
    %dma_wait3A_380 = arith.constant 0 : i32
    %dma_wait3A_381 = tpu.memref_slice %arg6[%dma_wait3A_378, %dma_wait3A_379, %dma_wait3A_380] : memref<2x128x128xf32, #tpu.memory_space<vmem>> -> memref<1x128x128xf32, #tpu.memory_space<vmem>>
    %dma_wait3A_382 = tpu.memref_squeeze %dma_wait3A_381 : memref<1x128x128xf32, #tpu.memory_space<vmem>> -> memref<128x128xf32, #tpu.memory_space<vmem>>
    %dma_wait3A_383 = arith.constant 0 : i32
    %dma_wait3A_384 = tpu.memref_slice %arg5[%dma_wait3A_376, %dma_wait3A_377, %dma_wait3A_383] : memref<4x2x128xi32, #tpu.memory_space<vmem>> -> memref<1x1x128xi32, #tpu.memory_space<vmem>>
    %dma_wait3A_385 = tpu.memref_squeeze %dma_wait3A_384 : memref<1x1x128xi32, #tpu.memory_space<vmem>> -> memref<128xi32, #tpu.memory_space<vmem>>
    %dma_wait3A_386 = arith.constant 0 : i32
    %dma_wait3A_387 = arith.constant 0 : i32
    %dma_wait3A_388 = tpu.memref_slice %arg2[%dma_wait3A_386, %dma_wait3A_387] : memref<10000x128xf32, #tpu.memory_space<hbm>> -> memref<10000x128xf32, #tpu.memory_space<hbm>>
    tpu.wait_indirect_dma semaphore(%arg10 : memref<!tpu.dma_semaphore, #tpu.memory_space<semaphore_mem>>) src(%dma_wait3A_388 : memref<10000x128xf32, #tpu.memory_space<hbm>>) dst(%dma_wait3A_382 : memref<128x128xf32, #tpu.memory_space<vmem>>)
    %dma_start3A_389 = arith.constant 1 : i32
    %dma_start3A_390 = arith.constant 3 : i32
    %dma_start3A_391 = arith.constant 1 : i32
    %dma_start3A_392 = arith.constant 0 : i32
    %dma_start3A_393 = arith.constant 0 : i32
    %dma_start3A_394 = tpu.memref_slice %arg6[%dma_start3A_389, %dma_start3A_392, %dma_start3A_393] : memref<2x128x128xf32, #tpu.memory_space<vmem>> -> memref<1x128x128xf32, #tpu.memory_space<vmem>>
    %dma_start3A_395 = tpu.memref_squeeze %dma_start3A_394 : memref<1x128x128xf32, #tpu.memory_space<vmem>> -> memref<128x128xf32, #tpu.memory_space<vmem>>
    %dma_start3A_396 = arith.constant 0 : i32
    %dma_start3A_397 = tpu.memref_slice %arg5[%dma_start3A_390, %dma_start3A_391, %dma_start3A_396] : memref<4x2x128xi32, #tpu.memory_space<vmem>> -> memref<1x1x128xi32, #tpu.memory_space<vmem>>
    %dma_start3A_398 = tpu.memref_squeeze %dma_start3A_397 : memref<1x1x128xi32, #tpu.memory_space<vmem>> -> memref<128xi32, #tpu.memory_space<vmem>>
    %dma_start3A_399 = arith.constant 0 : i32
    %dma_start3A_400 = arith.constant 0 : i32
    %dma_start3A_401 = tpu.memref_slice %arg7[%dma_start3A_399, %dma_start3A_400] : memref<10000x128xf32, #tpu.memory_space<vmem_shared>> -> memref<10000x128xf32, #tpu.memory_space<vmem_shared>>
    tpu.enqueue_indirect_dma source(%dma_start3A_395 : memref<128x128xf32, #tpu.memory_space<vmem>>) target(%dma_start3A_401 : memref<10000x128xf32, #tpu.memory_space<vmem_shared>>) offsets(%dma_start3A_398 : memref<128xi32, #tpu.memory_space<vmem>>) semaphore(%arg11 : memref<!tpu.dma_semaphore, #tpu.memory_space<semaphore_mem>>) {add = true}
    %dma_wait3A_402 = arith.constant 1 : i32
    %dma_wait3A_403 = arith.constant 0 : i32
    %dma_wait3A_404 = arith.constant 0 : i32
    %dma_wait3A_405 = tpu.memref_slice %arg5[%dma_wait3A_402, %dma_wait3A_403, %dma_wait3A_404] : memref<4x2x128xi32, #tpu.memory_space<vmem>> -> memref<1x2x128xi32, #tpu.memory_space<vmem>>
    %dma_wait3A_406 = tpu.memref_squeeze %dma_wait3A_405 : memref<1x2x128xi32, #tpu.memory_space<vmem>> -> memref<2x128xi32, #tpu.memory_space<vmem>>
    %dma_wait3A_407 = arith.constant 0 : i32
    %dma_wait3A_408 = arith.constant 0 : i32
    %dma_wait3A_409 = tpu.memref_slice %arg3[%dma_wait3A_407, %dma_wait3A_408] : memref<2x320000xi32, #tpu.memory_space<hbm>> -> memref<2x128xi32, #tpu.memory_space<hbm>>
    %dma_wait3A_410 = arith.constant 0 : i32
    %dma_wait3A_411 = arith.constant 0 : i32
    %dma_wait3A_412 = tpu.memref_slice %arg5[%dma_wait3A_402, %dma_wait3A_410, %dma_wait3A_411] : memref<4x2x128xi32, #tpu.memory_space<vmem>> -> memref<1x2x128xi32, #tpu.memory_space<vmem>>
    %dma_wait3A_413 = tpu.memref_squeeze %dma_wait3A_412 : memref<1x2x128xi32, #tpu.memory_space<vmem>> -> memref<2x128xi32, #tpu.memory_space<vmem>>
    %dma_wait3A_414 = arith.constant 0 : i32
    %dma_wait3A_415 = arith.constant 0 : i32
    %dma_wait3A_416 = tpu.memref_slice %arg3[%dma_wait3A_414, %dma_wait3A_415] : memref<2x320000xi32, #tpu.memory_space<hbm>> -> memref<2x128xi32, #tpu.memory_space<hbm>>
    tpu.wait_dma2 semaphore(%arg8 : memref<!tpu.dma_semaphore, #tpu.memory_space<semaphore_mem>>) src(%dma_wait3A_416 : memref<2x128xi32, #tpu.memory_space<hbm>>) dst(%dma_wait3A_413 : memref<2x128xi32, #tpu.memory_space<vmem>>)
    %dma_wait3A_417 = arith.constant 1 : i32
    %dma_wait3A_418 = arith.constant 3 : i32
    %dma_wait3A_419 = arith.constant 1 : i32
    %dma_wait3A_420 = arith.constant 0 : i32
    %dma_wait3A_421 = arith.constant 0 : i32
    %dma_wait3A_422 = tpu.memref_slice %arg6[%dma_wait3A_417, %dma_wait3A_420, %dma_wait3A_421] : memref<2x128x128xf32, #tpu.memory_space<vmem>> -> memref<1x128x128xf32, #tpu.memory_space<vmem>>
    %dma_wait3A_423 = tpu.memref_squeeze %dma_wait3A_422 : memref<1x128x128xf32, #tpu.memory_space<vmem>> -> memref<128x128xf32, #tpu.memory_space<vmem>>
    %dma_wait3A_424 = arith.constant 0 : i32
    %dma_wait3A_425 = tpu.memref_slice %arg5[%dma_wait3A_418, %dma_wait3A_419, %dma_wait3A_424] : memref<4x2x128xi32, #tpu.memory_space<vmem>> -> memref<1x1x128xi32, #tpu.memory_space<vmem>>
    %dma_wait3A_426 = tpu.memref_squeeze %dma_wait3A_425 : memref<1x1x128xi32, #tpu.memory_space<vmem>> -> memref<128xi32, #tpu.memory_space<vmem>>
    %dma_wait3A_427 = arith.constant 0 : i32
    %dma_wait3A_428 = arith.constant 0 : i32
    %dma_wait3A_429 = tpu.memref_slice %arg7[%dma_wait3A_427, %dma_wait3A_428] : memref<10000x128xf32, #tpu.memory_space<vmem_shared>> -> memref<10000x128xf32, #tpu.memory_space<vmem_shared>>
    tpu.wait_indirect_dma semaphore(%arg11 : memref<!tpu.dma_semaphore, #tpu.memory_space<semaphore_mem>>) src(%dma_wait3A_423 : memref<128x128xf32, #tpu.memory_space<vmem>>) dst(%dma_wait3A_429 : memref<10000x128xf32, #tpu.memory_space<vmem_shared>>)
    %dma_start3A_430 = arith.constant 1 : i32
    %dma_start3A_431 = arith.constant 0 : i32
    %dma_start3A_432 = arith.constant 1 : i32
    %dma_start3A_433 = arith.constant 0 : i32
    %dma_start3A_434 = arith.constant 0 : i32
    %dma_start3A_435 = tpu.memref_slice %arg6[%dma_start3A_432, %dma_start3A_433, %dma_start3A_434] : memref<2x128x128xf32, #tpu.memory_space<vmem>> -> memref<1x128x128xf32, #tpu.memory_space<vmem>>
    %dma_start3A_436 = tpu.memref_squeeze %dma_start3A_435 : memref<1x128x128xf32, #tpu.memory_space<vmem>> -> memref<128x128xf32, #tpu.memory_space<vmem>>
    %dma_start3A_437 = arith.constant 0 : i32
    %dma_start3A_438 = tpu.memref_slice %arg5[%dma_start3A_430, %dma_start3A_431, %dma_start3A_437] : memref<4x2x128xi32, #tpu.memory_space<vmem>> -> memref<1x1x128xi32, #tpu.memory_space<vmem>>
    %dma_start3A_439 = tpu.memref_squeeze %dma_start3A_438 : memref<1x1x128xi32, #tpu.memory_space<vmem>> -> memref<128xi32, #tpu.memory_space<vmem>>
    %dma_start3A_440 = arith.constant 0 : i32
    %dma_start3A_441 = arith.constant 0 : i32
    %dma_start3A_442 = tpu.memref_slice %arg2[%dma_start3A_440, %dma_start3A_441] : memref<10000x128xf32, #tpu.memory_space<hbm>> -> memref<10000x128xf32, #tpu.memory_space<hbm>>
    tpu.enqueue_indirect_dma source(%dma_start3A_442 : memref<10000x128xf32, #tpu.memory_space<hbm>>) target(%dma_start3A_436 : memref<128x128xf32, #tpu.memory_space<vmem>>) offsets(%dma_start3A_439 : memref<128xi32, #tpu.memory_space<vmem>>) semaphore(%arg10 : memref<!tpu.dma_semaphore, #tpu.memory_space<semaphore_mem>>)
    %dma_wait3A_443 = arith.constant 0 : i32
    %dma_wait3A_444 = arith.constant 0 : i32
    %dma_wait3A_445 = arith.constant 0 : i32
    %dma_wait3A_446 = arith.constant 0 : i32
    %dma_wait3A_447 = arith.constant 0 : i32
    %dma_wait3A_448 = tpu.memref_slice %arg6[%dma_wait3A_445, %dma_wait3A_446, %dma_wait3A_447] : memref<2x128x128xf32, #tpu.memory_space<vmem>> -> memref<1x128x128xf32, #tpu.memory_space<vmem>>
    %dma_wait3A_449 = tpu.memref_squeeze %dma_wait3A_448 : memref<1x128x128xf32, #tpu.memory_space<vmem>> -> memref<128x128xf32, #tpu.memory_space<vmem>>
    %dma_wait3A_450 = arith.constant 0 : i32
    %dma_wait3A_451 = tpu.memref_slice %arg5[%dma_wait3A_443, %dma_wait3A_444, %dma_wait3A_450] : memref<4x2x128xi32, #tpu.memory_space<vmem>> -> memref<1x1x128xi32, #tpu.memory_space<vmem>>
    %dma_wait3A_452 = tpu.memref_squeeze %dma_wait3A_451 : memref<1x1x128xi32, #tpu.memory_space<vmem>> -> memref<128xi32, #tpu.memory_space<vmem>>
    %dma_wait3A_453 = arith.constant 0 : i32
    %dma_wait3A_454 = arith.constant 0 : i32
    %dma_wait3A_455 = tpu.memref_slice %arg2[%dma_wait3A_453, %dma_wait3A_454] : memref<10000x128xf32, #tpu.memory_space<hbm>> -> memref<10000x128xf32, #tpu.memory_space<hbm>>
    tpu.wait_indirect_dma semaphore(%arg9 : memref<!tpu.dma_semaphore, #tpu.memory_space<semaphore_mem>>) src(%dma_wait3A_455 : memref<10000x128xf32, #tpu.memory_space<hbm>>) dst(%dma_wait3A_449 : memref<128x128xf32, #tpu.memory_space<vmem>>)
    %dma_start3A_456 = arith.constant 0 : i32
    %dma_start3A_457 = arith.constant 0 : i32
    %dma_start3A_458 = arith.constant 1 : i32
    %dma_start3A_459 = arith.constant 0 : i32
    %dma_start3A_460 = arith.constant 0 : i32
    %dma_start3A_461 = tpu.memref_slice %arg6[%dma_start3A_456, %dma_start3A_459, %dma_start3A_460] : memref<2x128x128xf32, #tpu.memory_space<vmem>> -> memref<1x128x128xf32, #tpu.memory_space<vmem>>
    %dma_start3A_462 = tpu.memref_squeeze %dma_start3A_461 : memref<1x128x128xf32, #tpu.memory_space<vmem>> -> memref<128x128xf32, #tpu.memory_space<vmem>>
    %dma_start3A_463 = arith.constant 0 : i32
    %dma_start3A_464 = tpu.memref_slice %arg5[%dma_start3A_457, %dma_start3A_458, %dma_start3A_463] : memref<4x2x128xi32, #tpu.memory_space<vmem>> -> memref<1x1x128xi32, #tpu.memory_space<vmem>>
    %dma_start3A_465 = tpu.memref_squeeze %dma_start3A_464 : memref<1x1x128xi32, #tpu.memory_space<vmem>> -> memref<128xi32, #tpu.memory_space<vmem>>
    %dma_start3A_466 = arith.constant 0 : i32
    %dma_start3A_467 = arith.constant 0 : i32
    %dma_start3A_468 = tpu.memref_slice %arg7[%dma_start3A_466, %dma_start3A_467] : memref<10000x128xf32, #tpu.memory_space<vmem_shared>> -> memref<10000x128xf32, #tpu.memory_space<vmem_shared>>
    tpu.enqueue_indirect_dma source(%dma_start3A_462 : memref<128x128xf32, #tpu.memory_space<vmem>>) target(%dma_start3A_468 : memref<10000x128xf32, #tpu.memory_space<vmem_shared>>) offsets(%dma_start3A_465 : memref<128xi32, #tpu.memory_space<vmem>>) semaphore(%arg11 : memref<!tpu.dma_semaphore, #tpu.memory_space<semaphore_mem>>) {add = true}
    %dma_wait3A_469 = arith.constant 0 : i32
    %dma_wait3A_470 = arith.constant 0 : i32
    %dma_wait3A_471 = arith.constant 1 : i32
    %dma_wait3A_472 = arith.constant 0 : i32
    %dma_wait3A_473 = arith.constant 0 : i32
    %dma_wait3A_474 = tpu.memref_slice %arg6[%dma_wait3A_469, %dma_wait3A_472, %dma_wait3A_473] : memref<2x128x128xf32, #tpu.memory_space<vmem>> -> memref<1x128x128xf32, #tpu.memory_space<vmem>>
    %dma_wait3A_475 = tpu.memref_squeeze %dma_wait3A_474 : memref<1x128x128xf32, #tpu.memory_space<vmem>> -> memref<128x128xf32, #tpu.memory_space<vmem>>
    %dma_wait3A_476 = arith.constant 0 : i32
    %dma_wait3A_477 = tpu.memref_slice %arg5[%dma_wait3A_470, %dma_wait3A_471, %dma_wait3A_476] : memref<4x2x128xi32, #tpu.memory_space<vmem>> -> memref<1x1x128xi32, #tpu.memory_space<vmem>>
    %dma_wait3A_478 = tpu.memref_squeeze %dma_wait3A_477 : memref<1x1x128xi32, #tpu.memory_space<vmem>> -> memref<128xi32, #tpu.memory_space<vmem>>
    %dma_wait3A_479 = arith.constant 0 : i32
    %dma_wait3A_480 = arith.constant 0 : i32
    %dma_wait3A_481 = tpu.memref_slice %arg7[%dma_wait3A_479, %dma_wait3A_480] : memref<10000x128xf32, #tpu.memory_space<vmem_shared>> -> memref<10000x128xf32, #tpu.memory_space<vmem_shared>>
    tpu.wait_indirect_dma semaphore(%arg11 : memref<!tpu.dma_semaphore, #tpu.memory_space<semaphore_mem>>) src(%dma_wait3A_475 : memref<128x128xf32, #tpu.memory_space<vmem>>) dst(%dma_wait3A_481 : memref<10000x128xf32, #tpu.memory_space<vmem_shared>>)
    %dma_wait3A_482 = arith.constant 1 : i32
    %dma_wait3A_483 = arith.constant 0 : i32
    %dma_wait3A_484 = arith.constant 1 : i32
    %dma_wait3A_485 = arith.constant 0 : i32
    %dma_wait3A_486 = arith.constant 0 : i32
    %dma_wait3A_487 = tpu.memref_slice %arg6[%dma_wait3A_484, %dma_wait3A_485, %dma_wait3A_486] : memref<2x128x128xf32, #tpu.memory_space<vmem>> -> memref<1x128x128xf32, #tpu.memory_space<vmem>>
    %dma_wait3A_488 = tpu.memref_squeeze %dma_wait3A_487 : memref<1x128x128xf32, #tpu.memory_space<vmem>> -> memref<128x128xf32, #tpu.memory_space<vmem>>
    %dma_wait3A_489 = arith.constant 0 : i32
    %dma_wait3A_490 = tpu.memref_slice %arg5[%dma_wait3A_482, %dma_wait3A_483, %dma_wait3A_489] : memref<4x2x128xi32, #tpu.memory_space<vmem>> -> memref<1x1x128xi32, #tpu.memory_space<vmem>>
    %dma_wait3A_491 = tpu.memref_squeeze %dma_wait3A_490 : memref<1x1x128xi32, #tpu.memory_space<vmem>> -> memref<128xi32, #tpu.memory_space<vmem>>
    %dma_wait3A_492 = arith.constant 0 : i32
    %dma_wait3A_493 = arith.constant 0 : i32
    %dma_wait3A_494 = tpu.memref_slice %arg2[%dma_wait3A_492, %dma_wait3A_493] : memref<10000x128xf32, #tpu.memory_space<hbm>> -> memref<10000x128xf32, #tpu.memory_space<hbm>>
    tpu.wait_indirect_dma semaphore(%arg10 : memref<!tpu.dma_semaphore, #tpu.memory_space<semaphore_mem>>) src(%dma_wait3A_494 : memref<10000x128xf32, #tpu.memory_space<hbm>>) dst(%dma_wait3A_488 : memref<128x128xf32, #tpu.memory_space<vmem>>)
    %dma_start3A_495 = arith.constant 1 : i32
    %dma_start3A_496 = arith.constant 1 : i32
    %dma_start3A_497 = arith.constant 1 : i32
    %dma_start3A_498 = arith.constant 0 : i32
    %dma_start3A_499 = arith.constant 0 : i32
    %dma_start3A_500 = tpu.memref_slice %arg6[%dma_start3A_495, %dma_start3A_498, %dma_start3A_499] : memref<2x128x128xf32, #tpu.memory_space<vmem>> -> memref<1x128x128xf32, #tpu.memory_space<vmem>>
    %dma_start3A_501 = tpu.memref_squeeze %dma_start3A_500 : memref<1x128x128xf32, #tpu.memory_space<vmem>> -> memref<128x128xf32, #tpu.memory_space<vmem>>
    %dma_start3A_502 = arith.constant 0 : i32
    %dma_start3A_503 = tpu.memref_slice %arg5[%dma_start3A_496, %dma_start3A_497, %dma_start3A_502] : memref<4x2x128xi32, #tpu.memory_space<vmem>> -> memref<1x1x128xi32, #tpu.memory_space<vmem>>
    %dma_start3A_504 = tpu.memref_squeeze %dma_start3A_503 : memref<1x1x128xi32, #tpu.memory_space<vmem>> -> memref<128xi32, #tpu.memory_space<vmem>>
    %dma_start3A_505 = arith.constant 0 : i32
    %dma_start3A_506 = arith.constant 0 : i32
    %dma_start3A_507 = tpu.memref_slice %arg7[%dma_start3A_505, %dma_start3A_506] : memref<10000x128xf32, #tpu.memory_space<vmem_shared>> -> memref<10000x128xf32, #tpu.memory_space<vmem_shared>>
    tpu.enqueue_indirect_dma source(%dma_start3A_501 : memref<128x128xf32, #tpu.memory_space<vmem>>) target(%dma_start3A_507 : memref<10000x128xf32, #tpu.memory_space<vmem_shared>>) offsets(%dma_start3A_504 : memref<128xi32, #tpu.memory_space<vmem>>) semaphore(%arg11 : memref<!tpu.dma_semaphore, #tpu.memory_space<semaphore_mem>>) {add = true}
    %dma_wait3A_508 = arith.constant 1 : i32
    %dma_wait3A_509 = arith.constant 1 : i32
    %dma_wait3A_510 = arith.constant 1 : i32
    %dma_wait3A_511 = arith.constant 0 : i32
    %dma_wait3A_512 = arith.constant 0 : i32
    %dma_wait3A_513 = tpu.memref_slice %arg6[%dma_wait3A_508, %dma_wait3A_511, %dma_wait3A_512] : memref<2x128x128xf32, #tpu.memory_space<vmem>> -> memref<1x128x128xf32, #tpu.memory_space<vmem>>
    %dma_wait3A_514 = tpu.memref_squeeze %dma_wait3A_513 : memref<1x128x128xf32, #tpu.memory_space<vmem>> -> memref<128x128xf32, #tpu.memory_space<vmem>>
    %dma_wait3A_515 = arith.constant 0 : i32
    %dma_wait3A_516 = tpu.memref_slice %arg5[%dma_wait3A_509, %dma_wait3A_510, %dma_wait3A_515] : memref<4x2x128xi32, #tpu.memory_space<vmem>> -> memref<1x1x128xi32, #tpu.memory_space<vmem>>
    %dma_wait3A_517 = tpu.memref_squeeze %dma_wait3A_516 : memref<1x1x128xi32, #tpu.memory_space<vmem>> -> memref<128xi32, #tpu.memory_space<vmem>>
    %dma_wait3A_518 = arith.constant 0 : i32
    %dma_wait3A_519 = arith.constant 0 : i32
    %dma_wait3A_520 = tpu.memref_slice %arg7[%dma_wait3A_518, %dma_wait3A_519] : memref<10000x128xf32, #tpu.memory_space<vmem_shared>> -> memref<10000x128xf32, #tpu.memory_space<vmem_shared>>
    tpu.wait_indirect_dma semaphore(%arg11 : memref<!tpu.dma_semaphore, #tpu.memory_space<semaphore_mem>>) src(%dma_wait3A_514 : memref<128x128xf32, #tpu.memory_space<vmem>>) dst(%dma_wait3A_520 : memref<10000x128xf32, #tpu.memory_space<vmem_shared>>)
    %lt3A = arith.constant 4 : i32
    %lt3A_521 = arith.cmpi slt, %add3A, %lt3A : i32
    %convert_element_type3A = arith.extui %lt3A_521 : i1 to i32
    %cond3A = arith.constant 0 : i32
    %cond3A_522 = arith.cmpi ne, %convert_element_type3A, %cond3A : i32
    scf.if %cond3A_522 {
      %add3A_530 = arith.constant 2496 : i32
      %add3A_531 = arith.addi %add3A_530, %add3A : i32
      %mul3A_532 = arith.constant 128 : i32
      %mul3A_533 = arith.muli %add3A_531, %mul3A_532 : i32
      %dma_start3A_534 = arith.constant 0 : i32
      %dma_start3A_535 = arith.constant 0 : i32
      %dma_start3A_536 = arith.constant 0 : i32
      %dma_start3A_537 = tpu.memref_slice %arg5[%dma_start3A_534, %dma_start3A_535, %dma_start3A_536] : memref<4x2x128xi32, #tpu.memory_space<vmem>> -> memref<1x2x128xi32, #tpu.memory_space<vmem>>
      %dma_start3A_538 = tpu.memref_squeeze %dma_start3A_537 : memref<1x2x128xi32, #tpu.memory_space<vmem>> -> memref<2x128xi32, #tpu.memory_space<vmem>>
      %dma_start3A_539 = arith.constant 0 : i32
      %dma_start3A_540 = tpu.memref_slice %arg3[%dma_start3A_539, %mul3A_533] : memref<2x320000xi32, #tpu.memory_space<hbm>> -> memref<2x128xi32, #tpu.memory_space<hbm>>
      %dma_start3A_541 = arith.constant 0 : i32
      %dma_start3A_542 = arith.constant 0 : i32
      %dma_start3A_543 = tpu.memref_slice %arg5[%dma_start3A_534, %dma_start3A_541, %dma_start3A_542] : memref<4x2x128xi32, #tpu.memory_space<vmem>> -> memref<1x2x128xi32, #tpu.memory_space<vmem>>
      %dma_start3A_544 = tpu.memref_squeeze %dma_start3A_543 : memref<1x2x128xi32, #tpu.memory_space<vmem>> -> memref<2x128xi32, #tpu.memory_space<vmem>>
      %dma_start3A_545 = arith.constant 0 : i32
      %dma_start3A_546 = tpu.memref_slice %arg3[%dma_start3A_545, %mul3A_533] : memref<2x320000xi32, #tpu.memory_space<hbm>> -> memref<2x128xi32, #tpu.memory_space<hbm>>
      tpu.enqueue_dma source(%dma_start3A_546 : memref<2x128xi32, #tpu.memory_space<hbm>>) target(%dma_start3A_544 : memref<2x128xi32, #tpu.memory_space<vmem>>) target_semaphore(%arg8 : memref<!tpu.dma_semaphore, #tpu.memory_space<semaphore_mem>>)
      %dma_wait3A_547 = arith.constant 0 : i32
      %dma_wait3A_548 = arith.constant 0 : i32
      %dma_wait3A_549 = arith.constant 0 : i32
      %dma_wait3A_550 = tpu.memref_slice %arg5[%dma_wait3A_547, %dma_wait3A_548, %dma_wait3A_549] : memref<4x2x128xi32, #tpu.memory_space<vmem>> -> memref<1x2x128xi32, #tpu.memory_space<vmem>>
      %dma_wait3A_551 = tpu.memref_squeeze %dma_wait3A_550 : memref<1x2x128xi32, #tpu.memory_space<vmem>> -> memref<2x128xi32, #tpu.memory_space<vmem>>
      %dma_wait3A_552 = arith.constant 0 : i32
      %dma_wait3A_553 = arith.constant 0 : i32
      %dma_wait3A_554 = tpu.memref_slice %arg3[%dma_wait3A_552, %dma_wait3A_553] : memref<2x320000xi32, #tpu.memory_space<hbm>> -> memref<2x128xi32, #tpu.memory_space<hbm>>
      %dma_wait3A_555 = arith.constant 0 : i32
      %dma_wait3A_556 = arith.constant 0 : i32
      %dma_wait3A_557 = tpu.memref_slice %arg5[%dma_wait3A_547, %dma_wait3A_555, %dma_wait3A_556] : memref<4x2x128xi32, #tpu.memory_space<vmem>> -> memref<1x2x128xi32, #tpu.memory_space<vmem>>
      %dma_wait3A_558 = tpu.memref_squeeze %dma_wait3A_557 : memref<1x2x128xi32, #tpu.memory_space<vmem>> -> memref<2x128xi32, #tpu.memory_space<vmem>>
      %dma_wait3A_559 = arith.constant 0 : i32
      %dma_wait3A_560 = arith.constant 0 : i32
      %dma_wait3A_561 = tpu.memref_slice %arg3[%dma_wait3A_559, %dma_wait3A_560] : memref<2x320000xi32, #tpu.memory_space<hbm>> -> memref<2x128xi32, #tpu.memory_space<hbm>>
      tpu.wait_dma2 semaphore(%arg8 : memref<!tpu.dma_semaphore, #tpu.memory_space<semaphore_mem>>) src(%dma_wait3A_561 : memref<2x128xi32, #tpu.memory_space<hbm>>) dst(%dma_wait3A_558 : memref<2x128xi32, #tpu.memory_space<vmem>>)
      %dma_start3A_562 = arith.constant 0 : i32
      %dma_start3A_563 = arith.constant 0 : i32
      %dma_start3A_564 = arith.constant 0 : i32
      %dma_start3A_565 = arith.constant 0 : i32
      %dma_start3A_566 = arith.constant 0 : i32
      %dma_start3A_567 = tpu.memref_slice %arg6[%dma_start3A_564, %dma_start3A_565, %dma_start3A_566] : memref<2x128x128xf32, #tpu.memory_space<vmem>> -> memref<1x128x128xf32, #tpu.memory_space<vmem>>
      %dma_start3A_568 = tpu.memref_squeeze %dma_start3A_567 : memref<1x128x128xf32, #tpu.memory_space<vmem>> -> memref<128x128xf32, #tpu.memory_space<vmem>>
      %dma_start3A_569 = arith.constant 0 : i32
      %dma_start3A_570 = tpu.memref_slice %arg5[%dma_start3A_562, %dma_start3A_563, %dma_start3A_569] : memref<4x2x128xi32, #tpu.memory_space<vmem>> -> memref<1x1x128xi32, #tpu.memory_space<vmem>>
      %dma_start3A_571 = tpu.memref_squeeze %dma_start3A_570 : memref<1x1x128xi32, #tpu.memory_space<vmem>> -> memref<128xi32, #tpu.memory_space<vmem>>
      %dma_start3A_572 = arith.constant 0 : i32
      %dma_start3A_573 = arith.constant 0 : i32
      %dma_start3A_574 = tpu.memref_slice %arg2[%dma_start3A_572, %dma_start3A_573] : memref<10000x128xf32, #tpu.memory_space<hbm>> -> memref<10000x128xf32, #tpu.memory_space<hbm>>
      tpu.enqueue_indirect_dma source(%dma_start3A_574 : memref<10000x128xf32, #tpu.memory_space<hbm>>) target(%dma_start3A_568 : memref<128x128xf32, #tpu.memory_space<vmem>>) offsets(%dma_start3A_571 : memref<128xi32, #tpu.memory_space<vmem>>) semaphore(%arg9 : memref<!tpu.dma_semaphore, #tpu.memory_space<semaphore_mem>>)
      %dma_wait3A_575 = arith.constant 0 : i32
      %dma_wait3A_576 = arith.constant 0 : i32
      %dma_wait3A_577 = arith.constant 0 : i32
      %dma_wait3A_578 = arith.constant 0 : i32
      %dma_wait3A_579 = arith.constant 0 : i32
      %dma_wait3A_580 = tpu.memref_slice %arg6[%dma_wait3A_577, %dma_wait3A_578, %dma_wait3A_579] : memref<2x128x128xf32, #tpu.memory_space<vmem>> -> memref<1x128x128xf32, #tpu.memory_space<vmem>>
      %dma_wait3A_581 = tpu.memref_squeeze %dma_wait3A_580 : memref<1x128x128xf32, #tpu.memory_space<vmem>> -> memref<128x128xf32, #tpu.memory_space<vmem>>
      %dma_wait3A_582 = arith.constant 0 : i32
      %dma_wait3A_583 = tpu.memref_slice %arg5[%dma_wait3A_575, %dma_wait3A_576, %dma_wait3A_582] : memref<4x2x128xi32, #tpu.memory_space<vmem>> -> memref<1x1x128xi32, #tpu.memory_space<vmem>>
      %dma_wait3A_584 = tpu.memref_squeeze %dma_wait3A_583 : memref<1x1x128xi32, #tpu.memory_space<vmem>> -> memref<128xi32, #tpu.memory_space<vmem>>
      %dma_wait3A_585 = arith.constant 0 : i32
      %dma_wait3A_586 = arith.constant 0 : i32
      %dma_wait3A_587 = tpu.memref_slice %arg2[%dma_wait3A_585, %dma_wait3A_586] : memref<10000x128xf32, #tpu.memory_space<hbm>> -> memref<10000x128xf32, #tpu.memory_space<hbm>>
      tpu.wait_indirect_dma semaphore(%arg9 : memref<!tpu.dma_semaphore, #tpu.memory_space<semaphore_mem>>) src(%dma_wait3A_587 : memref<10000x128xf32, #tpu.memory_space<hbm>>) dst(%dma_wait3A_581 : memref<128x128xf32, #tpu.memory_space<vmem>>)
      %run_scoped3A = arith.constant 0 : i32
      %run_scoped3A_588 = arith.constant 0 : i32
      %run_scoped3A_589 = arith.constant 1 : i32
      "tpu.region"() ({
        %run_scoped3A_590 = tpu.sem_alloc : memref<!tpu.dma_semaphore, #tpu.memory_space<semaphore_mem>>
        %dma_start3A_591 = arith.constant 0 : i32
        %dma_start3A_592 = arith.constant 0 : i32
        %dma_start3A_593 = tpu.memref_slice %arg6[%run_scoped3A, %dma_start3A_591, %dma_start3A_592] : memref<2x128x128xf32, #tpu.memory_space<vmem>> -> memref<1x128x128xf32, #tpu.memory_space<vmem>>
        %dma_start3A_594 = tpu.memref_squeeze %dma_start3A_593 : memref<1x128x128xf32, #tpu.memory_space<vmem>> -> memref<128x128xf32, #tpu.memory_space<vmem>>
        %dma_start3A_595 = arith.constant 0 : i32
        %dma_start3A_596 = tpu.memref_slice %arg5[%run_scoped3A_588, %run_scoped3A_589, %dma_start3A_595] : memref<4x2x128xi32, #tpu.memory_space<vmem>> -> memref<1x1x128xi32, #tpu.memory_space<vmem>>
        %dma_start3A_597 = tpu.memref_squeeze %dma_start3A_596 : memref<1x1x128xi32, #tpu.memory_space<vmem>> -> memref<128xi32, #tpu.memory_space<vmem>>
        %dma_start3A_598 = arith.constant 0 : i32
        %dma_start3A_599 = arith.constant 0 : i32
        %dma_start3A_600 = tpu.memref_slice %arg7[%dma_start3A_598, %dma_start3A_599] : memref<10000x128xf32, #tpu.memory_space<vmem_shared>> -> memref<10000x128xf32, #tpu.memory_space<vmem_shared>>
        tpu.enqueue_indirect_dma source(%dma_start3A_594 : memref<128x128xf32, #tpu.memory_space<vmem>>) target(%dma_start3A_600 : memref<10000x128xf32, #tpu.memory_space<vmem_shared>>) offsets(%dma_start3A_597 : memref<128xi32, #tpu.memory_space<vmem>>) semaphore(%run_scoped3A_590 : memref<!tpu.dma_semaphore, #tpu.memory_space<semaphore_mem>>) {add = true}
        %dma_wait3A_601 = arith.constant 0 : i32
        %dma_wait3A_602 = arith.constant 0 : i32
        %dma_wait3A_603 = tpu.memref_slice %arg6[%run_scoped3A, %dma_wait3A_601, %dma_wait3A_602] : memref<2x128x128xf32, #tpu.memory_space<vmem>> -> memref<1x128x128xf32, #tpu.memory_space<vmem>>
        %dma_wait3A_604 = tpu.memref_squeeze %dma_wait3A_603 : memref<1x128x128xf32, #tpu.memory_space<vmem>> -> memref<128x128xf32, #tpu.memory_space<vmem>>
        %dma_wait3A_605 = arith.constant 0 : i32
        %dma_wait3A_606 = tpu.memref_slice %arg5[%run_scoped3A_588, %run_scoped3A_589, %dma_wait3A_605] : memref<4x2x128xi32, #tpu.memory_space<vmem>> -> memref<1x1x128xi32, #tpu.memory_space<vmem>>
        %dma_wait3A_607 = tpu.memref_squeeze %dma_wait3A_606 : memref<1x1x128xi32, #tpu.memory_space<vmem>> -> memref<128xi32, #tpu.memory_space<vmem>>
        %dma_wait3A_608 = arith.constant 0 : i32
        %dma_wait3A_609 = arith.constant 0 : i32
        %dma_wait3A_610 = tpu.memref_slice %arg7[%dma_wait3A_608, %dma_wait3A_609] : memref<10000x128xf32, #tpu.memory_space<vmem_shared>> -> memref<10000x128xf32, #tpu.memory_space<vmem_shared>>
        tpu.wait_indirect_dma semaphore(%run_scoped3A_590 : memref<!tpu.dma_semaphore, #tpu.memory_space<semaphore_mem>>) src(%dma_wait3A_604 : memref<128x128xf32, #tpu.memory_space<vmem>>) dst(%dma_wait3A_610 : memref<10000x128xf32, #tpu.memory_space<vmem_shared>>)
        tpu.yield
      }) : () -> ()
    } else {
    }
    %barrier3A_523 = arith.constant 0 : index
    tpu.barrier barrier_id(%barrier3A_523)
    %scan3A_524 = arith.constant 0 : i32
    %scan3A_525 = arith.constant 0 : i32
    %scan3A_526 = arith.constant 8 : i32
    %scan3A_527 = arith.addi %scan3A_525, %scan3A_526 : i32
    %scan3A_528 = arith.constant 1 : i32
    scf.for %scan3A_530 = %scan3A_525 to %scan3A_527 step %scan3A_528  : i32 {
      %mul3A_531 = arith.constant 1 : i32
      %mul3A_532 = arith.muli %scan3A_530, %mul3A_531 : i32
      %add3A_533 = arith.constant 0 : i32
      %add3A_534 = arith.addi %add3A_533, %mul3A_532 : i32
      %mul3A_535 = arith.constant 16 : i32
      %mul3A_536 = arith.muli %add3A_534, %mul3A_535 : i32
      %add3A_537 = arith.addi %mul3A_536, %arg1 : i32
      %lt3A_538 = arith.constant 125 : i32
      %lt3A_539 = arith.cmpi slt, %add3A_537, %lt3A_538 : i32
      %convert_element_type3A_540 = arith.extui %lt3A_539 : i1 to i32
      %cond3A_541 = arith.constant 0 : i32
      %cond3A_542 = arith.cmpi ne, %convert_element_type3A_540, %cond3A_541 : i32
      scf.if %cond3A_542 {
        %mul3A_543 = arith.constant 80 : i32
        %mul3A_544 = arith.muli %add3A_537, %mul3A_543 : i32
        "tpu.region"() ({
          %run_scoped3A = tpu.sem_alloc : memref<!tpu.dma_semaphore, #tpu.memory_space<semaphore_mem>>
          %dma_start3A_547 = arith.constant 0 : i32
          %dma_start3A_548 = arith.constant 0 : i32
          %dma_start3A_549 = tpu.memref_slice %arg6[%scan3A_524, %dma_start3A_547, %dma_start3A_548] : memref<2x128x128xf32, #tpu.memory_space<vmem>> -> memref<1x80x128xf32, #tpu.memory_space<vmem>>
          %dma_start3A_550 = tpu.memref_squeeze %dma_start3A_549 : memref<1x80x128xf32, #tpu.memory_space<vmem>> -> memref<80x128xf32, #tpu.memory_space<vmem>>
          %dma_start3A_551 = arith.constant 0 : i32
          %dma_start3A_552 = tpu.memref_slice %arg7[%mul3A_544, %dma_start3A_551] : memref<10000x128xf32, #tpu.memory_space<vmem_shared>> -> memref<80x128xf32, #tpu.memory_space<vmem_shared>>
          %dma_start3A_553 = arith.constant 0 : i32
          %dma_start3A_554 = arith.constant 0 : i32
          %dma_start3A_555 = tpu.memref_slice %arg6[%scan3A_524, %dma_start3A_553, %dma_start3A_554] : memref<2x128x128xf32, #tpu.memory_space<vmem>> -> memref<1x80x128xf32, #tpu.memory_space<vmem>>
          %dma_start3A_556 = tpu.memref_squeeze %dma_start3A_555 : memref<1x80x128xf32, #tpu.memory_space<vmem>> -> memref<80x128xf32, #tpu.memory_space<vmem>>
          %dma_start3A_557 = arith.constant 0 : i32
          %dma_start3A_558 = tpu.memref_slice %arg7[%mul3A_544, %dma_start3A_557] : memref<10000x128xf32, #tpu.memory_space<vmem_shared>> -> memref<80x128xf32, #tpu.memory_space<vmem_shared>>
          tpu.enqueue_dma source(%dma_start3A_558 : memref<80x128xf32, #tpu.memory_space<vmem_shared>>) target(%dma_start3A_556 : memref<80x128xf32, #tpu.memory_space<vmem>>) target_semaphore(%run_scoped3A : memref<!tpu.dma_semaphore, #tpu.memory_space<semaphore_mem>>)
          %dma_wait3A_559 = arith.constant 0 : i32
          %dma_wait3A_560 = arith.constant 0 : i32
          %dma_wait3A_561 = tpu.memref_slice %arg6[%scan3A_524, %dma_wait3A_559, %dma_wait3A_560] : memref<2x128x128xf32, #tpu.memory_space<vmem>> -> memref<1x80x128xf32, #tpu.memory_space<vmem>>
          %dma_wait3A_562 = tpu.memref_squeeze %dma_wait3A_561 : memref<1x80x128xf32, #tpu.memory_space<vmem>> -> memref<80x128xf32, #tpu.memory_space<vmem>>
          %dma_wait3A_563 = arith.constant 0 : i32
          %dma_wait3A_564 = tpu.memref_slice %arg7[%mul3A_544, %dma_wait3A_563] : memref<10000x128xf32, #tpu.memory_space<vmem_shared>> -> memref<80x128xf32, #tpu.memory_space<vmem_shared>>
          %dma_wait3A_565 = arith.constant 0 : i32
          %dma_wait3A_566 = arith.constant 0 : i32
          %dma_wait3A_567 = tpu.memref_slice %arg6[%scan3A_524, %dma_wait3A_565, %dma_wait3A_566] : memref<2x128x128xf32, #tpu.memory_space<vmem>> -> memref<1x80x128xf32, #tpu.memory_space<vmem>>
          %dma_wait3A_568 = tpu.memref_squeeze %dma_wait3A_567 : memref<1x80x128xf32, #tpu.memory_space<vmem>> -> memref<80x128xf32, #tpu.memory_space<vmem>>
          %dma_wait3A_569 = arith.constant 0 : i32
          %dma_wait3A_570 = tpu.memref_slice %arg7[%mul3A_544, %dma_wait3A_569] : memref<10000x128xf32, #tpu.memory_space<vmem_shared>> -> memref<80x128xf32, #tpu.memory_space<vmem_shared>>
          tpu.wait_dma2 semaphore(%run_scoped3A : memref<!tpu.dma_semaphore, #tpu.memory_space<semaphore_mem>>) src(%dma_wait3A_570 : memref<80x128xf32, #tpu.memory_space<vmem_shared>>) dst(%dma_wait3A_568 : memref<80x128xf32, #tpu.memory_space<vmem>>)
          tpu.yield
        }) : () -> ()
        %mul3A_545 = arith.constant 80 : i32
        %mul3A_546 = arith.muli %add3A_537, %mul3A_545 : i32
        "tpu.region"() ({
          %run_scoped3A = tpu.sem_alloc : memref<!tpu.dma_semaphore, #tpu.memory_space<semaphore_mem>>
          %dma_start3A_547 = arith.constant 0 : i32
          %dma_start3A_548 = arith.constant 0 : i32
          %dma_start3A_549 = tpu.memref_slice %arg6[%scan3A_524, %dma_start3A_547, %dma_start3A_548] : memref<2x128x128xf32, #tpu.memory_space<vmem>> -> memref<1x80x128xf32, #tpu.memory_space<vmem>>
          %dma_start3A_550 = tpu.memref_squeeze %dma_start3A_549 : memref<1x80x128xf32, #tpu.memory_space<vmem>> -> memref<80x128xf32, #tpu.memory_space<vmem>>
          %dma_start3A_551 = arith.constant 0 : i32
          %dma_start3A_552 = tpu.memref_slice %arg4[%arg0, %mul3A_546, %dma_start3A_551] : memref<2x10000x128xf32, #tpu.memory_space<hbm>> -> memref<1x80x128xf32, #tpu.memory_space<hbm>>
          %dma_start3A_553 = tpu.memref_squeeze %dma_start3A_552 : memref<1x80x128xf32, #tpu.memory_space<hbm>> -> memref<80x128xf32, #tpu.memory_space<hbm>>
          %dma_start3A_554 = arith.constant 0 : i32
          %dma_start3A_555 = tpu.memref_slice %arg4[%arg0, %mul3A_546, %dma_start3A_554] : memref<2x10000x128xf32, #tpu.memory_space<hbm>> -> memref<1x80x128xf32, #tpu.memory_space<hbm>>
          %dma_start3A_556 = tpu.memref_squeeze %dma_start3A_555 : memref<1x80x128xf32, #tpu.memory_space<hbm>> -> memref<80x128xf32, #tpu.memory_space<hbm>>
          %dma_start3A_557 = arith.constant 0 : i32
          %dma_start3A_558 = arith.constant 0 : i32
          %dma_start3A_559 = tpu.memref_slice %arg6[%scan3A_524, %dma_start3A_557, %dma_start3A_558] : memref<2x128x128xf32, #tpu.memory_space<vmem>> -> memref<1x80x128xf32, #tpu.memory_space<vmem>>
          %dma_start3A_560 = tpu.memref_squeeze %dma_start3A_559 : memref<1x80x128xf32, #tpu.memory_space<vmem>> -> memref<80x128xf32, #tpu.memory_space<vmem>>
          tpu.enqueue_dma source(%dma_start3A_560 : memref<80x128xf32, #tpu.memory_space<vmem>>) target(%dma_start3A_556 : memref<80x128xf32, #tpu.memory_space<hbm>>) target_semaphore(%run_scoped3A : memref<!tpu.dma_semaphore, #tpu.memory_space<semaphore_mem>>)
          %dma_wait3A_561 = arith.constant 0 : i32
          %dma_wait3A_562 = arith.constant 0 : i32
          %dma_wait3A_563 = tpu.memref_slice %arg6[%scan3A_524, %dma_wait3A_561, %dma_wait3A_562] : memref<2x128x128xf32, #tpu.memory_space<vmem>> -> memref<1x80x128xf32, #tpu.memory_space<vmem>>
          %dma_wait3A_564 = tpu.memref_squeeze %dma_wait3A_563 : memref<1x80x128xf32, #tpu.memory_space<vmem>> -> memref<80x128xf32, #tpu.memory_space<vmem>>
          %dma_wait3A_565 = arith.constant 0 : i32
          %dma_wait3A_566 = tpu.memref_slice %arg4[%arg0, %mul3A_546, %dma_wait3A_565] : memref<2x10000x128xf32, #tpu.memory_space<hbm>> -> memref<1x80x128xf32, #tpu.memory_space<hbm>>
          %dma_wait3A_567 = tpu.memref_squeeze %dma_wait3A_566 : memref<1x80x128xf32, #tpu.memory_space<hbm>> -> memref<80x128xf32, #tpu.memory_space<hbm>>
          %dma_wait3A_568 = arith.constant 0 : i32
          %dma_wait3A_569 = tpu.memref_slice %arg4[%arg0, %mul3A_546, %dma_wait3A_568] : memref<2x10000x128xf32, #tpu.memory_space<hbm>> -> memref<1x80x128xf32, #tpu.memory_space<hbm>>
          %dma_wait3A_570 = tpu.memref_squeeze %dma_wait3A_569 : memref<1x80x128xf32, #tpu.memory_space<hbm>> -> memref<80x128xf32, #tpu.memory_space<hbm>>
          %dma_wait3A_571 = arith.constant 0 : i32
          %dma_wait3A_572 = arith.constant 0 : i32
          %dma_wait3A_573 = tpu.memref_slice %arg6[%scan3A_524, %dma_wait3A_571, %dma_wait3A_572] : memref<2x128x128xf32, #tpu.memory_space<vmem>> -> memref<1x80x128xf32, #tpu.memory_space<vmem>>
          %dma_wait3A_574 = tpu.memref_squeeze %dma_wait3A_573 : memref<1x80x128xf32, #tpu.memory_space<vmem>> -> memref<80x128xf32, #tpu.memory_space<vmem>>
          tpu.wait_dma2 semaphore(%run_scoped3A : memref<!tpu.dma_semaphore, #tpu.memory_space<semaphore_mem>>) src(%dma_wait3A_574 : memref<80x128xf32, #tpu.memory_space<vmem>>) dst(%dma_wait3A_570 : memref<80x128xf32, #tpu.memory_space<hbm>>)
          tpu.yield
        }) : () -> ()
      } else {
      }
    }
    %scan3A_529 = arith.constant 8 : i32
    return
  }
}

module attributes {stable_mosaic.version = 14 : i64} {
  func.func @_combine_body(%arg0: i32, %arg1: memref<2x2000x128xf32, #tpu.memory_space<vmem>>, %arg2: memref<2000x32xf32, #tpu.memory_space<vmem>>, %arg3: memref<2000x128xf32, #tpu.memory_space<vmem>>, %arg4: memref<128x128xf32, #tpu.memory_space<vmem>>, %arg5: memref<128x128xf32, #tpu.memory_space<vmem>>, %arg6: memref<1x128xf32, #tpu.memory_space<vmem>>, %arg7: memref<2000x128xf32, #tpu.memory_space<vmem>>) attributes {dimension_semantics = [#tpu.dimension_semantics<arbitrary>], iteration_bounds = array<i64: 5>, scalar_prefetch = 0 : i64, scratch_operands = 0 : i64, tpu.core_type = #tpu.core_type<tc>, window_params = [{transform_indices = @transform_0, window_bounds = array<i64: 2, 2000, 128>}, {transform_indices = @transform_1, window_bounds = array<i64: 2000, 32>}, {transform_indices = @transform_2, window_bounds = array<i64: 2000, 128>}, {pipeline_mode = #tpu.pipeline_mode<synchronous>, transform_indices = @transform_3, window_bounds = array<i64: 128, 128>}, {pipeline_mode = #tpu.pipeline_mode<synchronous>, transform_indices = @transform_4, window_bounds = array<i64: 128, 128>}, {pipeline_mode = #tpu.pipeline_mode<synchronous>, transform_indices = @transform_5, window_bounds = array<i64: 1, 128>}, {transform_indices = @transform_6, window_bounds = array<i64: 2000, 128>}]} {
    %get3A = arith.constant 0 : index
    %get3A_0 = arith.constant 0 : index
    %get3A_1 = arith.constant 0 : index
    %get3A_2 = vector.load %arg1[%get3A, %get3A_0, %get3A_1] : memref<2x2000x128xf32, #tpu.memory_space<vmem>>, vector<1x2000x128xf32>
    %get3A_3 = vector.shape_cast %get3A_2 : vector<1x2000x128xf32> to vector<2000x128xf32>
    %get3A_4 = arith.constant 1 : index
    %get3A_5 = arith.constant 0 : index
    %get3A_6 = arith.constant 0 : index
    %get3A_7 = vector.load %arg1[%get3A_4, %get3A_5, %get3A_6] : memref<2x2000x128xf32, #tpu.memory_space<vmem>>, vector<1x2000x128xf32>
    %get3A_8 = vector.shape_cast %get3A_7 : vector<1x2000x128xf32> to vector<2000x128xf32>
    %add3A = arith.addf %get3A_3, %get3A_8 : vector<2000x128xf32>
    %get3A_9 = arith.constant 0 : index
    %get3A_10 = arith.constant 0 : index
    %get3A_11 = vector.load %arg2[%get3A_9, %get3A_10] : memref<2000x32xf32, #tpu.memory_space<vmem>>, vector<2000x32xf32>
    %reduce_sum3A = arith.constant dense<0.000000e+00> : vector<2000xf32>
    %reduce_sum3A_12 = vector.multi_reduction <add>, %get3A_11, %reduce_sum3A [1] : vector<2000x32xf32> to vector<2000xf32>
    %broadcast_in_dim3A = vector.shape_cast %reduce_sum3A_12 : vector<2000xf32> to vector<2000x1xf32>
    %max3A = arith.constant 1.000000e+00 : f32
    %max3A_13 = vector.broadcast %max3A : f32 to vector<2000x1xf32>
    %max3A_14 = arith.maximumf %broadcast_in_dim3A, %max3A_13 : vector<2000x1xf32>
    %div3A = arith.constant 1.000000e+00 : f32
    %div3A_15 = vector.broadcast %div3A : f32 to vector<2000x1xf32>
    %div3A_16 = arith.divf %div3A_15, %max3A_14 : vector<2000x1xf32>
    %mul3A = vector.broadcast %div3A_16 : vector<2000x1xf32> to vector<2000x128xf32>
    %mul3A_17 = arith.mulf %add3A, %mul3A : vector<2000x128xf32>
    %get3A_18 = arith.constant 0 : index
    %get3A_19 = arith.constant 0 : index
    %get3A_20 = vector.load %arg4[%get3A_18, %get3A_19] : memref<128x128xf32, #tpu.memory_space<vmem>>, vector<128x128xf32>
    %dot_general3A = arith.constant dense<0.000000e+00> : vector<2000x128xf32>
    %dot_general3A_21 = tpu.matmul %mul3A_17, %get3A_20, %dot_general3A {dimension_numbers = #tpu.dot_dimension_numbers<[1], [1], [0], [0], [0, 0, 1, 0], [], []>, transpose_lhs_hint = false} : vector<2000x128xf32>, vector<128x128xf32>, vector<2000x128xf32> -> vector<2000x128xf32>
    %get3A_22 = arith.constant 0 : index
    %get3A_23 = arith.constant 0 : index
    %get3A_24 = vector.load %arg3[%get3A_22, %get3A_23] : memref<2000x128xf32, #tpu.memory_space<vmem>>, vector<2000x128xf32>
    %get3A_25 = arith.constant 0 : index
    %get3A_26 = arith.constant 0 : index
    %get3A_27 = vector.load %arg5[%get3A_25, %get3A_26] : memref<128x128xf32, #tpu.memory_space<vmem>>, vector<128x128xf32>
    %dot_general3A_28 = arith.constant dense<0.000000e+00> : vector<2000x128xf32>
    %dot_general3A_29 = tpu.matmul %get3A_24, %get3A_27, %dot_general3A_28 {dimension_numbers = #tpu.dot_dimension_numbers<[1], [1], [0], [0], [0, 0, 1, 0], [], []>, transpose_lhs_hint = false} : vector<2000x128xf32>, vector<128x128xf32>, vector<2000x128xf32> -> vector<2000x128xf32>
    %add3A_30 = arith.addf %dot_general3A_21, %dot_general3A_29 : vector<2000x128xf32>
    %get3A_31 = arith.constant 0 : index
    %get3A_32 = arith.constant 0 : index
    %get3A_33 = vector.load %arg6[%get3A_31, %get3A_32] : memref<1x128xf32, #tpu.memory_space<vmem>>, vector<1x128xf32>
    %add3A_34 = vector.broadcast %get3A_33 : vector<1x128xf32> to vector<2000x128xf32>
    %add3A_35 = arith.addf %add3A_30, %add3A_34 : vector<2000x128xf32>
    %max3A_36 = arith.constant 0.000000e+00 : f32
    %max3A_37 = vector.broadcast %max3A_36 : f32 to vector<2000x128xf32>
    %max3A_38 = arith.maximumf %add3A_35, %max3A_37 : vector<2000x128xf32>
    %swap3A = arith.constant 0 : index
    %swap3A_39 = arith.constant 0 : index
    %swap3A_40 = vector.load %arg7[%swap3A, %swap3A_39] : memref<2000x128xf32, #tpu.memory_space<vmem>>, vector<2000x128xf32>
    tpu.vector_store %arg7[%swap3A, %swap3A_39], %max3A_38 {strides = array<i32>} : memref<2000x128xf32, #tpu.memory_space<vmem>>, vector<2000x128xf32>,
    return
  }
  func.func @transform_0(%arg0: i32) -> (i32, i32, i32) {
    %c0_i32 = arith.constant 0 : i32
    %c0_i32_0 = arith.constant 0 : i32
    %c0_i32_1 = arith.constant 0 : i32
    return %c0_i32, %arg0, %c0_i32_0 : i32, i32, i32
  }
  func.func @transform_1(%arg0: i32) -> (i32, i32) {
    %c0_i32 = arith.constant 0 : i32
    %c0_i32_0 = arith.constant 0 : i32
    return %arg0, %c0_i32 : i32, i32
  }
  func.func @transform_2(%arg0: i32) -> (i32, i32) {
    %c0_i32 = arith.constant 0 : i32
    %c0_i32_0 = arith.constant 0 : i32
    return %arg0, %c0_i32 : i32, i32
  }
  func.func @transform_3(%arg0: i32) -> (i32, i32) {
    %c0_i32 = arith.constant 0 : i32
    %c0_i32_0 = arith.constant 0 : i32
    %c0_i32_1 = arith.constant 0 : i32
    return %c0_i32, %c0_i32_0 : i32, i32
  }
  func.func @transform_4(%arg0: i32) -> (i32, i32) {
    %c0_i32 = arith.constant 0 : i32
    %c0_i32_0 = arith.constant 0 : i32
    %c0_i32_1 = arith.constant 0 : i32
    return %c0_i32, %c0_i32_0 : i32, i32
  }
  func.func @transform_5(%arg0: i32) -> (i32, i32) {
    %c0_i32 = arith.constant 0 : i32
    %c0_i32_0 = arith.constant 0 : i32
    %c0_i32_1 = arith.constant 0 : i32
    return %c0_i32, %c0_i32_0 : i32, i32
  }
  func.func @transform_6(%arg0: i32) -> (i32, i32) {
    %c0_i32 = arith.constant 0 : i32
    %c0_i32_0 = arith.constant 0 : i32
    return %arg0, %c0_i32 : i32, i32
  }
}

module attributes {stable_mosaic.version = 14 : i64} {
  func.func @_combine_body(%arg0: i32, %arg1: memref<2x2000x128xf32, #tpu.memory_space<vmem>>, %arg2: memref<2000x32xf32, #tpu.memory_space<vmem>>, %arg3: memref<2000x128xf32, #tpu.memory_space<vmem>>, %arg4: memref<128x128xf32, #tpu.memory_space<vmem>>, %arg5: memref<128x128xf32, #tpu.memory_space<vmem>>, %arg6: memref<1x128xf32, #tpu.memory_space<vmem>>, %arg7: memref<2000x128xf32, #tpu.memory_space<vmem>>) attributes {dimension_semantics = [#tpu.dimension_semantics<arbitrary>], iteration_bounds = array<i64: 5>, scalar_prefetch = 0 : i64, scratch_operands = 0 : i64, tpu.core_type = #tpu.core_type<tc>, window_params = [{transform_indices = @transform_0, window_bounds = array<i64: 2, 2000, 128>}, {transform_indices = @transform_1, window_bounds = array<i64: 2000, 32>}, {transform_indices = @transform_2, window_bounds = array<i64: 2000, 128>}, {pipeline_mode = #tpu.pipeline_mode<synchronous>, transform_indices = @transform_3, window_bounds = array<i64: 128, 128>}, {pipeline_mode = #tpu.pipeline_mode<synchronous>, transform_indices = @transform_4, window_bounds = array<i64: 128, 128>}, {pipeline_mode = #tpu.pipeline_mode<synchronous>, transform_indices = @transform_5, window_bounds = array<i64: 1, 128>}, {transform_indices = @transform_6, window_bounds = array<i64: 2000, 128>}]} {
    %get3A = arith.constant 0 : index
    %get3A_0 = arith.constant 0 : index
    %get3A_1 = arith.constant 0 : index
    %get3A_2 = vector.load %arg1[%get3A, %get3A_0, %get3A_1] : memref<2x2000x128xf32, #tpu.memory_space<vmem>>, vector<1x2000x128xf32>
    %get3A_3 = vector.shape_cast %get3A_2 : vector<1x2000x128xf32> to vector<2000x128xf32>
    %get3A_4 = arith.constant 1 : index
    %get3A_5 = arith.constant 0 : index
    %get3A_6 = arith.constant 0 : index
    %get3A_7 = vector.load %arg1[%get3A_4, %get3A_5, %get3A_6] : memref<2x2000x128xf32, #tpu.memory_space<vmem>>, vector<1x2000x128xf32>
    %get3A_8 = vector.shape_cast %get3A_7 : vector<1x2000x128xf32> to vector<2000x128xf32>
    %add3A = arith.addf %get3A_3, %get3A_8 : vector<2000x128xf32>
    %get3A_9 = arith.constant 0 : index
    %get3A_10 = arith.constant 0 : index
    %get3A_11 = vector.load %arg2[%get3A_9, %get3A_10] : memref<2000x32xf32, #tpu.memory_space<vmem>>, vector<2000x32xf32>
    %reduce_sum3A = arith.constant dense<0.000000e+00> : vector<2000xf32>
    %reduce_sum3A_12 = vector.multi_reduction <add>, %get3A_11, %reduce_sum3A [1] : vector<2000x32xf32> to vector<2000xf32>
    %broadcast_in_dim3A = vector.shape_cast %reduce_sum3A_12 : vector<2000xf32> to vector<2000x1xf32>
    %max3A = arith.constant 1.000000e+00 : f32
    %max3A_13 = vector.broadcast %max3A : f32 to vector<2000x1xf32>
    %max3A_14 = arith.maximumf %broadcast_in_dim3A, %max3A_13 : vector<2000x1xf32>
    %div3A = arith.constant 1.000000e+00 : f32
    %div3A_15 = vector.broadcast %div3A : f32 to vector<2000x1xf32>
    %div3A_16 = arith.divf %div3A_15, %max3A_14 : vector<2000x1xf32>
    %mul3A = vector.broadcast %div3A_16 : vector<2000x1xf32> to vector<2000x128xf32>
    %mul3A_17 = arith.mulf %add3A, %mul3A : vector<2000x128xf32>
    %get3A_18 = arith.constant 0 : index
    %get3A_19 = arith.constant 0 : index
    %get3A_20 = vector.load %arg4[%get3A_18, %get3A_19] : memref<128x128xf32, #tpu.memory_space<vmem>>, vector<128x128xf32>
    %dot_general3A = arith.constant dense<0.000000e+00> : vector<2000x128xf32>
    %dot_general3A_21 = tpu.matmul %mul3A_17, %get3A_20, %dot_general3A {dimension_numbers = #tpu.dot_dimension_numbers<[1], [1], [0], [0], [0, 0, 1, 0], [], []>, transpose_lhs_hint = false} : vector<2000x128xf32>, vector<128x128xf32>, vector<2000x128xf32> -> vector<2000x128xf32>
    %get3A_22 = arith.constant 0 : index
    %get3A_23 = arith.constant 0 : index
    %get3A_24 = vector.load %arg3[%get3A_22, %get3A_23] : memref<2000x128xf32, #tpu.memory_space<vmem>>, vector<2000x128xf32>
    %get3A_25 = arith.constant 0 : index
    %get3A_26 = arith.constant 0 : index
    %get3A_27 = vector.load %arg5[%get3A_25, %get3A_26] : memref<128x128xf32, #tpu.memory_space<vmem>>, vector<128x128xf32>
    %dot_general3A_28 = arith.constant dense<0.000000e+00> : vector<2000x128xf32>
    %dot_general3A_29 = tpu.matmul %get3A_24, %get3A_27, %dot_general3A_28 {dimension_numbers = #tpu.dot_dimension_numbers<[1], [1], [0], [0], [0, 0, 1, 0], [], []>, transpose_lhs_hint = false} : vector<2000x128xf32>, vector<128x128xf32>, vector<2000x128xf32> -> vector<2000x128xf32>
    %add3A_30 = arith.addf %dot_general3A_21, %dot_general3A_29 : vector<2000x128xf32>
    %get3A_31 = arith.constant 0 : index
    %get3A_32 = arith.constant 0 : index
    %get3A_33 = vector.load %arg6[%get3A_31, %get3A_32] : memref<1x128xf32, #tpu.memory_space<vmem>>, vector<1x128xf32>
    %add3A_34 = vector.broadcast %get3A_33 : vector<1x128xf32> to vector<2000x128xf32>
    %add3A_35 = arith.addf %add3A_30, %add3A_34 : vector<2000x128xf32>
    %swap3A = arith.constant 0 : index
    %swap3A_36 = arith.constant 0 : index
    %swap3A_37 = vector.load %arg7[%swap3A, %swap3A_36] : memref<2000x128xf32, #tpu.memory_space<vmem>>, vector<2000x128xf32>
    tpu.vector_store %arg7[%swap3A, %swap3A_36], %add3A_35 {strides = array<i32>} : memref<2000x128xf32, #tpu.memory_space<vmem>>, vector<2000x128xf32>,
    return
  }
  func.func @transform_0(%arg0: i32) -> (i32, i32, i32) {
    %c0_i32 = arith.constant 0 : i32
    %c0_i32_0 = arith.constant 0 : i32
    %c0_i32_1 = arith.constant 0 : i32
    return %c0_i32, %arg0, %c0_i32_0 : i32, i32, i32
  }
  func.func @transform_1(%arg0: i32) -> (i32, i32) {
    %c0_i32 = arith.constant 0 : i32
    %c0_i32_0 = arith.constant 0 : i32
    return %arg0, %c0_i32 : i32, i32
  }
  func.func @transform_2(%arg0: i32) -> (i32, i32) {
    %c0_i32 = arith.constant 0 : i32
    %c0_i32_0 = arith.constant 0 : i32
    return %arg0, %c0_i32 : i32, i32
  }
  func.func @transform_3(%arg0: i32) -> (i32, i32) {
    %c0_i32 = arith.constant 0 : i32
    %c0_i32_0 = arith.constant 0 : i32
    %c0_i32_1 = arith.constant 0 : i32
    return %c0_i32, %c0_i32_0 : i32, i32
  }
  func.func @transform_4(%arg0: i32) -> (i32, i32) {
    %c0_i32 = arith.constant 0 : i32
    %c0_i32_0 = arith.constant 0 : i32
    %c0_i32_1 = arith.constant 0 : i32
    return %c0_i32, %c0_i32_0 : i32, i32
  }
  func.func @transform_5(%arg0: i32) -> (i32, i32) {
    %c0_i32 = arith.constant 0 : i32
    %c0_i32_0 = arith.constant 0 : i32
    %c0_i32_1 = arith.constant 0 : i32
    return %c0_i32, %c0_i32_0 : i32, i32
  }
  func.func @transform_6(%arg0: i32) -> (i32, i32) {
    %c0_i32 = arith.constant 0 : i32
    %c0_i32_0 = arith.constant 0 : i32
    return %arg0, %c0_i32 : i32, i32
  }
}

</mosaic_0001>

<sc_bundles>
// kernel: kernel.6.cloned.1.call-start
scs
__scs_entry_jumppad:
0x0: {  	(pc) =	sbr.rel $0x88, $3  }
0x1: {  	(tag) =	ssettag $0x0;
	lr =	simm.s32 $0x1  }
0x2: {  	[smem:$0x3F99] =	sst lr;
	_ =	strace $0xD0000000  }
0x3: {  	_ = 	snop  }
0x4: {  	_ = 	snop  }
0x5: {  	_ = 	snop  }
0x6: {  	_ = 	snop  }
0x7: {  	_ = 	snop  }
__scs_overlays_trampoline_lowered:
0x8: {  	[smem:$0x3FA8] =	sst s0  }
0x9: {  	[smem:$0x3FA9] =	sst s1  }
0xa: {  	[smem:$0x3FAA] =	sst s2  }
0xb: {  	[smem:$0x3FAB] =	sst s3  }
0xc: {  	[smem:$0x3FAC] =	sst s4  }
0xd: {  	[smem:$0x3FAD] =	sst s5  }
0xe: {  	[smem:$0x3FAE] =	sst s6  }
0xf: {  	[smem:$0x3FAF] =	sst s7  }
0x10: {  	[smem:$0x3FB0] =	sst s8  }
0x11: {  	[smem:$0x3FB1] =	sst s9;
	s0 =	simm.s32 @!p0 $0x0  }
0x12: {  	s1 =	sld [smem:$0x3F97];
	s0 =	simm.s32 @p0 $0x1  }
0x13: {  	[smem:$0x3FB2] =	sst s0;
	s0 =	simm.s32 @!p1 $0x0  }
0x14: {  	s2 =	sld [smem:$0x3F96];
	s0 =	simm.s32 @p1 $0x1  }
0x15: {  	[smem:$0x3FB3] =	sst s0;
	s0 =	simm.s32 @!p2 $0x0  }
0x16: {  	s3 =	sld [smem:$0x3FDB];
	s0 =	simm.s32 @p2 $0x1  }
0x17: {  	s4 =	simm.s32 $0x1BF5;
	[smem:$0x3FB5] =	sst s0  }
0x18: {  	s0 =	sld [smem:$0x3F98];
	_ =	swait.ge [sflag:s4], $0x0  }
0x19: {  	s7 =	sld [smem:$0x3F99]  }
0x1a: {  	s8 =	sadd.s32 $0xFFFFE003, lr  }
0x1b: {  	s9 =	sadd.s32 $0xFFFFFEF7, lr;
	s5 =	simm.s32 $0xFFFFFFFF;
	p2 =	slt.u32 s8, $0xFFFFF086  }
0x1c: {  	p1 =	slt.u32 s9, $0xF7A;
	s5 =	simm.s32 @!p2 $0x0  }
0x1d: {  	s5 =	simm.s32 @p1 $0x1;
	p0 =	seq.s32 s7, s2  }
0x1e: {  	s7 =	smul.u32 @!p0 $0xF7A, s2;
	p2 =	seq.s32 @!p0 s5, $0x0  }
0x1f: {  	s9 =	smul.u32 $0xF7A, s1;
	s8 =	simm.s32 @!p0 $0x1BF5;
	p2 =	por !p2, p0  }
0x20: {  	[sflag:s8] =	ssyncset.s32 @!p0 $0xFFFFF086;
	s6 =	sadd.s32 @!p0 s3, s7;
	s7 =	simm.s32 @!p0 $0x108  }
0x21: {  	s3 =	sadd.s32 s3, s9;
	s6 =	sadd.s32 @!p0 $0x88, s6;
	s7 =	simm.s32 @p2 $0x1082  }
0x22: {  	[simem:s7], [sflag:s8] =	dma.local @!p0 [hbm:s6], $0xF7A  }
0x23: {  	s9 =	sor.u32 $0xD0000000, s2;
	s6 =	simm.s32 $0x108;
	_ =	swait.ge @!p0 [sflag:s8], $0x0  }
0x24: {  	s3 =	sadd.s32 $0x88, s3;
	s6 =	simm.s32 @!p1 $0x1082;
	[sflag:s4] =	ssyncset.s32 $0xFFFFF086  }
0x25: {  	[simem:s6], [sflag:s4] =	dma.local [hbm:s3], $0xF7A  }
0x26: {  	[smem:$0x3F99] =	sst s1;
	(tag) =	ssettag s2;
	_ =	strace s9  }
0x27: {  	s1 =	sld [smem:$0x3FA9]  }
0x28: {  	s2 =	sld [smem:$0x3FAA]  }
0x29: {  	s4 =	sld [smem:$0x3FAC]  }
0x2a: {  	p0 =	seq.s32 s5, $0x0;
	s5 =	sld [smem:$0x3FAD]  }
0x2b: {  	s6 =	sld [smem:$0x3FAE]  }
0x2c: {  	s7 =	sld [smem:$0x3FAF]  }
0x2d: {  	s3 =	simm.s32 $0x108;
	s8 =	sld [smem:$0x3FB0]  }
0x2e: {  	s3 =	simm.s32 @!p0 $0x1082;
	s9 =	sld [smem:$0x3FB1]  }
0x2f: {  	lr =	sadd.s32 s0, s3;
	s0 =	sld [smem:$0x3FA8]  }
0x30: {  	s3 =	sld [smem:$0x3FAB]  }
0x31: {  	[smem:$0x3FB4] =	sst s10  }
0x32: {  	s10 =	sld [smem:$0x3FB2];
	_ =	sdelay $0x3  }
0x33: {  	p0 =	seq.s32 s10, $0x1;
	s10 =	sld [smem:$0x3FB4];
	_ =	sdelay $0x3  }
0x34: {  	[smem:$0x3FB4] =	sst s10  }
0x35: {  	s10 =	sld [smem:$0x3FB3];
	_ =	sdelay $0x3  }
0x36: {  	p1 =	seq.s32 s10, $0x1;
	s10 =	sld [smem:$0x3FB4];
	_ =	sdelay $0x3  }
0x37: {  	[smem:$0x3FB4] =	sst s10  }
0x38: {  	s10 =	sld [smem:$0x3FB5]  }
0x39: {  	_ = 	snop;
	(pc) =	sbr.ind lr, $3  }
0x3a: {  	_ = 	snop  }
0x3b: {  	_ = 	snop  }
0x3c: {  	p2 =	seq.s32 s10, $0x1;
	s10 =	sld [smem:$0x3FB4]  }
0x3d: {  	_ =	shalt  }
0x3e: {  	_ =	shalt  }
0x3f: {  	_ =	shalt  }
0x40: {  	_ =	shalt  }
0x41: {  	_ =	shalt  }
0x42: {  	_ =	shalt  }
0x43: {  	_ =	shalt  }
0x44: {  	_ =	shalt  }
0x45: {  	_ =	shalt  }
0x46: {  	_ =	shalt  }
0x47: {  	_ =	shalt  }
0x48: {  	_ =	shalt  }
0x49: {  	_ =	shalt  }
0x4a: {  	_ =	shalt  }
0x4b: {  	_ =	shalt  }
0x4c: {  	_ =	shalt  }
0x4d: {  	_ =	shalt  }
0x4e: {  	_ =	shalt  }
0x4f: {  	_ =	shalt  }
0x50: {  	_ =	shalt  }
0x51: {  	_ =	shalt  }
0x52: {  	_ =	shalt  }
0x53: {  	_ =	shalt  }
0x54: {  	_ =	shalt  }
0x55: {  	_ =	shalt  }
0x56: {  	_ =	shalt  }
0x57: {  	_ =	shalt  }
0x58: {  	_ =	shalt  }
0x59: {  	_ =	shalt  }
0x5a: {  	_ =	shalt  }
0x5b: {  	_ =	shalt  }
0x5c: {  	_ =	shalt  }
0x5d: {  	_ =	shalt  }
0x5e: {  	_ =	shalt  }
0x5f: {  	_ =	shalt  }
0x60: {  	_ =	shalt  }
0x61: {  	_ =	shalt  }
0x62: {  	_ =	shalt  }
0x63: {  	_ =	shalt  }
0x64: {  	_ =	shalt  }
0x65: {  	_ =	shalt  }
0x66: {  	_ =	shalt  }
0x67: {  	_ =	shalt  }
0x68: {  	_ =	shalt  }
0x69: {  	_ =	shalt  }
0x6a: {  	_ =	shalt  }
0x6b: {  	_ =	shalt  }
0x6c: {  	_ =	shalt  }
0x6d: {  	_ =	shalt  }
0x6e: {  	_ =	shalt  }
0x6f: {  	_ =	shalt  }
0x70: {  	_ =	shalt  }
0x71: {  	_ =	shalt  }
0x72: {  	_ =	shalt  }
0x73: {  	_ =	shalt  }
0x74: {  	_ =	shalt  }
0x75: {  	_ =	shalt  }
0x76: {  	_ =	shalt  }
0x77: {  	_ =	shalt  }
0x78: {  	_ =	shalt  }
0x79: {  	_ =	shalt  }
0x7a: {  	_ =	shalt  }
0x7b: {  	_ =	shalt  }
0x7c: {  	_ =	shalt  }
0x7d: {  	_ =	shalt  }
0x7e: {  	_ =	shalt  }
0x7f: {  	_ =	shalt  }
0x80: {  	_ =	shalt  }
0x81: {  	_ =	shalt  }
0x82: {  	_ =	shalt  }
0x83: {  	_ =	shalt  }
0x84: {  	_ =	shalt  }
0x85: {  	_ =	shalt  }
0x86: {  	_ =	shalt  }
0x87: {  	_ =	shalt  }
.Lfunc_end0:
.L_simem_size_0:
called_computation_lowered:
.L_overlay_start_0:
0x88: {  	s2 =	sld [smem:$0x3FD9]  }
0x89: {  	s3 =	sld [smem:$0x3FFE];
	_ =	sdelay $0x1  }
0x8a: {  	s1 =	srdreg.scid  }
0x8b: {  	s0 =	sand.u32 $0x1, s1  }
0x8c: {  	s17 =	sshll.u32 s0, $0xA;
	s2 =	sadd.s32 s3, s2  }
0x8d: {  	s2 =	sadd.s32 s2, s17  }
0x8e: {  	[smem:$0x3FC0] =	sst s2  }
0x8f: {  	_ = 	snop  }
0x90: {  	s2 =	sld [smem:$0x3FC9]  }
0x91: {  	s18 =	sld [smem:$0x3FC8]  }
0x92: {  	s4 =	sld [smem:$0x3FD0];
	(tm) =	ssettm $0x1  }
0x93: {  	s5 =	sld [smem:$0x3FFB];
	_ =	sdelay $0x3  }
0x94: {  	_ =	strace s5  }
0x95: {  	s5 =	sld [smem:$0x3FFC];
	_ =	sdelay $0x3  }
0x96: {  	_ =	strace s5  }
0x97: {  	s5 =	sld [smem:$0x3FFD];
	_ =	sdelay $0x3  }
0x98: {  	_ =	strace s5  }
0x99: {  	_ =	strace $0x8FFFFFFF  }
0x9a: {  	s19 =	sld [smem:$0x3FDB];
	_ =	sdelay $0x1  }
0x9b: {  	s6 =	simm.s32 $_scs_section_size  }
0x9c: {  	s7 =	simm.s32 $_size__tile_overlayer_lowered;
	s8 =	simm.s32 $_tile_overlayer_lowered  }
0x9d: {  	s22 =	simm.s32 $0x1BFF;
	s21 =	sshll.u32 s8, $0x1;
	s5 =	sadd.s32 s6, s19  }
0x9e: {  	s9 =	simm.s32 $0x0;
	s20 =	sshll.u32 s7, $0x1;
	s7 =	sadd.s32 s21, s5  }
0x9f: {  	[timem:s9], [sflag:s22] =	dma.local [hbm:s7], s20  }
0xa0: {  	_ =	swait.ge [sflag:s22], s20  }
0xa1: {  	s6 =	ssub.s32 $0x0, s20;
	[sflag:s22] =	ssyncset.done $0x0  }
0xa2: {  	[sflag:s22] =	ssyncadd.s32 s6;
	_ =	sdelay $0x1  }
0xa3: {  	s23 =	simm.s32 $0x1B8B  }
0xa4: {  	_ =	swait.ge [sflag:s23], $0x1  }
0xa5: {  	[sflag:s23] =	ssyncset.done $0x0  }
0xa6: {  	s25 =	simm.s32 $0x1B8E;
	s24 =	sld [smem:$0x3FFE];
	[sflag:s23] =	ssyncadd.s32 $0xFFFFFFFF  }
0xa7: {  	s26 =	simm.s32 $execute0_lowered;
	[smem:$0x3FD2] =	sst s25  }
0xa8: {  	s7 =	sshll.u32 s26, $0x1;
	_ =	strace $0x80000046;
	[dreg:$0x1] =	wrdreg $0xFFFFFFFF  }
0xa9: {  	s28 =	simm.s32 $_size_execute0_lowered;
	s5 =	sadd.s32 s5, s7;
	[dreg:$0x0] =	wrdreg $0x0  }
0xaa: {  	s7 =	sshll.u32 s28, $0x1;
	[dreg:$0x2] =	wrdreg s5  }
0xab: {  	[dreg:$0x3] =	wrdreg s7  }
0xac: {  	[dreg:$0x4] =	wrdreg $0xC0  }
0xad: {  	_ =	task [dreg:s9], $0x5FFFF  }
0xae: {  	[dreg:$0x1] =	wrdreg $0xFFFFFFFF  }
0xaf: {  	[dreg:$0x0] =	wrdreg $0x60  }
0xb0: {  	[dreg:$0x2] =	wrdreg s2  }
0xb1: {  	[dreg:$0x3] =	wrdreg s18  }
0xb2: {  	[dreg:$0x4] =	wrdreg s24  }
0xb3: {  	[dreg:$0x5] =	wrdreg s4  }
0xb4: {  	[dreg:$0x6] =	wrdreg $0x84000  }
0xb5: {  	[dreg:$0x7] =	wrdreg $0x9  }
0xb6: {  	_ =	task.clear_ibuf [dreg:s9], $0x8FFFF;
	_ =	strace $0x90000046  }
0xb7: {  	s29 =	simm.s32 $0x9;
	_ =	strace $0x80000048  }
0xb8: {  	_ =	swait.ge [sflag:s29], $0x1  }
0xb9: {  	[sflag:s29] =	ssyncadd.s32 $0xFFFFFFFF  }
0xba: {  	_ =	strace $0x90000048  }
0xbb: {  	_ =	sfence  }
0xbc: {  	s30 =	sld [smem:$0x0];
	_ =	sdelay $0x2  }
0xbd: {  	s31 =	sshll.u32 s1, $0xD;
	s1 =	sshrl.u32 s1, $0x2  }
0xbe: {  	s3 =	sand.u32 $0x4000, s31;
	s1 =	sadd.s32 s1, s30  }
0xbf: {  	s0 =	sor.u32 s3, s0;
	s1 =	sshll.u32 s1, $0x11  }
0xc0: {  	s0 =	sor.u32 s1, s0  }
0xc1: {  	s0 =	sadd.s32 $0x8F2B, s0  }
0xc2: {  	[sflag:s0] =	ssyncadd.remote.s32 $0x1  }
0xc3: {  	_ =	sfence.sel $0xFFFF  }
0xc4: {  	[dreg:$0x0] =	wrdreg $0xFFFFFFFF;
	(pc) =	sbr.abs _section_cstart, $3  }
0xc5: {  	[dreg:$0x1] =	wrdreg $0xFFFFFFFF  }
0xc6: {  	_ =	task.clear_ibuf [dreg:s9], $0x2FFFF;
	_ =	strace $0x9FFFFFFF  }
0xc7: {  	(tm) =	ssettm $0x7FFFFFFF  }
tec
execute0_lowered:
.L_overlay_start_1:
0x0: {  	(tag) =	ssettag $0x1  }
0x1: {  	s0 =	rddreg [dreg:$0x0]  }
0x2: {  	s1 =	rddreg [dreg:$0x1]  }
0x3: {  	s4 =	rddreg [dreg:$0x2]  }
0x4: {  	s5 =	rddreg [dreg:$0x3]  }
0x5: {  	s2 =	srdreg.scid;
	s26 =	stileid.u32  }
0x6: {  	s3 =	rddreg [dreg:$0x4];
	s2 =	sand.u32 $0x1, s2;
	s11 =	smul.u32 $0x2800, s26  }
0x7: {  	s29 =	simm.s32 $0x6;
	s9 =	sshrl.u32 s26, $0x2;
	s8 =	smul.u32 $0x138800, s2  }
0x8: {  	s30 =	simm.s32 $0x0;
	s10 =	sor.u32 $0x10, s26;
	s9 =	smul.u32 $0x13C00, s9  }
0x9: {  	s23 =	sshll.u32 s26, $0x1;
	s13 =	sor.u32 $0x20, s26;
	s14 =	smul.u32 $0x2800, s10  }
0xa: {  	s16 =	sor.u32 $0x30, s26;
	s20 =	sor.u32 $0x50, s26;
	s15 =	smul.u32 $0x2800, s13  }
0xb: {  	s22 =	sor.u32 $0x70, s26;
	s4 =	sadd.s32 $0x2600, s4;
	s17 =	smul.u32 $0x2800, s16  }
0xc: {  	p1 =	sgt.u32 s26, $0x1;
	s6 =	ssub.s32 $0x2, s2;
	s24 =	smul.u32 $0x2800, s20  }
0xd: {  	s21 =	smul.u32 $0x2800, s22;
	p0 =	sgt.u32 s22, $0x7C;
	s7 =	sshrl.u32 s6, $0x1  }
0xe: {  	s6 =	ssub.s32 s6, s7;
	s7 =	sor.u32 s2, s23;
	s11 =	sadd.s32 s8, s11  }
0xf: {  	s14 =	sadd.s32 s8, s14;
	s15 =	sadd.s32 s8, s15;
	s17 =	sadd.s32 s8, s17  }
0x10: {  	s23 =	sadd.s32 s8, s24;
	s12 =	sshll.u32 s7, $0x7;
	s7 =	sshll.u32 s7, $0x5  }
0x11: {  	s25 =	sshrl.u32 s11, $0x3;
	s24 =	sshrl.u32 s17, $0x3;
	s17 =	smul.u32 $0xA000, s26  }
0x12: {  	s31 =	sshrl.u32 s14, $0x3;
	s11 =	sshrl.u32 s23, $0x3;
	s23 =	smul.u32 $0xA000, s13  }
0x13: {  	s12 =	sand.u32 $0x380, s12;
	s28 =	sadd.s32 s1, s7;
	s7 =	sadd.s32 s4, s25  }
0x14: {  	s14 =	sadd.s32 s4, s31;
	s9 =	sor.u32 s9, s12;
	s12 =	sor.u32 $0x40, s26  }
0x15: {  	[dreg:$0x8] =	wrdreg s7;
	s9 =	sshrl.u32 s9, $0x3;
	s18 =	smul.u32 $0x2800, s12  }
0x16: {  	[dreg:$0x9] =	wrdreg s14;
	s5 =	sadd.s32 s5, s9;
	s9 =	sor.u32 $0x60, s26  }
0x17: {  	[dreg:$0x6] =	wrdreg s5;
	s19 =	smul.u32 $0x2800, s9;
	s18 =	sadd.s32 s8, s18  }
0x18: {  	s5 =	simm.s32 $0x0;
	s25 =	sshrl.u32 s18, $0x3;
	s18 =	smul.u32 $0xA000, s10  }
0x19: {  	s2 =	sshll.u32 s2, $0x5;
	[smem:$0x7FF] =	sst s5;
	s10 =	smul.u32 $0xA000, s20  }
0x1a: {  	s19 =	sadd.s32 s8, s19;
	s8 =	sadd.s32 s8, s21;
	s21 =	sshrl.u32 s15, $0x3  }
0x1b: {  	s31 =	sadd.s32 s4, s25;
	s15 =	sshll.u32 s26, $0x6;
	s26 =	sadd.s32 $0x13400, s28  }
0x1c: {  	s7 =	sadd.s32 s4, s21;
	[dreg:$0xc] =	wrdreg s31;
	s14 =	sshrl.u32 s19, $0x3  }
0x1d: {  	s8 =	sshrl.u32 s8, $0x3;
	s1 =	sadd.s32 s15, s1;
	s19 =	sadd.s32 $0x400, s28  }
0x1e: {  	s21 =	smax.u32 s6, $0x1;
	s25 =	sshrl.u32 s18, $0x2;
	s31 =	smul.u32 $0xA000, s16  }
0x1f: {  	s13 =	sshrl.u32 s10, $0x2;
	s16 =	sadd.s32 $0x800, s28;
	s18 =	sadd.s32 $0x13000, s28  }
0x20: {  	s10 =	simm.s32 $0x200;
	[dreg:$0xa] =	wrdreg s7;
	s7 =	sadd.s32 s4, s24  }
0x21: {  	s15 =	sadd.s32 s2, s1;
	[dreg:$0xb] =	wrdreg s7;
	s7 =	sadd.s32 s4, s11  }
0x22: {  	s24 =	sshrl.u32 s17, $0x2;
	[dreg:$0xd] =	wrdreg s7;
	s7 =	sadd.s32 s4, s14  }
0x23: {  	s1 =	sshrl.u32 s23, $0x2;
	s4 =	sadd.s32 s4, s8;
	[dreg:$0xe] =	wrdreg s7  }
0x24: {  	s23 =	sadd.s32 s13, s3;
	s17 =	sadd.s32 $0x12C00, s28;
	[dreg:$0xf] =	wrdreg s4  }
0x25: {  	s13 =	simm.s32 $0x4;
	_ =	strace $0x80000047;
	[dreg:$0x10] =	wrdreg s19  }
0x26: {  	s2 =	sadd.s32 s24, s3;
	s20 =	sadd.s32 s1, s3;
	[dreg:$0x11] =	wrdreg s21  }
0x27: {  	s11 =	smul.u32 $0xA000, s9;
	s9 =	simm.s32 $0x4400;
	[dreg:$0x12] =	wrdreg s2  }
0x28: {  	s8 =	sshrl.u32 s31, $0x2;
	s7 =	smul.u32 $0xA000, s12;
	[dreg:$0x13] =	wrdreg s16  }
0x29: {  	s31 =	sadd.s32 $0x13800, s28;
	s12 =	smul.u32 $0xA000, s22;
	[dreg:$0x14] =	wrdreg s17  }
0x2a: {  	s1 =	sshrl.u32 s11, $0x2;
	s4 =	simm.s32 $0x1;
	[dreg:$0x15] =	wrdreg s18  }
0x2b: {  	s11 =	simm.s32 $0x2;
	s19 =	sadd.s32 s25, s3;
	[dreg:$0x16] =	wrdreg s26  }
0x2c: {  	s21 =	sadd.s32 s8, s3;
	s24 =	sadd.s32 s1, s3;
	[dreg:$0x7] =	wrdreg s28  }
0x2d: {  	[dreg:$0x17] =	wrdreg s31;
	s1 =	simm.s32 $0x400;
	s8 =	simm.s32 $0x100  }
0x2e: {  	s16 =	simm.s32 $0x3;
	s17 =	simm.s32 $0x180;
	s26 =	simm.s32 $0x280  }
0x2f: {  	s28 =	simm.s32 $0x380;
	s2 =	sshrl.u32 s7, $0x2;
	s14 =	sshrl.u32 s12, $0x2  }
0x30: {  	s7 =	simm.s32 $0x80;
	s12 =	simm.s32 $0x1BC80;
	s22 =	sadd.s32 s2, s3  }
0x31: {  	v0 =	vimm.f32 $0.0e+00;
	v1 =	vimm.f32 $1.000000000e+00;
	s25 =	sadd.s32 s14, s3;
	s2 =	simm.s32 $0x5;
	s14 =	simm.s32 $0x300  }
.LBB2_1:
0x32: {  	s6 =	simm.s32 $0x70;
	s31 =	simm.s32 $0x3C0  }
.LBB2_2:
0x33: {  	p2 =	sne.s32 s31, $0x9FC0;
	[tilespmem:s6+$0x400] =	vst v0  }
0x34: {  	[tilespmem:s6+$0x390] =	vst v0  }
0x35: {  	[tilespmem:s6+$0x3A0] =	vst v0  }
.Ltmp0:
0x36: {  	[tilespmem:s6+$0x3B0] =	vst v0;
	(pc) =	sbr.rel @p2 .LBB2_2-.Ltmp0, $4  }
0x37: {  	[tilespmem:s6+$0x3C0] =	vst v0  }
0x38: {  	[tilespmem:s6+$0x3D0] =	vst v0  }
0x39: {  	[tilespmem:s6+$0x3E0] =	vst v0  }
0x3a: {  	[tilespmem:s6+$0x3F0] =	vst v0;
	s6 =	sshra.s32 s31, $0x2;
	s31 =	sadd.s32 $0x200, s31  }
0x3b: {  	[tilespmem:s6+$0x400] =	vst v0  }
0x3c: {  	[tilespmem:s6+$0x390] =	vst v0  }
0x3d: {  	[tilespmem:s6+$0x3A0] =	vst v0  }
0x3e: {  	[tilespmem:s6+$0x3B0] =	vst v0  }
0x3f: {  	[tilespmem:s6+$0x3C0] =	vst v0  }
0x40: {  	[tilespmem:s6+$0x3D0] =	vst v0  }
0x41: {  	[tilespmem:s6+$0x3E0] =	vst v0  }
0x42: {  	[tilespmem:s6+$0x3F0] =	vst v0;
	s6 =	simm.s32 $0x40;
	s31 =	simm.s32 $0x0  }
.LBB2_4:
0x43: {  	p2 =	sne.s32 s6, $0x9C00;
	[tilespmem:s31+$0x1BC80] =	vst v0;
	s31 =	smov.u32 s6;
	s6 =	sadd.s32 $0x40, s6  }
.Ltmp1:
0x44: {  	(pc) =	sbr.rel @p2 .LBB2_4-.Ltmp1, $2  }
0x45: {  	_ =	sdelay $0x2  }
0x46: {  	s31 =	sshra.s32 s31, $0x2  }
0x47: {  	[tilespmem:s31+$0x1BC80] =	vst v0;
	s6 =	rddreg [dreg:$0x12]  }
0x48: {  	[spmem:s6] =	stream.linear.scatter [tilespmem:s1], [sflag:$0x5], $0x2800, $0x38;
	[tilespmem:$0x1E400] =	vst v63  }
0x49: {  	_ =	swait.ge [sflag:s2], $0x2800  }
0x4a: {  	[sflag:s2] =	ssyncset.done $0x0  }
0x4b: {  	[sflag:s2] =	ssyncadd.s32 $0xFFFFD800  }
0x4c: {  	[spmem:s19] =	stream.linear.scatter [tilespmem:s1], [sflag:$0x5], $0x2800, $0x38;
	[tilespmem:$0x1E400] =	vst v63  }
0x4d: {  	_ =	swait.ge [sflag:s2], $0x2800  }
0x4e: {  	[sflag:s2] =	ssyncset.done $0x0  }
0x4f: {  	[sflag:s2] =	ssyncadd.s32 $0xFFFFD800  }
0x50: {  	[spmem:s20] =	stream.linear.scatter [tilespmem:s1], [sflag:$0x5], $0x2800, $0x38;
	[tilespmem:$0x1E400] =	vst v63  }
0x51: {  	_ =	swait.ge [sflag:s2], $0x2800  }
0x52: {  	[sflag:s2] =	ssyncset.done $0x0  }
0x53: {  	[sflag:s2] =	ssyncadd.s32 $0xFFFFD800  }
0x54: {  	[spmem:s21] =	stream.linear.scatter [tilespmem:s1], [sflag:$0x5], $0x2800, $0x38;
	[tilespmem:$0x1E400] =	vst v63  }
0x55: {  	_ =	swait.ge [sflag:s2], $0x2800  }
0x56: {  	[sflag:s2] =	ssyncset.done $0x0  }
0x57: {  	[sflag:s2] =	ssyncadd.s32 $0xFFFFD800  }
0x58: {  	[spmem:s22] =	stream.linear.scatter [tilespmem:s1], [sflag:$0x5], $0x2800, $0x38;
	[tilespmem:$0x1E400] =	vst v63  }
0x59: {  	_ =	swait.ge [sflag:s2], $0x2800  }
0x5a: {  	[sflag:s2] =	ssyncset.done $0x0  }
0x5b: {  	[sflag:s2] =	ssyncadd.s32 $0xFFFFD800  }
0x5c: {  	[spmem:s23] =	stream.linear.scatter [tilespmem:s1], [sflag:$0x5], $0x2800, $0x38;
	[tilespmem:$0x1E400] =	vst v63  }
0x5d: {  	_ =	swait.ge [sflag:s2], $0x2800  }
0x5e: {  	[sflag:s2] =	ssyncset.done $0x0  }
0x5f: {  	[sflag:s2] =	ssyncadd.s32 $0xFFFFD800  }
0x60: {  	[spmem:s24] =	stream.linear.scatter [tilespmem:s1], [sflag:$0x5], $0x2800, $0x38;
	[tilespmem:$0x1E400] =	vst v63  }
0x61: {  	_ =	swait.ge [sflag:s2], $0x2800  }
0x62: {  	[sflag:s2] =	ssyncset.done $0x0  }
0x63: {  	s6 =	simm.s32 @!p0 $0x400;
	[sflag:s2] =	ssyncadd.s32 $0xFFFFD800  }
0x64: {  	[spmem:s25] =	stream.linear.scatter @!p0 [tilespmem:s6], [sflag:$0x5], $0x2800, $0x38;
	[tilespmem:$0x1E400] =	vst v63  }
0x65: {  	s6 =	simm.s32 @!p0 $0x5  }
0x66: {  	_ =	swait.ge @!p0 [sflag:s6], $0x2800  }
0x67: {  	[sflag:s6] =	ssyncset.done @!p0 $0x0  }
0x68: {  	[sflag:s6] =	ssyncadd.s32 @!p0 $0xFFFFD800  }
0x69: {  	[bflag:$0x0] =	sbarrier.arrive $0xFFFF  }
0x6a: {  	s31 =	simm.s32 $0x0;
	s18 =	rddreg [dreg:$0x7]  }
0x6b: {  	[tilespmem:s31], [sflag:$0x1] =	stream.linear.gather [hbm4b:s18+s31], $0x100, $0x38;
	[tilespmem:$0x1E400] =	vst v63  }
0x6c: {  	_ =	swait.ge [sflag:s4], $0x100  }
0x6d: {  	[sflag:s4] =	ssyncset.done $0x0  }
0x6e: {  	[sflag:s4] =	ssyncadd.s32 $0xFFFFFF00  }
0x6f: {  	[tilespmem:s1], [sflag:$0x2] =	stream.indirect.gather [hbm4b:s0+s7], $0x80, s31, s7, $0xb8;
	[tilespmem:$0x1E400] =	vst v63  }
0x70: {  	s18 =	rddreg [dreg:$0x10]  }
0x71: {  	[tilespmem:s8], [sflag:$0x1] =	stream.linear.gather [hbm4b:s18+s31], $0x100, $0x38;
	[tilespmem:$0x1E400] =	vst v63  }
0x72: {  	_ =	swait.ge [sflag:s4], $0x100  }
0x73: {  	[sflag:s4] =	ssyncset.done $0x0  }
0x74: {  	[sflag:s4] =	ssyncadd.s32 $0xFFFFFF00  }
0x75: {  	[tilespmem:s9], [sflag:$0x3] =	stream.indirect.gather [hbm4b:s0+s7], $0x80, s8, s7, $0xb8;
	[tilespmem:$0x1E400] =	vst v63  }
0x76: {  	s18 =	rddreg [dreg:$0x13]  }
0x77: {  	[tilespmem:s10], [sflag:$0x1] =	stream.linear.gather [hbm4b:s18+s31], $0x100, $0x38;
	[tilespmem:$0x1E400] =	vst v63  }
0x78: {  	_ =	swait.ge [sflag:s11], $0x4000  }
0x79: {  	[sflag:s11] =	ssyncset.done $0x0  }
0x7a: {  	[sflag:s11] =	ssyncadd.s32 $0xFFFFC000  }
0x7b: {  	[spmem:s3] =	stream.indirect.scatter.add.f32 [tilespmem:s1], [sflag:$0x4], $0x80, s7, s7, $0xb8;
	[tilespmem:$0x1E400] =	vst v63  }
0x7c: {  	v2 =	vld [tilespmem:$0x80];
	_ =	sdelay $0x7  }
0x7d: {  	[tilespmem:v2+s12+$0x0] =	vst.idx.add.f32.msk $0xffff, v1  }
0x7e: {  	v2 =	vld [tilespmem:$0x90];
	_ =	sdelay $0x7  }
0x7f: {  	[tilespmem:v2+s12+$0x0] =	vst.idx.add.f32.msk $0xffff, v1  }
0x80: {  	v2 =	vld [tilespmem:$0xA0];
	_ =	sdelay $0x7  }
0x81: {  	[tilespmem:v2+s12+$0x0] =	vst.idx.add.f32.msk $0xffff, v1  }
0x82: {  	v2 =	vld [tilespmem:$0xB0];
	_ =	sdelay $0x7  }
0x83: {  	[tilespmem:v2+s12+$0x0] =	vst.idx.add.f32.msk $0xffff, v1  }
0x84: {  	v2 =	vld [tilespmem:$0xC0];
	_ =	sdelay $0x7  }
0x85: {  	[tilespmem:v2+s12+$0x0] =	vst.idx.add.f32.msk $0xffff, v1  }
0x86: {  	v2 =	vld [tilespmem:$0xD0];
	_ =	sdelay $0x7  }
0x87: {  	[tilespmem:v2+s12+$0x0] =	vst.idx.add.f32.msk $0xffff, v1  }
0x88: {  	v2 =	vld [tilespmem:$0xE0];
	_ =	sdelay $0x7  }
0x89: {  	[tilespmem:v2+s12+$0x0] =	vst.idx.add.f32.msk $0xffff, v1  }
0x8a: {  	v2 =	vld [tilespmem:$0xF0];
	_ =	sdelay $0x7  }
0x8b: {  	[tilespmem:v2+s12+$0x0] =	vst.idx.add.f32.msk $0xffff, v1  }
.LBB2_6:
0x8c: {  	_ =	swait.ge [sflag:s4], $0x100  }
0x8d: {  	[sflag:s4] =	ssyncset.done $0x0  }
0x8e: {  	[sflag:s4] =	ssyncadd.s32 $0xFFFFFF00  }
0x8f: {  	_ =	swait.ge [sflag:s13], $0x4000  }
0x90: {  	[sflag:s13] =	ssyncset.done $0x0  }
0x91: {  	s6 =	sadd.s32 s31, s15;
	[sflag:s13] =	ssyncadd.s32 $0xFFFFC000  }
0x92: {  	[tilespmem:s1], [sflag:$0x2] =	stream.indirect.gather [hbm4b:s0+s7], $0x80, s10, s7, $0xb8;
	[tilespmem:$0x1E400] =	vst v63  }
0x93: {  	s18 =	sadd.s32 $0xC00, s6  }
0x94: {  	[tilespmem:s14], [sflag:$0x1] =	stream.linear.gather [hbm4b:s18+s5], $0x100, $0x38;
	[tilespmem:$0x1E400] =	vst v63  }
0x95: {  	_ =	swait.ge [sflag:s16], $0x4000  }
0x96: {  	[sflag:s16] =	ssyncset.done $0x0  }
0x97: {  	[sflag:s16] =	ssyncadd.s32 $0xFFFFC000  }
0x98: {  	[spmem:s3] =	stream.indirect.scatter.add.f32 [tilespmem:s9], [sflag:$0x4], $0x80, s17, s7, $0xb8;
	[tilespmem:$0x1E400] =	vst v63  }
0x99: {  	v2 =	vld [tilespmem:$0x180];
	_ =	sdelay $0x7  }
0x9a: {  	[tilespmem:v2+s12+$0x0] =	vst.idx.add.f32.msk $0xffff, v1  }
0x9b: {  	v2 =	vld [tilespmem:$0x190];
	_ =	sdelay $0x7  }
0x9c: {  	[tilespmem:v2+s12+$0x0] =	vst.idx.add.f32.msk $0xffff, v1  }
0x9d: {  	v2 =	vld [tilespmem:$0x1A0];
	_ =	sdelay $0x7  }
0x9e: {  	[tilespmem:v2+s12+$0x0] =	vst.idx.add.f32.msk $0xffff, v1  }
0x9f: {  	v2 =	vld [tilespmem:$0x1B0];
	_ =	sdelay $0x7  }
0xa0: {  	[tilespmem:v2+s12+$0x0] =	vst.idx.add.f32.msk $0xffff, v1  }
0xa1: {  	v2 =	vld [tilespmem:$0x1C0];
	_ =	sdelay $0x7  }
0xa2: {  	[tilespmem:v2+s12+$0x0] =	vst.idx.add.f32.msk $0xffff, v1  }
0xa3: {  	v2 =	vld [tilespmem:$0x1D0];
	_ =	sdelay $0x7  }
0xa4: {  	[tilespmem:v2+s12+$0x0] =	vst.idx.add.f32.msk $0xffff, v1  }
0xa5: {  	v2 =	vld [tilespmem:$0x1E0];
	_ =	sdelay $0x7  }
0xa6: {  	[tilespmem:v2+s12+$0x0] =	vst.idx.add.f32.msk $0xffff, v1  }
0xa7: {  	v2 =	vld [tilespmem:$0x1F0];
	_ =	sdelay $0x7  }
0xa8: {  	[tilespmem:v2+s12+$0x0] =	vst.idx.add.f32.msk $0xffff, v1  }
0xa9: {  	_ =	swait.ge [sflag:s4], $0x100  }
0xaa: {  	[sflag:s4] =	ssyncset.done $0x0  }
0xab: {  	[sflag:s4] =	ssyncadd.s32 $0xFFFFFF00  }
0xac: {  	_ =	swait.ge [sflag:s13], $0x4000  }
0xad: {  	[sflag:s13] =	ssyncset.done $0x0  }
0xae: {  	[sflag:s13] =	ssyncadd.s32 $0xFFFFC000  }
0xaf: {  	[tilespmem:s9], [sflag:$0x3] =	stream.indirect.gather [hbm4b:s0+s7], $0x80, s14, s7, $0xb8;
	[tilespmem:$0x1E400] =	vst v63  }
0xb0: {  	s18 =	sadd.s32 $0x1000, s6  }
0xb1: {  	[tilespmem:s5], [sflag:$0x1] =	stream.linear.gather [hbm4b:s18+s5], $0x100, $0x38;
	[tilespmem:$0x1E400] =	vst v63  }
0xb2: {  	_ =	swait.ge [sflag:s11], $0x4000  }
0xb3: {  	[sflag:s11] =	ssyncset.done $0x0  }
0xb4: {  	[sflag:s11] =	ssyncadd.s32 $0xFFFFC000  }
0xb5: {  	[spmem:s3] =	stream.indirect.scatter.add.f32 [tilespmem:s1], [sflag:$0x4], $0x80, s26, s7, $0xb8;
	[tilespmem:$0x1E400] =	vst v63  }
0xb6: {  	v2 =	vld [tilespmem:$0x280];
	_ =	sdelay $0x7  }
0xb7: {  	[tilespmem:v2+s12+$0x0] =	vst.idx.add.f32.msk $0xffff, v1  }
0xb8: {  	v2 =	vld [tilespmem:$0x290];
	_ =	sdelay $0x7  }
0xb9: {  	[tilespmem:v2+s12+$0x0] =	vst.idx.add.f32.msk $0xffff, v1  }
0xba: {  	v2 =	vld [tilespmem:$0x2A0];
	_ =	sdelay $0x7  }
0xbb: {  	[tilespmem:v2+s12+$0x0] =	vst.idx.add.f32.msk $0xffff, v1  }
0xbc: {  	v2 =	vld [tilespmem:$0x2B0];
	_ =	sdelay $0x7  }
0xbd: {  	[tilespmem:v2+s12+$0x0] =	vst.idx.add.f32.msk $0xffff, v1  }
0xbe: {  	v2 =	vld [tilespmem:$0x2C0];
	_ =	sdelay $0x7  }
0xbf: {  	[tilespmem:v2+s12+$0x0] =	vst.idx.add.f32.msk $0xffff, v1  }
0xc0: {  	v2 =	vld [tilespmem:$0x2D0];
	_ =	sdelay $0x7  }
0xc1: {  	[tilespmem:v2+s12+$0x0] =	vst.idx.add.f32.msk $0xffff, v1  }
0xc2: {  	v2 =	vld [tilespmem:$0x2E0];
	_ =	sdelay $0x7  }
0xc3: {  	[tilespmem:v2+s12+$0x0] =	vst.idx.add.f32.msk $0xffff, v1  }
0xc4: {  	v2 =	vld [tilespmem:$0x2F0];
	_ =	sdelay $0x7  }
0xc5: {  	[tilespmem:v2+s12+$0x0] =	vst.idx.add.f32.msk $0xffff, v1  }
0xc6: {  	_ =	swait.ge [sflag:s4], $0x100  }
0xc7: {  	[sflag:s4] =	ssyncset.done $0x0  }
0xc8: {  	[sflag:s4] =	ssyncadd.s32 $0xFFFFFF00  }
0xc9: {  	_ =	swait.ge [sflag:s13], $0x4000  }
0xca: {  	[sflag:s13] =	ssyncset.done $0x0  }
0xcb: {  	[sflag:s13] =	ssyncadd.s32 $0xFFFFC000  }
0xcc: {  	[tilespmem:s1], [sflag:$0x2] =	stream.indirect.gather [hbm4b:s0+s7], $0x80, s5, s7, $0xb8;
	[tilespmem:$0x1E400] =	vst v63  }
0xcd: {  	s18 =	sadd.s32 $0x1400, s6  }
0xce: {  	[tilespmem:s8], [sflag:$0x1] =	stream.linear.gather [hbm4b:s18+s5], $0x100, $0x38;
	[tilespmem:$0x1E400] =	vst v63  }
0xcf: {  	_ =	swait.ge [sflag:s16], $0x4000  }
0xd0: {  	[sflag:s16] =	ssyncset.done $0x0  }
0xd1: {  	[sflag:s16] =	ssyncadd.s32 $0xFFFFC000  }
0xd2: {  	[spmem:s3] =	stream.indirect.scatter.add.f32 [tilespmem:s9], [sflag:$0x4], $0x80, s28, s7, $0xb8;
	[tilespmem:$0x1E400] =	vst v63  }
0xd3: {  	v2 =	vld [tilespmem:$0x380];
	_ =	sdelay $0x7  }
0xd4: {  	[tilespmem:v2+s12+$0x0] =	vst.idx.add.f32.msk $0xffff, v1  }
0xd5: {  	v2 =	vld [tilespmem:$0x390];
	_ =	sdelay $0x7  }
0xd6: {  	[tilespmem:v2+s12+$0x0] =	vst.idx.add.f32.msk $0xffff, v1  }
0xd7: {  	v2 =	vld [tilespmem:$0x3A0];
	_ =	sdelay $0x7  }
0xd8: {  	[tilespmem:v2+s12+$0x0] =	vst.idx.add.f32.msk $0xffff, v1  }
0xd9: {  	v2 =	vld [tilespmem:$0x3B0];
	_ =	sdelay $0x7  }
0xda: {  	[tilespmem:v2+s12+$0x0] =	vst.idx.add.f32.msk $0xffff, v1  }
0xdb: {  	v2 =	vld [tilespmem:$0x3C0];
	_ =	sdelay $0x7  }
0xdc: {  	[tilespmem:v2+s12+$0x0] =	vst.idx.add.f32.msk $0xffff, v1  }
0xdd: {  	v2 =	vld [tilespmem:$0x3D0];
	_ =	sdelay $0x7  }
0xde: {  	[tilespmem:v2+s12+$0x0] =	vst.idx.add.f32.msk $0xffff, v1  }
0xdf: {  	v2 =	vld [tilespmem:$0x3E0];
	_ =	sdelay $0x7  }
0xe0: {  	[tilespmem:v2+s12+$0x0] =	vst.idx.add.f32.msk $0xffff, v1  }
0xe1: {  	v2 =	vld [tilespmem:$0x3F0];
	_ =	sdelay $0x7  }
0xe2: {  	[tilespmem:v2+s12+$0x0] =	vst.idx.add.f32.msk $0xffff, v1  }
0xe3: {  	_ =	swait.ge [sflag:s4], $0x100  }
0xe4: {  	[sflag:s4] =	ssyncset.done $0x0  }
0xe5: {  	[sflag:s4] =	ssyncadd.s32 $0xFFFFFF00  }
0xe6: {  	_ =	swait.ge [sflag:s13], $0x4000  }
0xe7: {  	[sflag:s13] =	ssyncset.done $0x0  }
0xe8: {  	[sflag:s13] =	ssyncadd.s32 $0xFFFFC000  }
0xe9: {  	[tilespmem:s9], [sflag:$0x3] =	stream.indirect.gather [hbm4b:s0+s7], $0x80, s8, s7, $0xb8;
	[tilespmem:$0x1E400] =	vst v63  }
0xea: {  	s6 =	sadd.s32 $0x1800, s6  }
0xeb: {  	[tilespmem:s10], [sflag:$0x1] =	stream.linear.gather [hbm4b:s6+s5], $0x100, $0x38;
	[tilespmem:$0x1E400] =	vst v63  }
0xec: {  	_ =	swait.ge [sflag:s11], $0x4000  }
0xed: {  	[sflag:s11] =	ssyncset.done $0x0  }
0xee: {  	[sflag:s11] =	ssyncadd.s32 $0xFFFFC000  }
0xef: {  	[spmem:s3] =	stream.indirect.scatter.add.f32 [tilespmem:s1], [sflag:$0x4], $0x80, s7, s7, $0xb8;
	[tilespmem:$0x1E400] =	vst v63  }
0xf0: {  	v2 =	vld [tilespmem:$0x80];
	_ =	sdelay $0x7  }
0xf1: {  	[tilespmem:v2+s12+$0x0] =	vst.idx.add.f32.msk $0xffff, v1  }
0xf2: {  	v2 =	vld [tilespmem:$0x90];
	_ =	sdelay $0x7  }
0xf3: {  	[tilespmem:v2+s12+$0x0] =	vst.idx.add.f32.msk $0xffff, v1  }
0xf4: {  	v2 =	vld [tilespmem:$0xA0];
	_ =	sdelay $0x7  }
0xf5: {  	[tilespmem:v2+s12+$0x0] =	vst.idx.add.f32.msk $0xffff, v1  }
0xf6: {  	v2 =	vld [tilespmem:$0xB0];
	_ =	sdelay $0x7  }
0xf7: {  	[tilespmem:v2+s12+$0x0] =	vst.idx.add.f32.msk $0xffff, v1  }
0xf8: {  	v2 =	vld [tilespmem:$0xC0];
	_ =	sdelay $0x7  }
0xf9: {  	[tilespmem:v2+s12+$0x0] =	vst.idx.add.f32.msk $0xffff, v1  }
0xfa: {  	v2 =	vld [tilespmem:$0xD0];
	_ =	sdelay $0x7  }
0xfb: {  	[tilespmem:v2+s12+$0x0] =	vst.idx.add.f32.msk $0xffff, v1  }
0xfc: {  	v2 =	vld [tilespmem:$0xE0];
	_ =	sdelay $0x7  }
0xfd: {  	[tilespmem:v2+s12+$0x0] =	vst.idx.add.f32.msk $0xffff, v1  }
0xfe: {  	v2 =	vld [tilespmem:$0xF0];
	_ =	sdelay $0x2  }
0xff: {  	p2 =	sne.s32 s31, $0x11000  }
.Ltmp2:
0x100: {  	_ = 	snop;
	(pc) =	sbr.rel @p2 .LBB2_6-.Ltmp2, $2  }
0x101: {  	_ =	sdelay $0x2  }
0x102: {  	s31 =	sadd.s32 $0x1000, s31;
	[tilespmem:v2+s12+$0x0] =	vst.idx.add.f32.msk $0xffff, v1  }
0x103: {  	_ =	swait.ge [sflag:s4], $0x100  }
0x104: {  	[sflag:s4] =	ssyncset.done $0x0  }
0x105: {  	[sflag:s4] =	ssyncadd.s32 $0xFFFFFF00  }
0x106: {  	_ =	swait.ge [sflag:s13], $0x4000  }
0x107: {  	[sflag:s13] =	ssyncset.done $0x0  }
0x108: {  	[sflag:s13] =	ssyncadd.s32 $0xFFFFC000  }
0x109: {  	[tilespmem:s1], [sflag:$0x2] =	stream.indirect.gather [hbm4b:s0+s7], $0x80, s10, s7, $0xb8;
	[tilespmem:$0x1E400] =	vst v63  }
0x10a: {  	s6 =	rddreg [dreg:$0x14]  }
0x10b: {  	[tilespmem:s14], [sflag:$0x1] =	stream.linear.gather [hbm4b:s6+s5], $0x100, $0x38;
	[tilespmem:$0x1E400] =	vst v63  }
0x10c: {  	_ =	swait.ge [sflag:s16], $0x4000  }
0x10d: {  	[sflag:s16] =	ssyncset.done $0x0  }
0x10e: {  	[sflag:s16] =	ssyncadd.s32 $0xFFFFC000  }
0x10f: {  	[spmem:s3] =	stream.indirect.scatter.add.f32 [tilespmem:s9], [sflag:$0x4], $0x80, s17, s7, $0xb8;
	[tilespmem:$0x1E400] =	vst v63  }
0x110: {  	v2 =	vld [tilespmem:$0x180];
	_ =	sdelay $0x7  }
0x111: {  	[tilespmem:v2+s12+$0x0] =	vst.idx.add.f32.msk $0xffff, v1  }
0x112: {  	v2 =	vld [tilespmem:$0x190];
	_ =	sdelay $0x7  }
0x113: {  	[tilespmem:v2+s12+$0x0] =	vst.idx.add.f32.msk $0xffff, v1  }
0x114: {  	v2 =	vld [tilespmem:$0x1A0];
	_ =	sdelay $0x7  }
0x115: {  	[tilespmem:v2+s12+$0x0] =	vst.idx.add.f32.msk $0xffff, v1  }
0x116: {  	v2 =	vld [tilespmem:$0x1B0];
	_ =	sdelay $0x7  }
0x117: {  	[tilespmem:v2+s12+$0x0] =	vst.idx.add.f32.msk $0xffff, v1  }
0x118: {  	v2 =	vld [tilespmem:$0x1C0];
	_ =	sdelay $0x7  }
0x119: {  	[tilespmem:v2+s12+$0x0] =	vst.idx.add.f32.msk $0xffff, v1  }
0x11a: {  	v2 =	vld [tilespmem:$0x1D0];
	_ =	sdelay $0x7  }
0x11b: {  	[tilespmem:v2+s12+$0x0] =	vst.idx.add.f32.msk $0xffff, v1  }
0x11c: {  	v2 =	vld [tilespmem:$0x1E0];
	_ =	sdelay $0x7  }
0x11d: {  	[tilespmem:v2+s12+$0x0] =	vst.idx.add.f32.msk $0xffff, v1  }
0x11e: {  	v2 =	vld [tilespmem:$0x1F0];
	_ =	sdelay $0x7  }
0x11f: {  	[tilespmem:v2+s12+$0x0] =	vst.idx.add.f32.msk $0xffff, v1  }
0x120: {  	_ =	swait.ge [sflag:s4], $0x100  }
0x121: {  	[sflag:s4] =	ssyncset.done $0x0  }
0x122: {  	[sflag:s4] =	ssyncadd.s32 $0xFFFFFF00  }
0x123: {  	_ =	swait.ge [sflag:s13], $0x4000  }
0x124: {  	[sflag:s13] =	ssyncset.done $0x0  }
0x125: {  	[sflag:s13] =	ssyncadd.s32 $0xFFFFC000  }
0x126: {  	[tilespmem:s9], [sflag:$0x3] =	stream.indirect.gather [hbm4b:s0+s7], $0x80, s14, s7, $0xb8;
	[tilespmem:$0x1E400] =	vst v63  }
0x127: {  	s18 =	rddreg [dreg:$0x15]  }
0x128: {  	[tilespmem:s5], [sflag:$0x1] =	stream.linear.gather [hbm4b:s18+s5], $0x100, $0x38;
	[tilespmem:$0x1E400] =	vst v63  }
0x129: {  	_ =	swait.ge [sflag:s11], $0x4000  }
0x12a: {  	[sflag:s11] =	ssyncset.done $0x0  }
0x12b: {  	[sflag:s11] =	ssyncadd.s32 $0xFFFFC000  }
0x12c: {  	[spmem:s3] =	stream.indirect.scatter.add.f32 [tilespmem:s1], [sflag:$0x4], $0x80, s26, s7, $0xb8;
	[tilespmem:$0x1E400] =	vst v63  }
0x12d: {  	v2 =	vld [tilespmem:$0x280];
	_ =	sdelay $0x7  }
0x12e: {  	[tilespmem:v2+s12+$0x0] =	vst.idx.add.f32.msk $0xffff, v1  }
0x12f: {  	v2 =	vld [tilespmem:$0x290];
	_ =	sdelay $0x7  }
0x130: {  	[tilespmem:v2+s12+$0x0] =	vst.idx.add.f32.msk $0xffff, v1  }
0x131: {  	v2 =	vld [tilespmem:$0x2A0];
	_ =	sdelay $0x7  }
0x132: {  	[tilespmem:v2+s12+$0x0] =	vst.idx.add.f32.msk $0xffff, v1  }
0x133: {  	v2 =	vld [tilespmem:$0x2B0];
	_ =	sdelay $0x7  }
0x134: {  	[tilespmem:v2+s12+$0x0] =	vst.idx.add.f32.msk $0xffff, v1  }
0x135: {  	v2 =	vld [tilespmem:$0x2C0];
	_ =	sdelay $0x7  }
0x136: {  	[tilespmem:v2+s12+$0x0] =	vst.idx.add.f32.msk $0xffff, v1  }
0x137: {  	v2 =	vld [tilespmem:$0x2D0];
	_ =	sdelay $0x7  }
0x138: {  	[tilespmem:v2+s12+$0x0] =	vst.idx.add.f32.msk $0xffff, v1  }
0x139: {  	v2 =	vld [tilespmem:$0x2E0];
	_ =	sdelay $0x7  }
0x13a: {  	[tilespmem:v2+s12+$0x0] =	vst.idx.add.f32.msk $0xffff, v1  }
0x13b: {  	v2 =	vld [tilespmem:$0x2F0];
	_ =	sdelay $0x7  }
0x13c: {  	[tilespmem:v2+s12+$0x0] =	vst.idx.add.f32.msk $0xffff, v1  }
0x13d: {  	_ =	swait.ge [sflag:s4], $0x100  }
0x13e: {  	[sflag:s4] =	ssyncset.done $0x0  }
0x13f: {  	[sflag:s4] =	ssyncadd.s32 $0xFFFFFF00  }
0x140: {  	_ =	swait.ge [sflag:s13], $0x4000  }
0x141: {  	[sflag:s13] =	ssyncset.done $0x0  }
0x142: {  	[sflag:s13] =	ssyncadd.s32 $0xFFFFC000  }
0x143: {  	[tilespmem:s1], [sflag:$0x2] =	stream.indirect.gather [hbm4b:s0+s7], $0x80, s5, s7, $0xb8;
	[tilespmem:$0x1E400] =	vst v63  }
0x144: {  	s31 =	rddreg [dreg:$0x16]  }
0x145: {  	[tilespmem:s8], [sflag:$0x1] =	stream.linear.gather [hbm4b:s31+s5], $0x100, $0x38;
	[tilespmem:$0x1E400] =	vst v63  }
0x146: {  	_ =	swait.ge [sflag:s16], $0x4000  }
0x147: {  	[sflag:s16] =	ssyncset.done $0x0  }
0x148: {  	[sflag:s16] =	ssyncadd.s32 $0xFFFFC000  }
0x149: {  	[spmem:s3] =	stream.indirect.scatter.add.f32 [tilespmem:s9], [sflag:$0x4], $0x80, s28, s7, $0xb8;
	[tilespmem:$0x1E400] =	vst v63  }
0x14a: {  	v2 =	vld [tilespmem:$0x380];
	_ =	sdelay $0x7  }
0x14b: {  	[tilespmem:v2+s12+$0x0] =	vst.idx.add.f32.msk $0xffff, v1  }
0x14c: {  	v2 =	vld [tilespmem:$0x390];
	_ =	sdelay $0x7  }
0x14d: {  	[tilespmem:v2+s12+$0x0] =	vst.idx.add.f32.msk $0xffff, v1  }
0x14e: {  	v2 =	vld [tilespmem:$0x3A0];
	_ =	sdelay $0x7  }
0x14f: {  	[tilespmem:v2+s12+$0x0] =	vst.idx.add.f32.msk $0xffff, v1  }
0x150: {  	v2 =	vld [tilespmem:$0x3B0];
	_ =	sdelay $0x7  }
0x151: {  	[tilespmem:v2+s12+$0x0] =	vst.idx.add.f32.msk $0xffff, v1  }
0x152: {  	v2 =	vld [tilespmem:$0x3C0];
	_ =	sdelay $0x7  }
0x153: {  	[tilespmem:v2+s12+$0x0] =	vst.idx.add.f32.msk $0xffff, v1  }
0x154: {  	v2 =	vld [tilespmem:$0x3D0];
	_ =	sdelay $0x7  }
0x155: {  	[tilespmem:v2+s12+$0x0] =	vst.idx.add.f32.msk $0xffff, v1  }
0x156: {  	v2 =	vld [tilespmem:$0x3E0];
	_ =	sdelay $0x7  }
0x157: {  	[tilespmem:v2+s12+$0x0] =	vst.idx.add.f32.msk $0xffff, v1  }
0x158: {  	v2 =	vld [tilespmem:$0x3F0];
	_ =	sdelay $0x7  }
0x159: {  	[tilespmem:v2+s12+$0x0] =	vst.idx.add.f32.msk $0xffff, v1  }
0x15a: {  	_ =	swait.ge [sflag:s4], $0x100  }
0x15b: {  	[sflag:s4] =	ssyncset.done $0x0  }
0x15c: {  	[sflag:s4] =	ssyncadd.s32 $0xFFFFFF00  }
0x15d: {  	_ =	swait.ge [sflag:s13], $0x4000  }
0x15e: {  	[sflag:s13] =	ssyncset.done $0x0  }
0x15f: {  	[sflag:s13] =	ssyncadd.s32 $0xFFFFC000  }
0x160: {  	[tilespmem:s9], [sflag:$0x3] =	stream.indirect.gather [hbm4b:s0+s7], $0x80, s8, s7, $0xb8;
	[tilespmem:$0x1E400] =	vst v63  }
0x161: {  	_ =	swait.ge [sflag:s11], $0x4000  }
0x162: {  	[sflag:s11] =	ssyncset.done $0x0  }
0x163: {  	[sflag:s11] =	ssyncadd.s32 $0xFFFFC000  }
0x164: {  	[spmem:s3] =	stream.indirect.scatter.add.f32 [tilespmem:s1], [sflag:$0x4], $0x80, s7, s7, $0xb8;
	[tilespmem:$0x1E400] =	vst v63  }
0x165: {  	v2 =	vld [tilespmem:$0x80];
	_ =	sdelay $0x7  }
0x166: {  	[tilespmem:v2+s12+$0x0] =	vst.idx.add.f32.msk $0xffff, v1  }
0x167: {  	v2 =	vld [tilespmem:$0x90];
	_ =	sdelay $0x7  }
0x168: {  	[tilespmem:v2+s12+$0x0] =	vst.idx.add.f32.msk $0xffff, v1  }
0x169: {  	v2 =	vld [tilespmem:$0xA0];
	_ =	sdelay $0x7  }
0x16a: {  	[tilespmem:v2+s12+$0x0] =	vst.idx.add.f32.msk $0xffff, v1  }
0x16b: {  	v2 =	vld [tilespmem:$0xB0];
	_ =	sdelay $0x7  }
0x16c: {  	[tilespmem:v2+s12+$0x0] =	vst.idx.add.f32.msk $0xffff, v1  }
0x16d: {  	v2 =	vld [tilespmem:$0xC0];
	_ =	sdelay $0x7  }
0x16e: {  	[tilespmem:v2+s12+$0x0] =	vst.idx.add.f32.msk $0xffff, v1  }
0x16f: {  	v2 =	vld [tilespmem:$0xD0];
	_ =	sdelay $0x7  }
0x170: {  	[tilespmem:v2+s12+$0x0] =	vst.idx.add.f32.msk $0xffff, v1  }
0x171: {  	v2 =	vld [tilespmem:$0xE0];
	_ =	sdelay $0x7  }
0x172: {  	[tilespmem:v2+s12+$0x0] =	vst.idx.add.f32.msk $0xffff, v1  }
0x173: {  	v2 =	vld [tilespmem:$0xF0];
	_ =	sdelay $0x7  }
0x174: {  	[tilespmem:v2+s12+$0x0] =	vst.idx.add.f32.msk $0xffff, v1  }
0x175: {  	_ =	swait.ge [sflag:s13], $0x4000  }
0x176: {  	[sflag:s13] =	ssyncset.done $0x0  }
0x177: {  	[sflag:s13] =	ssyncadd.s32 $0xFFFFC000  }
0x178: {  	_ =	swait.ge [sflag:s16], $0x4000  }
0x179: {  	[sflag:s16] =	ssyncset.done $0x0  }
0x17a: {  	[sflag:s16] =	ssyncadd.s32 $0xFFFFC000  }
0x17b: {  	[spmem:s3] =	stream.indirect.scatter.add.f32 [tilespmem:s9], [sflag:$0x4], $0x80, s17, s7, $0xb8;
	[tilespmem:$0x1E400] =	vst v63  }
0x17c: {  	v2 =	vld [tilespmem:$0x180];
	_ =	sdelay $0x7  }
0x17d: {  	[tilespmem:v2+s12+$0x0] =	vst.idx.add.f32.msk $0xffff, v1  }
0x17e: {  	v2 =	vld [tilespmem:$0x190];
	_ =	sdelay $0x7  }
0x17f: {  	[tilespmem:v2+s12+$0x0] =	vst.idx.add.f32.msk $0xffff, v1  }
0x180: {  	v2 =	vld [tilespmem:$0x1A0];
	_ =	sdelay $0x7  }
0x181: {  	[tilespmem:v2+s12+$0x0] =	vst.idx.add.f32.msk $0xffff, v1  }
0x182: {  	v2 =	vld [tilespmem:$0x1B0];
	_ =	sdelay $0x7  }
0x183: {  	[tilespmem:v2+s12+$0x0] =	vst.idx.add.f32.msk $0xffff, v1  }
0x184: {  	v2 =	vld [tilespmem:$0x1C0];
	_ =	sdelay $0x7  }
0x185: {  	[tilespmem:v2+s12+$0x0] =	vst.idx.add.f32.msk $0xffff, v1  }
0x186: {  	v2 =	vld [tilespmem:$0x1D0];
	_ =	sdelay $0x7  }
0x187: {  	[tilespmem:v2+s12+$0x0] =	vst.idx.add.f32.msk $0xffff, v1  }
0x188: {  	v2 =	vld [tilespmem:$0x1E0];
	_ =	sdelay $0x7  }
0x189: {  	[tilespmem:v2+s12+$0x0] =	vst.idx.add.f32.msk $0xffff, v1  }
0x18a: {  	v2 =	vld [tilespmem:$0x1F0];
	_ =	sdelay $0x7  }
0x18b: {  	[tilespmem:v2+s12+$0x0] =	vst.idx.add.f32.msk $0xffff, v1  }
0x18c: {  	_ =	swait.ge [sflag:s13], $0x4000  }
0x18d: {  	[sflag:s13] =	ssyncset.done $0x0  }
0x18e: {  	s6 =	simm.s32 @!p1 $0x0;
	s18 =	rddreg [dreg:$0x17];
	[sflag:s13] =	ssyncadd.s32 $0xFFFFC000  }
0x18f: {  	[tilespmem:s6], [sflag:$0x1] =	stream.linear.gather @!p1 [hbm4b:s18+s6], $0x100, $0x38;
	[tilespmem:$0x1E400] =	vst v63  }
0x190: {  	s18 =	simm.s32 @!p1 $0x1  }
0x191: {  	_ =	swait.ge @!p1 [sflag:s18], $0x100  }
0x192: {  	[sflag:s18] =	ssyncset.done @!p1 $0x0  }
0x193: {  	s31 =	simm.s32 @!p1 $0x400;
	[sflag:s18] =	ssyncadd.s32 @!p1 $0xFFFFFF00;
	s18 =	simm.s32 @!p1 $0x80  }
0x194: {  	[tilespmem:s31], [sflag:$0x2] =	stream.indirect.gather @!p1 [hbm4b:s0+s18], $0x80, s6, s18, $0xb8;
	[tilespmem:$0x1E400] =	vst v63  }
0x195: {  	s6 =	simm.s32 @!p1 $0x2  }
0x196: {  	_ =	swait.ge @!p1 [sflag:s6], $0x4000  }
0x197: {  	[sflag:s6] =	ssyncset.done @!p1 $0x0  }
0x198: {  	[sflag:s6] =	ssyncadd.s32 @!p1 $0xFFFFC000;
	s6 =	simm.s32 @!p1 $0x5  }
0x199: {  	[spmem:s3] =	stream.indirect.scatter.add.f32 @!p1 [tilespmem:s31], [sflag:$0x5], $0x80, s18, s18, $0xb8;
	[tilespmem:$0x1E400] =	vst v63  }
0x19a: {  	_ =	swait.ge @!p1 [sflag:s6], $0x4000  }
0x19b: {  	[sflag:s6] =	ssyncset.done @!p1 $0x0  }
0x19c: {  	[sflag:s6] =	ssyncadd.s32 @!p1 $0xFFFFC000  }
0x19d: {  	v2 =	vld @!p1 [tilespmem:$0x80];
	_ =	sdelay $0x6  }
0x19e: {  	v3 =	vimm.f32 @!p1 $1.000000000e+00;
	s6 =	simm.s32 @!p1 $0x1BC80  }
0x19f: {  	[tilespmem:v2+s6+$0x0] =	vst.idx.add.f32.msk @!p1 $0xffff, v3  }
0x1a0: {  	v2 =	vld @!p1 [tilespmem:$0x90];
	_ =	sdelay $0x7  }
0x1a1: {  	[tilespmem:v2+s6+$0x0] =	vst.idx.add.f32.msk @!p1 $0xffff, v3  }
0x1a2: {  	v2 =	vld @!p1 [tilespmem:$0xA0];
	_ =	sdelay $0x7  }
0x1a3: {  	[tilespmem:v2+s6+$0x0] =	vst.idx.add.f32.msk @!p1 $0xffff, v3  }
0x1a4: {  	v2 =	vld @!p1 [tilespmem:$0xB0];
	_ =	sdelay $0x7  }
0x1a5: {  	[tilespmem:v2+s6+$0x0] =	vst.idx.add.f32.msk @!p1 $0xffff, v3  }
0x1a6: {  	v2 =	vld @!p1 [tilespmem:$0xC0];
	_ =	sdelay $0x7  }
0x1a7: {  	[tilespmem:v2+s6+$0x0] =	vst.idx.add.f32.msk @!p1 $0xffff, v3  }
0x1a8: {  	v2 =	vld @!p1 [tilespmem:$0xD0];
	_ =	sdelay $0x7  }
0x1a9: {  	[tilespmem:v2+s6+$0x0] =	vst.idx.add.f32.msk @!p1 $0xffff, v3  }
0x1aa: {  	v2 =	vld @!p1 [tilespmem:$0xE0];
	_ =	sdelay $0x7  }
0x1ab: {  	[tilespmem:v2+s6+$0x0] =	vst.idx.add.f32.msk @!p1 $0xffff, v3  }
0x1ac: {  	v2 =	vld @!p1 [tilespmem:$0xF0];
	_ =	sdelay $0x7  }
0x1ad: {  	[tilespmem:v2+s6+$0x0] =	vst.idx.add.f32.msk @!p1 $0xffff, v3  }
0x1ae: {  	[bflag:$0x0] =	sbarrier.arrive $0xFFFF  }
0x1af: {  	s18 =	rddreg [dreg:$0x12]  }
0x1b0: {  	[tilespmem:s1], [sflag:$0x6] =	stream.linear.gather [spmem:s18], $0x2800, $0x38;
	[tilespmem:$0x1E400] =	vst v63  }
0x1b1: {  	_ =	swait.ge [sflag:s29], $0x2800  }
0x1b2: {  	[sflag:s29] =	ssyncset.done $0x0  }
0x1b3: {  	s31 =	rddreg [dreg:$0x8];
	[sflag:s29] =	ssyncadd.s32 $0xFFFFD800  }
0x1b4: {  	[hbm4b:s31+s5] =	stream.linear.scatter [tilespmem:s1], [sflag:$0x5], $0x2800, $0x38;
	[tilespmem:$0x1E400] =	vst v63  }
0x1b5: {  	_ =	swait.ge [sflag:s2], $0x2800  }
0x1b6: {  	[sflag:s2] =	ssyncset.done $0x0  }
0x1b7: {  	[sflag:s2] =	ssyncadd.s32 $0xFFFFD800  }
0x1b8: {  	[tilespmem:s1], [sflag:$0x6] =	stream.linear.gather [spmem:s19], $0x2800, $0x38;
	[tilespmem:$0x1E400] =	vst v63  }
0x1b9: {  	_ =	swait.ge [sflag:s29], $0x2800  }
0x1ba: {  	[sflag:s29] =	ssyncset.done $0x0  }
0x1bb: {  	s18 =	rddreg [dreg:$0x9];
	[sflag:s29] =	ssyncadd.s32 $0xFFFFD800  }
0x1bc: {  	[hbm4b:s18+s5] =	stream.linear.scatter [tilespmem:s1], [sflag:$0x5], $0x2800, $0x38;
	[tilespmem:$0x1E400] =	vst v63  }
0x1bd: {  	_ =	swait.ge [sflag:s2], $0x2800  }
0x1be: {  	[sflag:s2] =	ssyncset.done $0x0  }
0x1bf: {  	[sflag:s2] =	ssyncadd.s32 $0xFFFFD800  }
0x1c0: {  	[tilespmem:s1], [sflag:$0x6] =	stream.linear.gather [spmem:s20], $0x2800, $0x38;
	[tilespmem:$0x1E400] =	vst v63  }
0x1c1: {  	_ =	swait.ge [sflag:s29], $0x2800  }
0x1c2: {  	[sflag:s29] =	ssyncset.done $0x0  }
0x1c3: {  	s31 =	rddreg [dreg:$0xa];
	[sflag:s29] =	ssyncadd.s32 $0xFFFFD800  }
0x1c4: {  	[hbm4b:s31+s5] =	stream.linear.scatter [tilespmem:s1], [sflag:$0x5], $0x2800, $0x38;
	[tilespmem:$0x1E400] =	vst v63  }
0x1c5: {  	_ =	swait.ge [sflag:s2], $0x2800  }
0x1c6: {  	[sflag:s2] =	ssyncset.done $0x0  }
0x1c7: {  	[sflag:s2] =	ssyncadd.s32 $0xFFFFD800  }
0x1c8: {  	[tilespmem:s1], [sflag:$0x6] =	stream.linear.gather [spmem:s21], $0x2800, $0x38;
	[tilespmem:$0x1E400] =	vst v63  }
0x1c9: {  	_ =	swait.ge [sflag:s29], $0x2800  }
0x1ca: {  	[sflag:s29] =	ssyncset.done $0x0  }
0x1cb: {  	s18 =	rddreg [dreg:$0xb];
	[sflag:s29] =	ssyncadd.s32 $0xFFFFD800  }
0x1cc: {  	[hbm4b:s18+s5] =	stream.linear.scatter [tilespmem:s1], [sflag:$0x5], $0x2800, $0x38;
	[tilespmem:$0x1E400] =	vst v63  }
0x1cd: {  	_ =	swait.ge [sflag:s2], $0x2800  }
0x1ce: {  	[sflag:s2] =	ssyncset.done $0x0  }
0x1cf: {  	[sflag:s2] =	ssyncadd.s32 $0xFFFFD800  }
0x1d0: {  	[tilespmem:s1], [sflag:$0x6] =	stream.linear.gather [spmem:s22], $0x2800, $0x38;
	[tilespmem:$0x1E400] =	vst v63  }
0x1d1: {  	_ =	swait.ge [sflag:s29], $0x2800  }
0x1d2: {  	[sflag:s29] =	ssyncset.done $0x0  }
0x1d3: {  	s31 =	rddreg [dreg:$0xc];
	[sflag:s29] =	ssyncadd.s32 $0xFFFFD800  }
0x1d4: {  	[hbm4b:s31+s5] =	stream.linear.scatter [tilespmem:s1], [sflag:$0x5], $0x2800, $0x38;
	[tilespmem:$0x1E400] =	vst v63  }
0x1d5: {  	_ =	swait.ge [sflag:s2], $0x2800  }
0x1d6: {  	[sflag:s2] =	ssyncset.done $0x0  }
0x1d7: {  	[sflag:s2] =	ssyncadd.s32 $0xFFFFD800  }
0x1d8: {  	[tilespmem:s1], [sflag:$0x6] =	stream.linear.gather [spmem:s23], $0x2800, $0x38;
	[tilespmem:$0x1E400] =	vst v63  }
0x1d9: {  	_ =	swait.ge [sflag:s29], $0x2800  }
0x1da: {  	[sflag:s29] =	ssyncset.done $0x0  }
0x1db: {  	s18 =	rddreg [dreg:$0xd];
	[sflag:s29] =	ssyncadd.s32 $0xFFFFD800  }
0x1dc: {  	[hbm4b:s18+s5] =	stream.linear.scatter [tilespmem:s1], [sflag:$0x5], $0x2800, $0x38;
	[tilespmem:$0x1E400] =	vst v63  }
0x1dd: {  	_ =	swait.ge [sflag:s2], $0x2800  }
0x1de: {  	[sflag:s2] =	ssyncset.done $0x0  }
0x1df: {  	[sflag:s2] =	ssyncadd.s32 $0xFFFFD800  }
0x1e0: {  	[tilespmem:s1], [sflag:$0x6] =	stream.linear.gather [spmem:s24], $0x2800, $0x38;
	[tilespmem:$0x1E400] =	vst v63  }
0x1e1: {  	_ =	swait.ge [sflag:s29], $0x2800  }
0x1e2: {  	[sflag:s29] =	ssyncset.done $0x0  }
0x1e3: {  	s31 =	rddreg [dreg:$0xe];
	[sflag:s29] =	ssyncadd.s32 $0xFFFFD800  }
0x1e4: {  	[hbm4b:s31+s5] =	stream.linear.scatter [tilespmem:s1], [sflag:$0x5], $0x2800, $0x38;
	[tilespmem:$0x1E400] =	vst v63  }
0x1e5: {  	_ =	swait.ge [sflag:s2], $0x2800  }
0x1e6: {  	[sflag:s2] =	ssyncset.done $0x0  }
0x1e7: {  	s6 =	simm.s32 @!p0 $0x400;
	s18 =	simm.s32 @!p0 $0x6;
	[sflag:s2] =	ssyncadd.s32 $0xFFFFD800  }
0x1e8: {  	[tilespmem:s6], [sflag:$0x6] =	stream.linear.gather @!p0 [spmem:s25], $0x2800, $0x38;
	[tilespmem:$0x1E400] =	vst v63  }
0x1e9: {  	_ =	swait.ge @!p0 [sflag:s18], $0x2800  }
0x1ea: {  	[sflag:s18] =	ssyncset.done @!p0 $0x0  }
0x1eb: {  	s31 =	rddreg [dreg:$0xf];
	[sflag:s18] =	ssyncadd.s32 @!p0 $0xFFFFD800;
	s18 =	simm.s32 @!p0 $0x0  }
0x1ec: {  	[hbm4b:s31+s18] =	stream.linear.scatter @!p0 [tilespmem:s6], [sflag:$0x5], $0x2800, $0x38;
	[tilespmem:$0x1E400] =	vst v63  }
0x1ed: {  	s6 =	simm.s32 @!p0 $0x5  }
0x1ee: {  	_ =	swait.ge @!p0 [sflag:s6], $0x2800  }
0x1ef: {  	[sflag:s6] =	ssyncset.done @!p0 $0x0  }
0x1f0: {  	s18 =	rddreg [dreg:$0x6];
	[sflag:s6] =	ssyncadd.s32 @!p0 $0xFFFFD800  }
0x1f1: {  	[hbm4b:s18+s7] =	stream.strided.scatter [tilespmem:s12], [sflag:$0x5], $0x2780, s1, s7, $0x38;
	[tilespmem:$0x1E400] =	vst v63  }
0x1f2: {  	_ =	swait.ge [sflag:s2], $0x2780  }
0x1f3: {  	s30 =	sadd.s32 $0x1, s30;
	s31 =	rddreg [dreg:$0x11]  }
0x1f4: {  	p2 =	sne.s32 s30, s31  }
.Ltmp3:
0x1f5: {  	_ = 	snop;
	(pc) =	sbr.rel @p2 .LBB2_1-.Ltmp3, $3  }
0x1f6: {  	_ =	sdelay $0x1  }
0x1f7: {  	[sflag:s2] =	ssyncset.done $0x0  }
0x1f8: {  	[sflag:s2] =	ssyncadd.s32 $0xFFFFD880  }
0x1f9: {  	_ =	sfence.sel $0x180000  }
0x1fa: {  	[bflag:$0x0] =	sbarrier.arrive $0xFFFF  }
0x1fb: {  	_ =	strace $0x90000047  }
0x1fc: {  	s0 =	stileid.u32;
	[bflag:$0x2] =	sbarrier.arrive $0xFFFF  }
0x1fd: {  	p0 =	sne.s32 s0, $0x0;
	s0 =	rddreg [dreg:$0x5]  }
0x1fe: {  	s0 =	sadd.s32 @!p0 $0x100000, s0  }
0x1ff: {  	[sflag:s0] =	ssyncadd.tile.s32 @!p0 $0x1;
	_ =	shalt  }
.Lfunc_end2:
_tile_overlayer_lowered:
.L_overlay_start_2:
0x200: {  	(tag) =	ssettag $0x2  }
0x201: {  	s0 =	rddreg [dreg:$0x0];
	s2 =	stileid.u32  }
0x202: {  	s1 =	rddreg [dreg:$0x1];
	p0 =	sne.s32 s2, $0x0  }
0x203: {  	s3 =	rddreg [dreg:$0x2];
	[bflag:$0x3] =	sbarrier.arrive $0xFFFF;
	s2 =	simm.s32 @!p0 $0x1C05  }
0x204: {  	[timem:s3], [sflag:s2] =	dma.local @!p0 [hbm:s0], s1  }
0x205: {  	s0 =	simm.s32 @!p0 $0x5  }
0x206: {  	_ =	swait.ge @!p0 [sflag:s0], s1  }
0x207: {  	s1 =	ssub.s32 @!p0 $0x0, s1;
	[sflag:s0] =	ssyncset.done @!p0 $0x0  }
0x208: {  	[sflag:s0] =	ssyncadd.s32 @!p0 s1  }
0x209: {  	[bflag:$0x3] =	sbarrier.arrive $0xFFFF  }
0x20a: {  	_ =	shalt  }

// kernel: kernel.9.cloned.1.call-start
scs
__scs_entry_jumppad:
0x0: {  	(pc) =	sbr.rel $0x88, $3  }
0x1: {  	(tag) =	ssettag $0x0;
	lr =	simm.s32 $0x1  }
0x2: {  	[smem:$0x3F99] =	sst lr;
	_ =	strace $0xD0000000  }
0x3: {  	_ = 	snop  }
0x4: {  	_ = 	snop  }
0x5: {  	_ = 	snop  }
0x6: {  	_ = 	snop  }
0x7: {  	_ = 	snop  }
__scs_overlays_trampoline_lowered:
0x8: {  	[smem:$0x3FA8] =	sst s0  }
0x9: {  	[smem:$0x3FA9] =	sst s1  }
0xa: {  	[smem:$0x3FAA] =	sst s2  }
0xb: {  	[smem:$0x3FAB] =	sst s3  }
0xc: {  	[smem:$0x3FAC] =	sst s4  }
0xd: {  	[smem:$0x3FAD] =	sst s5  }
0xe: {  	[smem:$0x3FAE] =	sst s6  }
0xf: {  	[smem:$0x3FAF] =	sst s7  }
0x10: {  	[smem:$0x3FB0] =	sst s8  }
0x11: {  	[smem:$0x3FB1] =	sst s9;
	s0 =	simm.s32 @!p0 $0x0  }
0x12: {  	s1 =	sld [smem:$0x3F97];
	s0 =	simm.s32 @p0 $0x1  }
0x13: {  	[smem:$0x3FB2] =	sst s0;
	s0 =	simm.s32 @!p1 $0x0  }
0x14: {  	s2 =	sld [smem:$0x3F96];
	s0 =	simm.s32 @p1 $0x1  }
0x15: {  	[smem:$0x3FB3] =	sst s0;
	s0 =	simm.s32 @!p2 $0x0  }
0x16: {  	s3 =	sld [smem:$0x3FDB];
	s0 =	simm.s32 @p2 $0x1  }
0x17: {  	s4 =	simm.s32 $0x1BF5;
	[smem:$0x3FB5] =	sst s0  }
0x18: {  	s0 =	sld [smem:$0x3F98];
	_ =	swait.ge [sflag:s4], $0x0  }
0x19: {  	s7 =	sld [smem:$0x3F99]  }
0x1a: {  	s8 =	sadd.s32 $0xFFFFE003, lr  }
0x1b: {  	s9 =	sadd.s32 $0xFFFFFEF7, lr;
	s5 =	simm.s32 $0xFFFFFFFF;
	p2 =	slt.u32 s8, $0xFFFFF086  }
0x1c: {  	p1 =	slt.u32 s9, $0xF7A;
	s5 =	simm.s32 @!p2 $0x0  }
0x1d: {  	s5 =	simm.s32 @p1 $0x1;
	p0 =	seq.s32 s7, s2  }
0x1e: {  	s7 =	smul.u32 @!p0 $0xF7A, s2;
	p2 =	seq.s32 @!p0 s5, $0x0  }
0x1f: {  	s9 =	smul.u32 $0xF7A, s1;
	s8 =	simm.s32 @!p0 $0x1BF5;
	p2 =	por !p2, p0  }
0x20: {  	[sflag:s8] =	ssyncset.s32 @!p0 $0xFFFFF086;
	s6 =	sadd.s32 @!p0 s3, s7;
	s7 =	simm.s32 @!p0 $0x108  }
0x21: {  	s3 =	sadd.s32 s3, s9;
	s6 =	sadd.s32 @!p0 $0x88, s6;
	s7 =	simm.s32 @p2 $0x1082  }
0x22: {  	[simem:s7], [sflag:s8] =	dma.local @!p0 [hbm:s6], $0xF7A  }
0x23: {  	s9 =	sor.u32 $0xD0000000, s2;
	s6 =	simm.s32 $0x108;
	_ =	swait.ge @!p0 [sflag:s8], $0x0  }
0x24: {  	s3 =	sadd.s32 $0x88, s3;
	s6 =	simm.s32 @!p1 $0x1082;
	[sflag:s4] =	ssyncset.s32 $0xFFFFF086  }
0x25: {  	[simem:s6], [sflag:s4] =	dma.local [hbm:s3], $0xF7A  }
0x26: {  	[smem:$0x3F99] =	sst s1;
	(tag) =	ssettag s2;
	_ =	strace s9  }
0x27: {  	s1 =	sld [smem:$0x3FA9]  }
0x28: {  	s2 =	sld [smem:$0x3FAA]  }
0x29: {  	s4 =	sld [smem:$0x3FAC]  }
0x2a: {  	p0 =	seq.s32 s5, $0x0;
	s5 =	sld [smem:$0x3FAD]  }
0x2b: {  	s6 =	sld [smem:$0x3FAE]  }
0x2c: {  	s7 =	sld [smem:$0x3FAF]  }
0x2d: {  	s3 =	simm.s32 $0x108;
	s8 =	sld [smem:$0x3FB0]  }
0x2e: {  	s3 =	simm.s32 @!p0 $0x1082;
	s9 =	sld [smem:$0x3FB1]  }
0x2f: {  	lr =	sadd.s32 s0, s3;
	s0 =	sld [smem:$0x3FA8]  }
0x30: {  	s3 =	sld [smem:$0x3FAB]  }
0x31: {  	[smem:$0x3FB4] =	sst s10  }
0x32: {  	s10 =	sld [smem:$0x3FB2];
	_ =	sdelay $0x3  }
0x33: {  	p0 =	seq.s32 s10, $0x1;
	s10 =	sld [smem:$0x3FB4];
	_ =	sdelay $0x3  }
0x34: {  	[smem:$0x3FB4] =	sst s10  }
0x35: {  	s10 =	sld [smem:$0x3FB3];
	_ =	sdelay $0x3  }
0x36: {  	p1 =	seq.s32 s10, $0x1;
	s10 =	sld [smem:$0x3FB4];
	_ =	sdelay $0x3  }
0x37: {  	[smem:$0x3FB4] =	sst s10  }
0x38: {  	s10 =	sld [smem:$0x3FB5]  }
0x39: {  	_ = 	snop;
	(pc) =	sbr.ind lr, $3  }
0x3a: {  	_ = 	snop  }
0x3b: {  	_ = 	snop  }
0x3c: {  	p2 =	seq.s32 s10, $0x1;
	s10 =	sld [smem:$0x3FB4]  }
0x3d: {  	_ =	shalt  }
0x3e: {  	_ =	shalt  }
0x3f: {  	_ =	shalt  }
0x40: {  	_ =	shalt  }
0x41: {  	_ =	shalt  }
0x42: {  	_ =	shalt  }
0x43: {  	_ =	shalt  }
0x44: {  	_ =	shalt  }
0x45: {  	_ =	shalt  }
0x46: {  	_ =	shalt  }
0x47: {  	_ =	shalt  }
0x48: {  	_ =	shalt  }
0x49: {  	_ =	shalt  }
0x4a: {  	_ =	shalt  }
0x4b: {  	_ =	shalt  }
0x4c: {  	_ =	shalt  }
0x4d: {  	_ =	shalt  }
0x4e: {  	_ =	shalt  }
0x4f: {  	_ =	shalt  }
0x50: {  	_ =	shalt  }
0x51: {  	_ =	shalt  }
0x52: {  	_ =	shalt  }
0x53: {  	_ =	shalt  }
0x54: {  	_ =	shalt  }
0x55: {  	_ =	shalt  }
0x56: {  	_ =	shalt  }
0x57: {  	_ =	shalt  }
0x58: {  	_ =	shalt  }
0x59: {  	_ =	shalt  }
0x5a: {  	_ =	shalt  }
0x5b: {  	_ =	shalt  }
0x5c: {  	_ =	shalt  }
0x5d: {  	_ =	shalt  }
0x5e: {  	_ =	shalt  }
0x5f: {  	_ =	shalt  }
0x60: {  	_ =	shalt  }
0x61: {  	_ =	shalt  }
0x62: {  	_ =	shalt  }
0x63: {  	_ =	shalt  }
0x64: {  	_ =	shalt  }
0x65: {  	_ =	shalt  }
0x66: {  	_ =	shalt  }
0x67: {  	_ =	shalt  }
0x68: {  	_ =	shalt  }
0x69: {  	_ =	shalt  }
0x6a: {  	_ =	shalt  }
0x6b: {  	_ =	shalt  }
0x6c: {  	_ =	shalt  }
0x6d: {  	_ =	shalt  }
0x6e: {  	_ =	shalt  }
0x6f: {  	_ =	shalt  }
0x70: {  	_ =	shalt  }
0x71: {  	_ =	shalt  }
0x72: {  	_ =	shalt  }
0x73: {  	_ =	shalt  }
0x74: {  	_ =	shalt  }
0x75: {  	_ =	shalt  }
0x76: {  	_ =	shalt  }
0x77: {  	_ =	shalt  }
0x78: {  	_ =	shalt  }
0x79: {  	_ =	shalt  }
0x7a: {  	_ =	shalt  }
0x7b: {  	_ =	shalt  }
0x7c: {  	_ =	shalt  }
0x7d: {  	_ =	shalt  }
0x7e: {  	_ =	shalt  }
0x7f: {  	_ =	shalt  }
0x80: {  	_ =	shalt  }
0x81: {  	_ =	shalt  }
0x82: {  	_ =	shalt  }
0x83: {  	_ =	shalt  }
0x84: {  	_ =	shalt  }
0x85: {  	_ =	shalt  }
0x86: {  	_ =	shalt  }
0x87: {  	_ =	shalt  }
.Lfunc_end0:
.L_simem_size_0:
called_computation.1_lowered:
.L_overlay_start_0:
0x88: {  	s2 =	sld [smem:$0x3FD9]  }
0x89: {  	s3 =	sld [smem:$0x3FFE];
	_ =	sdelay $0x1  }
0x8a: {  	s1 =	srdreg.scid  }
0x8b: {  	s0 =	sand.u32 $0x1, s1  }
0x8c: {  	s17 =	sshll.u32 s0, $0xA;
	s2 =	sadd.s32 s3, s2  }
0x8d: {  	s2 =	sadd.s32 s2, s17  }
0x8e: {  	[smem:$0x3FC0] =	sst s2  }
0x8f: {  	_ = 	snop  }
0x90: {  	s2 =	sld [smem:$0x3FC8]  }
0x91: {  	s18 =	sld [smem:$0x3FD0];
	(tm) =	ssettm $0x1  }
0x92: {  	s4 =	sld [smem:$0x3FFB];
	_ =	sdelay $0x3  }
0x93: {  	_ =	strace s4  }
0x94: {  	s4 =	sld [smem:$0x3FFC];
	_ =	sdelay $0x3  }
0x95: {  	_ =	strace s4  }
0x96: {  	s4 =	sld [smem:$0x3FFD];
	_ =	sdelay $0x3  }
0x97: {  	_ =	strace s4  }
0x98: {  	_ =	strace $0x8FFFFFFF  }
0x99: {  	s19 =	sld [smem:$0x3FDB];
	_ =	sdelay $0x1  }
0x9a: {  	s5 =	simm.s32 $_scs_section_size  }
0x9b: {  	s6 =	simm.s32 $_size__tile_overlayer_lowered;
	s7 =	simm.s32 $_tile_overlayer_lowered  }
0x9c: {  	s22 =	simm.s32 $0x1BFF;
	s21 =	sshll.u32 s7, $0x1;
	s4 =	sadd.s32 s5, s19  }
0x9d: {  	s8 =	simm.s32 $0x0;
	s20 =	sshll.u32 s6, $0x1;
	s6 =	sadd.s32 s21, s4  }
0x9e: {  	[timem:s8], [sflag:s22] =	dma.local [hbm:s6], s20  }
0x9f: {  	_ =	swait.ge [sflag:s22], s20  }
0xa0: {  	s5 =	ssub.s32 $0x0, s20;
	[sflag:s22] =	ssyncset.done $0x0  }
0xa1: {  	[sflag:s22] =	ssyncadd.s32 s5;
	_ =	sdelay $0x1  }
0xa2: {  	s23 =	simm.s32 $0x1B8B  }
0xa3: {  	_ =	swait.ge [sflag:s23], $0x1  }
0xa4: {  	[sflag:s23] =	ssyncset.done $0x0  }
0xa5: {  	s25 =	simm.s32 $0x1B8E;
	s24 =	sld [smem:$0x3FFE];
	[sflag:s23] =	ssyncadd.s32 $0xFFFFFFFF  }
0xa6: {  	s26 =	simm.s32 $execute0_lowered;
	[smem:$0x3FD2] =	sst s25  }
0xa7: {  	s6 =	sshll.u32 s26, $0x1;
	_ =	strace $0x80000049;
	[dreg:$0x1] =	wrdreg $0xFFFFFFFF  }
0xa8: {  	s28 =	simm.s32 $_size_execute0_lowered;
	s4 =	sadd.s32 s4, s6;
	[dreg:$0x0] =	wrdreg $0x0  }
0xa9: {  	s6 =	sshll.u32 s28, $0x1;
	[dreg:$0x2] =	wrdreg s4  }
0xaa: {  	[dreg:$0x3] =	wrdreg s6  }
0xab: {  	[dreg:$0x4] =	wrdreg $0xC0  }
0xac: {  	_ =	task [dreg:s8], $0x5FFFF  }
0xad: {  	[dreg:$0x1] =	wrdreg $0xFFFFFFFF  }
0xae: {  	[dreg:$0x0] =	wrdreg $0x60  }
0xaf: {  	[dreg:$0x2] =	wrdreg s18  }
0xb0: {  	[dreg:$0x3] =	wrdreg s2  }
0xb1: {  	[dreg:$0x4] =	wrdreg s24  }
0xb2: {  	[dreg:$0x5] =	wrdreg $0x84000  }
0xb3: {  	[dreg:$0x6] =	wrdreg $0x9  }
0xb4: {  	_ =	task.clear_ibuf [dreg:s8], $0x7FFFF;
	_ =	strace $0x90000049  }
0xb5: {  	s29 =	simm.s32 $0x9;
	_ =	strace $0x8000004B  }
0xb6: {  	_ =	swait.ge [sflag:s29], $0x1  }
0xb7: {  	[sflag:s29] =	ssyncadd.s32 $0xFFFFFFFF  }
0xb8: {  	_ =	strace $0x9000004B  }
0xb9: {  	_ =	sfence  }
0xba: {  	s30 =	sld [smem:$0x0];
	_ =	sdelay $0x2  }
0xbb: {  	s31 =	sshll.u32 s1, $0xD;
	s1 =	sshrl.u32 s1, $0x2  }
0xbc: {  	s3 =	sand.u32 $0x4000, s31;
	s1 =	sadd.s32 s1, s30  }
0xbd: {  	s0 =	sor.u32 s3, s0;
	s1 =	sshll.u32 s1, $0x11  }
0xbe: {  	s0 =	sor.u32 s1, s0  }
0xbf: {  	s0 =	sadd.s32 $0x8F2B, s0  }
0xc0: {  	[sflag:s0] =	ssyncadd.remote.s32 $0x1  }
0xc1: {  	_ =	sfence.sel $0xFFFF  }
0xc2: {  	[dreg:$0x0] =	wrdreg $0xFFFFFFFF;
	(pc) =	sbr.abs _section_cstart, $3  }
0xc3: {  	[dreg:$0x1] =	wrdreg $0xFFFFFFFF  }
0xc4: {  	_ =	task.clear_ibuf [dreg:s8], $0x2FFFF;
	_ =	strace $0x9FFFFFFF  }
0xc5: {  	(tm) =	ssettm $0x7FFFFFFF  }
tec
execute0_lowered:
.L_overlay_start_1:
0x0: {  	(tag) =	ssettag $0x1  }
0x1: {  	s1 =	rddreg [dreg:$0x0]  }
0x2: {  	s0 =	rddreg [dreg:$0x1]  }
0x3: {  	s3 =	rddreg [dreg:$0x2]  }
0x4: {  	s2 =	rddreg [dreg:$0x3];
	s4 =	simm.s32 $0x0  }
0x5: {  	s5 =	srdreg.scid;
	s26 =	stileid.u32;
	s31 =	simm.s32 $0x400  }
0x6: {  	s28 =	simm.s32 $0x0;
	s5 =	sand.u32 $0x1, s5;
	s8 =	smul.u32 $0x2800, s26  }
0x7: {  	[smem:$0x7FF] =	sst s4;
	s7 =	sor.u32 $0x10, s26;
	s6 =	smul.u32 $0x138800, s5  }
0x8: {  	s3 =	sadd.s32 $0x2600, s3;
	s9 =	sor.u32 $0x20, s26;
	s10 =	smul.u32 $0x2800, s7  }
0x9: {  	s12 =	sor.u32 $0x30, s26;
	s16 =	sor.u32 $0x40, s26;
	s13 =	smul.u32 $0x2800, s9  }
0xa: {  	s18 =	sshll.u32 s26, $0x6;
	s20 =	sor.u32 $0x60, s26;
	s15 =	smul.u32 $0x2800, s12  }
0xb: {  	s21 =	sor.u32 $0x70, s26;
	p1 =	sgt.u32 s26, $0x1;
	s17 =	smul.u32 $0x2800, s16  }
0xc: {  	_ =	strace $0x8000004A;
	s11 =	ssub.s32 $0x2, s5;
	s22 =	smul.u32 $0x2800, s20  }
0xd: {  	s5 =	sshll.u32 s5, $0x5;
	s23 =	smul.u32 $0x2800, s21;
	s14 =	sshrl.u32 s11, $0x1  }
0xe: {  	p0 =	sgt.u32 s21, $0x7C;
	s11 =	ssub.s32 s11, s14;
	s14 =	sor.u32 $0x50, s26  }
0xf: {  	s8 =	sadd.s32 s6, s8;
	s10 =	sadd.s32 s6, s10;
	s13 =	sadd.s32 s6, s13  }
0x10: {  	s15 =	sadd.s32 s6, s15;
	s17 =	sadd.s32 s6, s17;
	s22 =	sadd.s32 s6, s22  }
0x11: {  	s19 =	smul.u32 $0x2800, s14;
	s8 =	sshrl.u32 s8, $0x3;
	s10 =	sshrl.u32 s10, $0x3  }
0x12: {  	s13 =	sshrl.u32 s13, $0x3;
	s24 =	sshrl.u32 s15, $0x3;
	s25 =	sshrl.u32 s17, $0x3  }
0x13: {  	s17 =	smul.u32 $0xA000, s7;
	s7 =	simm.s32 $0x4400;
	s8 =	sadd.s32 s3, s8  }
0x14: {  	s10 =	sadd.s32 s3, s10;
	s29 =	sadd.s32 s3, s25;
	s25 =	smul.u32 $0xA000, s12  }
0x15: {  	s12 =	smul.u32 $0xA000, s21;
	s19 =	sadd.s32 s6, s19;
	[dreg:$0x5] =	wrdreg s8  }
0x16: {  	s6 =	sadd.s32 s6, s23;
	s23 =	sor.u32 s5, s18;
	[dreg:$0x6] =	wrdreg s10  }
0x17: {  	s8 =	sadd.s32 s3, s13;
	[dreg:$0x9] =	wrdreg s29;
	s13 =	smul.u32 $0xA000, s26  }
0x18: {  	s10 =	sshrl.u32 s22, $0x3;
	s22 =	smul.u32 $0xA000, s9;
	s29 =	sshrl.u32 s17, $0x2  }
0x19: {  	[dreg:$0x7] =	wrdreg s8;
	s8 =	sadd.s32 s3, s24;
	s30 =	sshrl.u32 s19, $0x3  }
0x1a: {  	s6 =	sshrl.u32 s6, $0x3;
	s24 =	smax.u32 s11, $0x1;
	[dreg:$0x8] =	wrdreg s8  }
0x1b: {  	s11 =	smul.u32 $0xA000, s20;
	s8 =	sadd.s32 s3, s30;
	[dreg:$0x10] =	wrdreg s24  }
0x1c: {  	s30 =	smul.u32 $0xA000, s16;
	s9 =	sshrl.u32 s22, $0x2;
	s16 =	sshrl.u32 s12, $0x2  }
0x1d: {  	s12 =	simm.s32 $0x3;
	[dreg:$0xa] =	wrdreg s8;
	s8 =	sadd.s32 s3, s10  }
0x1e: {  	s3 =	sadd.s32 s3, s6;
	s10 =	sadd.s32 s0, s23;
	s0 =	sadd.s32 s18, s0  }
0x1f: {  	s20 =	sadd.s32 s9, s2;
	s9 =	simm.s32 $0x2;
	[dreg:$0xb] =	wrdreg s8  }
0x20: {  	[dreg:$0xc] =	wrdreg s3;
	s19 =	sadd.s32 $0x400, s10;
	s15 =	sadd.s32 s5, s0  }
0x21: {  	s23 =	sadd.s32 $0x800, s10;
	s3 =	sshrl.u32 s13, $0x2;
	s8 =	smul.u32 $0xA000, s14  }
0x22: {  	s0 =	sshrl.u32 s25, $0x2;
	s6 =	sshrl.u32 s30, $0x2;
	s14 =	sshrl.u32 s11, $0x2  }
0x23: {  	s25 =	sadd.s32 s16, s2;
	s17 =	sadd.s32 $0x12C00, s10;
	s26 =	sadd.s32 $0x13000, s10  }
0x24: {  	[dreg:$0xd] =	wrdreg s10;
	s30 =	sadd.s32 $0x13800, s10;
	s5 =	simm.s32 $0x80  }
0x25: {  	s11 =	simm.s32 $0x300;
	s16 =	simm.s32 $0x280;
	[dreg:$0xe] =	wrdreg s19  }
0x26: {  	[dreg:$0xf] =	wrdreg s23;
	s18 =	sadd.s32 s3, s2;
	s19 =	sadd.s32 s29, s2  }
0x27: {  	s21 =	sadd.s32 s0, s2;
	s22 =	sadd.s32 s6, s2;
	[dreg:$0x11] =	wrdreg s17  }
0x28: {  	s24 =	sadd.s32 s14, s2;
	[dreg:$0x12] =	wrdreg s26;
	s29 =	sadd.s32 $0x13400, s10  }
0x29: {  	[dreg:$0x14] =	wrdreg s30;
	s0 =	simm.s32 $0x5;
	s3 =	simm.s32 $0x1  }
0x2a: {  	s6 =	simm.s32 $0x100;
	s10 =	simm.s32 $0x4;
	s14 =	simm.s32 $0x180  }
0x2b: {  	s17 =	simm.s32 $0x380;
	s26 =	simm.s32 $0x6;
	s13 =	sshrl.u32 s8, $0x2  }
0x2c: {  	v0 =	vimm.f32 $0.0e+00;
	[dreg:$0x13] =	wrdreg s29;
	s8 =	simm.s32 $0x200;
	s23 =	sadd.s32 s13, s2  }
.LBB2_1:
0x2d: {  	s29 =	simm.s32 $0x70;
	s30 =	simm.s32 $0x3C0  }
.LBB2_2:
0x2e: {  	p2 =	sne.s32 s30, $0x9FC0;
	[tilespmem:s29+$0x400] =	vst v0  }
0x2f: {  	[tilespmem:s29+$0x390] =	vst v0  }
0x30: {  	[tilespmem:s29+$0x3A0] =	vst v0  }
.Ltmp0:
0x31: {  	[tilespmem:s29+$0x3B0] =	vst v0;
	(pc) =	sbr.rel @p2 .LBB2_2-.Ltmp0, $4  }
0x32: {  	[tilespmem:s29+$0x3C0] =	vst v0  }
0x33: {  	[tilespmem:s29+$0x3D0] =	vst v0  }
0x34: {  	[tilespmem:s29+$0x3E0] =	vst v0  }
0x35: {  	[tilespmem:s29+$0x3F0] =	vst v0;
	s29 =	sshra.s32 s30, $0x2;
	s30 =	sadd.s32 $0x200, s30  }
0x36: {  	[tilespmem:s29+$0x400] =	vst v0  }
0x37: {  	[tilespmem:s29+$0x390] =	vst v0  }
0x38: {  	[tilespmem:s29+$0x3A0] =	vst v0  }
0x39: {  	[tilespmem:s29+$0x3B0] =	vst v0  }
0x3a: {  	[tilespmem:s29+$0x3C0] =	vst v0  }
0x3b: {  	[tilespmem:s29+$0x3D0] =	vst v0  }
0x3c: {  	[tilespmem:s29+$0x3E0] =	vst v0  }
0x3d: {  	[tilespmem:s29+$0x3F0] =	vst v0  }
0x3e: {  	[spmem:s18] =	stream.linear.scatter [tilespmem:s31], [sflag:$0x5], $0x2800, $0x38;
	[tilespmem:$0x1BC80] =	vst v63  }
0x3f: {  	_ =	swait.ge [sflag:s0], $0x2800  }
0x40: {  	[sflag:s0] =	ssyncset.done $0x0  }
0x41: {  	[sflag:s0] =	ssyncadd.s32 $0xFFFFD800  }
0x42: {  	[spmem:s19] =	stream.linear.scatter [tilespmem:s31], [sflag:$0x5], $0x2800, $0x38;
	[tilespmem:$0x1BC80] =	vst v63  }
0x43: {  	_ =	swait.ge [sflag:s0], $0x2800  }
0x44: {  	[sflag:s0] =	ssyncset.done $0x0  }
0x45: {  	[sflag:s0] =	ssyncadd.s32 $0xFFFFD800  }
0x46: {  	[spmem:s20] =	stream.linear.scatter [tilespmem:s31], [sflag:$0x5], $0x2800, $0x38;
	[tilespmem:$0x1BC80] =	vst v63  }
0x47: {  	_ =	swait.ge [sflag:s0], $0x2800  }
0x48: {  	[sflag:s0] =	ssyncset.done $0x0  }
0x49: {  	[sflag:s0] =	ssyncadd.s32 $0xFFFFD800  }
0x4a: {  	[spmem:s21] =	stream.linear.scatter [tilespmem:s31], [sflag:$0x5], $0x2800, $0x38;
	[tilespmem:$0x1BC80] =	vst v63  }
0x4b: {  	_ =	swait.ge [sflag:s0], $0x2800  }
0x4c: {  	[sflag:s0] =	ssyncset.done $0x0  }
0x4d: {  	[sflag:s0] =	ssyncadd.s32 $0xFFFFD800  }
0x4e: {  	[spmem:s22] =	stream.linear.scatter [tilespmem:s31], [sflag:$0x5], $0x2800, $0x38;
	[tilespmem:$0x1BC80] =	vst v63  }
0x4f: {  	_ =	swait.ge [sflag:s0], $0x2800  }
0x50: {  	[sflag:s0] =	ssyncset.done $0x0  }
0x51: {  	[sflag:s0] =	ssyncadd.s32 $0xFFFFD800  }
0x52: {  	[spmem:s23] =	stream.linear.scatter [tilespmem:s31], [sflag:$0x5], $0x2800, $0x38;
	[tilespmem:$0x1BC80] =	vst v63  }
0x53: {  	_ =	swait.ge [sflag:s0], $0x2800  }
0x54: {  	[sflag:s0] =	ssyncset.done $0x0  }
0x55: {  	[sflag:s0] =	ssyncadd.s32 $0xFFFFD800  }
0x56: {  	[spmem:s24] =	stream.linear.scatter [tilespmem:s31], [sflag:$0x5], $0x2800, $0x38;
	[tilespmem:$0x1BC80] =	vst v63  }
0x57: {  	_ =	swait.ge [sflag:s0], $0x2800  }
0x58: {  	[sflag:s0] =	ssyncset.done $0x0  }
0x59: {  	s29 =	simm.s32 @!p0 $0x400;
	[sflag:s0] =	ssyncadd.s32 $0xFFFFD800  }
0x5a: {  	[spmem:s25] =	stream.linear.scatter @!p0 [tilespmem:s29], [sflag:$0x5], $0x2800, $0x38;
	[tilespmem:$0x1BC80] =	vst v63  }
0x5b: {  	s29 =	simm.s32 @!p0 $0x5  }
0x5c: {  	_ =	swait.ge @!p0 [sflag:s29], $0x2800  }
0x5d: {  	[sflag:s29] =	ssyncset.done @!p0 $0x0  }
0x5e: {  	[sflag:s29] =	ssyncadd.s32 @!p0 $0xFFFFD800  }
0x5f: {  	[bflag:$0x0] =	sbarrier.arrive $0xFFFF  }
0x60: {  	s29 =	simm.s32 $0x0;
	s13 =	rddreg [dreg:$0xd]  }
0x61: {  	[tilespmem:s29], [sflag:$0x1] =	stream.linear.gather [hbm4b:s13+s29], $0x100, $0x38;
	[tilespmem:$0x1BC80] =	vst v63  }
0x62: {  	_ =	swait.ge [sflag:s3], $0x100  }
0x63: {  	[sflag:s3] =	ssyncset.done $0x0  }
0x64: {  	[sflag:s3] =	ssyncadd.s32 $0xFFFFFF00  }
0x65: {  	[tilespmem:s31], [sflag:$0x2] =	stream.indirect.gather [hbm4b:s1+s5], $0x80, s29, s5, $0xb8;
	[tilespmem:$0x1BC80] =	vst v63  }
0x66: {  	s30 =	rddreg [dreg:$0xe]  }
0x67: {  	[tilespmem:s6], [sflag:$0x1] =	stream.linear.gather [hbm4b:s30+s29], $0x100, $0x38;
	[tilespmem:$0x1BC80] =	vst v63  }
0x68: {  	_ =	swait.ge [sflag:s3], $0x100  }
0x69: {  	[sflag:s3] =	ssyncset.done $0x0  }
0x6a: {  	[sflag:s3] =	ssyncadd.s32 $0xFFFFFF00  }
0x6b: {  	[tilespmem:s7], [sflag:$0x3] =	stream.indirect.gather [hbm4b:s1+s5], $0x80, s6, s5, $0xb8;
	[tilespmem:$0x1BC80] =	vst v63  }
0x6c: {  	s30 =	rddreg [dreg:$0xf]  }
0x6d: {  	[tilespmem:s8], [sflag:$0x1] =	stream.linear.gather [hbm4b:s30+s29], $0x100, $0x38;
	[tilespmem:$0x1BC80] =	vst v63  }
0x6e: {  	_ =	swait.ge [sflag:s9], $0x4000  }
0x6f: {  	[sflag:s9] =	ssyncset.done $0x0  }
0x70: {  	[sflag:s9] =	ssyncadd.s32 $0xFFFFC000  }
0x71: {  	[spmem:s2] =	stream.indirect.scatter.add.f32 [tilespmem:s31], [sflag:$0x4], $0x80, s5, s5, $0xb8;
	[tilespmem:$0x1BC80] =	vst v63  }
0x72: {  	_ =	swait.ge [sflag:s3], $0x100  }
0x73: {  	[sflag:s3] =	ssyncset.done $0x0  }
0x74: {  	[sflag:s3] =	ssyncadd.s32 $0xFFFFFF00  }
0x75: {  	_ =	swait.ge [sflag:s10], $0x4000  }
0x76: {  	[sflag:s10] =	ssyncset.done $0x0  }
0x77: {  	s29 =	sadd.s32 $0x0, s15;
	[sflag:s10] =	ssyncadd.s32 $0xFFFFC000  }
0x78: {  	[tilespmem:s31], [sflag:$0x2] =	stream.indirect.gather [hbm4b:s1+s5], $0x80, s8, s5, $0xb8;
	[tilespmem:$0x1BC80] =	vst v63  }
0x79: {  	s30 =	sadd.s32 $0xC00, s29  }
0x7a: {  	[tilespmem:s11], [sflag:$0x1] =	stream.linear.gather [hbm4b:s30+s4], $0x100, $0x38;
	[tilespmem:$0x1BC80] =	vst v63  }
0x7b: {  	_ =	swait.ge [sflag:s12], $0x4000  }
0x7c: {  	[sflag:s12] =	ssyncset.done $0x0  }
0x7d: {  	[sflag:s12] =	ssyncadd.s32 $0xFFFFC000  }
0x7e: {  	[spmem:s2] =	stream.indirect.scatter.add.f32 [tilespmem:s7], [sflag:$0x4], $0x80, s14, s5, $0xb8;
	[tilespmem:$0x1BC80] =	vst v63  }
0x7f: {  	_ =	swait.ge [sflag:s3], $0x100  }
0x80: {  	[sflag:s3] =	ssyncset.done $0x0  }
0x81: {  	[sflag:s3] =	ssyncadd.s32 $0xFFFFFF00  }
0x82: {  	_ =	swait.ge [sflag:s10], $0x4000  }
0x83: {  	[sflag:s10] =	ssyncset.done $0x0  }
0x84: {  	[sflag:s10] =	ssyncadd.s32 $0xFFFFC000  }
0x85: {  	[tilespmem:s7], [sflag:$0x3] =	stream.indirect.gather [hbm4b:s1+s5], $0x80, s11, s5, $0xb8;
	[tilespmem:$0x1BC80] =	vst v63  }
0x86: {  	s13 =	sadd.s32 $0x1000, s29  }
0x87: {  	[tilespmem:s4], [sflag:$0x1] =	stream.linear.gather [hbm4b:s13+s4], $0x100, $0x38;
	[tilespmem:$0x1BC80] =	vst v63  }
0x88: {  	_ =	swait.ge [sflag:s9], $0x4000  }
0x89: {  	[sflag:s9] =	ssyncset.done $0x0  }
0x8a: {  	[sflag:s9] =	ssyncadd.s32 $0xFFFFC000  }
0x8b: {  	[spmem:s2] =	stream.indirect.scatter.add.f32 [tilespmem:s31], [sflag:$0x4], $0x80, s16, s5, $0xb8;
	[tilespmem:$0x1BC80] =	vst v63  }
0x8c: {  	_ =	swait.ge [sflag:s3], $0x100  }
0x8d: {  	[sflag:s3] =	ssyncset.done $0x0  }
0x8e: {  	[sflag:s3] =	ssyncadd.s32 $0xFFFFFF00  }
0x8f: {  	_ =	swait.ge [sflag:s10], $0x4000  }
0x90: {  	[sflag:s10] =	ssyncset.done $0x0  }
0x91: {  	[sflag:s10] =	ssyncadd.s32 $0xFFFFC000  }
0x92: {  	[tilespmem:s31], [sflag:$0x2] =	stream.indirect.gather [hbm4b:s1+s5], $0x80, s4, s5, $0xb8;
	[tilespmem:$0x1BC80] =	vst v63  }
0x93: {  	s13 =	sadd.s32 $0x1400, s29  }
0x94: {  	[tilespmem:s6], [sflag:$0x1] =	stream.linear.gather [hbm4b:s13+s4], $0x100, $0x38;
	[tilespmem:$0x1BC80] =	vst v63  }
0x95: {  	_ =	swait.ge [sflag:s12], $0x4000  }
0x96: {  	[sflag:s12] =	ssyncset.done $0x0  }
0x97: {  	[sflag:s12] =	ssyncadd.s32 $0xFFFFC000  }
0x98: {  	[spmem:s2] =	stream.indirect.scatter.add.f32 [tilespmem:s7], [sflag:$0x4], $0x80, s17, s5, $0xb8;
	[tilespmem:$0x1BC80] =	vst v63  }
0x99: {  	_ =	swait.ge [sflag:s3], $0x100  }
0x9a: {  	[sflag:s3] =	ssyncset.done $0x0  }
0x9b: {  	[sflag:s3] =	ssyncadd.s32 $0xFFFFFF00  }
0x9c: {  	_ =	swait.ge [sflag:s10], $0x4000  }
0x9d: {  	[sflag:s10] =	ssyncset.done $0x0  }
0x9e: {  	[sflag:s10] =	ssyncadd.s32 $0xFFFFC000  }
0x9f: {  	[tilespmem:s7], [sflag:$0x3] =	stream.indirect.gather [hbm4b:s1+s5], $0x80, s6, s5, $0xb8;
	[tilespmem:$0x1BC80] =	vst v63  }
0xa0: {  	s29 =	sadd.s32 $0x1800, s29  }
0xa1: {  	[tilespmem:s8], [sflag:$0x1] =	stream.linear.gather [hbm4b:s29+s4], $0x100, $0x38;
	[tilespmem:$0x1BC80] =	vst v63  }
0xa2: {  	_ =	swait.ge [sflag:s9], $0x4000  }
0xa3: {  	[sflag:s9] =	ssyncset.done $0x0  }
0xa4: {  	s29 =	simm.s32 $0x1000;
	[sflag:s9] =	ssyncadd.s32 $0xFFFFC000  }
.LBB2_4:
0xa5: {  	[spmem:s2] =	stream.indirect.scatter.add.f32 [tilespmem:s31], [sflag:$0x4], $0x80, s5, s5, $0xb8;
	[tilespmem:$0x1BC80] =	vst v63  }
0xa6: {  	s30 =	smov.u32 s29  }
0xa7: {  	p2 =	sne.s32 s29, $0x11000;
	s29 =	sadd.s32 $0x1000, s29;
	_ =	swait.ge [sflag:s3], $0x100  }
0xa8: {  	[sflag:s3] =	ssyncset.done $0x0  }
0xa9: {  	[sflag:s3] =	ssyncadd.s32 $0xFFFFFF00  }
0xaa: {  	_ =	swait.ge [sflag:s10], $0x4000  }
0xab: {  	[sflag:s10] =	ssyncset.done $0x0  }
0xac: {  	s30 =	sadd.s32 s30, s15;
	[sflag:s10] =	ssyncadd.s32 $0xFFFFC000  }
0xad: {  	[tilespmem:s31], [sflag:$0x2] =	stream.indirect.gather [hbm4b:s1+s5], $0x80, s8, s5, $0xb8;
	[tilespmem:$0x1BC80] =	vst v63  }
0xae: {  	s13 =	sadd.s32 $0xC00, s30  }
0xaf: {  	[tilespmem:s11], [sflag:$0x1] =	stream.linear.gather [hbm4b:s13+s4], $0x100, $0x38;
	[tilespmem:$0x1BC80] =	vst v63  }
0xb0: {  	_ =	swait.ge [sflag:s12], $0x4000  }
0xb1: {  	[sflag:s12] =	ssyncset.done $0x0  }
0xb2: {  	[sflag:s12] =	ssyncadd.s32 $0xFFFFC000  }
0xb3: {  	[spmem:s2] =	stream.indirect.scatter.add.f32 [tilespmem:s7], [sflag:$0x4], $0x80, s14, s5, $0xb8;
	[tilespmem:$0x1BC80] =	vst v63  }
0xb4: {  	_ =	swait.ge [sflag:s3], $0x100  }
0xb5: {  	[sflag:s3] =	ssyncset.done $0x0  }
0xb6: {  	[sflag:s3] =	ssyncadd.s32 $0xFFFFFF00  }
0xb7: {  	_ =	swait.ge [sflag:s10], $0x4000  }
0xb8: {  	[sflag:s10] =	ssyncset.done $0x0  }
0xb9: {  	[sflag:s10] =	ssyncadd.s32 $0xFFFFC000  }
0xba: {  	[tilespmem:s7], [sflag:$0x3] =	stream.indirect.gather [hbm4b:s1+s5], $0x80, s11, s5, $0xb8;
	[tilespmem:$0x1BC80] =	vst v63  }
0xbb: {  	s13 =	sadd.s32 $0x1000, s30  }
0xbc: {  	[tilespmem:s4], [sflag:$0x1] =	stream.linear.gather [hbm4b:s13+s4], $0x100, $0x38;
	[tilespmem:$0x1BC80] =	vst v63  }
0xbd: {  	_ =	swait.ge [sflag:s9], $0x4000  }
0xbe: {  	[sflag:s9] =	ssyncset.done $0x0  }
0xbf: {  	[sflag:s9] =	ssyncadd.s32 $0xFFFFC000  }
0xc0: {  	[spmem:s2] =	stream.indirect.scatter.add.f32 [tilespmem:s31], [sflag:$0x4], $0x80, s16, s5, $0xb8;
	[tilespmem:$0x1BC80] =	vst v63  }
0xc1: {  	_ =	swait.ge [sflag:s3], $0x100  }
0xc2: {  	[sflag:s3] =	ssyncset.done $0x0  }
0xc3: {  	[sflag:s3] =	ssyncadd.s32 $0xFFFFFF00  }
0xc4: {  	_ =	swait.ge [sflag:s10], $0x4000  }
0xc5: {  	[sflag:s10] =	ssyncset.done $0x0  }
0xc6: {  	[sflag:s10] =	ssyncadd.s32 $0xFFFFC000  }
0xc7: {  	[tilespmem:s31], [sflag:$0x2] =	stream.indirect.gather [hbm4b:s1+s5], $0x80, s4, s5, $0xb8;
	[tilespmem:$0x1BC80] =	vst v63  }
0xc8: {  	s13 =	sadd.s32 $0x1400, s30  }
0xc9: {  	[tilespmem:s6], [sflag:$0x1] =	stream.linear.gather [hbm4b:s13+s4], $0x100, $0x38;
	[tilespmem:$0x1BC80] =	vst v63  }
0xca: {  	_ =	swait.ge [sflag:s12], $0x4000  }
0xcb: {  	[sflag:s12] =	ssyncset.done $0x0  }
0xcc: {  	[sflag:s12] =	ssyncadd.s32 $0xFFFFC000  }
0xcd: {  	[spmem:s2] =	stream.indirect.scatter.add.f32 [tilespmem:s7], [sflag:$0x4], $0x80, s17, s5, $0xb8;
	[tilespmem:$0x1BC80] =	vst v63  }
0xce: {  	_ =	swait.ge [sflag:s3], $0x100  }
0xcf: {  	[sflag:s3] =	ssyncset.done $0x0  }
0xd0: {  	[sflag:s3] =	ssyncadd.s32 $0xFFFFFF00  }
0xd1: {  	_ =	swait.ge [sflag:s10], $0x4000  }
0xd2: {  	[sflag:s10] =	ssyncset.done $0x0  }
0xd3: {  	[sflag:s10] =	ssyncadd.s32 $0xFFFFC000  }
0xd4: {  	[tilespmem:s7], [sflag:$0x3] =	stream.indirect.gather [hbm4b:s1+s5], $0x80, s6, s5, $0xb8;
	[tilespmem:$0x1BC80] =	vst v63  }
.Ltmp1:
0xd5: {  	s13 =	sadd.s32 $0x1800, s30;
	(pc) =	sbr.rel @p2 .LBB2_4-.Ltmp1, $4  }
0xd6: {  	[tilespmem:s8], [sflag:$0x1] =	stream.linear.gather [hbm4b:s13+s4], $0x100, $0x38;
	[tilespmem:$0x1BC80] =	vst v63  }
0xd7: {  	_ =	swait.ge [sflag:s9], $0x4000  }
0xd8: {  	[sflag:s9] =	ssyncset.done $0x0  }
0xd9: {  	[sflag:s9] =	ssyncadd.s32 $0xFFFFC000  }
0xda: {  	[spmem:s2] =	stream.indirect.scatter.add.f32 [tilespmem:s31], [sflag:$0x4], $0x80, s5, s5, $0xb8;
	[tilespmem:$0x1BC80] =	vst v63  }
0xdb: {  	_ =	swait.ge [sflag:s3], $0x100  }
0xdc: {  	[sflag:s3] =	ssyncset.done $0x0  }
0xdd: {  	[sflag:s3] =	ssyncadd.s32 $0xFFFFFF00  }
0xde: {  	_ =	swait.ge [sflag:s10], $0x4000  }
0xdf: {  	[sflag:s10] =	ssyncset.done $0x0  }
0xe0: {  	[sflag:s10] =	ssyncadd.s32 $0xFFFFC000  }
0xe1: {  	[tilespmem:s31], [sflag:$0x2] =	stream.indirect.gather [hbm4b:s1+s5], $0x80, s8, s5, $0xb8;
	[tilespmem:$0x1BC80] =	vst v63  }
0xe2: {  	s13 =	rddreg [dreg:$0x11]  }
0xe3: {  	[tilespmem:s11], [sflag:$0x1] =	stream.linear.gather [hbm4b:s13+s4], $0x100, $0x38;
	[tilespmem:$0x1BC80] =	vst v63  }
0xe4: {  	_ =	swait.ge [sflag:s12], $0x4000  }
0xe5: {  	[sflag:s12] =	ssyncset.done $0x0  }
0xe6: {  	[sflag:s12] =	ssyncadd.s32 $0xFFFFC000  }
0xe7: {  	[spmem:s2] =	stream.indirect.scatter.add.f32 [tilespmem:s7], [sflag:$0x4], $0x80, s14, s5, $0xb8;
	[tilespmem:$0x1BC80] =	vst v63  }
0xe8: {  	_ =	swait.ge [sflag:s3], $0x100  }
0xe9: {  	[sflag:s3] =	ssyncset.done $0x0  }
0xea: {  	[sflag:s3] =	ssyncadd.s32 $0xFFFFFF00  }
0xeb: {  	_ =	swait.ge [sflag:s10], $0x4000  }
0xec: {  	[sflag:s10] =	ssyncset.done $0x0  }
0xed: {  	[sflag:s10] =	ssyncadd.s32 $0xFFFFC000  }
0xee: {  	[tilespmem:s7], [sflag:$0x3] =	stream.indirect.gather [hbm4b:s1+s5], $0x80, s11, s5, $0xb8;
	[tilespmem:$0x1BC80] =	vst v63  }
0xef: {  	s29 =	rddreg [dreg:$0x12]  }
0xf0: {  	[tilespmem:s4], [sflag:$0x1] =	stream.linear.gather [hbm4b:s29+s4], $0x100, $0x38;
	[tilespmem:$0x1BC80] =	vst v63  }
0xf1: {  	_ =	swait.ge [sflag:s9], $0x4000  }
0xf2: {  	[sflag:s9] =	ssyncset.done $0x0  }
0xf3: {  	[sflag:s9] =	ssyncadd.s32 $0xFFFFC000  }
0xf4: {  	[spmem:s2] =	stream.indirect.scatter.add.f32 [tilespmem:s31], [sflag:$0x4], $0x80, s16, s5, $0xb8;
	[tilespmem:$0x1BC80] =	vst v63  }
0xf5: {  	_ =	swait.ge [sflag:s3], $0x100  }
0xf6: {  	[sflag:s3] =	ssyncset.done $0x0  }
0xf7: {  	[sflag:s3] =	ssyncadd.s32 $0xFFFFFF00  }
0xf8: {  	_ =	swait.ge [sflag:s10], $0x4000  }
0xf9: {  	[sflag:s10] =	ssyncset.done $0x0  }
0xfa: {  	[sflag:s10] =	ssyncadd.s32 $0xFFFFC000  }
0xfb: {  	[tilespmem:s31], [sflag:$0x2] =	stream.indirect.gather [hbm4b:s1+s5], $0x80, s4, s5, $0xb8;
	[tilespmem:$0x1BC80] =	vst v63  }
0xfc: {  	s30 =	rddreg [dreg:$0x13]  }
0xfd: {  	[tilespmem:s6], [sflag:$0x1] =	stream.linear.gather [hbm4b:s30+s4], $0x100, $0x38;
	[tilespmem:$0x1BC80] =	vst v63  }
0xfe: {  	_ =	swait.ge [sflag:s12], $0x4000  }
0xff: {  	[sflag:s12] =	ssyncset.done $0x0  }
0x100: {  	[sflag:s12] =	ssyncadd.s32 $0xFFFFC000  }
0x101: {  	[spmem:s2] =	stream.indirect.scatter.add.f32 [tilespmem:s7], [sflag:$0x4], $0x80, s17, s5, $0xb8;
	[tilespmem:$0x1BC80] =	vst v63  }
0x102: {  	_ =	swait.ge [sflag:s3], $0x100  }
0x103: {  	[sflag:s3] =	ssyncset.done $0x0  }
0x104: {  	[sflag:s3] =	ssyncadd.s32 $0xFFFFFF00  }
0x105: {  	_ =	swait.ge [sflag:s10], $0x4000  }
0x106: {  	[sflag:s10] =	ssyncset.done $0x0  }
0x107: {  	[sflag:s10] =	ssyncadd.s32 $0xFFFFC000  }
0x108: {  	[tilespmem:s7], [sflag:$0x3] =	stream.indirect.gather [hbm4b:s1+s5], $0x80, s6, s5, $0xb8;
	[tilespmem:$0x1BC80] =	vst v63  }
0x109: {  	_ =	swait.ge [sflag:s9], $0x4000  }
0x10a: {  	[sflag:s9] =	ssyncset.done $0x0  }
0x10b: {  	[sflag:s9] =	ssyncadd.s32 $0xFFFFC000  }
0x10c: {  	[spmem:s2] =	stream.indirect.scatter.add.f32 [tilespmem:s31], [sflag:$0x4], $0x80, s5, s5, $0xb8;
	[tilespmem:$0x1BC80] =	vst v63  }
0x10d: {  	_ =	swait.ge [sflag:s10], $0x4000  }
0x10e: {  	[sflag:s10] =	ssyncset.done $0x0  }
0x10f: {  	[sflag:s10] =	ssyncadd.s32 $0xFFFFC000  }
0x110: {  	_ =	swait.ge [sflag:s12], $0x4000  }
0x111: {  	[sflag:s12] =	ssyncset.done $0x0  }
0x112: {  	[sflag:s12] =	ssyncadd.s32 $0xFFFFC000  }
0x113: {  	[spmem:s2] =	stream.indirect.scatter.add.f32 [tilespmem:s7], [sflag:$0x4], $0x80, s14, s5, $0xb8;
	[tilespmem:$0x1BC80] =	vst v63  }
0x114: {  	_ =	swait.ge [sflag:s10], $0x4000  }
0x115: {  	[sflag:s10] =	ssyncset.done $0x0  }
0x116: {  	s13 =	simm.s32 @!p1 $0x0;
	s29 =	rddreg [dreg:$0x14];
	[sflag:s10] =	ssyncadd.s32 $0xFFFFC000  }
0x117: {  	[tilespmem:s13], [sflag:$0x1] =	stream.linear.gather @!p1 [hbm4b:s29+s13], $0x100, $0x38;
	[tilespmem:$0x1BC80] =	vst v63  }
0x118: {  	s29 =	simm.s32 @!p1 $0x1  }
0x119: {  	_ =	swait.ge @!p1 [sflag:s29], $0x100  }
0x11a: {  	[sflag:s29] =	ssyncset.done @!p1 $0x0  }
0x11b: {  	s30 =	simm.s32 @!p1 $0x400;
	[sflag:s29] =	ssyncadd.s32 @!p1 $0xFFFFFF00;
	s29 =	simm.s32 @!p1 $0x80  }
0x11c: {  	[tilespmem:s30], [sflag:$0x2] =	stream.indirect.gather @!p1 [hbm4b:s1+s29], $0x80, s13, s29, $0xb8;
	[tilespmem:$0x1BC80] =	vst v63  }
0x11d: {  	s13 =	simm.s32 @!p1 $0x2  }
0x11e: {  	_ =	swait.ge @!p1 [sflag:s13], $0x4000  }
0x11f: {  	[sflag:s13] =	ssyncset.done @!p1 $0x0  }
0x120: {  	[sflag:s13] =	ssyncadd.s32 @!p1 $0xFFFFC000;
	s13 =	simm.s32 @!p1 $0x5  }
0x121: {  	[spmem:s2] =	stream.indirect.scatter.add.f32 @!p1 [tilespmem:s30], [sflag:$0x5], $0x80, s29, s29, $0xb8;
	[tilespmem:$0x1BC80] =	vst v63  }
0x122: {  	_ =	swait.ge @!p1 [sflag:s13], $0x4000  }
0x123: {  	[sflag:s13] =	ssyncset.done @!p1 $0x0  }
0x124: {  	[sflag:s13] =	ssyncadd.s32 @!p1 $0xFFFFC000  }
0x125: {  	[bflag:$0x0] =	sbarrier.arrive $0xFFFF  }
0x126: {  	[tilespmem:s31], [sflag:$0x6] =	stream.linear.gather [spmem:s18], $0x2800, $0x38;
	[tilespmem:$0x1BC80] =	vst v63  }
0x127: {  	_ =	swait.ge [sflag:s26], $0x2800  }
0x128: {  	[sflag:s26] =	ssyncset.done $0x0  }
0x129: {  	s29 =	rddreg [dreg:$0x5];
	[sflag:s26] =	ssyncadd.s32 $0xFFFFD800  }
0x12a: {  	[hbm4b:s29+s4] =	stream.linear.scatter [tilespmem:s31], [sflag:$0x5], $0x2800, $0x38;
	[tilespmem:$0x1BC80] =	vst v63  }
0x12b: {  	_ =	swait.ge [sflag:s0], $0x2800  }
0x12c: {  	[sflag:s0] =	ssyncset.done $0x0  }
0x12d: {  	[sflag:s0] =	ssyncadd.s32 $0xFFFFD800  }
0x12e: {  	[tilespmem:s31], [sflag:$0x6] =	stream.linear.gather [spmem:s19], $0x2800, $0x38;
	[tilespmem:$0x1BC80] =	vst v63  }
0x12f: {  	_ =	swait.ge [sflag:s26], $0x2800  }
0x130: {  	[sflag:s26] =	ssyncset.done $0x0  }
0x131: {  	s30 =	rddreg [dreg:$0x6];
	[sflag:s26] =	ssyncadd.s32 $0xFFFFD800  }
0x132: {  	[hbm4b:s30+s4] =	stream.linear.scatter [tilespmem:s31], [sflag:$0x5], $0x2800, $0x38;
	[tilespmem:$0x1BC80] =	vst v63  }
0x133: {  	_ =	swait.ge [sflag:s0], $0x2800  }
0x134: {  	[sflag:s0] =	ssyncset.done $0x0  }
0x135: {  	[sflag:s0] =	ssyncadd.s32 $0xFFFFD800  }
0x136: {  	[tilespmem:s31], [sflag:$0x6] =	stream.linear.gather [spmem:s20], $0x2800, $0x38;
	[tilespmem:$0x1BC80] =	vst v63  }
0x137: {  	_ =	swait.ge [sflag:s26], $0x2800  }
0x138: {  	[sflag:s26] =	ssyncset.done $0x0  }
0x139: {  	s29 =	rddreg [dreg:$0x7];
	[sflag:s26] =	ssyncadd.s32 $0xFFFFD800  }
0x13a: {  	[hbm4b:s29+s4] =	stream.linear.scatter [tilespmem:s31], [sflag:$0x5], $0x2800, $0x38;
	[tilespmem:$0x1BC80] =	vst v63  }
0x13b: {  	_ =	swait.ge [sflag:s0], $0x2800  }
0x13c: {  	[sflag:s0] =	ssyncset.done $0x0  }
0x13d: {  	[sflag:s0] =	ssyncadd.s32 $0xFFFFD800  }
0x13e: {  	[tilespmem:s31], [sflag:$0x6] =	stream.linear.gather [spmem:s21], $0x2800, $0x38;
	[tilespmem:$0x1BC80] =	vst v63  }
0x13f: {  	_ =	swait.ge [sflag:s26], $0x2800  }
0x140: {  	[sflag:s26] =	ssyncset.done $0x0  }
0x141: {  	s30 =	rddreg [dreg:$0x8];
	[sflag:s26] =	ssyncadd.s32 $0xFFFFD800  }
0x142: {  	[hbm4b:s30+s4] =	stream.linear.scatter [tilespmem:s31], [sflag:$0x5], $0x2800, $0x38;
	[tilespmem:$0x1BC80] =	vst v63  }
0x143: {  	_ =	swait.ge [sflag:s0], $0x2800  }
0x144: {  	[sflag:s0] =	ssyncset.done $0x0  }
0x145: {  	[sflag:s0] =	ssyncadd.s32 $0xFFFFD800  }
0x146: {  	[tilespmem:s31], [sflag:$0x6] =	stream.linear.gather [spmem:s22], $0x2800, $0x38;
	[tilespmem:$0x1BC80] =	vst v63  }
0x147: {  	_ =	swait.ge [sflag:s26], $0x2800  }
0x148: {  	[sflag:s26] =	ssyncset.done $0x0  }
0x149: {  	s29 =	rddreg [dreg:$0x9];
	[sflag:s26] =	ssyncadd.s32 $0xFFFFD800  }
0x14a: {  	[hbm4b:s29+s4] =	stream.linear.scatter [tilespmem:s31], [sflag:$0x5], $0x2800, $0x38;
	[tilespmem:$0x1BC80] =	vst v63  }
0x14b: {  	_ =	swait.ge [sflag:s0], $0x2800  }
0x14c: {  	[sflag:s0] =	ssyncset.done $0x0  }
0x14d: {  	[sflag:s0] =	ssyncadd.s32 $0xFFFFD800  }
0x14e: {  	[tilespmem:s31], [sflag:$0x6] =	stream.linear.gather [spmem:s23], $0x2800, $0x38;
	[tilespmem:$0x1BC80] =	vst v63  }
0x14f: {  	_ =	swait.ge [sflag:s26], $0x2800  }
0x150: {  	[sflag:s26] =	ssyncset.done $0x0  }
0x151: {  	s30 =	rddreg [dreg:$0xa];
	[sflag:s26] =	ssyncadd.s32 $0xFFFFD800  }
0x152: {  	[hbm4b:s30+s4] =	stream.linear.scatter [tilespmem:s31], [sflag:$0x5], $0x2800, $0x38;
	[tilespmem:$0x1BC80] =	vst v63  }
0x153: {  	_ =	swait.ge [sflag:s0], $0x2800  }
0x154: {  	[sflag:s0] =	ssyncset.done $0x0  }
0x155: {  	[sflag:s0] =	ssyncadd.s32 $0xFFFFD800  }
0x156: {  	[tilespmem:s31], [sflag:$0x6] =	stream.linear.gather [spmem:s24], $0x2800, $0x38;
	[tilespmem:$0x1BC80] =	vst v63  }
0x157: {  	_ =	swait.ge [sflag:s26], $0x2800  }
0x158: {  	[sflag:s26] =	ssyncset.done $0x0  }
0x159: {  	s29 =	rddreg [dreg:$0xb];
	[sflag:s26] =	ssyncadd.s32 $0xFFFFD800  }
0x15a: {  	[hbm4b:s29+s4] =	stream.linear.scatter [tilespmem:s31], [sflag:$0x5], $0x2800, $0x38;
	[tilespmem:$0x1BC80] =	vst v63  }
0x15b: {  	_ =	swait.ge [sflag:s0], $0x2800  }
0x15c: {  	[sflag:s0] =	ssyncset.done $0x0  }
0x15d: {  	s13 =	simm.s32 @!p0 $0x400;
	s29 =	simm.s32 @!p0 $0x6;
	[sflag:s0] =	ssyncadd.s32 $0xFFFFD800  }
0x15e: {  	[tilespmem:s13], [sflag:$0x6] =	stream.linear.gather @!p0 [spmem:s25], $0x2800, $0x38;
	[tilespmem:$0x1BC80] =	vst v63  }
0x15f: {  	_ =	swait.ge @!p0 [sflag:s29], $0x2800  }
0x160: {  	[sflag:s29] =	ssyncset.done @!p0 $0x0  }
0x161: {  	s30 =	rddreg [dreg:$0xc];
	[sflag:s29] =	ssyncadd.s32 @!p0 $0xFFFFD800;
	s29 =	simm.s32 @!p0 $0x0  }
0x162: {  	[hbm4b:s30+s29] =	stream.linear.scatter @!p0 [tilespmem:s13], [sflag:$0x5], $0x2800, $0x38;
	[tilespmem:$0x1BC80] =	vst v63  }
0x163: {  	s13 =	simm.s32 @!p0 $0x5  }
0x164: {  	_ =	swait.ge @!p0 [sflag:s13], $0x2800  }
0x165: {  	s28 =	sadd.s32 $0x1, s28;
	s30 =	rddreg [dreg:$0x10]  }
0x166: {  	p2 =	sne.s32 s28, s30  }
.Ltmp2:
0x167: {  	_ = 	snop;
	(pc) =	sbr.rel @p2 .LBB2_1-.Ltmp2, $3  }
0x168: {  	_ =	sdelay $0x1  }
0x169: {  	[sflag:s13] =	ssyncset.done @!p0 $0x0  }
0x16a: {  	[sflag:s13] =	ssyncadd.s32 @!p0 $0xFFFFD800  }
0x16b: {  	_ =	sfence.sel $0x180000  }
0x16c: {  	[bflag:$0x0] =	sbarrier.arrive $0xFFFF  }
0x16d: {  	_ =	strace $0x9000004A  }
0x16e: {  	s0 =	stileid.u32;
	[bflag:$0x2] =	sbarrier.arrive $0xFFFF  }
0x16f: {  	p0 =	sne.s32 s0, $0x0;
	s0 =	rddreg [dreg:$0x4]  }
0x170: {  	s0 =	sadd.s32 @!p0 $0x100000, s0  }
0x171: {  	[sflag:s0] =	ssyncadd.tile.s32 @!p0 $0x1;
	_ =	shalt  }
.Lfunc_end2:
_tile_overlayer_lowered:
.L_overlay_start_2:
0x172: {  	(tag) =	ssettag $0x2  }
0x173: {  	s0 =	rddreg [dreg:$0x0];
	s2 =	stileid.u32  }
0x174: {  	s1 =	rddreg [dreg:$0x1];
	p0 =	sne.s32 s2, $0x0  }
0x175: {  	s3 =	rddreg [dreg:$0x2];
	[bflag:$0x3] =	sbarrier.arrive $0xFFFF;
	s2 =	simm.s32 @!p0 $0x1C05  }
0x176: {  	[timem:s3], [sflag:s2] =	dma.local @!p0 [hbm:s0], s1  }
0x177: {  	s0 =	simm.s32 @!p0 $0x5  }
0x178: {  	_ =	swait.ge @!p0 [sflag:s0], s1  }
0x179: {  	s1 =	ssub.s32 @!p0 $0x0, s1;
	[sflag:s0] =	ssyncset.done @!p0 $0x0  }
0x17a: {  	[sflag:s0] =	ssyncadd.s32 @!p0 s1  }
0x17b: {  	[bflag:$0x3] =	sbarrier.arrive $0xFFFF  }
0x17c: {  	_ =	shalt  }

</sc_bundles>
